<compile_context>
chip_gen: v7x
topology: tpu7x:2x2x1
jax: 0.10.2.dev20260603
libtpu: 0.0.44.dev20260713+nightly
codegen_flags: <defaults>
</compile_context>

<pallas_src>
import functools

import jax
import jax.numpy as jnp
from jax import lax
from jax.experimental import pallas as pl
from jax.experimental.pallas import tpu as pltpu
from jax.experimental.pallas import tpu_sc as plsc

D = 128
DEG = 32
B = 10000
L = 16
NVREG = D // L

C = 4
ROWS = C * DEG
NCHUNK = B // C
NW = 32
TBASE = 78
NEXTRA = 2
TMAX = TBASE + 2
NBUF = 4

_mesh = plsc.VectorSubcoreMesh(core_axis_name="c", subcore_axis_name="s")


@functools.partial(
    pl.kernel,
    mesh=_mesh,
    out_type=jax.ShapeDtypeStruct((B, D), jnp.float32),
    scratch_types=[
        pltpu.VMEM((TMAX * ROWS,), jnp.int32),
        pltpu.VMEM((ROWS, D), jnp.float32),
        pltpu.VMEM((ROWS, D), jnp.float32),
        pltpu.VMEM((ROWS, D), jnp.float32),
        pltpu.VMEM((ROWS, D), jnp.float32),
        pltpu.VMEM((2, C, D), jnp.float32),
        pltpu.SemaphoreType.DMA,
        pltpu.SemaphoreType.DMA,
        pltpu.SemaphoreType.DMA,
        pltpu.SemaphoreType.DMA,
        pltpu.SemaphoreType.DMA,
        pltpu.SemaphoreType.DMA,
    ],
)
def _gather_mean(idx_hbm, table_hbm, out_hbm, idx_v, rows0, rows1, rows2,
                 rows3, out_stage, sem0, sem1, sem2, sem3, out_sem0,
                 out_sem1):
    nc = 2
    wid = lax.axis_index("s") * nc + lax.axis_index("c")
    base_chunk = wid * TBASE + 2 * jnp.minimum(wid, NEXTRA)
    n_w = jnp.where(wid < NEXTRA, TBASE + 2, TBASE)
    rows_bufs = (rows0, rows1, rows2, rows3)
    sems = (sem0, sem1, sem2, sem3)
    out_sems = (out_sem0, out_sem1)

    head = (NBUF - 1) * ROWS
    pltpu.sync_copy(idx_hbm.at[pl.ds(base_chunk * ROWS, head)],
                    idx_v.at[pl.ds(0, head)])
    for t0 in range(NBUF - 1):
        pltpu.async_copy(
            table_hbm.at[idx_v.at[pl.ds(t0 * ROWS, ROWS)]],
            rows_bufs[t0], sems[t0])

    pltpu.sync_copy(
        idx_hbm.at[pl.ds(base_chunk * ROWS + head, TBASE * ROWS - head)],
        idx_v.at[pl.ds(head, TBASE * ROWS - head)])

    @pl.when(wid < NEXTRA)
    def _():
        pltpu.sync_copy(
            idx_hbm.at[pl.ds((base_chunk + TBASE) * ROWS, 2 * ROWS)],
            idx_v.at[pl.ds(TBASE * ROWS, 2 * ROWS)])

    def accumulate(t, rows_v, stage):
        for n in range(C):
            def row_body(r, accs):
                return tuple(
                    accs[d] + rows_v[n * DEG + r, pl.ds(d * L, L)]
                    for d in range(NVREG)
                )

            accs = lax.fori_loop(
                0, DEG, row_body,
                tuple(jnp.zeros((L,), jnp.float32) for _ in range(NVREG)),
            )
            for d in range(NVREG):
                out_stage[stage, n, pl.ds(d * L, L)] = accs[d] * (1.0 / DEG)

    def outer(i, carry):
        for b in range(NBUF):
            t = i * NBUF + b
            gbuf = b % NBUF
            sbuf = b % 2

            @pl.when(t + NBUF - 1 < n_w)
            def _():
                pltpu.async_copy(
                    table_hbm.at[
                        idx_v.at[pl.ds((t + NBUF - 1) * ROWS, ROWS)]],
                    rows_bufs[(b + NBUF - 1) % NBUF],
                    sems[(b + NBUF - 1) % NBUF])

            @pl.when(t < n_w)
            def _():
                pltpu.make_async_copy(
                    table_hbm.at[idx_v.at[pl.ds(t * ROWS, ROWS)]],
                    rows_bufs[gbuf], sems[gbuf]).wait()

                @pl.when(t >= 2)
                def _():
                    pltpu.make_async_copy(
                        out_stage.at[sbuf],
                        out_hbm.at[pl.ds((base_chunk + t - 2) * C, C)],
                        out_sems[sbuf]).wait()

                accumulate(t, rows_bufs[gbuf], sbuf)
                pltpu.async_copy(
                    out_stage.at[sbuf],
                    out_hbm.at[pl.ds((base_chunk + t) * C, C)],
                    out_sems[sbuf])

        return carry

    lax.fori_loop(0, (TMAX + NBUF - 1) // NBUF, outer, 0)

    for k in range(2):
        pltpu.make_async_copy(
            out_stage.at[k],
            out_hbm.at[pl.ds((base_chunk + n_w - 2 + k) * C, C)],
            out_sems[k]).wait()


def kernel(nodes, to_neighs, v2e_weight):
    del nodes
    idx_flat = to_neighs.reshape(-1)
    return _gather_mean(idx_flat, v2e_weight)

# --- scband reference (transcript-rebuilt; emitter-appended) ---
"""Pipeline reference for scband-v-social-aggregator-60962765800156 (READ-ONLY COPY).

The authoritative reference and input builder live on the scoring server;
editing this copy changes nothing except your own understanding.
"""

import jax, jax.numpy as jnp
import numpy as np

NUM_NODES = 100000
EMBED_DIM = 128
BATCH = 10000
DEG = 32

def setup_inputs(seed: int = 0) -> dict:
    key = jax.random.key(seed)
    k1, k2, k3 = jax.random.split(key, 3)
    nodes = jax.random.randint(k1, (BATCH,), 0, NUM_NODES, dtype=jnp.int64 if jax.config.jax_enable_x64 else jnp.int32).astype(jnp.int32)
    to_neighs = jax.random.randint(k2, (BATCH, DEG), 0, NUM_NODES).astype(jnp.int32)
    v2e_weight = jax.random.normal(k3, (NUM_NODES, EMBED_DIM), dtype=jnp.float32) * 0.02
    return {"nodes": nodes, "to_neighs": to_neighs, "v2e_weight": v2e_weight}

def reference(nodes, to_neighs, v2e_weight):
    # Original torch loop: for each node i, gather embeddings of its social
    # neighbors from v2e.weight and take the mean along the neighbor axis.
    # Vectorized: to_neighs is a padded [B, deg] neighbor index matrix.
    e_v = jnp.take(v2e_weight, to_neighs, axis=0)  # [B, deg, d] gather
    to_feats = jnp.mean(e_v, axis=1)               # [B, d] neighbor mean
    return to_feats

if __name__ == "__main__":
    import jax
    _d = setup_inputs()
    print(jax.jit(kernel)(*tuple(_d.values())))

</pallas_src>

<mosaic_0001>
#map = affine_map<(d0, d1) -> (0)>
#map1 = affine_map<(d0, d1) -> (0, 0)>
module attributes {stable_mosaic.version = 14 : i64} {
  func.func @_gather_mean(%arg0: i32, %arg1: i32, %arg2: memref<320000xi32, #tpu.memory_space<hbm>>, %arg3: memref<100000x128xf32, #tpu.memory_space<hbm>>, %arg4: memref<10000x128xf32, #tpu.memory_space<hbm>>, %arg5: memref<10240xi32, #tpu.memory_space<vmem>>, %arg6: memref<128x128xf32, #tpu.memory_space<vmem>>, %arg7: memref<128x128xf32, #tpu.memory_space<vmem>>, %arg8: memref<128x128xf32, #tpu.memory_space<vmem>>, %arg9: memref<128x128xf32, #tpu.memory_space<vmem>>, %arg10: memref<2x4x128xf32, #tpu.memory_space<vmem>>, %arg11: memref<!tpu.dma_semaphore, #tpu.memory_space<semaphore_mem>>, %arg12: memref<!tpu.dma_semaphore, #tpu.memory_space<semaphore_mem>>, %arg13: memref<!tpu.dma_semaphore, #tpu.memory_space<semaphore_mem>>, %arg14: memref<!tpu.dma_semaphore, #tpu.memory_space<semaphore_mem>>, %arg15: memref<!tpu.dma_semaphore, #tpu.memory_space<semaphore_mem>>, %arg16: memref<!tpu.dma_semaphore, #tpu.memory_space<semaphore_mem>>) attributes {dimension_semantics = [#tpu.dimension_semantics<core_parallel>, #tpu.dimension_semantics<subcore_parallel>], iteration_bounds = array<i64: 2, 16>, scalar_prefetch = 0 : i64, scratch_operands = 12 : i64, tpu.core_type = #tpu.core_type<sc_vector_subcore>, window_params = [{transform_indices = #map}, {transform_indices = #map1}, {transform_indices = #map1}]} {
    %mul3A = arith.constant 2 : i32
    %mul3A_0 = arith.muli %arg1, %mul3A : i32
    %add3A = arith.addi %mul3A_0, %arg0 : i32
    %mul3A_1 = arith.constant 78 : i32
    %mul3A_2 = arith.muli %add3A, %mul3A_1 : i32
    %min3A = arith.constant 2 : i32
    %min3A_3 = arith.minsi %add3A, %min3A : i32
    %mul3A_4 = arith.constant 2 : i32
    %mul3A_5 = arith.muli %mul3A_4, %min3A_3 : i32
    %add3A_6 = arith.addi %mul3A_2, %mul3A_5 : i32
    %lt3A = arith.constant 2 : i32
    %lt3A_7 = arith.cmpi slt, %add3A, %lt3A : i32
    %jit3A = arith.constant 80 : i32
    %jit3A_8 = arith.constant 78 : i32
    %select_n3A = arith.select %lt3A_7, %jit3A, %jit3A_8 : i32
    %mul3A_9 = arith.constant 128 : i32
    %mul3A_10 = arith.muli %add3A_6, %mul3A_9 : i32
    "tpu.region"() ({
      %run_scoped3A = tpu.sem_alloc : memref<!tpu.dma_semaphore, #tpu.memory_space<semaphore_mem>>
      %dma_start3A_75 = arith.constant 0 : i32
      %dma_start3A_76 = tpu.memref_slice %arg5[%dma_start3A_75] : memref<10240xi32, #tpu.memory_space<vmem>> -> memref<384xi32, #tpu.memory_space<vmem>>
      %dma_start3A_77 = tpu.memref_slice %arg2[%mul3A_10] : memref<320000xi32, #tpu.memory_space<hbm>> -> memref<384xi32, #tpu.memory_space<hbm>>
      %dma_start3A_78 = arith.constant 0 : i32
      %dma_start3A_79 = tpu.memref_slice %arg5[%dma_start3A_78] : memref<10240xi32, #tpu.memory_space<vmem>> -> memref<384xi32, #tpu.memory_space<vmem>>
      %dma_start3A_80 = tpu.memref_slice %arg2[%mul3A_10] : memref<320000xi32, #tpu.memory_space<hbm>> -> memref<384xi32, #tpu.memory_space<hbm>>
      tpu.enqueue_dma source(%dma_start3A_80 : memref<384xi32, #tpu.memory_space<hbm>>) target(%dma_start3A_79 : memref<384xi32, #tpu.memory_space<vmem>>) target_semaphore(%run_scoped3A : memref<!tpu.dma_semaphore, #tpu.memory_space<semaphore_mem>>)
      %dma_wait3A_81 = arith.constant 0 : i32
      %dma_wait3A_82 = tpu.memref_slice %arg5[%dma_wait3A_81] : memref<10240xi32, #tpu.memory_space<vmem>> -> memref<384xi32, #tpu.memory_space<vmem>>
      %dma_wait3A_83 = tpu.memref_slice %arg2[%mul3A_10] : memref<320000xi32, #tpu.memory_space<hbm>> -> memref<384xi32, #tpu.memory_space<hbm>>
      %dma_wait3A_84 = arith.constant 0 : i32
      %dma_wait3A_85 = tpu.memref_slice %arg5[%dma_wait3A_84] : memref<10240xi32, #tpu.memory_space<vmem>> -> memref<384xi32, #tpu.memory_space<vmem>>
      %dma_wait3A_86 = tpu.memref_slice %arg2[%mul3A_10] : memref<320000xi32, #tpu.memory_space<hbm>> -> memref<384xi32, #tpu.memory_space<hbm>>
      tpu.wait_dma2 semaphore(%run_scoped3A : memref<!tpu.dma_semaphore, #tpu.memory_space<semaphore_mem>>) src(%dma_wait3A_86 : memref<384xi32, #tpu.memory_space<hbm>>) dst(%dma_wait3A_85 : memref<384xi32, #tpu.memory_space<vmem>>)
      tpu.yield
    }) : () -> ()
    %dma_start3A = arith.constant 0 : i32
    %dma_start3A_11 = tpu.memref_slice %arg5[%dma_start3A] : memref<10240xi32, #tpu.memory_space<vmem>> -> memref<128xi32, #tpu.memory_space<vmem>>
    %dma_start3A_12 = arith.constant 0 : i32
    %dma_start3A_13 = arith.constant 0 : i32
    %dma_start3A_14 = tpu.memref_slice %arg3[%dma_start3A_12, %dma_start3A_13] : memref<100000x128xf32, #tpu.memory_space<hbm>> -> memref<100000x128xf32, #tpu.memory_space<hbm>>
    tpu.enqueue_indirect_dma source(%dma_start3A_14 : memref<100000x128xf32, #tpu.memory_space<hbm>>) target(%arg6 : memref<128x128xf32, #tpu.memory_space<vmem>>) offsets(%dma_start3A_11 : memref<128xi32, #tpu.memory_space<vmem>>) semaphore(%arg11 : memref<!tpu.dma_semaphore, #tpu.memory_space<semaphore_mem>>)
    %dma_start3A_15 = arith.constant 128 : i32
    %dma_start3A_16 = tpu.memref_slice %arg5[%dma_start3A_15] : memref<10240xi32, #tpu.memory_space<vmem>> -> memref<128xi32, #tpu.memory_space<vmem>>
    %dma_start3A_17 = arith.constant 0 : i32
    %dma_start3A_18 = arith.constant 0 : i32
    %dma_start3A_19 = tpu.memref_slice %arg3[%dma_start3A_17, %dma_start3A_18] : memref<100000x128xf32, #tpu.memory_space<hbm>> -> memref<100000x128xf32, #tpu.memory_space<hbm>>
    tpu.enqueue_indirect_dma source(%dma_start3A_19 : memref<100000x128xf32, #tpu.memory_space<hbm>>) target(%arg7 : memref<128x128xf32, #tpu.memory_space<vmem>>) offsets(%dma_start3A_16 : memref<128xi32, #tpu.memory_space<vmem>>) semaphore(%arg12 : memref<!tpu.dma_semaphore, #tpu.memory_space<semaphore_mem>>)
    %dma_start3A_20 = arith.constant 256 : i32
    %dma_start3A_21 = tpu.memref_slice %arg5[%dma_start3A_20] : memref<10240xi32, #tpu.memory_space<vmem>> -> memref<128xi32, #tpu.memory_space<vmem>>
    %dma_start3A_22 = arith.constant 0 : i32
    %dma_start3A_23 = arith.constant 0 : i32
    %dma_start3A_24 = tpu.memref_slice %arg3[%dma_start3A_22, %dma_start3A_23] : memref<100000x128xf32, #tpu.memory_space<hbm>> -> memref<100000x128xf32, #tpu.memory_space<hbm>>
    tpu.enqueue_indirect_dma source(%dma_start3A_24 : memref<100000x128xf32, #tpu.memory_space<hbm>>) target(%arg8 : memref<128x128xf32, #tpu.memory_space<vmem>>) offsets(%dma_start3A_21 : memref<128xi32, #tpu.memory_space<vmem>>) semaphore(%arg13 : memref<!tpu.dma_semaphore, #tpu.memory_space<semaphore_mem>>)
    %mul3A_25 = arith.constant 128 : i32
    %mul3A_26 = arith.muli %add3A_6, %mul3A_25 : i32
    %add3A_27 = arith.constant 384 : i32
    %add3A_28 = arith.addi %mul3A_26, %add3A_27 : i32
    "tpu.region"() ({
      %run_scoped3A = tpu.sem_alloc : memref<!tpu.dma_semaphore, #tpu.memory_space<semaphore_mem>>
      %dma_start3A_75 = arith.constant 384 : i32
      %dma_start3A_76 = tpu.memref_slice %arg5[%dma_start3A_75] : memref<10240xi32, #tpu.memory_space<vmem>> -> memref<9600xi32, #tpu.memory_space<vmem>>
      %dma_start3A_77 = tpu.memref_slice %arg2[%add3A_28] : memref<320000xi32, #tpu.memory_space<hbm>> -> memref<9600xi32, #tpu.memory_space<hbm>>
      %dma_start3A_78 = arith.constant 384 : i32
      %dma_start3A_79 = tpu.memref_slice %arg5[%dma_start3A_78] : memref<10240xi32, #tpu.memory_space<vmem>> -> memref<9600xi32, #tpu.memory_space<vmem>>
      %dma_start3A_80 = tpu.memref_slice %arg2[%add3A_28] : memref<320000xi32, #tpu.memory_space<hbm>> -> memref<9600xi32, #tpu.memory_space<hbm>>
      tpu.enqueue_dma source(%dma_start3A_80 : memref<9600xi32, #tpu.memory_space<hbm>>) target(%dma_start3A_79 : memref<9600xi32, #tpu.memory_space<vmem>>) target_semaphore(%run_scoped3A : memref<!tpu.dma_semaphore, #tpu.memory_space<semaphore_mem>>)
      %dma_wait3A_81 = arith.constant 384 : i32
      %dma_wait3A_82 = tpu.memref_slice %arg5[%dma_wait3A_81] : memref<10240xi32, #tpu.memory_space<vmem>> -> memref<9600xi32, #tpu.memory_space<vmem>>
      %dma_wait3A_83 = tpu.memref_slice %arg2[%add3A_28] : memref<320000xi32, #tpu.memory_space<hbm>> -> memref<9600xi32, #tpu.memory_space<hbm>>
      %dma_wait3A_84 = arith.constant 384 : i32
      %dma_wait3A_85 = tpu.memref_slice %arg5[%dma_wait3A_84] : memref<10240xi32, #tpu.memory_space<vmem>> -> memref<9600xi32, #tpu.memory_space<vmem>>
      %dma_wait3A_86 = tpu.memref_slice %arg2[%add3A_28] : memref<320000xi32, #tpu.memory_space<hbm>> -> memref<9600xi32, #tpu.memory_space<hbm>>
      tpu.wait_dma2 semaphore(%run_scoped3A : memref<!tpu.dma_semaphore, #tpu.memory_space<semaphore_mem>>) src(%dma_wait3A_86 : memref<9600xi32, #tpu.memory_space<hbm>>) dst(%dma_wait3A_85 : memref<9600xi32, #tpu.memory_space<vmem>>)
      tpu.yield
    }) : () -> ()
    %lt3A_29 = arith.constant 2 : i32
    %lt3A_30 = arith.cmpi slt, %add3A, %lt3A_29 : i32
    %convert_element_type3A = arith.extui %lt3A_30 : i1 to i32
    %cond3A = arith.constant 0 : i32
    %cond3A_31 = arith.cmpi ne, %convert_element_type3A, %cond3A : i32
    scf.if %cond3A_31 {
      %add3A_75 = arith.constant 78 : i32
      %add3A_76 = arith.addi %add3A_6, %add3A_75 : i32
      %mul3A_77 = arith.constant 128 : i32
      %mul3A_78 = arith.muli %add3A_76, %mul3A_77 : i32
      "tpu.region"() ({
        %run_scoped3A = tpu.sem_alloc : memref<!tpu.dma_semaphore, #tpu.memory_space<semaphore_mem>>
        %dma_start3A_79 = arith.constant 9984 : i32
        %dma_start3A_80 = tpu.memref_slice %arg5[%dma_start3A_79] : memref<10240xi32, #tpu.memory_space<vmem>> -> memref<256xi32, #tpu.memory_space<vmem>>
        %dma_start3A_81 = tpu.memref_slice %arg2[%mul3A_78] : memref<320000xi32, #tpu.memory_space<hbm>> -> memref<256xi32, #tpu.memory_space<hbm>>
        %dma_start3A_82 = arith.constant 9984 : i32
        %dma_start3A_83 = tpu.memref_slice %arg5[%dma_start3A_82] : memref<10240xi32, #tpu.memory_space<vmem>> -> memref<256xi32, #tpu.memory_space<vmem>>
        %dma_start3A_84 = tpu.memref_slice %arg2[%mul3A_78] : memref<320000xi32, #tpu.memory_space<hbm>> -> memref<256xi32, #tpu.memory_space<hbm>>
        tpu.enqueue_dma source(%dma_start3A_84 : memref<256xi32, #tpu.memory_space<hbm>>) target(%dma_start3A_83 : memref<256xi32, #tpu.memory_space<vmem>>) target_semaphore(%run_scoped3A : memref<!tpu.dma_semaphore, #tpu.memory_space<semaphore_mem>>)
        %dma_wait3A_85 = arith.constant 9984 : i32
        %dma_wait3A_86 = tpu.memref_slice %arg5[%dma_wait3A_85] : memref<10240xi32, #tpu.memory_space<vmem>> -> memref<256xi32, #tpu.memory_space<vmem>>
        %dma_wait3A_87 = tpu.memref_slice %arg2[%mul3A_78] : memref<320000xi32, #tpu.memory_space<hbm>> -> memref<256xi32, #tpu.memory_space<hbm>>
        %dma_wait3A_88 = arith.constant 9984 : i32
        %dma_wait3A_89 = tpu.memref_slice %arg5[%dma_wait3A_88] : memref<10240xi32, #tpu.memory_space<vmem>> -> memref<256xi32, #tpu.memory_space<vmem>>
        %dma_wait3A_90 = tpu.memref_slice %arg2[%mul3A_78] : memref<320000xi32, #tpu.memory_space<hbm>> -> memref<256xi32, #tpu.memory_space<hbm>>
        tpu.wait_dma2 semaphore(%run_scoped3A : memref<!tpu.dma_semaphore, #tpu.memory_space<semaphore_mem>>) src(%dma_wait3A_90 : memref<256xi32, #tpu.memory_space<hbm>>) dst(%dma_wait3A_89 : memref<256xi32, #tpu.memory_space<vmem>>)
        tpu.yield
      }) : () -> ()
    } else {
    }
    %scan3A = arith.constant 0 : i32
    %scan3A_32 = arith.constant 0 : i32
    %scan3A_33 = arith.constant 20 : i32
    %scan3A_34 = arith.addi %scan3A_32, %scan3A_33 : i32
    %scan3A_35 = arith.constant 1 : i32
    scf.for %scan3A_75 = %scan3A_32 to %scan3A_34 step %scan3A_35  : i32 {
      %mul3A_76 = arith.constant 4 : i32
      %mul3A_77 = arith.muli %scan3A_75, %mul3A_76 : i32
      %add3A_78 = arith.constant 0 : i32
      %add3A_79 = arith.addi %mul3A_77, %add3A_78 : i32
      %add3A_80 = arith.constant 4 : i32
      %add3A_81 = arith.addi %add3A_79, %add3A_80 : i32
      %sub3A_82 = arith.constant 1 : i32
      %sub3A_83 = arith.subi %add3A_81, %sub3A_82 : i32
      %lt3A_84 = arith.cmpi slt, %sub3A_83, %select_n3A : i32
      %convert_element_type3A_85 = arith.extui %lt3A_84 : i1 to i32
      %cond3A_86 = arith.constant 0 : i32
      %cond3A_87 = arith.cmpi ne, %convert_element_type3A_85, %cond3A_86 : i32
      scf.if %cond3A_87 {
        %add3A_140 = arith.constant 4 : i32
        %add3A_141 = arith.addi %add3A_79, %add3A_140 : i32
        %sub3A_142 = arith.constant 1 : i32
        %sub3A_143 = arith.subi %add3A_141, %sub3A_142 : i32
        %mul3A_144 = arith.constant 128 : i32
        %mul3A_145 = arith.muli %sub3A_143, %mul3A_144 : i32
        %dma_start3A_146 = tpu.memref_slice %arg5[%mul3A_145] : memref<10240xi32, #tpu.memory_space<vmem>> -> memref<128xi32, #tpu.memory_space<vmem>>
        %dma_start3A_147 = arith.constant 0 : i32
        %dma_start3A_148 = arith.constant 0 : i32
        %dma_start3A_149 = tpu.memref_slice %arg3[%dma_start3A_147, %dma_start3A_148] : memref<100000x128xf32, #tpu.memory_space<hbm>> -> memref<100000x128xf32, #tpu.memory_space<hbm>>
        tpu.enqueue_indirect_dma source(%dma_start3A_149 : memref<100000x128xf32, #tpu.memory_space<hbm>>) target(%arg9 : memref<128x128xf32, #tpu.memory_space<vmem>>) offsets(%dma_start3A_146 : memref<128xi32, #tpu.memory_space<vmem>>) semaphore(%arg14 : memref<!tpu.dma_semaphore, #tpu.memory_space<semaphore_mem>>)
      } else {
      }
      %lt3A_88 = arith.cmpi slt, %add3A_79, %select_n3A : i32
      %convert_element_type3A_89 = arith.extui %lt3A_88 : i1 to i32
      %cond3A_90 = arith.constant 0 : i32
      %cond3A_91 = arith.cmpi ne, %convert_element_type3A_89, %cond3A_90 : i32
      scf.if %cond3A_91 {
        %mul3A_140 = arith.constant 128 : i32
        %mul3A_141 = arith.muli %add3A_79, %mul3A_140 : i32
        %dma_wait3A_142 = tpu.memref_slice %arg5[%mul3A_141] : memref<10240xi32, #tpu.memory_space<vmem>> -> memref<128xi32, #tpu.memory_space<vmem>>
        %dma_wait3A_143 = arith.constant 0 : i32
        %dma_wait3A_144 = arith.constant 0 : i32
        %dma_wait3A_145 = tpu.memref_slice %arg3[%dma_wait3A_143, %dma_wait3A_144] : memref<100000x128xf32, #tpu.memory_space<hbm>> -> memref<100000x128xf32, #tpu.memory_space<hbm>>
        tpu.wait_indirect_dma semaphore(%arg11 : memref<!tpu.dma_semaphore, #tpu.memory_space<semaphore_mem>>) src(%dma_wait3A_145 : memref<100000x128xf32, #tpu.memory_space<hbm>>) dst(%arg6 : memref<128x128xf32, #tpu.memory_space<vmem>>)
        %ge3A = arith.constant 2 : i32
        %ge3A_146 = arith.cmpi sge, %add3A_79, %ge3A : i32
        %convert_element_type3A_147 = arith.extui %ge3A_146 : i1 to i32
        %cond3A_148 = arith.constant 0 : i32
        %cond3A_149 = arith.cmpi ne, %convert_element_type3A_147, %cond3A_148 : i32
        scf.if %cond3A_149 {
          %add3A_604 = arith.addi %add3A_6, %add3A_79 : i32
          %sub3A_605 = arith.constant 2 : i32
          %sub3A_606 = arith.subi %add3A_604, %sub3A_605 : i32
          %mul3A_607 = arith.constant 4 : i32
          %mul3A_608 = arith.muli %sub3A_606, %mul3A_607 : i32
          %dma_wait3A_609 = arith.constant 0 : i32
          %dma_wait3A_610 = arith.constant 0 : i32
          %dma_wait3A_611 = arith.constant 0 : i32
          %dma_wait3A_612 = tpu.memref_slice %arg10[%dma_wait3A_609, %dma_wait3A_610, %dma_wait3A_611] : memref<2x4x128xf32, #tpu.memory_space<vmem>> -> memref<1x4x128xf32, #tpu.memory_space<vmem>>
          %dma_wait3A_613 = tpu.memref_squeeze %dma_wait3A_612 : memref<1x4x128xf32, #tpu.memory_space<vmem>> -> memref<4x128xf32, #tpu.memory_space<vmem>>
          %dma_wait3A_614 = arith.constant 0 : i32
          %dma_wait3A_615 = tpu.memref_slice %arg4[%mul3A_608, %dma_wait3A_614] : memref<10000x128xf32, #tpu.memory_space<hbm>> -> memref<4x128xf32, #tpu.memory_space<hbm>>
          %dma_wait3A_616 = arith.constant 0 : i32
          %dma_wait3A_617 = tpu.memref_slice %arg4[%mul3A_608, %dma_wait3A_616] : memref<10000x128xf32, #tpu.memory_space<hbm>> -> memref<4x128xf32, #tpu.memory_space<hbm>>
          %dma_wait3A_618 = arith.constant 0 : i32
          %dma_wait3A_619 = arith.constant 0 : i32
          %dma_wait3A_620 = tpu.memref_slice %arg10[%dma_wait3A_609, %dma_wait3A_618, %dma_wait3A_619] : memref<2x4x128xf32, #tpu.memory_space<vmem>> -> memref<1x4x128xf32, #tpu.memory_space<vmem>>
          %dma_wait3A_621 = tpu.memref_squeeze %dma_wait3A_620 : memref<1x4x128xf32, #tpu.memory_space<vmem>> -> memref<4x128xf32, #tpu.memory_space<vmem>>
          tpu.wait_dma2 semaphore(%arg15 : memref<!tpu.dma_semaphore, #tpu.memory_space<semaphore_mem>>) src(%dma_wait3A_621 : memref<4x128xf32, #tpu.memory_space<vmem>>) dst(%dma_wait3A_617 : memref<4x128xf32, #tpu.memory_space<hbm>>)
        } else {
        }
        %broadcast_in_dim3A = arith.constant 0.000000e+00 : f32
        %broadcast_in_dim3A_150 = vector.broadcast %broadcast_in_dim3A : f32 to vector<16xf32>
        %broadcast_in_dim3A_151 = arith.constant 0.000000e+00 : f32
        %broadcast_in_dim3A_152 = vector.broadcast %broadcast_in_dim3A_151 : f32 to vector<16xf32>
        %broadcast_in_dim3A_153 = arith.constant 0.000000e+00 : f32
        %broadcast_in_dim3A_154 = vector.broadcast %broadcast_in_dim3A_153 : f32 to vector<16xf32>
        %broadcast_in_dim3A_155 = arith.constant 0.000000e+00 : f32
        %broadcast_in_dim3A_156 = vector.broadcast %broadcast_in_dim3A_155 : f32 to vector<16xf32>
        %broadcast_in_dim3A_157 = arith.constant 0.000000e+00 : f32
        %broadcast_in_dim3A_158 = vector.broadcast %broadcast_in_dim3A_157 : f32 to vector<16xf32>
        %broadcast_in_dim3A_159 = arith.constant 0.000000e+00 : f32
        %broadcast_in_dim3A_160 = vector.broadcast %broadcast_in_dim3A_159 : f32 to vector<16xf32>
        %broadcast_in_dim3A_161 = arith.constant 0.000000e+00 : f32
        %broadcast_in_dim3A_162 = vector.broadcast %broadcast_in_dim3A_161 : f32 to vector<16xf32>
        %broadcast_in_dim3A_163 = arith.constant 0.000000e+00 : f32
        %broadcast_in_dim3A_164 = vector.broadcast %broadcast_in_dim3A_163 : f32 to vector<16xf32>
        %scan3A_165 = arith.constant 0 : i32
        %scan3A_166 = arith.constant 32 : i32
        %scan3A_167 = arith.addi %scan3A_165, %scan3A_166 : i32
        %scan3A_168 = arith.constant 1 : i32
        %scan3A_169:8 = scf.for %scan3A_604 = %scan3A_165 to %scan3A_167 step %scan3A_168 iter_args(%scan3A_605 = %broadcast_in_dim3A_150, %scan3A_606 = %broadcast_in_dim3A_152, %scan3A_607 = %broadcast_in_dim3A_154, %scan3A_608 = %broadcast_in_dim3A_156, %scan3A_609 = %broadcast_in_dim3A_158, %scan3A_610 = %broadcast_in_dim3A_160, %scan3A_611 = %broadcast_in_dim3A_162, %scan3A_612 = %broadcast_in_dim3A_164) -> (vector<16xf32>, vector<16xf32>, vector<16xf32>, vector<16xf32>, vector<16xf32>, vector<16xf32>, vector<16xf32>, vector<16xf32>)  : i32 {
          %add3A_613 = arith.constant 0 : i32
          %add3A_614 = arith.addi %add3A_613, %scan3A_604 : i32
          %get3A = arith.index_cast %add3A_614 : i32 to index
          %get3A_615 = arith.constant 0 : index
          %get3A_616 = tpu.vector_load %arg6[%get3A, %get3A_615] {strides = array<i32>} : memref<128x128xf32, #tpu.memory_space<vmem>>, vector<1x16xf32>,
          %get3A_617 = vector.shape_cast %get3A_616 : vector<1x16xf32> to vector<16xf32>
          %add3A_618 = arith.addf %scan3A_605, %get3A_617 : vector<16xf32>
          %add3A_619 = arith.constant 0 : i32
          %add3A_620 = arith.addi %add3A_619, %scan3A_604 : i32
          %get3A_621 = arith.index_cast %add3A_620 : i32 to index
          %get3A_622 = arith.constant 16 : index
          %get3A_623 = tpu.vector_load %arg6[%get3A_621, %get3A_622] {strides = array<i32>} : memref<128x128xf32, #tpu.memory_space<vmem>>, vector<1x16xf32>,
          %get3A_624 = vector.shape_cast %get3A_623 : vector<1x16xf32> to vector<16xf32>
          %add3A_625 = arith.addf %scan3A_606, %get3A_624 : vector<16xf32>
          %add3A_626 = arith.constant 0 : i32
          %add3A_627 = arith.addi %add3A_626, %scan3A_604 : i32
          %get3A_628 = arith.index_cast %add3A_627 : i32 to index
          %get3A_629 = arith.constant 32 : index
          %get3A_630 = tpu.vector_load %arg6[%get3A_628, %get3A_629] {strides = array<i32>} : memref<128x128xf32, #tpu.memory_space<vmem>>, vector<1x16xf32>,
          %get3A_631 = vector.shape_cast %get3A_630 : vector<1x16xf32> to vector<16xf32>
          %add3A_632 = arith.addf %scan3A_607, %get3A_631 : vector<16xf32>
          %add3A_633 = arith.constant 0 : i32
          %add3A_634 = arith.addi %add3A_633, %scan3A_604 : i32
          %get3A_635 = arith.index_cast %add3A_634 : i32 to index
          %get3A_636 = arith.constant 48 : index
          %get3A_637 = tpu.vector_load %arg6[%get3A_635, %get3A_636] {strides = array<i32>} : memref<128x128xf32, #tpu.memory_space<vmem>>, vector<1x16xf32>,
          %get3A_638 = vector.shape_cast %get3A_637 : vector<1x16xf32> to vector<16xf32>
          %add3A_639 = arith.addf %scan3A_608, %get3A_638 : vector<16xf32>
          %add3A_640 = arith.constant 0 : i32
          %add3A_641 = arith.addi %add3A_640, %scan3A_604 : i32
          %get3A_642 = arith.index_cast %add3A_641 : i32 to index
          %get3A_643 = arith.constant 64 : index
          %get3A_644 = tpu.vector_load %arg6[%get3A_642, %get3A_643] {strides = array<i32>} : memref<128x128xf32, #tpu.memory_space<vmem>>, vector<1x16xf32>,
          %get3A_645 = vector.shape_cast %get3A_644 : vector<1x16xf32> to vector<16xf32>
          %add3A_646 = arith.addf %scan3A_609, %get3A_645 : vector<16xf32>
          %add3A_647 = arith.constant 0 : i32
          %add3A_648 = arith.addi %add3A_647, %scan3A_604 : i32
          %get3A_649 = arith.index_cast %add3A_648 : i32 to index
          %get3A_650 = arith.constant 80 : index
          %get3A_651 = tpu.vector_load %arg6[%get3A_649, %get3A_650] {strides = array<i32>} : memref<128x128xf32, #tpu.memory_space<vmem>>, vector<1x16xf32>,
          %get3A_652 = vector.shape_cast %get3A_651 : vector<1x16xf32> to vector<16xf32>
          %add3A_653 = arith.addf %scan3A_610, %get3A_652 : vector<16xf32>
          %add3A_654 = arith.constant 0 : i32
          %add3A_655 = arith.addi %add3A_654, %scan3A_604 : i32
          %get3A_656 = arith.index_cast %add3A_655 : i32 to index
          %get3A_657 = arith.constant 96 : index
          %get3A_658 = tpu.vector_load %arg6[%get3A_656, %get3A_657] {strides = array<i32>} : memref<128x128xf32, #tpu.memory_space<vmem>>, vector<1x16xf32>,
          %get3A_659 = vector.shape_cast %get3A_658 : vector<1x16xf32> to vector<16xf32>
          %add3A_660 = arith.addf %scan3A_611, %get3A_659 : vector<16xf32>
          %add3A_661 = arith.constant 0 : i32
          %add3A_662 = arith.addi %add3A_661, %scan3A_604 : i32
          %get3A_663 = arith.index_cast %add3A_662 : i32 to index
          %get3A_664 = arith.constant 112 : index
          %get3A_665 = tpu.vector_load %arg6[%get3A_663, %get3A_664] {strides = array<i32>} : memref<128x128xf32, #tpu.memory_space<vmem>>, vector<1x16xf32>,
          %get3A_666 = vector.shape_cast %get3A_665 : vector<1x16xf32> to vector<16xf32>
          %add3A_667 = arith.addf %scan3A_612, %get3A_666 : vector<16xf32>
          scf.yield %add3A_618, %add3A_625, %add3A_632, %add3A_639, %add3A_646, %add3A_653, %add3A_660, %add3A_667 : vector<16xf32>, vector<16xf32>, vector<16xf32>, vector<16xf32>, vector<16xf32>, vector<16xf32>, vector<16xf32>, vector<16xf32>
        }
        %scan3A_170 = arith.constant 32 : i32
        %mul3A_171 = arith.constant 3.125000e-02 : f32
        %mul3A_172 = vector.broadcast %mul3A_171 : f32 to vector<16xf32>
        %mul3A_173 = arith.mulf %scan3A_169#0, %mul3A_172 : vector<16xf32>
        %swap3A = arith.constant 0 : i32
        %swap3A_174 = arith.constant 0 : i32
        %swap3A_175 = arith.index_cast %swap3A : i32 to index
        %swap3A_176 = arith.index_cast %swap3A_174 : i32 to index
        %swap3A_177 = arith.constant 0 : index
        %swap3A_178 = tpu.vector_load %arg10[%swap3A_175, %swap3A_176, %swap3A_177] {strides = array<i32>} : memref<2x4x128xf32, #tpu.memory_space<vmem>>, vector<1x1x16xf32>,
        %swap3A_179 = vector.shape_cast %swap3A_178 : vector<1x1x16xf32> to vector<16xf32>
        %swap3A_180 = vector.shape_cast %mul3A_173 : vector<16xf32> to vector<1x1x16xf32>
        tpu.vector_store %arg10[%swap3A_175, %swap3A_176, %swap3A_177], %swap3A_180 {strides = array<i32>} : memref<2x4x128xf32, #tpu.memory_space<vmem>>, vector<1x1x16xf32>,
        %mul3A_181 = arith.constant 3.125000e-02 : f32
        %mul3A_182 = vector.broadcast %mul3A_181 : f32 to vector<16xf32>
        %mul3A_183 = arith.mulf %scan3A_169#1, %mul3A_182 : vector<16xf32>
        %swap3A_184 = arith.constant 0 : i32
        %swap3A_185 = arith.constant 0 : i32
        %swap3A_186 = arith.index_cast %swap3A_184 : i32 to index
        %swap3A_187 = arith.index_cast %swap3A_185 : i32 to index
        %swap3A_188 = arith.constant 16 : index
        %swap3A_189 = tpu.vector_load %arg10[%swap3A_186, %swap3A_187, %swap3A_188] {strides = array<i32>} : memref<2x4x128xf32, #tpu.memory_space<vmem>>, vector<1x1x16xf32>,
        %swap3A_190 = vector.shape_cast %swap3A_189 : vector<1x1x16xf32> to vector<16xf32>
        %swap3A_191 = vector.shape_cast %mul3A_183 : vector<16xf32> to vector<1x1x16xf32>
        tpu.vector_store %arg10[%swap3A_186, %swap3A_187, %swap3A_188], %swap3A_191 {strides = array<i32>} : memref<2x4x128xf32, #tpu.memory_space<vmem>>, vector<1x1x16xf32>,
        %mul3A_192 = arith.constant 3.125000e-02 : f32
        %mul3A_193 = vector.broadcast %mul3A_192 : f32 to vector<16xf32>
        %mul3A_194 = arith.mulf %scan3A_169#2, %mul3A_193 : vector<16xf32>
        %swap3A_195 = arith.constant 0 : i32
        %swap3A_196 = arith.constant 0 : i32
        %swap3A_197 = arith.index_cast %swap3A_195 : i32 to index
        %swap3A_198 = arith.index_cast %swap3A_196 : i32 to index
        %swap3A_199 = arith.constant 32 : index
        %swap3A_200 = tpu.vector_load %arg10[%swap3A_197, %swap3A_198, %swap3A_199] {strides = array<i32>} : memref<2x4x128xf32, #tpu.memory_space<vmem>>, vector<1x1x16xf32>,
        %swap3A_201 = vector.shape_cast %swap3A_200 : vector<1x1x16xf32> to vector<16xf32>
        %swap3A_202 = vector.shape_cast %mul3A_194 : vector<16xf32> to vector<1x1x16xf32>
        tpu.vector_store %arg10[%swap3A_197, %swap3A_198, %swap3A_199], %swap3A_202 {strides = array<i32>} : memref<2x4x128xf32, #tpu.memory_space<vmem>>, vector<1x1x16xf32>,
        %mul3A_203 = arith.constant 3.125000e-02 : f32
        %mul3A_204 = vector.broadcast %mul3A_203 : f32 to vector<16xf32>
        %mul3A_205 = arith.mulf %scan3A_169#3, %mul3A_204 : vector<16xf32>
        %swap3A_206 = arith.constant 0 : i32
        %swap3A_207 = arith.constant 0 : i32
        %swap3A_208 = arith.index_cast %swap3A_206 : i32 to index
        %swap3A_209 = arith.index_cast %swap3A_207 : i32 to index
        %swap3A_210 = arith.constant 48 : index
        %swap3A_211 = tpu.vector_load %arg10[%swap3A_208, %swap3A_209, %swap3A_210] {strides = array<i32>} : memref<2x4x128xf32, #tpu.memory_space<vmem>>, vector<1x1x16xf32>,
        %swap3A_212 = vector.shape_cast %swap3A_211 : vector<1x1x16xf32> to vector<16xf32>
        %swap3A_213 = vector.shape_cast %mul3A_205 : vector<16xf32> to vector<1x1x16xf32>
        tpu.vector_store %arg10[%swap3A_208, %swap3A_209, %swap3A_210], %swap3A_213 {strides = array<i32>} : memref<2x4x128xf32, #tpu.memory_space<vmem>>, vector<1x1x16xf32>,
        %mul3A_214 = arith.constant 3.125000e-02 : f32
        %mul3A_215 = vector.broadcast %mul3A_214 : f32 to vector<16xf32>
        %mul3A_216 = arith.mulf %scan3A_169#4, %mul3A_215 : vector<16xf32>
        %swap3A_217 = arith.constant 0 : i32
        %swap3A_218 = arith.constant 0 : i32
        %swap3A_219 = arith.index_cast %swap3A_217 : i32 to index
        %swap3A_220 = arith.index_cast %swap3A_218 : i32 to index
        %swap3A_221 = arith.constant 64 : index
        %swap3A_222 = tpu.vector_load %arg10[%swap3A_219, %swap3A_220, %swap3A_221] {strides = array<i32>} : memref<2x4x128xf32, #tpu.memory_space<vmem>>, vector<1x1x16xf32>,
        %swap3A_223 = vector.shape_cast %swap3A_222 : vector<1x1x16xf32> to vector<16xf32>
        %swap3A_224 = vector.shape_cast %mul3A_216 : vector<16xf32> to vector<1x1x16xf32>
        tpu.vector_store %arg10[%swap3A_219, %swap3A_220, %swap3A_221], %swap3A_224 {strides = array<i32>} : memref<2x4x128xf32, #tpu.memory_space<vmem>>, vector<1x1x16xf32>,
        %mul3A_225 = arith.constant 3.125000e-02 : f32
        %mul3A_226 = vector.broadcast %mul3A_225 : f32 to vector<16xf32>
        %mul3A_227 = arith.mulf %scan3A_169#5, %mul3A_226 : vector<16xf32>
        %swap3A_228 = arith.constant 0 : i32
        %swap3A_229 = arith.constant 0 : i32
        %swap3A_230 = arith.index_cast %swap3A_228 : i32 to index
        %swap3A_231 = arith.index_cast %swap3A_229 : i32 to index
        %swap3A_232 = arith.constant 80 : index
        %swap3A_233 = tpu.vector_load %arg10[%swap3A_230, %swap3A_231, %swap3A_232] {strides = array<i32>} : memref<2x4x128xf32, #tpu.memory_space<vmem>>, vector<1x1x16xf32>,
        %swap3A_234 = vector.shape_cast %swap3A_233 : vector<1x1x16xf32> to vector<16xf32>
        %swap3A_235 = vector.shape_cast %mul3A_227 : vector<16xf32> to vector<1x1x16xf32>
        tpu.vector_store %arg10[%swap3A_230, %swap3A_231, %swap3A_232], %swap3A_235 {strides = array<i32>} : memref<2x4x128xf32, #tpu.memory_space<vmem>>, vector<1x1x16xf32>,
        %mul3A_236 = arith.constant 3.125000e-02 : f32
        %mul3A_237 = vector.broadcast %mul3A_236 : f32 to vector<16xf32>
        %mul3A_238 = arith.mulf %scan3A_169#6, %mul3A_237 : vector<16xf32>
        %swap3A_239 = arith.constant 0 : i32
        %swap3A_240 = arith.constant 0 : i32
        %swap3A_241 = arith.index_cast %swap3A_239 : i32 to index
        %swap3A_242 = arith.index_cast %swap3A_240 : i32 to index
        %swap3A_243 = arith.constant 96 : index
        %swap3A_244 = tpu.vector_load %arg10[%swap3A_241, %swap3A_242, %swap3A_243] {strides = array<i32>} : memref<2x4x128xf32, #tpu.memory_space<vmem>>, vector<1x1x16xf32>,
        %swap3A_245 = vector.shape_cast %swap3A_244 : vector<1x1x16xf32> to vector<16xf32>
        %swap3A_246 = vector.shape_cast %mul3A_238 : vector<16xf32> to vector<1x1x16xf32>
        tpu.vector_store %arg10[%swap3A_241, %swap3A_242, %swap3A_243], %swap3A_246 {strides = array<i32>} : memref<2x4x128xf32, #tpu.memory_space<vmem>>, vector<1x1x16xf32>,
        %mul3A_247 = arith.constant 3.125000e-02 : f32
        %mul3A_248 = vector.broadcast %mul3A_247 : f32 to vector<16xf32>
        %mul3A_249 = arith.mulf %scan3A_169#7, %mul3A_248 : vector<16xf32>
        %swap3A_250 = arith.constant 0 : i32
        %swap3A_251 = arith.constant 0 : i32
        %swap3A_252 = arith.index_cast %swap3A_250 : i32 to index
        %swap3A_253 = arith.index_cast %swap3A_251 : i32 to index
        %swap3A_254 = arith.constant 112 : index
        %swap3A_255 = tpu.vector_load %arg10[%swap3A_252, %swap3A_253, %swap3A_254] {strides = array<i32>} : memref<2x4x128xf32, #tpu.memory_space<vmem>>, vector<1x1x16xf32>,
        %swap3A_256 = vector.shape_cast %swap3A_255 : vector<1x1x16xf32> to vector<16xf32>
        %swap3A_257 = vector.shape_cast %mul3A_249 : vector<16xf32> to vector<1x1x16xf32>
        tpu.vector_store %arg10[%swap3A_252, %swap3A_253, %swap3A_254], %swap3A_257 {strides = array<i32>} : memref<2x4x128xf32, #tpu.memory_space<vmem>>, vector<1x1x16xf32>,
        %broadcast_in_dim3A_258 = arith.constant 0.000000e+00 : f32
        %broadcast_in_dim3A_259 = vector.broadcast %broadcast_in_dim3A_258 : f32 to vector<16xf32>
        %broadcast_in_dim3A_260 = arith.constant 0.000000e+00 : f32
        %broadcast_in_dim3A_261 = vector.broadcast %broadcast_in_dim3A_260 : f32 to vector<16xf32>
        %broadcast_in_dim3A_262 = arith.constant 0.000000e+00 : f32
        %broadcast_in_dim3A_263 = vector.broadcast %broadcast_in_dim3A_262 : f32 to vector<16xf32>
        %broadcast_in_dim3A_264 = arith.constant 0.000000e+00 : f32
        %broadcast_in_dim3A_265 = vector.broadcast %broadcast_in_dim3A_264 : f32 to vector<16xf32>
        %broadcast_in_dim3A_266 = arith.constant 0.000000e+00 : f32
        %broadcast_in_dim3A_267 = vector.broadcast %broadcast_in_dim3A_266 : f32 to vector<16xf32>
        %broadcast_in_dim3A_268 = arith.constant 0.000000e+00 : f32
        %broadcast_in_dim3A_269 = vector.broadcast %broadcast_in_dim3A_268 : f32 to vector<16xf32>
        %broadcast_in_dim3A_270 = arith.constant 0.000000e+00 : f32
        %broadcast_in_dim3A_271 = vector.broadcast %broadcast_in_dim3A_270 : f32 to vector<16xf32>
        %broadcast_in_dim3A_272 = arith.constant 0.000000e+00 : f32
        %broadcast_in_dim3A_273 = vector.broadcast %broadcast_in_dim3A_272 : f32 to vector<16xf32>
        %scan3A_274 = arith.constant 0 : i32
        %scan3A_275 = arith.constant 32 : i32
        %scan3A_276 = arith.addi %scan3A_274, %scan3A_275 : i32
        %scan3A_277 = arith.constant 1 : i32
        %scan3A_278:8 = scf.for %scan3A_604 = %scan3A_274 to %scan3A_276 step %scan3A_277 iter_args(%scan3A_605 = %broadcast_in_dim3A_259, %scan3A_606 = %broadcast_in_dim3A_261, %scan3A_607 = %broadcast_in_dim3A_263, %scan3A_608 = %broadcast_in_dim3A_265, %scan3A_609 = %broadcast_in_dim3A_267, %scan3A_610 = %broadcast_in_dim3A_269, %scan3A_611 = %broadcast_in_dim3A_271, %scan3A_612 = %broadcast_in_dim3A_273) -> (vector<16xf32>, vector<16xf32>, vector<16xf32>, vector<16xf32>, vector<16xf32>, vector<16xf32>, vector<16xf32>, vector<16xf32>)  : i32 {
          %add3A_613 = arith.constant 32 : i32
          %add3A_614 = arith.addi %add3A_613, %scan3A_604 : i32
          %get3A = arith.index_cast %add3A_614 : i32 to index
          %get3A_615 = arith.constant 0 : index
          %get3A_616 = tpu.vector_load %arg6[%get3A, %get3A_615] {strides = array<i32>} : memref<128x128xf32, #tpu.memory_space<vmem>>, vector<1x16xf32>,
          %get3A_617 = vector.shape_cast %get3A_616 : vector<1x16xf32> to vector<16xf32>
          %add3A_618 = arith.addf %scan3A_605, %get3A_617 : vector<16xf32>
          %add3A_619 = arith.constant 32 : i32
          %add3A_620 = arith.addi %add3A_619, %scan3A_604 : i32
          %get3A_621 = arith.index_cast %add3A_620 : i32 to index
          %get3A_622 = arith.constant 16 : index
          %get3A_623 = tpu.vector_load %arg6[%get3A_621, %get3A_622] {strides = array<i32>} : memref<128x128xf32, #tpu.memory_space<vmem>>, vector<1x16xf32>,
          %get3A_624 = vector.shape_cast %get3A_623 : vector<1x16xf32> to vector<16xf32>
          %add3A_625 = arith.addf %scan3A_606, %get3A_624 : vector<16xf32>
          %add3A_626 = arith.constant 32 : i32
          %add3A_627 = arith.addi %add3A_626, %scan3A_604 : i32
          %get3A_628 = arith.index_cast %add3A_627 : i32 to index
          %get3A_629 = arith.constant 32 : index
          %get3A_630 = tpu.vector_load %arg6[%get3A_628, %get3A_629] {strides = array<i32>} : memref<128x128xf32, #tpu.memory_space<vmem>>, vector<1x16xf32>,
          %get3A_631 = vector.shape_cast %get3A_630 : vector<1x16xf32> to vector<16xf32>
          %add3A_632 = arith.addf %scan3A_607, %get3A_631 : vector<16xf32>
          %add3A_633 = arith.constant 32 : i32
          %add3A_634 = arith.addi %add3A_633, %scan3A_604 : i32
          %get3A_635 = arith.index_cast %add3A_634 : i32 to index
          %get3A_636 = arith.constant 48 : index
          %get3A_637 = tpu.vector_load %arg6[%get3A_635, %get3A_636] {strides = array<i32>} : memref<128x128xf32, #tpu.memory_space<vmem>>, vector<1x16xf32>,
          %get3A_638 = vector.shape_cast %get3A_637 : vector<1x16xf32> to vector<16xf32>
          %add3A_639 = arith.addf %scan3A_608, %get3A_638 : vector<16xf32>
          %add3A_640 = arith.constant 32 : i32
          %add3A_641 = arith.addi %add3A_640, %scan3A_604 : i32
          %get3A_642 = arith.index_cast %add3A_641 : i32 to index
          %get3A_643 = arith.constant 64 : index
          %get3A_644 = tpu.vector_load %arg6[%get3A_642, %get3A_643] {strides = array<i32>} : memref<128x128xf32, #tpu.memory_space<vmem>>, vector<1x16xf32>,
          %get3A_645 = vector.shape_cast %get3A_644 : vector<1x16xf32> to vector<16xf32>
          %add3A_646 = arith.addf %scan3A_609, %get3A_645 : vector<16xf32>
          %add3A_647 = arith.constant 32 : i32
          %add3A_648 = arith.addi %add3A_647, %scan3A_604 : i32
          %get3A_649 = arith.index_cast %add3A_648 : i32 to index
          %get3A_650 = arith.constant 80 : index
          %get3A_651 = tpu.vector_load %arg6[%get3A_649, %get3A_650] {strides = array<i32>} : memref<128x128xf32, #tpu.memory_space<vmem>>, vector<1x16xf32>,
          %get3A_652 = vector.shape_cast %get3A_651 : vector<1x16xf32> to vector<16xf32>
          %add3A_653 = arith.addf %scan3A_610, %get3A_652 : vector<16xf32>
          %add3A_654 = arith.constant 32 : i32
          %add3A_655 = arith.addi %add3A_654, %scan3A_604 : i32
          %get3A_656 = arith.index_cast %add3A_655 : i32 to index
          %get3A_657 = arith.constant 96 : index
          %get3A_658 = tpu.vector_load %arg6[%get3A_656, %get3A_657] {strides = array<i32>} : memref<128x128xf32, #tpu.memory_space<vmem>>, vector<1x16xf32>,
          %get3A_659 = vector.shape_cast %get3A_658 : vector<1x16xf32> to vector<16xf32>
          %add3A_660 = arith.addf %scan3A_611, %get3A_659 : vector<16xf32>
          %add3A_661 = arith.constant 32 : i32
          %add3A_662 = arith.addi %add3A_661, %scan3A_604 : i32
          %get3A_663 = arith.index_cast %add3A_662 : i32 to index
          %get3A_664 = arith.constant 112 : index
          %get3A_665 = tpu.vector_load %arg6[%get3A_663, %get3A_664] {strides = array<i32>} : memref<128x128xf32, #tpu.memory_space<vmem>>, vector<1x16xf32>,
          %get3A_666 = vector.shape_cast %get3A_665 : vector<1x16xf32> to vector<16xf32>
          %add3A_667 = arith.addf %scan3A_612, %get3A_666 : vector<16xf32>
          scf.yield %add3A_618, %add3A_625, %add3A_632, %add3A_639, %add3A_646, %add3A_653, %add3A_660, %add3A_667 : vector<16xf32>, vector<16xf32>, vector<16xf32>, vector<16xf32>, vector<16xf32>, vector<16xf32>, vector<16xf32>, vector<16xf32>
        }
        %scan3A_279 = arith.constant 32 : i32
        %mul3A_280 = arith.constant 3.125000e-02 : f32
        %mul3A_281 = vector.broadcast %mul3A_280 : f32 to vector<16xf32>
        %mul3A_282 = arith.mulf %scan3A_278#0, %mul3A_281 : vector<16xf32>
        %swap3A_283 = arith.constant 0 : i32
        %swap3A_284 = arith.constant 1 : i32
        %swap3A_285 = arith.index_cast %swap3A_283 : i32 to index
        %swap3A_286 = arith.index_cast %swap3A_284 : i32 to index
        %swap3A_287 = arith.constant 0 : index
        %swap3A_288 = tpu.vector_load %arg10[%swap3A_285, %swap3A_286, %swap3A_287] {strides = array<i32>} : memref<2x4x128xf32, #tpu.memory_space<vmem>>, vector<1x1x16xf32>,
        %swap3A_289 = vector.shape_cast %swap3A_288 : vector<1x1x16xf32> to vector<16xf32>
        %swap3A_290 = vector.shape_cast %mul3A_282 : vector<16xf32> to vector<1x1x16xf32>
        tpu.vector_store %arg10[%swap3A_285, %swap3A_286, %swap3A_287], %swap3A_290 {strides = array<i32>} : memref<2x4x128xf32, #tpu.memory_space<vmem>>, vector<1x1x16xf32>,
        %mul3A_291 = arith.constant 3.125000e-02 : f32
        %mul3A_292 = vector.broadcast %mul3A_291 : f32 to vector<16xf32>
        %mul3A_293 = arith.mulf %scan3A_278#1, %mul3A_292 : vector<16xf32>
        %swap3A_294 = arith.constant 0 : i32
        %swap3A_295 = arith.constant 1 : i32
        %swap3A_296 = arith.index_cast %swap3A_294 : i32 to index
        %swap3A_297 = arith.index_cast %swap3A_295 : i32 to index
        %swap3A_298 = arith.constant 16 : index
        %swap3A_299 = tpu.vector_load %arg10[%swap3A_296, %swap3A_297, %swap3A_298] {strides = array<i32>} : memref<2x4x128xf32, #tpu.memory_space<vmem>>, vector<1x1x16xf32>,
        %swap3A_300 = vector.shape_cast %swap3A_299 : vector<1x1x16xf32> to vector<16xf32>
        %swap3A_301 = vector.shape_cast %mul3A_293 : vector<16xf32> to vector<1x1x16xf32>
        tpu.vector_store %arg10[%swap3A_296, %swap3A_297, %swap3A_298], %swap3A_301 {strides = array<i32>} : memref<2x4x128xf32, #tpu.memory_space<vmem>>, vector<1x1x16xf32>,
        %mul3A_302 = arith.constant 3.125000e-02 : f32
        %mul3A_303 = vector.broadcast %mul3A_302 : f32 to vector<16xf32>
        %mul3A_304 = arith.mulf %scan3A_278#2, %mul3A_303 : vector<16xf32>
        %swap3A_305 = arith.constant 0 : i32
        %swap3A_306 = arith.constant 1 : i32
        %swap3A_307 = arith.index_cast %swap3A_305 : i32 to index
        %swap3A_308 = arith.index_cast %swap3A_306 : i32 to index
        %swap3A_309 = arith.constant 32 : index
        %swap3A_310 = tpu.vector_load %arg10[%swap3A_307, %swap3A_308, %swap3A_309] {strides = array<i32>} : memref<2x4x128xf32, #tpu.memory_space<vmem>>, vector<1x1x16xf32>,
        %swap3A_311 = vector.shape_cast %swap3A_310 : vector<1x1x16xf32> to vector<16xf32>
        %swap3A_312 = vector.shape_cast %mul3A_304 : vector<16xf32> to vector<1x1x16xf32>
        tpu.vector_store %arg10[%swap3A_307, %swap3A_308, %swap3A_309], %swap3A_312 {strides = array<i32>} : memref<2x4x128xf32, #tpu.memory_space<vmem>>, vector<1x1x16xf32>,
        %mul3A_313 = arith.constant 3.125000e-02 : f32
        %mul3A_314 = vector.broadcast %mul3A_313 : f32 to vector<16xf32>
        %mul3A_315 = arith.mulf %scan3A_278#3, %mul3A_314 : vector<16xf32>
        %swap3A_316 = arith.constant 0 : i32
        %swap3A_317 = arith.constant 1 : i32
        %swap3A_318 = arith.index_cast %swap3A_316 : i32 to index
        %swap3A_319 = arith.index_cast %swap3A_317 : i32 to index
        %swap3A_320 = arith.constant 48 : index
        %swap3A_321 = tpu.vector_load %arg10[%swap3A_318, %swap3A_319, %swap3A_320] {strides = array<i32>} : memref<2x4x128xf32, #tpu.memory_space<vmem>>, vector<1x1x16xf32>,
        %swap3A_322 = vector.shape_cast %swap3A_321 : vector<1x1x16xf32> to vector<16xf32>
        %swap3A_323 = vector.shape_cast %mul3A_315 : vector<16xf32> to vector<1x1x16xf32>
        tpu.vector_store %arg10[%swap3A_318, %swap3A_319, %swap3A_320], %swap3A_323 {strides = array<i32>} : memref<2x4x128xf32, #tpu.memory_space<vmem>>, vector<1x1x16xf32>,
        %mul3A_324 = arith.constant 3.125000e-02 : f32
        %mul3A_325 = vector.broadcast %mul3A_324 : f32 to vector<16xf32>
        %mul3A_326 = arith.mulf %scan3A_278#4, %mul3A_325 : vector<16xf32>
        %swap3A_327 = arith.constant 0 : i32
        %swap3A_328 = arith.constant 1 : i32
        %swap3A_329 = arith.index_cast %swap3A_327 : i32 to index
        %swap3A_330 = arith.index_cast %swap3A_328 : i32 to index
        %swap3A_331 = arith.constant 64 : index
        %swap3A_332 = tpu.vector_load %arg10[%swap3A_329, %swap3A_330, %swap3A_331] {strides = array<i32>} : memref<2x4x128xf32, #tpu.memory_space<vmem>>, vector<1x1x16xf32>,
        %swap3A_333 = vector.shape_cast %swap3A_332 : vector<1x1x16xf32> to vector<16xf32>
        %swap3A_334 = vector.shape_cast %mul3A_326 : vector<16xf32> to vector<1x1x16xf32>
        tpu.vector_store %arg10[%swap3A_329, %swap3A_330, %swap3A_331], %swap3A_334 {strides = array<i32>} : memref<2x4x128xf32, #tpu.memory_space<vmem>>, vector<1x1x16xf32>,
        %mul3A_335 = arith.constant 3.125000e-02 : f32
        %mul3A_336 = vector.broadcast %mul3A_335 : f32 to vector<16xf32>
        %mul3A_337 = arith.mulf %scan3A_278#5, %mul3A_336 : vector<16xf32>
        %swap3A_338 = arith.constant 0 : i32
        %swap3A_339 = arith.constant 1 : i32
        %swap3A_340 = arith.index_cast %swap3A_338 : i32 to index
        %swap3A_341 = arith.index_cast %swap3A_339 : i32 to index
        %swap3A_342 = arith.constant 80 : index
        %swap3A_343 = tpu.vector_load %arg10[%swap3A_340, %swap3A_341, %swap3A_342] {strides = array<i32>} : memref<2x4x128xf32, #tpu.memory_space<vmem>>, vector<1x1x16xf32>,
        %swap3A_344 = vector.shape_cast %swap3A_343 : vector<1x1x16xf32> to vector<16xf32>
        %swap3A_345 = vector.shape_cast %mul3A_337 : vector<16xf32> to vector<1x1x16xf32>
        tpu.vector_store %arg10[%swap3A_340, %swap3A_341, %swap3A_342], %swap3A_345 {strides = array<i32>} : memref<2x4x128xf32, #tpu.memory_space<vmem>>, vector<1x1x16xf32>,
        %mul3A_346 = arith.constant 3.125000e-02 : f32
        %mul3A_347 = vector.broadcast %mul3A_346 : f32 to vector<16xf32>
        %mul3A_348 = arith.mulf %scan3A_278#6, %mul3A_347 : vector<16xf32>
        %swap3A_349 = arith.constant 0 : i32
        %swap3A_350 = arith.constant 1 : i32
        %swap3A_351 = arith.index_cast %swap3A_349 : i32 to index
        %swap3A_352 = arith.index_cast %swap3A_350 : i32 to index
        %swap3A_353 = arith.constant 96 : index
        %swap3A_354 = tpu.vector_load %arg10[%swap3A_351, %swap3A_352, %swap3A_353] {strides = array<i32>} : memref<2x4x128xf32, #tpu.memory_space<vmem>>, vector<1x1x16xf32>,
        %swap3A_355 = vector.shape_cast %swap3A_354 : vector<1x1x16xf32> to vector<16xf32>
        %swap3A_356 = vector.shape_cast %mul3A_348 : vector<16xf32> to vector<1x1x16xf32>
        tpu.vector_store %arg10[%swap3A_351, %swap3A_352, %swap3A_353], %swap3A_356 {strides = array<i32>} : memref<2x4x128xf32, #tpu.memory_space<vmem>>, vector<1x1x16xf32>,
        %mul3A_357 = arith.constant 3.125000e-02 : f32
        %mul3A_358 = vector.broadcast %mul3A_357 : f32 to vector<16xf32>
        %mul3A_359 = arith.mulf %scan3A_278#7, %mul3A_358 : vector<16xf32>
        %swap3A_360 = arith.constant 0 : i32
        %swap3A_361 = arith.constant 1 : i32
        %swap3A_362 = arith.index_cast %swap3A_360 : i32 to index
        %swap3A_363 = arith.index_cast %swap3A_361 : i32 to index
        %swap3A_364 = arith.constant 112 : index
        %swap3A_365 = tpu.vector_load %arg10[%swap3A_362, %swap3A_363, %swap3A_364] {strides = array<i32>} : memref<2x4x128xf32, #tpu.memory_space<vmem>>, vector<1x1x16xf32>,
        %swap3A_366 = vector.shape_cast %swap3A_365 : vector<1x1x16xf32> to vector<16xf32>
        %swap3A_367 = vector.shape_cast %mul3A_359 : vector<16xf32> to vector<1x1x16xf32>
        tpu.vector_store %arg10[%swap3A_362, %swap3A_363, %swap3A_364], %swap3A_367 {strides = array<i32>} : memref<2x4x128xf32, #tpu.memory_space<vmem>>, vector<1x1x16xf32>,
        %broadcast_in_dim3A_368 = arith.constant 0.000000e+00 : f32
        %broadcast_in_dim3A_369 = vector.broadcast %broadcast_in_dim3A_368 : f32 to vector<16xf32>
        %broadcast_in_dim3A_370 = arith.constant 0.000000e+00 : f32
        %broadcast_in_dim3A_371 = vector.broadcast %broadcast_in_dim3A_370 : f32 to vector<16xf32>
        %broadcast_in_dim3A_372 = arith.constant 0.000000e+00 : f32
        %broadcast_in_dim3A_373 = vector.broadcast %broadcast_in_dim3A_372 : f32 to vector<16xf32>
        %broadcast_in_dim3A_374 = arith.constant 0.000000e+00 : f32
        %broadcast_in_dim3A_375 = vector.broadcast %broadcast_in_dim3A_374 : f32 to vector<16xf32>
        %broadcast_in_dim3A_376 = arith.constant 0.000000e+00 : f32
        %broadcast_in_dim3A_377 = vector.broadcast %broadcast_in_dim3A_376 : f32 to vector<16xf32>
        %broadcast_in_dim3A_378 = arith.constant 0.000000e+00 : f32
        %broadcast_in_dim3A_379 = vector.broadcast %broadcast_in_dim3A_378 : f32 to vector<16xf32>
        %broadcast_in_dim3A_380 = arith.constant 0.000000e+00 : f32
        %broadcast_in_dim3A_381 = vector.broadcast %broadcast_in_dim3A_380 : f32 to vector<16xf32>
        %broadcast_in_dim3A_382 = arith.constant 0.000000e+00 : f32
        %broadcast_in_dim3A_383 = vector.broadcast %broadcast_in_dim3A_382 : f32 to vector<16xf32>
        %scan3A_384 = arith.constant 0 : i32
        %scan3A_385 = arith.constant 32 : i32
        %scan3A_386 = arith.addi %scan3A_384, %scan3A_385 : i32
        %scan3A_387 = arith.constant 1 : i32
        %scan3A_388:8 = scf.for %scan3A_604 = %scan3A_384 to %scan3A_386 step %scan3A_387 iter_args(%scan3A_605 = %broadcast_in_dim3A_369, %scan3A_606 = %broadcast_in_dim3A_371, %scan3A_607 = %broadcast_in_dim3A_373, %scan3A_608 = %broadcast_in_dim3A_375, %scan3A_609 = %broadcast_in_dim3A_377, %scan3A_610 = %broadcast_in_dim3A_379, %scan3A_611 = %broadcast_in_dim3A_381, %scan3A_612 = %broadcast_in_dim3A_383) -> (vector<16xf32>, vector<16xf32>, vector<16xf32>, vector<16xf32>, vector<16xf32>, vector<16xf32>, vector<16xf32>, vector<16xf32>)  : i32 {
          %add3A_613 = arith.constant 64 : i32
          %add3A_614 = arith.addi %add3A_613, %scan3A_604 : i32
          %get3A = arith.index_cast %add3A_614 : i32 to index
          %get3A_615 = arith.constant 0 : index
          %get3A_616 = tpu.vector_load %arg6[%get3A, %get3A_615] {strides = array<i32>} : memref<128x128xf32, #tpu.memory_space<vmem>>, vector<1x16xf32>,
          %get3A_617 = vector.shape_cast %get3A_616 : vector<1x16xf32> to vector<16xf32>
          %add3A_618 = arith.addf %scan3A_605, %get3A_617 : vector<16xf32>
          %add3A_619 = arith.constant 64 : i32
          %add3A_620 = arith.addi %add3A_619, %scan3A_604 : i32
          %get3A_621 = arith.index_cast %add3A_620 : i32 to index
          %get3A_622 = arith.constant 16 : index
          %get3A_623 = tpu.vector_load %arg6[%get3A_621, %get3A_622] {strides = array<i32>} : memref<128x128xf32, #tpu.memory_space<vmem>>, vector<1x16xf32>,
          %get3A_624 = vector.shape_cast %get3A_623 : vector<1x16xf32> to vector<16xf32>
          %add3A_625 = arith.addf %scan3A_606, %get3A_624 : vector<16xf32>
          %add3A_626 = arith.constant 64 : i32
          %add3A_627 = arith.addi %add3A_626, %scan3A_604 : i32
          %get3A_628 = arith.index_cast %add3A_627 : i32 to index
          %get3A_629 = arith.constant 32 : index
          %get3A_630 = tpu.vector_load %arg6[%get3A_628, %get3A_629] {strides = array<i32>} : memref<128x128xf32, #tpu.memory_space<vmem>>, vector<1x16xf32>,
          %get3A_631 = vector.shape_cast %get3A_630 : vector<1x16xf32> to vector<16xf32>
          %add3A_632 = arith.addf %scan3A_607, %get3A_631 : vector<16xf32>
          %add3A_633 = arith.constant 64 : i32
          %add3A_634 = arith.addi %add3A_633, %scan3A_604 : i32
          %get3A_635 = arith.index_cast %add3A_634 : i32 to index
          %get3A_636 = arith.constant 48 : index
          %get3A_637 = tpu.vector_load %arg6[%get3A_635, %get3A_636] {strides = array<i32>} : memref<128x128xf32, #tpu.memory_space<vmem>>, vector<1x16xf32>,
          %get3A_638 = vector.shape_cast %get3A_637 : vector<1x16xf32> to vector<16xf32>
          %add3A_639 = arith.addf %scan3A_608, %get3A_638 : vector<16xf32>
          %add3A_640 = arith.constant 64 : i32
          %add3A_641 = arith.addi %add3A_640, %scan3A_604 : i32
          %get3A_642 = arith.index_cast %add3A_641 : i32 to index
          %get3A_643 = arith.constant 64 : index
          %get3A_644 = tpu.vector_load %arg6[%get3A_642, %get3A_643] {strides = array<i32>} : memref<128x128xf32, #tpu.memory_space<vmem>>, vector<1x16xf32>,
          %get3A_645 = vector.shape_cast %get3A_644 : vector<1x16xf32> to vector<16xf32>
          %add3A_646 = arith.addf %scan3A_609, %get3A_645 : vector<16xf32>
          %add3A_647 = arith.constant 64 : i32
          %add3A_648 = arith.addi %add3A_647, %scan3A_604 : i32
          %get3A_649 = arith.index_cast %add3A_648 : i32 to index
          %get3A_650 = arith.constant 80 : index
          %get3A_651 = tpu.vector_load %arg6[%get3A_649, %get3A_650] {strides = array<i32>} : memref<128x128xf32, #tpu.memory_space<vmem>>, vector<1x16xf32>,
          %get3A_652 = vector.shape_cast %get3A_651 : vector<1x16xf32> to vector<16xf32>
          %add3A_653 = arith.addf %scan3A_610, %get3A_652 : vector<16xf32>
          %add3A_654 = arith.constant 64 : i32
          %add3A_655 = arith.addi %add3A_654, %scan3A_604 : i32
          %get3A_656 = arith.index_cast %add3A_655 : i32 to index
          %get3A_657 = arith.constant 96 : index
          %get3A_658 = tpu.vector_load %arg6[%get3A_656, %get3A_657] {strides = array<i32>} : memref<128x128xf32, #tpu.memory_space<vmem>>, vector<1x16xf32>,
          %get3A_659 = vector.shape_cast %get3A_658 : vector<1x16xf32> to vector<16xf32>
          %add3A_660 = arith.addf %scan3A_611, %get3A_659 : vector<16xf32>
          %add3A_661 = arith.constant 64 : i32
          %add3A_662 = arith.addi %add3A_661, %scan3A_604 : i32
          %get3A_663 = arith.index_cast %add3A_662 : i32 to index
          %get3A_664 = arith.constant 112 : index
          %get3A_665 = tpu.vector_load %arg6[%get3A_663, %get3A_664] {strides = array<i32>} : memref<128x128xf32, #tpu.memory_space<vmem>>, vector<1x16xf32>,
          %get3A_666 = vector.shape_cast %get3A_665 : vector<1x16xf32> to vector<16xf32>
          %add3A_667 = arith.addf %scan3A_612, %get3A_666 : vector<16xf32>
          scf.yield %add3A_618, %add3A_625, %add3A_632, %add3A_639, %add3A_646, %add3A_653, %add3A_660, %add3A_667 : vector<16xf32>, vector<16xf32>, vector<16xf32>, vector<16xf32>, vector<16xf32>, vector<16xf32>, vector<16xf32>, vector<16xf32>
        }
        %scan3A_389 = arith.constant 32 : i32
        %mul3A_390 = arith.constant 3.125000e-02 : f32
        %mul3A_391 = vector.broadcast %mul3A_390 : f32 to vector<16xf32>
        %mul3A_392 = arith.mulf %scan3A_388#0, %mul3A_391 : vector<16xf32>
        %swap3A_393 = arith.constant 0 : i32
        %swap3A_394 = arith.constant 2 : i32
        %swap3A_395 = arith.index_cast %swap3A_393 : i32 to index
        %swap3A_396 = arith.index_cast %swap3A_394 : i32 to index
        %swap3A_397 = arith.constant 0 : index
        %swap3A_398 = tpu.vector_load %arg10[%swap3A_395, %swap3A_396, %swap3A_397] {strides = array<i32>} : memref<2x4x128xf32, #tpu.memory_space<vmem>>, vector<1x1x16xf32>,
        %swap3A_399 = vector.shape_cast %swap3A_398 : vector<1x1x16xf32> to vector<16xf32>
        %swap3A_400 = vector.shape_cast %mul3A_392 : vector<16xf32> to vector<1x1x16xf32>
        tpu.vector_store %arg10[%swap3A_395, %swap3A_396, %swap3A_397], %swap3A_400 {strides = array<i32>} : memref<2x4x128xf32, #tpu.memory_space<vmem>>, vector<1x1x16xf32>,
        %mul3A_401 = arith.constant 3.125000e-02 : f32
        %mul3A_402 = vector.broadcast %mul3A_401 : f32 to vector<16xf32>
        %mul3A_403 = arith.mulf %scan3A_388#1, %mul3A_402 : vector<16xf32>
        %swap3A_404 = arith.constant 0 : i32
        %swap3A_405 = arith.constant 2 : i32
        %swap3A_406 = arith.index_cast %swap3A_404 : i32 to index
        %swap3A_407 = arith.index_cast %swap3A_405 : i32 to index
        %swap3A_408 = arith.constant 16 : index
        %swap3A_409 = tpu.vector_load %arg10[%swap3A_406, %swap3A_407, %swap3A_408] {strides = array<i32>} : memref<2x4x128xf32, #tpu.memory_space<vmem>>, vector<1x1x16xf32>,
        %swap3A_410 = vector.shape_cast %swap3A_409 : vector<1x1x16xf32> to vector<16xf32>
        %swap3A_411 = vector.shape_cast %mul3A_403 : vector<16xf32> to vector<1x1x16xf32>
        tpu.vector_store %arg10[%swap3A_406, %swap3A_407, %swap3A_408], %swap3A_411 {strides = array<i32>} : memref<2x4x128xf32, #tpu.memory_space<vmem>>, vector<1x1x16xf32>,
        %mul3A_412 = arith.constant 3.125000e-02 : f32
        %mul3A_413 = vector.broadcast %mul3A_412 : f32 to vector<16xf32>
        %mul3A_414 = arith.mulf %scan3A_388#2, %mul3A_413 : vector<16xf32>
        %swap3A_415 = arith.constant 0 : i32
        %swap3A_416 = arith.constant 2 : i32
        %swap3A_417 = arith.index_cast %swap3A_415 : i32 to index
        %swap3A_418 = arith.index_cast %swap3A_416 : i32 to index
        %swap3A_419 = arith.constant 32 : index
        %swap3A_420 = tpu.vector_load %arg10[%swap3A_417, %swap3A_418, %swap3A_419] {strides = array<i32>} : memref<2x4x128xf32, #tpu.memory_space<vmem>>, vector<1x1x16xf32>,
        %swap3A_421 = vector.shape_cast %swap3A_420 : vector<1x1x16xf32> to vector<16xf32>
        %swap3A_422 = vector.shape_cast %mul3A_414 : vector<16xf32> to vector<1x1x16xf32>
        tpu.vector_store %arg10[%swap3A_417, %swap3A_418, %swap3A_419], %swap3A_422 {strides = array<i32>} : memref<2x4x128xf32, #tpu.memory_space<vmem>>, vector<1x1x16xf32>,
        %mul3A_423 = arith.constant 3.125000e-02 : f32
        %mul3A_424 = vector.broadcast %mul3A_423 : f32 to vector<16xf32>
        %mul3A_425 = arith.mulf %scan3A_388#3, %mul3A_424 : vector<16xf32>
        %swap3A_426 = arith.constant 0 : i32
        %swap3A_427 = arith.constant 2 : i32
        %swap3A_428 = arith.index_cast %swap3A_426 : i32 to index
        %swap3A_429 = arith.index_cast %swap3A_427 : i32 to index
        %swap3A_430 = arith.constant 48 : index
        %swap3A_431 = tpu.vector_load %arg10[%swap3A_428, %swap3A_429, %swap3A_430] {strides = array<i32>} : memref<2x4x128xf32, #tpu.memory_space<vmem>>, vector<1x1x16xf32>,
        %swap3A_432 = vector.shape_cast %swap3A_431 : vector<1x1x16xf32> to vector<16xf32>
        %swap3A_433 = vector.shape_cast %mul3A_425 : vector<16xf32> to vector<1x1x16xf32>
        tpu.vector_store %arg10[%swap3A_428, %swap3A_429, %swap3A_430], %swap3A_433 {strides = array<i32>} : memref<2x4x128xf32, #tpu.memory_space<vmem>>, vector<1x1x16xf32>,
        %mul3A_434 = arith.constant 3.125000e-02 : f32
        %mul3A_435 = vector.broadcast %mul3A_434 : f32 to vector<16xf32>
        %mul3A_436 = arith.mulf %scan3A_388#4, %mul3A_435 : vector<16xf32>
        %swap3A_437 = arith.constant 0 : i32
        %swap3A_438 = arith.constant 2 : i32
        %swap3A_439 = arith.index_cast %swap3A_437 : i32 to index
        %swap3A_440 = arith.index_cast %swap3A_438 : i32 to index
        %swap3A_441 = arith.constant 64 : index
        %swap3A_442 = tpu.vector_load %arg10[%swap3A_439, %swap3A_440, %swap3A_441] {strides = array<i32>} : memref<2x4x128xf32, #tpu.memory_space<vmem>>, vector<1x1x16xf32>,
        %swap3A_443 = vector.shape_cast %swap3A_442 : vector<1x1x16xf32> to vector<16xf32>
        %swap3A_444 = vector.shape_cast %mul3A_436 : vector<16xf32> to vector<1x1x16xf32>
        tpu.vector_store %arg10[%swap3A_439, %swap3A_440, %swap3A_441], %swap3A_444 {strides = array<i32>} : memref<2x4x128xf32, #tpu.memory_space<vmem>>, vector<1x1x16xf32>,
        %mul3A_445 = arith.constant 3.125000e-02 : f32
        %mul3A_446 = vector.broadcast %mul3A_445 : f32 to vector<16xf32>
        %mul3A_447 = arith.mulf %scan3A_388#5, %mul3A_446 : vector<16xf32>
        %swap3A_448 = arith.constant 0 : i32
        %swap3A_449 = arith.constant 2 : i32
        %swap3A_450 = arith.index_cast %swap3A_448 : i32 to index
        %swap3A_451 = arith.index_cast %swap3A_449 : i32 to index
        %swap3A_452 = arith.constant 80 : index
        %swap3A_453 = tpu.vector_load %arg10[%swap3A_450, %swap3A_451, %swap3A_452] {strides = array<i32>} : memref<2x4x128xf32, #tpu.memory_space<vmem>>, vector<1x1x16xf32>,
        %swap3A_454 = vector.shape_cast %swap3A_453 : vector<1x1x16xf32> to vector<16xf32>
        %swap3A_455 = vector.shape_cast %mul3A_447 : vector<16xf32> to vector<1x1x16xf32>
        tpu.vector_store %arg10[%swap3A_450, %swap3A_451, %swap3A_452], %swap3A_455 {strides = array<i32>} : memref<2x4x128xf32, #tpu.memory_space<vmem>>, vector<1x1x16xf32>,
        %mul3A_456 = arith.constant 3.125000e-02 : f32
        %mul3A_457 = vector.broadcast %mul3A_456 : f32 to vector<16xf32>
        %mul3A_458 = arith.mulf %scan3A_388#6, %mul3A_457 : vector<16xf32>
        %swap3A_459 = arith.constant 0 : i32
        %swap3A_460 = arith.constant 2 : i32
        %swap3A_461 = arith.index_cast %swap3A_459 : i32 to index
        %swap3A_462 = arith.index_cast %swap3A_460 : i32 to index
        %swap3A_463 = arith.constant 96 : index
        %swap3A_464 = tpu.vector_load %arg10[%swap3A_461, %swap3A_462, %swap3A_463] {strides = array<i32>} : memref<2x4x128xf32, #tpu.memory_space<vmem>>, vector<1x1x16xf32>,
        %swap3A_465 = vector.shape_cast %swap3A_464 : vector<1x1x16xf32> to vector<16xf32>
        %swap3A_466 = vector.shape_cast %mul3A_458 : vector<16xf32> to vector<1x1x16xf32>
        tpu.vector_store %arg10[%swap3A_461, %swap3A_462, %swap3A_463], %swap3A_466 {strides = array<i32>} : memref<2x4x128xf32, #tpu.memory_space<vmem>>, vector<1x1x16xf32>,
        %mul3A_467 = arith.constant 3.125000e-02 : f32
        %mul3A_468 = vector.broadcast %mul3A_467 : f32 to vector<16xf32>
        %mul3A_469 = arith.mulf %scan3A_388#7, %mul3A_468 : vector<16xf32>
        %swap3A_470 = arith.constant 0 : i32
        %swap3A_471 = arith.constant 2 : i32
        %swap3A_472 = arith.index_cast %swap3A_470 : i32 to index
        %swap3A_473 = arith.index_cast %swap3A_471 : i32 to index
        %swap3A_474 = arith.constant 112 : index
        %swap3A_475 = tpu.vector_load %arg10[%swap3A_472, %swap3A_473, %swap3A_474] {strides = array<i32>} : memref<2x4x128xf32, #tpu.memory_space<vmem>>, vector<1x1x16xf32>,
        %swap3A_476 = vector.shape_cast %swap3A_475 : vector<1x1x16xf32> to vector<16xf32>
        %swap3A_477 = vector.shape_cast %mul3A_469 : vector<16xf32> to vector<1x1x16xf32>
        tpu.vector_store %arg10[%swap3A_472, %swap3A_473, %swap3A_474], %swap3A_477 {strides = array<i32>} : memref<2x4x128xf32, #tpu.memory_space<vmem>>, vector<1x1x16xf32>,
        %broadcast_in_dim3A_478 = arith.constant 0.000000e+00 : f32
        %broadcast_in_dim3A_479 = vector.broadcast %broadcast_in_dim3A_478 : f32 to vector<16xf32>
        %broadcast_in_dim3A_480 = arith.constant 0.000000e+00 : f32
        %broadcast_in_dim3A_481 = vector.broadcast %broadcast_in_dim3A_480 : f32 to vector<16xf32>
        %broadcast_in_dim3A_482 = arith.constant 0.000000e+00 : f32
        %broadcast_in_dim3A_483 = vector.broadcast %broadcast_in_dim3A_482 : f32 to vector<16xf32>
        %broadcast_in_dim3A_484 = arith.constant 0.000000e+00 : f32
        %broadcast_in_dim3A_485 = vector.broadcast %broadcast_in_dim3A_484 : f32 to vector<16xf32>
        %broadcast_in_dim3A_486 = arith.constant 0.000000e+00 : f32
        %broadcast_in_dim3A_487 = vector.broadcast %broadcast_in_dim3A_486 : f32 to vector<16xf32>
        %broadcast_in_dim3A_488 = arith.constant 0.000000e+00 : f32
        %broadcast_in_dim3A_489 = vector.broadcast %broadcast_in_dim3A_488 : f32 to vector<16xf32>
        %broadcast_in_dim3A_490 = arith.constant 0.000000e+00 : f32
        %broadcast_in_dim3A_491 = vector.broadcast %broadcast_in_dim3A_490 : f32 to vector<16xf32>
        %broadcast_in_dim3A_492 = arith.constant 0.000000e+00 : f32
        %broadcast_in_dim3A_493 = vector.broadcast %broadcast_in_dim3A_492 : f32 to vector<16xf32>
        %scan3A_494 = arith.constant 0 : i32
        %scan3A_495 = arith.constant 32 : i32
        %scan3A_496 = arith.addi %scan3A_494, %scan3A_495 : i32
        %scan3A_497 = arith.constant 1 : i32
        %scan3A_498:8 = scf.for %scan3A_604 = %scan3A_494 to %scan3A_496 step %scan3A_497 iter_args(%scan3A_605 = %broadcast_in_dim3A_479, %scan3A_606 = %broadcast_in_dim3A_481, %scan3A_607 = %broadcast_in_dim3A_483, %scan3A_608 = %broadcast_in_dim3A_485, %scan3A_609 = %broadcast_in_dim3A_487, %scan3A_610 = %broadcast_in_dim3A_489, %scan3A_611 = %broadcast_in_dim3A_491, %scan3A_612 = %broadcast_in_dim3A_493) -> (vector<16xf32>, vector<16xf32>, vector<16xf32>, vector<16xf32>, vector<16xf32>, vector<16xf32>, vector<16xf32>, vector<16xf32>)  : i32 {
          %add3A_613 = arith.constant 96 : i32
          %add3A_614 = arith.addi %add3A_613, %scan3A_604 : i32
          %get3A = arith.index_cast %add3A_614 : i32 to index
          %get3A_615 = arith.constant 0 : index
          %get3A_616 = tpu.vector_load %arg6[%get3A, %get3A_615] {strides = array<i32>} : memref<128x128xf32, #tpu.memory_space<vmem>>, vector<1x16xf32>,
          %get3A_617 = vector.shape_cast %get3A_616 : vector<1x16xf32> to vector<16xf32>
          %add3A_618 = arith.addf %scan3A_605, %get3A_617 : vector<16xf32>
          %add3A_619 = arith.constant 96 : i32
          %add3A_620 = arith.addi %add3A_619, %scan3A_604 : i32
          %get3A_621 = arith.index_cast %add3A_620 : i32 to index
          %get3A_622 = arith.constant 16 : index
          %get3A_623 = tpu.vector_load %arg6[%get3A_621, %get3A_622] {strides = array<i32>} : memref<128x128xf32, #tpu.memory_space<vmem>>, vector<1x16xf32>,
          %get3A_624 = vector.shape_cast %get3A_623 : vector<1x16xf32> to vector<16xf32>
          %add3A_625 = arith.addf %scan3A_606, %get3A_624 : vector<16xf32>
          %add3A_626 = arith.constant 96 : i32
          %add3A_627 = arith.addi %add3A_626, %scan3A_604 : i32
          %get3A_628 = arith.index_cast %add3A_627 : i32 to index
          %get3A_629 = arith.constant 32 : index
          %get3A_630 = tpu.vector_load %arg6[%get3A_628, %get3A_629] {strides = array<i32>} : memref<128x128xf32, #tpu.memory_space<vmem>>, vector<1x16xf32>,
          %get3A_631 = vector.shape_cast %get3A_630 : vector<1x16xf32> to vector<16xf32>
          %add3A_632 = arith.addf %scan3A_607, %get3A_631 : vector<16xf32>
          %add3A_633 = arith.constant 96 : i32
          %add3A_634 = arith.addi %add3A_633, %scan3A_604 : i32
          %get3A_635 = arith.index_cast %add3A_634 : i32 to index
          %get3A_636 = arith.constant 48 : index
          %get3A_637 = tpu.vector_load %arg6[%get3A_635, %get3A_636] {strides = array<i32>} : memref<128x128xf32, #tpu.memory_space<vmem>>, vector<1x16xf32>,
          %get3A_638 = vector.shape_cast %get3A_637 : vector<1x16xf32> to vector<16xf32>
          %add3A_639 = arith.addf %scan3A_608, %get3A_638 : vector<16xf32>
          %add3A_640 = arith.constant 96 : i32
          %add3A_641 = arith.addi %add3A_640, %scan3A_604 : i32
          %get3A_642 = arith.index_cast %add3A_641 : i32 to index
          %get3A_643 = arith.constant 64 : index
          %get3A_644 = tpu.vector_load %arg6[%get3A_642, %get3A_643] {strides = array<i32>} : memref<128x128xf32, #tpu.memory_space<vmem>>, vector<1x16xf32>,
          %get3A_645 = vector.shape_cast %get3A_644 : vector<1x16xf32> to vector<16xf32>
          %add3A_646 = arith.addf %scan3A_609, %get3A_645 : vector<16xf32>
          %add3A_647 = arith.constant 96 : i32
          %add3A_648 = arith.addi %add3A_647, %scan3A_604 : i32
          %get3A_649 = arith.index_cast %add3A_648 : i32 to index
          %get3A_650 = arith.constant 80 : index
          %get3A_651 = tpu.vector_load %arg6[%get3A_649, %get3A_650] {strides = array<i32>} : memref<128x128xf32, #tpu.memory_space<vmem>>, vector<1x16xf32>,
          %get3A_652 = vector.shape_cast %get3A_651 : vector<1x16xf32> to vector<16xf32>
          %add3A_653 = arith.addf %scan3A_610, %get3A_652 : vector<16xf32>
          %add3A_654 = arith.constant 96 : i32
          %add3A_655 = arith.addi %add3A_654, %scan3A_604 : i32
          %get3A_656 = arith.index_cast %add3A_655 : i32 to index
          %get3A_657 = arith.constant 96 : index
          %get3A_658 = tpu.vector_load %arg6[%get3A_656, %get3A_657] {strides = array<i32>} : memref<128x128xf32, #tpu.memory_space<vmem>>, vector<1x16xf32>,
          %get3A_659 = vector.shape_cast %get3A_658 : vector<1x16xf32> to vector<16xf32>
          %add3A_660 = arith.addf %scan3A_611, %get3A_659 : vector<16xf32>
          %add3A_661 = arith.constant 96 : i32
          %add3A_662 = arith.addi %add3A_661, %scan3A_604 : i32
          %get3A_663 = arith.index_cast %add3A_662 : i32 to index
          %get3A_664 = arith.constant 112 : index
          %get3A_665 = tpu.vector_load %arg6[%get3A_663, %get3A_664] {strides = array<i32>} : memref<128x128xf32, #tpu.memory_space<vmem>>, vector<1x16xf32>,
          %get3A_666 = vector.shape_cast %get3A_665 : vector<1x16xf32> to vector<16xf32>
          %add3A_667 = arith.addf %scan3A_612, %get3A_666 : vector<16xf32>
          scf.yield %add3A_618, %add3A_625, %add3A_632, %add3A_639, %add3A_646, %add3A_653, %add3A_660, %add3A_667 : vector<16xf32>, vector<16xf32>, vector<16xf32>, vector<16xf32>, vector<16xf32>, vector<16xf32>, vector<16xf32>, vector<16xf32>
        }
        %scan3A_499 = arith.constant 32 : i32
        %mul3A_500 = arith.constant 3.125000e-02 : f32
        %mul3A_501 = vector.broadcast %mul3A_500 : f32 to vector<16xf32>
        %mul3A_502 = arith.mulf %scan3A_498#0, %mul3A_501 : vector<16xf32>
        %swap3A_503 = arith.constant 0 : i32
        %swap3A_504 = arith.constant 3 : i32
        %swap3A_505 = arith.index_cast %swap3A_503 : i32 to index
        %swap3A_506 = arith.index_cast %swap3A_504 : i32 to index
        %swap3A_507 = arith.constant 0 : index
        %swap3A_508 = tpu.vector_load %arg10[%swap3A_505, %swap3A_506, %swap3A_507] {strides = array<i32>} : memref<2x4x128xf32, #tpu.memory_space<vmem>>, vector<1x1x16xf32>,
        %swap3A_509 = vector.shape_cast %swap3A_508 : vector<1x1x16xf32> to vector<16xf32>
        %swap3A_510 = vector.shape_cast %mul3A_502 : vector<16xf32> to vector<1x1x16xf32>
        tpu.vector_store %arg10[%swap3A_505, %swap3A_506, %swap3A_507], %swap3A_510 {strides = array<i32>} : memref<2x4x128xf32, #tpu.memory_space<vmem>>, vector<1x1x16xf32>,
        %mul3A_511 = arith.constant 3.125000e-02 : f32
        %mul3A_512 = vector.broadcast %mul3A_511 : f32 to vector<16xf32>
        %mul3A_513 = arith.mulf %scan3A_498#1, %mul3A_512 : vector<16xf32>
        %swap3A_514 = arith.constant 0 : i32
        %swap3A_515 = arith.constant 3 : i32
        %swap3A_516 = arith.index_cast %swap3A_514 : i32 to index
        %swap3A_517 = arith.index_cast %swap3A_515 : i32 to index
        %swap3A_518 = arith.constant 16 : index
        %swap3A_519 = tpu.vector_load %arg10[%swap3A_516, %swap3A_517, %swap3A_518] {strides = array<i32>} : memref<2x4x128xf32, #tpu.memory_space<vmem>>, vector<1x1x16xf32>,
        %swap3A_520 = vector.shape_cast %swap3A_519 : vector<1x1x16xf32> to vector<16xf32>
        %swap3A_521 = vector.shape_cast %mul3A_513 : vector<16xf32> to vector<1x1x16xf32>
        tpu.vector_store %arg10[%swap3A_516, %swap3A_517, %swap3A_518], %swap3A_521 {strides = array<i32>} : memref<2x4x128xf32, #tpu.memory_space<vmem>>, vector<1x1x16xf32>,
        %mul3A_522 = arith.constant 3.125000e-02 : f32
        %mul3A_523 = vector.broadcast %mul3A_522 : f32 to vector<16xf32>
        %mul3A_524 = arith.mulf %scan3A_498#2, %mul3A_523 : vector<16xf32>
        %swap3A_525 = arith.constant 0 : i32
        %swap3A_526 = arith.constant 3 : i32
        %swap3A_527 = arith.index_cast %swap3A_525 : i32 to index
        %swap3A_528 = arith.index_cast %swap3A_526 : i32 to index
        %swap3A_529 = arith.constant 32 : index
        %swap3A_530 = tpu.vector_load %arg10[%swap3A_527, %swap3A_528, %swap3A_529] {strides = array<i32>} : memref<2x4x128xf32, #tpu.memory_space<vmem>>, vector<1x1x16xf32>,
        %swap3A_531 = vector.shape_cast %swap3A_530 : vector<1x1x16xf32> to vector<16xf32>
        %swap3A_532 = vector.shape_cast %mul3A_524 : vector<16xf32> to vector<1x1x16xf32>
        tpu.vector_store %arg10[%swap3A_527, %swap3A_528, %swap3A_529], %swap3A_532 {strides = array<i32>} : memref<2x4x128xf32, #tpu.memory_space<vmem>>, vector<1x1x16xf32>,
        %mul3A_533 = arith.constant 3.125000e-02 : f32
        %mul3A_534 = vector.broadcast %mul3A_533 : f32 to vector<16xf32>
        %mul3A_535 = arith.mulf %scan3A_498#3, %mul3A_534 : vector<16xf32>
        %swap3A_536 = arith.constant 0 : i32
        %swap3A_537 = arith.constant 3 : i32
        %swap3A_538 = arith.index_cast %swap3A_536 : i32 to index
        %swap3A_539 = arith.index_cast %swap3A_537 : i32 to index
        %swap3A_540 = arith.constant 48 : index
        %swap3A_541 = tpu.vector_load %arg10[%swap3A_538, %swap3A_539, %swap3A_540] {strides = array<i32>} : memref<2x4x128xf32, #tpu.memory_space<vmem>>, vector<1x1x16xf32>,
        %swap3A_542 = vector.shape_cast %swap3A_541 : vector<1x1x16xf32> to vector<16xf32>
        %swap3A_543 = vector.shape_cast %mul3A_535 : vector<16xf32> to vector<1x1x16xf32>
        tpu.vector_store %arg10[%swap3A_538, %swap3A_539, %swap3A_540], %swap3A_543 {strides = array<i32>} : memref<2x4x128xf32, #tpu.memory_space<vmem>>, vector<1x1x16xf32>,
        %mul3A_544 = arith.constant 3.125000e-02 : f32
        %mul3A_545 = vector.broadcast %mul3A_544 : f32 to vector<16xf32>
        %mul3A_546 = arith.mulf %scan3A_498#4, %mul3A_545 : vector<16xf32>
        %swap3A_547 = arith.constant 0 : i32
        %swap3A_548 = arith.constant 3 : i32
        %swap3A_549 = arith.index_cast %swap3A_547 : i32 to index
        %swap3A_550 = arith.index_cast %swap3A_548 : i32 to index
        %swap3A_551 = arith.constant 64 : index
        %swap3A_552 = tpu.vector_load %arg10[%swap3A_549, %swap3A_550, %swap3A_551] {strides = array<i32>} : memref<2x4x128xf32, #tpu.memory_space<vmem>>, vector<1x1x16xf32>,
        %swap3A_553 = vector.shape_cast %swap3A_552 : vector<1x1x16xf32> to vector<16xf32>
        %swap3A_554 = vector.shape_cast %mul3A_546 : vector<16xf32> to vector<1x1x16xf32>
        tpu.vector_store %arg10[%swap3A_549, %swap3A_550, %swap3A_551], %swap3A_554 {strides = array<i32>} : memref<2x4x128xf32, #tpu.memory_space<vmem>>, vector<1x1x16xf32>,
        %mul3A_555 = arith.constant 3.125000e-02 : f32
        %mul3A_556 = vector.broadcast %mul3A_555 : f32 to vector<16xf32>
        %mul3A_557 = arith.mulf %scan3A_498#5, %mul3A_556 : vector<16xf32>
        %swap3A_558 = arith.constant 0 : i32
        %swap3A_559 = arith.constant 3 : i32
        %swap3A_560 = arith.index_cast %swap3A_558 : i32 to index
        %swap3A_561 = arith.index_cast %swap3A_559 : i32 to index
        %swap3A_562 = arith.constant 80 : index
        %swap3A_563 = tpu.vector_load %arg10[%swap3A_560, %swap3A_561, %swap3A_562] {strides = array<i32>} : memref<2x4x128xf32, #tpu.memory_space<vmem>>, vector<1x1x16xf32>,
        %swap3A_564 = vector.shape_cast %swap3A_563 : vector<1x1x16xf32> to vector<16xf32>
        %swap3A_565 = vector.shape_cast %mul3A_557 : vector<16xf32> to vector<1x1x16xf32>
        tpu.vector_store %arg10[%swap3A_560, %swap3A_561, %swap3A_562], %swap3A_565 {strides = array<i32>} : memref<2x4x128xf32, #tpu.memory_space<vmem>>, vector<1x1x16xf32>,
        %mul3A_566 = arith.constant 3.125000e-02 : f32
        %mul3A_567 = vector.broadcast %mul3A_566 : f32 to vector<16xf32>
        %mul3A_568 = arith.mulf %scan3A_498#6, %mul3A_567 : vector<16xf32>
        %swap3A_569 = arith.constant 0 : i32
        %swap3A_570 = arith.constant 3 : i32
        %swap3A_571 = arith.index_cast %swap3A_569 : i32 to index
        %swap3A_572 = arith.index_cast %swap3A_570 : i32 to index
        %swap3A_573 = arith.constant 96 : index
        %swap3A_574 = tpu.vector_load %arg10[%swap3A_571, %swap3A_572, %swap3A_573] {strides = array<i32>} : memref<2x4x128xf32, #tpu.memory_space<vmem>>, vector<1x1x16xf32>,
        %swap3A_575 = vector.shape_cast %swap3A_574 : vector<1x1x16xf32> to vector<16xf32>
        %swap3A_576 = vector.shape_cast %mul3A_568 : vector<16xf32> to vector<1x1x16xf32>
        tpu.vector_store %arg10[%swap3A_571, %swap3A_572, %swap3A_573], %swap3A_576 {strides = array<i32>} : memref<2x4x128xf32, #tpu.memory_space<vmem>>, vector<1x1x16xf32>,
        %mul3A_577 = arith.constant 3.125000e-02 : f32
        %mul3A_578 = vector.broadcast %mul3A_577 : f32 to vector<16xf32>
        %mul3A_579 = arith.mulf %scan3A_498#7, %mul3A_578 : vector<16xf32>
        %swap3A_580 = arith.constant 0 : i32
        %swap3A_581 = arith.constant 3 : i32
        %swap3A_582 = arith.index_cast %swap3A_580 : i32 to index
        %swap3A_583 = arith.index_cast %swap3A_581 : i32 to index
        %swap3A_584 = arith.constant 112 : index
        %swap3A_585 = tpu.vector_load %arg10[%swap3A_582, %swap3A_583, %swap3A_584] {strides = array<i32>} : memref<2x4x128xf32, #tpu.memory_space<vmem>>, vector<1x1x16xf32>,
        %swap3A_586 = vector.shape_cast %swap3A_585 : vector<1x1x16xf32> to vector<16xf32>
        %swap3A_587 = vector.shape_cast %mul3A_579 : vector<16xf32> to vector<1x1x16xf32>
        tpu.vector_store %arg10[%swap3A_582, %swap3A_583, %swap3A_584], %swap3A_587 {strides = array<i32>} : memref<2x4x128xf32, #tpu.memory_space<vmem>>, vector<1x1x16xf32>,
        %add3A_588 = arith.addi %add3A_6, %add3A_79 : i32
        %mul3A_589 = arith.constant 4 : i32
        %mul3A_590 = arith.muli %add3A_588, %mul3A_589 : i32
        %dma_start3A_591 = arith.constant 0 : i32
        %dma_start3A_592 = arith.constant 0 : i32
        %dma_start3A_593 = arith.constant 0 : i32
        %dma_start3A_594 = tpu.memref_slice %arg10[%dma_start3A_591, %dma_start3A_592, %dma_start3A_593] : memref<2x4x128xf32, #tpu.memory_space<vmem>> -> memref<1x4x128xf32, #tpu.memory_space<vmem>>
        %dma_start3A_595 = tpu.memref_squeeze %dma_start3A_594 : memref<1x4x128xf32, #tpu.memory_space<vmem>> -> memref<4x128xf32, #tpu.memory_space<vmem>>
        %dma_start3A_596 = arith.constant 0 : i32
        %dma_start3A_597 = tpu.memref_slice %arg4[%mul3A_590, %dma_start3A_596] : memref<10000x128xf32, #tpu.memory_space<hbm>> -> memref<4x128xf32, #tpu.memory_space<hbm>>
        %dma_start3A_598 = arith.constant 0 : i32
        %dma_start3A_599 = tpu.memref_slice %arg4[%mul3A_590, %dma_start3A_598] : memref<10000x128xf32, #tpu.memory_space<hbm>> -> memref<4x128xf32, #tpu.memory_space<hbm>>
        %dma_start3A_600 = arith.constant 0 : i32
        %dma_start3A_601 = arith.constant 0 : i32
        %dma_start3A_602 = tpu.memref_slice %arg10[%dma_start3A_591, %dma_start3A_600, %dma_start3A_601] : memref<2x4x128xf32, #tpu.memory_space<vmem>> -> memref<1x4x128xf32, #tpu.memory_space<vmem>>
        %dma_start3A_603 = tpu.memref_squeeze %dma_start3A_602 : memref<1x4x128xf32, #tpu.memory_space<vmem>> -> memref<4x128xf32, #tpu.memory_space<vmem>>
        tpu.enqueue_dma source(%dma_start3A_603 : memref<4x128xf32, #tpu.memory_space<vmem>>) target(%dma_start3A_599 : memref<4x128xf32, #tpu.memory_space<hbm>>) target_semaphore(%arg15 : memref<!tpu.dma_semaphore, #tpu.memory_space<semaphore_mem>>)
      } else {
      }
      %mul3A_92 = arith.constant 4 : i32
      %mul3A_93 = arith.muli %scan3A_75, %mul3A_92 : i32
      %add3A_94 = arith.constant 1 : i32
      %add3A_95 = arith.addi %mul3A_93, %add3A_94 : i32
      %add3A_96 = arith.constant 4 : i32
      %add3A_97 = arith.addi %add3A_95, %add3A_96 : i32
      %sub3A_98 = arith.constant 1 : i32
      %sub3A_99 = arith.subi %add3A_97, %sub3A_98 : i32
      %lt3A_100 = arith.cmpi slt, %sub3A_99, %select_n3A : i32
      %convert_element_type3A_101 = arith.extui %lt3A_100 : i1 to i32
      %cond3A_102 = arith.constant 0 : i32
      %cond3A_103 = arith.cmpi ne, %convert_element_type3A_101, %cond3A_102 : i32
      scf.if %cond3A_103 {
        %add3A_140 = arith.constant 4 : i32
        %add3A_141 = arith.addi %add3A_95, %add3A_140 : i32
        %sub3A_142 = arith.constant 1 : i32
        %sub3A_143 = arith.subi %add3A_141, %sub3A_142 : i32
        %mul3A_144 = arith.constant 128 : i32
        %mul3A_145 = arith.muli %sub3A_143, %mul3A_144 : i32
        %dma_start3A_146 = tpu.memref_slice %arg5[%mul3A_145] : memref<10240xi32, #tpu.memory_space<vmem>> -> memref<128xi32, #tpu.memory_space<vmem>>
        %dma_start3A_147 = arith.constant 0 : i32
        %dma_start3A_148 = arith.constant 0 : i32
        %dma_start3A_149 = tpu.memref_slice %arg3[%dma_start3A_147, %dma_start3A_148] : memref<100000x128xf32, #tpu.memory_space<hbm>> -> memref<100000x128xf32, #tpu.memory_space<hbm>>
        tpu.enqueue_indirect_dma source(%dma_start3A_149 : memref<100000x128xf32, #tpu.memory_space<hbm>>) target(%arg6 : memref<128x128xf32, #tpu.memory_space<vmem>>) offsets(%dma_start3A_146 : memref<128xi32, #tpu.memory_space<vmem>>) semaphore(%arg11 : memref<!tpu.dma_semaphore, #tpu.memory_space<semaphore_mem>>)
      } else {
      }
      %lt3A_104 = arith.cmpi slt, %add3A_95, %select_n3A : i32
      %convert_element_type3A_105 = arith.extui %lt3A_104 : i1 to i32
      %cond3A_106 = arith.constant 0 : i32
      %cond3A_107 = arith.cmpi ne, %convert_element_type3A_105, %cond3A_106 : i32
      scf.if %cond3A_107 {
        %mul3A_140 = arith.constant 128 : i32
        %mul3A_141 = arith.muli %add3A_95, %mul3A_140 : i32
        %dma_wait3A_142 = tpu.memref_slice %arg5[%mul3A_141] : memref<10240xi32, #tpu.memory_space<vmem>> -> memref<128xi32, #tpu.memory_space<vmem>>
        %dma_wait3A_143 = arith.constant 0 : i32
        %dma_wait3A_144 = arith.constant 0 : i32
        %dma_wait3A_145 = tpu.memref_slice %arg3[%dma_wait3A_143, %dma_wait3A_144] : memref<100000x128xf32, #tpu.memory_space<hbm>> -> memref<100000x128xf32, #tpu.memory_space<hbm>>
        tpu.wait_indirect_dma semaphore(%arg12 : memref<!tpu.dma_semaphore, #tpu.memory_space<semaphore_mem>>) src(%dma_wait3A_145 : memref<100000x128xf32, #tpu.memory_space<hbm>>) dst(%arg7 : memref<128x128xf32, #tpu.memory_space<vmem>>)
        %ge3A = arith.constant 2 : i32
        %ge3A_146 = arith.cmpi sge, %add3A_95, %ge3A : i32
        %convert_element_type3A_147 = arith.extui %ge3A_146 : i1 to i32
        %cond3A_148 = arith.constant 0 : i32
        %cond3A_149 = arith.cmpi ne, %convert_element_type3A_147, %cond3A_148 : i32
        scf.if %cond3A_149 {
          %add3A_604 = arith.addi %add3A_6, %add3A_95 : i32
          %sub3A_605 = arith.constant 2 : i32
          %sub3A_606 = arith.subi %add3A_604, %sub3A_605 : i32
          %mul3A_607 = arith.constant 4 : i32
          %mul3A_608 = arith.muli %sub3A_606, %mul3A_607 : i32
          %dma_wait3A_609 = arith.constant 1 : i32
          %dma_wait3A_610 = arith.constant 0 : i32
          %dma_wait3A_611 = arith.constant 0 : i32
          %dma_wait3A_612 = tpu.memref_slice %arg10[%dma_wait3A_609, %dma_wait3A_610, %dma_wait3A_611] : memref<2x4x128xf32, #tpu.memory_space<vmem>> -> memref<1x4x128xf32, #tpu.memory_space<vmem>>
          %dma_wait3A_613 = tpu.memref_squeeze %dma_wait3A_612 : memref<1x4x128xf32, #tpu.memory_space<vmem>> -> memref<4x128xf32, #tpu.memory_space<vmem>>
          %dma_wait3A_614 = arith.constant 0 : i32
          %dma_wait3A_615 = tpu.memref_slice %arg4[%mul3A_608, %dma_wait3A_614] : memref<10000x128xf32, #tpu.memory_space<hbm>> -> memref<4x128xf32, #tpu.memory_space<hbm>>
          %dma_wait3A_616 = arith.constant 0 : i32
          %dma_wait3A_617 = tpu.memref_slice %arg4[%mul3A_608, %dma_wait3A_616] : memref<10000x128xf32, #tpu.memory_space<hbm>> -> memref<4x128xf32, #tpu.memory_space<hbm>>
          %dma_wait3A_618 = arith.constant 0 : i32
          %dma_wait3A_619 = arith.constant 0 : i32
          %dma_wait3A_620 = tpu.memref_slice %arg10[%dma_wait3A_609, %dma_wait3A_618, %dma_wait3A_619] : memref<2x4x128xf32, #tpu.memory_space<vmem>> -> memref<1x4x128xf32, #tpu.memory_space<vmem>>
          %dma_wait3A_621 = tpu.memref_squeeze %dma_wait3A_620 : memref<1x4x128xf32, #tpu.memory_space<vmem>> -> memref<4x128xf32, #tpu.memory_space<vmem>>
          tpu.wait_dma2 semaphore(%arg16 : memref<!tpu.dma_semaphore, #tpu.memory_space<semaphore_mem>>) src(%dma_wait3A_621 : memref<4x128xf32, #tpu.memory_space<vmem>>) dst(%dma_wait3A_617 : memref<4x128xf32, #tpu.memory_space<hbm>>)
        } else {
        }
        %broadcast_in_dim3A = arith.constant 0.000000e+00 : f32
        %broadcast_in_dim3A_150 = vector.broadcast %broadcast_in_dim3A : f32 to vector<16xf32>
        %broadcast_in_dim3A_151 = arith.constant 0.000000e+00 : f32
        %broadcast_in_dim3A_152 = vector.broadcast %broadcast_in_dim3A_151 : f32 to vector<16xf32>
        %broadcast_in_dim3A_153 = arith.constant 0.000000e+00 : f32
        %broadcast_in_dim3A_154 = vector.broadcast %broadcast_in_dim3A_153 : f32 to vector<16xf32>
        %broadcast_in_dim3A_155 = arith.constant 0.000000e+00 : f32
        %broadcast_in_dim3A_156 = vector.broadcast %broadcast_in_dim3A_155 : f32 to vector<16xf32>
        %broadcast_in_dim3A_157 = arith.constant 0.000000e+00 : f32
        %broadcast_in_dim3A_158 = vector.broadcast %broadcast_in_dim3A_157 : f32 to vector<16xf32>
        %broadcast_in_dim3A_159 = arith.constant 0.000000e+00 : f32
        %broadcast_in_dim3A_160 = vector.broadcast %broadcast_in_dim3A_159 : f32 to vector<16xf32>
        %broadcast_in_dim3A_161 = arith.constant 0.000000e+00 : f32
        %broadcast_in_dim3A_162 = vector.broadcast %broadcast_in_dim3A_161 : f32 to vector<16xf32>
        %broadcast_in_dim3A_163 = arith.constant 0.000000e+00 : f32
        %broadcast_in_dim3A_164 = vector.broadcast %broadcast_in_dim3A_163 : f32 to vector<16xf32>
        %scan3A_165 = arith.constant 0 : i32
        %scan3A_166 = arith.constant 32 : i32
        %scan3A_167 = arith.addi %scan3A_165, %scan3A_166 : i32
        %scan3A_168 = arith.constant 1 : i32
        %scan3A_169:8 = scf.for %scan3A_604 = %scan3A_165 to %scan3A_167 step %scan3A_168 iter_args(%scan3A_605 = %broadcast_in_dim3A_150, %scan3A_606 = %broadcast_in_dim3A_152, %scan3A_607 = %broadcast_in_dim3A_154, %scan3A_608 = %broadcast_in_dim3A_156, %scan3A_609 = %broadcast_in_dim3A_158, %scan3A_610 = %broadcast_in_dim3A_160, %scan3A_611 = %broadcast_in_dim3A_162, %scan3A_612 = %broadcast_in_dim3A_164) -> (vector<16xf32>, vector<16xf32>, vector<16xf32>, vector<16xf32>, vector<16xf32>, vector<16xf32>, vector<16xf32>, vector<16xf32>)  : i32 {
          %add3A_613 = arith.constant 0 : i32
          %add3A_614 = arith.addi %add3A_613, %scan3A_604 : i32
          %get3A = arith.index_cast %add3A_614 : i32 to index
          %get3A_615 = arith.constant 0 : index
          %get3A_616 = tpu.vector_load %arg7[%get3A, %get3A_615] {strides = array<i32>} : memref<128x128xf32, #tpu.memory_space<vmem>>, vector<1x16xf32>,
          %get3A_617 = vector.shape_cast %get3A_616 : vector<1x16xf32> to vector<16xf32>
          %add3A_618 = arith.addf %scan3A_605, %get3A_617 : vector<16xf32>
          %add3A_619 = arith.constant 0 : i32
          %add3A_620 = arith.addi %add3A_619, %scan3A_604 : i32
          %get3A_621 = arith.index_cast %add3A_620 : i32 to index
          %get3A_622 = arith.constant 16 : index
          %get3A_623 = tpu.vector_load %arg7[%get3A_621, %get3A_622] {strides = array<i32>} : memref<128x128xf32, #tpu.memory_space<vmem>>, vector<1x16xf32>,
          %get3A_624 = vector.shape_cast %get3A_623 : vector<1x16xf32> to vector<16xf32>
          %add3A_625 = arith.addf %scan3A_606, %get3A_624 : vector<16xf32>
          %add3A_626 = arith.constant 0 : i32
          %add3A_627 = arith.addi %add3A_626, %scan3A_604 : i32
          %get3A_628 = arith.index_cast %add3A_627 : i32 to index
          %get3A_629 = arith.constant 32 : index
          %get3A_630 = tpu.vector_load %arg7[%get3A_628, %get3A_629] {strides = array<i32>} : memref<128x128xf32, #tpu.memory_space<vmem>>, vector<1x16xf32>,
          %get3A_631 = vector.shape_cast %get3A_630 : vector<1x16xf32> to vector<16xf32>
          %add3A_632 = arith.addf %scan3A_607, %get3A_631 : vector<16xf32>
          %add3A_633 = arith.constant 0 : i32
          %add3A_634 = arith.addi %add3A_633, %scan3A_604 : i32
          %get3A_635 = arith.index_cast %add3A_634 : i32 to index
          %get3A_636 = arith.constant 48 : index
          %get3A_637 = tpu.vector_load %arg7[%get3A_635, %get3A_636] {strides = array<i32>} : memref<128x128xf32, #tpu.memory_space<vmem>>, vector<1x16xf32>,
          %get3A_638 = vector.shape_cast %get3A_637 : vector<1x16xf32> to vector<16xf32>
          %add3A_639 = arith.addf %scan3A_608, %get3A_638 : vector<16xf32>
          %add3A_640 = arith.constant 0 : i32
          %add3A_641 = arith.addi %add3A_640, %scan3A_604 : i32
          %get3A_642 = arith.index_cast %add3A_641 : i32 to index
          %get3A_643 = arith.constant 64 : index
          %get3A_644 = tpu.vector_load %arg7[%get3A_642, %get3A_643] {strides = array<i32>} : memref<128x128xf32, #tpu.memory_space<vmem>>, vector<1x16xf32>,
          %get3A_645 = vector.shape_cast %get3A_644 : vector<1x16xf32> to vector<16xf32>
          %add3A_646 = arith.addf %scan3A_609, %get3A_645 : vector<16xf32>
          %add3A_647 = arith.constant 0 : i32
          %add3A_648 = arith.addi %add3A_647, %scan3A_604 : i32
          %get3A_649 = arith.index_cast %add3A_648 : i32 to index
          %get3A_650 = arith.constant 80 : index
          %get3A_651 = tpu.vector_load %arg7[%get3A_649, %get3A_650] {strides = array<i32>} : memref<128x128xf32, #tpu.memory_space<vmem>>, vector<1x16xf32>,
          %get3A_652 = vector.shape_cast %get3A_651 : vector<1x16xf32> to vector<16xf32>
          %add3A_653 = arith.addf %scan3A_610, %get3A_652 : vector<16xf32>
          %add3A_654 = arith.constant 0 : i32
          %add3A_655 = arith.addi %add3A_654, %scan3A_604 : i32
          %get3A_656 = arith.index_cast %add3A_655 : i32 to index
          %get3A_657 = arith.constant 96 : index
          %get3A_658 = tpu.vector_load %arg7[%get3A_656, %get3A_657] {strides = array<i32>} : memref<128x128xf32, #tpu.memory_space<vmem>>, vector<1x16xf32>,
          %get3A_659 = vector.shape_cast %get3A_658 : vector<1x16xf32> to vector<16xf32>
          %add3A_660 = arith.addf %scan3A_611, %get3A_659 : vector<16xf32>
          %add3A_661 = arith.constant 0 : i32
          %add3A_662 = arith.addi %add3A_661, %scan3A_604 : i32
          %get3A_663 = arith.index_cast %add3A_662 : i32 to index
          %get3A_664 = arith.constant 112 : index
          %get3A_665 = tpu.vector_load %arg7[%get3A_663, %get3A_664] {strides = array<i32>} : memref<128x128xf32, #tpu.memory_space<vmem>>, vector<1x16xf32>,
          %get3A_666 = vector.shape_cast %get3A_665 : vector<1x16xf32> to vector<16xf32>
          %add3A_667 = arith.addf %scan3A_612, %get3A_666 : vector<16xf32>
          scf.yield %add3A_618, %add3A_625, %add3A_632, %add3A_639, %add3A_646, %add3A_653, %add3A_660, %add3A_667 : vector<16xf32>, vector<16xf32>, vector<16xf32>, vector<16xf32>, vector<16xf32>, vector<16xf32>, vector<16xf32>, vector<16xf32>
        }
        %scan3A_170 = arith.constant 32 : i32
        %mul3A_171 = arith.constant 3.125000e-02 : f32
        %mul3A_172 = vector.broadcast %mul3A_171 : f32 to vector<16xf32>
        %mul3A_173 = arith.mulf %scan3A_169#0, %mul3A_172 : vector<16xf32>
        %swap3A = arith.constant 1 : i32
        %swap3A_174 = arith.constant 0 : i32
        %swap3A_175 = arith.index_cast %swap3A : i32 to index
        %swap3A_176 = arith.index_cast %swap3A_174 : i32 to index
        %swap3A_177 = arith.constant 0 : index
        %swap3A_178 = tpu.vector_load %arg10[%swap3A_175, %swap3A_176, %swap3A_177] {strides = array<i32>} : memref<2x4x128xf32, #tpu.memory_space<vmem>>, vector<1x1x16xf32>,
        %swap3A_179 = vector.shape_cast %swap3A_178 : vector<1x1x16xf32> to vector<16xf32>
        %swap3A_180 = vector.shape_cast %mul3A_173 : vector<16xf32> to vector<1x1x16xf32>
        tpu.vector_store %arg10[%swap3A_175, %swap3A_176, %swap3A_177], %swap3A_180 {strides = array<i32>} : memref<2x4x128xf32, #tpu.memory_space<vmem>>, vector<1x1x16xf32>,
        %mul3A_181 = arith.constant 3.125000e-02 : f32
        %mul3A_182 = vector.broadcast %mul3A_181 : f32 to vector<16xf32>
        %mul3A_183 = arith.mulf %scan3A_169#1, %mul3A_182 : vector<16xf32>
        %swap3A_184 = arith.constant 1 : i32
        %swap3A_185 = arith.constant 0 : i32
        %swap3A_186 = arith.index_cast %swap3A_184 : i32 to index
        %swap3A_187 = arith.index_cast %swap3A_185 : i32 to index
        %swap3A_188 = arith.constant 16 : index
        %swap3A_189 = tpu.vector_load %arg10[%swap3A_186, %swap3A_187, %swap3A_188] {strides = array<i32>} : memref<2x4x128xf32, #tpu.memory_space<vmem>>, vector<1x1x16xf32>,
        %swap3A_190 = vector.shape_cast %swap3A_189 : vector<1x1x16xf32> to vector<16xf32>
        %swap3A_191 = vector.shape_cast %mul3A_183 : vector<16xf32> to vector<1x1x16xf32>
        tpu.vector_store %arg10[%swap3A_186, %swap3A_187, %swap3A_188], %swap3A_191 {strides = array<i32>} : memref<2x4x128xf32, #tpu.memory_space<vmem>>, vector<1x1x16xf32>,
        %mul3A_192 = arith.constant 3.125000e-02 : f32
        %mul3A_193 = vector.broadcast %mul3A_192 : f32 to vector<16xf32>
        %mul3A_194 = arith.mulf %scan3A_169#2, %mul3A_193 : vector<16xf32>
        %swap3A_195 = arith.constant 1 : i32
        %swap3A_196 = arith.constant 0 : i32
        %swap3A_197 = arith.index_cast %swap3A_195 : i32 to index
        %swap3A_198 = arith.index_cast %swap3A_196 : i32 to index
        %swap3A_199 = arith.constant 32 : index
        %swap3A_200 = tpu.vector_load %arg10[%swap3A_197, %swap3A_198, %swap3A_199] {strides = array<i32>} : memref<2x4x128xf32, #tpu.memory_space<vmem>>, vector<1x1x16xf32>,
        %swap3A_201 = vector.shape_cast %swap3A_200 : vector<1x1x16xf32> to vector<16xf32>
        %swap3A_202 = vector.shape_cast %mul3A_194 : vector<16xf32> to vector<1x1x16xf32>
        tpu.vector_store %arg10[%swap3A_197, %swap3A_198, %swap3A_199], %swap3A_202 {strides = array<i32>} : memref<2x4x128xf32, #tpu.memory_space<vmem>>, vector<1x1x16xf32>,
        %mul3A_203 = arith.constant 3.125000e-02 : f32
        %mul3A_204 = vector.broadcast %mul3A_203 : f32 to vector<16xf32>
        %mul3A_205 = arith.mulf %scan3A_169#3, %mul3A_204 : vector<16xf32>
        %swap3A_206 = arith.constant 1 : i32
        %swap3A_207 = arith.constant 0 : i32
        %swap3A_208 = arith.index_cast %swap3A_206 : i32 to index
        %swap3A_209 = arith.index_cast %swap3A_207 : i32 to index
        %swap3A_210 = arith.constant 48 : index
        %swap3A_211 = tpu.vector_load %arg10[%swap3A_208, %swap3A_209, %swap3A_210] {strides = array<i32>} : memref<2x4x128xf32, #tpu.memory_space<vmem>>, vector<1x1x16xf32>,
        %swap3A_212 = vector.shape_cast %swap3A_211 : vector<1x1x16xf32> to vector<16xf32>
        %swap3A_213 = vector.shape_cast %mul3A_205 : vector<16xf32> to vector<1x1x16xf32>
        tpu.vector_store %arg10[%swap3A_208, %swap3A_209, %swap3A_210], %swap3A_213 {strides = array<i32>} : memref<2x4x128xf32, #tpu.memory_space<vmem>>, vector<1x1x16xf32>,
        %mul3A_214 = arith.constant 3.125000e-02 : f32
        %mul3A_215 = vector.broadcast %mul3A_214 : f32 to vector<16xf32>
        %mul3A_216 = arith.mulf %scan3A_169#4, %mul3A_215 : vector<16xf32>
        %swap3A_217 = arith.constant 1 : i32
        %swap3A_218 = arith.constant 0 : i32
        %swap3A_219 = arith.index_cast %swap3A_217 : i32 to index
        %swap3A_220 = arith.index_cast %swap3A_218 : i32 to index
        %swap3A_221 = arith.constant 64 : index
        %swap3A_222 = tpu.vector_load %arg10[%swap3A_219, %swap3A_220, %swap3A_221] {strides = array<i32>} : memref<2x4x128xf32, #tpu.memory_space<vmem>>, vector<1x1x16xf32>,
        %swap3A_223 = vector.shape_cast %swap3A_222 : vector<1x1x16xf32> to vector<16xf32>
        %swap3A_224 = vector.shape_cast %mul3A_216 : vector<16xf32> to vector<1x1x16xf32>
        tpu.vector_store %arg10[%swap3A_219, %swap3A_220, %swap3A_221], %swap3A_224 {strides = array<i32>} : memref<2x4x128xf32, #tpu.memory_space<vmem>>, vector<1x1x16xf32>,
        %mul3A_225 = arith.constant 3.125000e-02 : f32
        %mul3A_226 = vector.broadcast %mul3A_225 : f32 to vector<16xf32>
        %mul3A_227 = arith.mulf %scan3A_169#5, %mul3A_226 : vector<16xf32>
        %swap3A_228 = arith.constant 1 : i32
        %swap3A_229 = arith.constant 0 : i32
        %swap3A_230 = arith.index_cast %swap3A_228 : i32 to index
        %swap3A_231 = arith.index_cast %swap3A_229 : i32 to index
        %swap3A_232 = arith.constant 80 : index
        %swap3A_233 = tpu.vector_load %arg10[%swap3A_230, %swap3A_231, %swap3A_232] {strides = array<i32>} : memref<2x4x128xf32, #tpu.memory_space<vmem>>, vector<1x1x16xf32>,
        %swap3A_234 = vector.shape_cast %swap3A_233 : vector<1x1x16xf32> to vector<16xf32>
        %swap3A_235 = vector.shape_cast %mul3A_227 : vector<16xf32> to vector<1x1x16xf32>
        tpu.vector_store %arg10[%swap3A_230, %swap3A_231, %swap3A_232], %swap3A_235 {strides = array<i32>} : memref<2x4x128xf32, #tpu.memory_space<vmem>>, vector<1x1x16xf32>,
        %mul3A_236 = arith.constant 3.125000e-02 : f32
        %mul3A_237 = vector.broadcast %mul3A_236 : f32 to vector<16xf32>
        %mul3A_238 = arith.mulf %scan3A_169#6, %mul3A_237 : vector<16xf32>
        %swap3A_239 = arith.constant 1 : i32
        %swap3A_240 = arith.constant 0 : i32
        %swap3A_241 = arith.index_cast %swap3A_239 : i32 to index
        %swap3A_242 = arith.index_cast %swap3A_240 : i32 to index
        %swap3A_243 = arith.constant 96 : index
        %swap3A_244 = tpu.vector_load %arg10[%swap3A_241, %swap3A_242, %swap3A_243] {strides = array<i32>} : memref<2x4x128xf32, #tpu.memory_space<vmem>>, vector<1x1x16xf32>,
        %swap3A_245 = vector.shape_cast %swap3A_244 : vector<1x1x16xf32> to vector<16xf32>
        %swap3A_246 = vector.shape_cast %mul3A_238 : vector<16xf32> to vector<1x1x16xf32>
        tpu.vector_store %arg10[%swap3A_241, %swap3A_242, %swap3A_243], %swap3A_246 {strides = array<i32>} : memref<2x4x128xf32, #tpu.memory_space<vmem>>, vector<1x1x16xf32>,
        %mul3A_247 = arith.constant 3.125000e-02 : f32
        %mul3A_248 = vector.broadcast %mul3A_247 : f32 to vector<16xf32>
        %mul3A_249 = arith.mulf %scan3A_169#7, %mul3A_248 : vector<16xf32>
        %swap3A_250 = arith.constant 1 : i32
        %swap3A_251 = arith.constant 0 : i32
        %swap3A_252 = arith.index_cast %swap3A_250 : i32 to index
        %swap3A_253 = arith.index_cast %swap3A_251 : i32 to index
        %swap3A_254 = arith.constant 112 : index
        %swap3A_255 = tpu.vector_load %arg10[%swap3A_252, %swap3A_253, %swap3A_254] {strides = array<i32>} : memref<2x4x128xf32, #tpu.memory_space<vmem>>, vector<1x1x16xf32>,
        %swap3A_256 = vector.shape_cast %swap3A_255 : vector<1x1x16xf32> to vector<16xf32>
        %swap3A_257 = vector.shape_cast %mul3A_249 : vector<16xf32> to vector<1x1x16xf32>
        tpu.vector_store %arg10[%swap3A_252, %swap3A_253, %swap3A_254], %swap3A_257 {strides = array<i32>} : memref<2x4x128xf32, #tpu.memory_space<vmem>>, vector<1x1x16xf32>,
        %broadcast_in_dim3A_258 = arith.constant 0.000000e+00 : f32
        %broadcast_in_dim3A_259 = vector.broadcast %broadcast_in_dim3A_258 : f32 to vector<16xf32>
        %broadcast_in_dim3A_260 = arith.constant 0.000000e+00 : f32
        %broadcast_in_dim3A_261 = vector.broadcast %broadcast_in_dim3A_260 : f32 to vector<16xf32>
        %broadcast_in_dim3A_262 = arith.constant 0.000000e+00 : f32
        %broadcast_in_dim3A_263 = vector.broadcast %broadcast_in_dim3A_262 : f32 to vector<16xf32>
        %broadcast_in_dim3A_264 = arith.constant 0.000000e+00 : f32
        %broadcast_in_dim3A_265 = vector.broadcast %broadcast_in_dim3A_264 : f32 to vector<16xf32>
        %broadcast_in_dim3A_266 = arith.constant 0.000000e+00 : f32
        %broadcast_in_dim3A_267 = vector.broadcast %broadcast_in_dim3A_266 : f32 to vector<16xf32>
        %broadcast_in_dim3A_268 = arith.constant 0.000000e+00 : f32
        %broadcast_in_dim3A_269 = vector.broadcast %broadcast_in_dim3A_268 : f32 to vector<16xf32>
        %broadcast_in_dim3A_270 = arith.constant 0.000000e+00 : f32
        %broadcast_in_dim3A_271 = vector.broadcast %broadcast_in_dim3A_270 : f32 to vector<16xf32>
        %broadcast_in_dim3A_272 = arith.constant 0.000000e+00 : f32
        %broadcast_in_dim3A_273 = vector.broadcast %broadcast_in_dim3A_272 : f32 to vector<16xf32>
        %scan3A_274 = arith.constant 0 : i32
        %scan3A_275 = arith.constant 32 : i32
        %scan3A_276 = arith.addi %scan3A_274, %scan3A_275 : i32
        %scan3A_277 = arith.constant 1 : i32
        %scan3A_278:8 = scf.for %scan3A_604 = %scan3A_274 to %scan3A_276 step %scan3A_277 iter_args(%scan3A_605 = %broadcast_in_dim3A_259, %scan3A_606 = %broadcast_in_dim3A_261, %scan3A_607 = %broadcast_in_dim3A_263, %scan3A_608 = %broadcast_in_dim3A_265, %scan3A_609 = %broadcast_in_dim3A_267, %scan3A_610 = %broadcast_in_dim3A_269, %scan3A_611 = %broadcast_in_dim3A_271, %scan3A_612 = %broadcast_in_dim3A_273) -> (vector<16xf32>, vector<16xf32>, vector<16xf32>, vector<16xf32>, vector<16xf32>, vector<16xf32>, vector<16xf32>, vector<16xf32>)  : i32 {
          %add3A_613 = arith.constant 32 : i32
          %add3A_614 = arith.addi %add3A_613, %scan3A_604 : i32
          %get3A = arith.index_cast %add3A_614 : i32 to index
          %get3A_615 = arith.constant 0 : index
          %get3A_616 = tpu.vector_load %arg7[%get3A, %get3A_615] {strides = array<i32>} : memref<128x128xf32, #tpu.memory_space<vmem>>, vector<1x16xf32>,
          %get3A_617 = vector.shape_cast %get3A_616 : vector<1x16xf32> to vector<16xf32>
          %add3A_618 = arith.addf %scan3A_605, %get3A_617 : vector<16xf32>
          %add3A_619 = arith.constant 32 : i32
          %add3A_620 = arith.addi %add3A_619, %scan3A_604 : i32
          %get3A_621 = arith.index_cast %add3A_620 : i32 to index
          %get3A_622 = arith.constant 16 : index
          %get3A_623 = tpu.vector_load %arg7[%get3A_621, %get3A_622] {strides = array<i32>} : memref<128x128xf32, #tpu.memory_space<vmem>>, vector<1x16xf32>,
          %get3A_624 = vector.shape_cast %get3A_623 : vector<1x16xf32> to vector<16xf32>
          %add3A_625 = arith.addf %scan3A_606, %get3A_624 : vector<16xf32>
          %add3A_626 = arith.constant 32 : i32
          %add3A_627 = arith.addi %add3A_626, %scan3A_604 : i32
          %get3A_628 = arith.index_cast %add3A_627 : i32 to index
          %get3A_629 = arith.constant 32 : index
          %get3A_630 = tpu.vector_load %arg7[%get3A_628, %get3A_629] {strides = array<i32>} : memref<128x128xf32, #tpu.memory_space<vmem>>, vector<1x16xf32>,
          %get3A_631 = vector.shape_cast %get3A_630 : vector<1x16xf32> to vector<16xf32>
          %add3A_632 = arith.addf %scan3A_607, %get3A_631 : vector<16xf32>
          %add3A_633 = arith.constant 32 : i32
          %add3A_634 = arith.addi %add3A_633, %scan3A_604 : i32
          %get3A_635 = arith.index_cast %add3A_634 : i32 to index
          %get3A_636 = arith.constant 48 : index
          %get3A_637 = tpu.vector_load %arg7[%get3A_635, %get3A_636] {strides = array<i32>} : memref<128x128xf32, #tpu.memory_space<vmem>>, vector<1x16xf32>,
          %get3A_638 = vector.shape_cast %get3A_637 : vector<1x16xf32> to vector<16xf32>
          %add3A_639 = arith.addf %scan3A_608, %get3A_638 : vector<16xf32>
          %add3A_640 = arith.constant 32 : i32
          %add3A_641 = arith.addi %add3A_640, %scan3A_604 : i32
          %get3A_642 = arith.index_cast %add3A_641 : i32 to index
          %get3A_643 = arith.constant 64 : index
          %get3A_644 = tpu.vector_load %arg7[%get3A_642, %get3A_643] {strides = array<i32>} : memref<128x128xf32, #tpu.memory_space<vmem>>, vector<1x16xf32>,
          %get3A_645 = vector.shape_cast %get3A_644 : vector<1x16xf32> to vector<16xf32>
          %add3A_646 = arith.addf %scan3A_609, %get3A_645 : vector<16xf32>
          %add3A_647 = arith.constant 32 : i32
          %add3A_648 = arith.addi %add3A_647, %scan3A_604 : i32
          %get3A_649 = arith.index_cast %add3A_648 : i32 to index
          %get3A_650 = arith.constant 80 : index
          %get3A_651 = tpu.vector_load %arg7[%get3A_649, %get3A_650] {strides = array<i32>} : memref<128x128xf32, #tpu.memory_space<vmem>>, vector<1x16xf32>,
          %get3A_652 = vector.shape_cast %get3A_651 : vector<1x16xf32> to vector<16xf32>
          %add3A_653 = arith.addf %scan3A_610, %get3A_652 : vector<16xf32>
          %add3A_654 = arith.constant 32 : i32
          %add3A_655 = arith.addi %add3A_654, %scan3A_604 : i32
          %get3A_656 = arith.index_cast %add3A_655 : i32 to index
          %get3A_657 = arith.constant 96 : index
          %get3A_658 = tpu.vector_load %arg7[%get3A_656, %get3A_657] {strides = array<i32>} : memref<128x128xf32, #tpu.memory_space<vmem>>, vector<1x16xf32>,
          %get3A_659 = vector.shape_cast %get3A_658 : vector<1x16xf32> to vector<16xf32>
          %add3A_660 = arith.addf %scan3A_611, %get3A_659 : vector<16xf32>
          %add3A_661 = arith.constant 32 : i32
          %add3A_662 = arith.addi %add3A_661, %scan3A_604 : i32
          %get3A_663 = arith.index_cast %add3A_662 : i32 to index
          %get3A_664 = arith.constant 112 : index
          %get3A_665 = tpu.vector_load %arg7[%get3A_663, %get3A_664] {strides = array<i32>} : memref<128x128xf32, #tpu.memory_space<vmem>>, vector<1x16xf32>,
          %get3A_666 = vector.shape_cast %get3A_665 : vector<1x16xf32> to vector<16xf32>
          %add3A_667 = arith.addf %scan3A_612, %get3A_666 : vector<16xf32>
          scf.yield %add3A_618, %add3A_625, %add3A_632, %add3A_639, %add3A_646, %add3A_653, %add3A_660, %add3A_667 : vector<16xf32>, vector<16xf32>, vector<16xf32>, vector<16xf32>, vector<16xf32>, vector<16xf32>, vector<16xf32>, vector<16xf32>
        }
        %scan3A_279 = arith.constant 32 : i32
        %mul3A_280 = arith.constant 3.125000e-02 : f32
        %mul3A_281 = vector.broadcast %mul3A_280 : f32 to vector<16xf32>
        %mul3A_282 = arith.mulf %scan3A_278#0, %mul3A_281 : vector<16xf32>
        %swap3A_283 = arith.constant 1 : i32
        %swap3A_284 = arith.constant 1 : i32
        %swap3A_285 = arith.index_cast %swap3A_283 : i32 to index
        %swap3A_286 = arith.index_cast %swap3A_284 : i32 to index
        %swap3A_287 = arith.constant 0 : index
        %swap3A_288 = tpu.vector_load %arg10[%swap3A_285, %swap3A_286, %swap3A_287] {strides = array<i32>} : memref<2x4x128xf32, #tpu.memory_space<vmem>>, vector<1x1x16xf32>,
        %swap3A_289 = vector.shape_cast %swap3A_288 : vector<1x1x16xf32> to vector<16xf32>
        %swap3A_290 = vector.shape_cast %mul3A_282 : vector<16xf32> to vector<1x1x16xf32>
        tpu.vector_store %arg10[%swap3A_285, %swap3A_286, %swap3A_287], %swap3A_290 {strides = array<i32>} : memref<2x4x128xf32, #tpu.memory_space<vmem>>, vector<1x1x16xf32>,
        %mul3A_291 = arith.constant 3.125000e-02 : f32
        %mul3A_292 = vector.broadcast %mul3A_291 : f32 to vector<16xf32>
        %mul3A_293 = arith.mulf %scan3A_278#1, %mul3A_292 : vector<16xf32>
        %swap3A_294 = arith.constant 1 : i32
        %swap3A_295 = arith.constant 1 : i32
        %swap3A_296 = arith.index_cast %swap3A_294 : i32 to index
        %swap3A_297 = arith.index_cast %swap3A_295 : i32 to index
        %swap3A_298 = arith.constant 16 : index
        %swap3A_299 = tpu.vector_load %arg10[%swap3A_296, %swap3A_297, %swap3A_298] {strides = array<i32>} : memref<2x4x128xf32, #tpu.memory_space<vmem>>, vector<1x1x16xf32>,
        %swap3A_300 = vector.shape_cast %swap3A_299 : vector<1x1x16xf32> to vector<16xf32>
        %swap3A_301 = vector.shape_cast %mul3A_293 : vector<16xf32> to vector<1x1x16xf32>
        tpu.vector_store %arg10[%swap3A_296, %swap3A_297, %swap3A_298], %swap3A_301 {strides = array<i32>} : memref<2x4x128xf32, #tpu.memory_space<vmem>>, vector<1x1x16xf32>,
        %mul3A_302 = arith.constant 3.125000e-02 : f32
        %mul3A_303 = vector.broadcast %mul3A_302 : f32 to vector<16xf32>
        %mul3A_304 = arith.mulf %scan3A_278#2, %mul3A_303 : vector<16xf32>
        %swap3A_305 = arith.constant 1 : i32
        %swap3A_306 = arith.constant 1 : i32
        %swap3A_307 = arith.index_cast %swap3A_305 : i32 to index
        %swap3A_308 = arith.index_cast %swap3A_306 : i32 to index
        %swap3A_309 = arith.constant 32 : index
        %swap3A_310 = tpu.vector_load %arg10[%swap3A_307, %swap3A_308, %swap3A_309] {strides = array<i32>} : memref<2x4x128xf32, #tpu.memory_space<vmem>>, vector<1x1x16xf32>,
        %swap3A_311 = vector.shape_cast %swap3A_310 : vector<1x1x16xf32> to vector<16xf32>
        %swap3A_312 = vector.shape_cast %mul3A_304 : vector<16xf32> to vector<1x1x16xf32>
        tpu.vector_store %arg10[%swap3A_307, %swap3A_308, %swap3A_309], %swap3A_312 {strides = array<i32>} : memref<2x4x128xf32, #tpu.memory_space<vmem>>, vector<1x1x16xf32>,
        %mul3A_313 = arith.constant 3.125000e-02 : f32
        %mul3A_314 = vector.broadcast %mul3A_313 : f32 to vector<16xf32>
        %mul3A_315 = arith.mulf %scan3A_278#3, %mul3A_314 : vector<16xf32>
        %swap3A_316 = arith.constant 1 : i32
        %swap3A_317 = arith.constant 1 : i32
        %swap3A_318 = arith.index_cast %swap3A_316 : i32 to index
        %swap3A_319 = arith.index_cast %swap3A_317 : i32 to index
        %swap3A_320 = arith.constant 48 : index
        %swap3A_321 = tpu.vector_load %arg10[%swap3A_318, %swap3A_319, %swap3A_320] {strides = array<i32>} : memref<2x4x128xf32, #tpu.memory_space<vmem>>, vector<1x1x16xf32>,
        %swap3A_322 = vector.shape_cast %swap3A_321 : vector<1x1x16xf32> to vector<16xf32>
        %swap3A_323 = vector.shape_cast %mul3A_315 : vector<16xf32> to vector<1x1x16xf32>
        tpu.vector_store %arg10[%swap3A_318, %swap3A_319, %swap3A_320], %swap3A_323 {strides = array<i32>} : memref<2x4x128xf32, #tpu.memory_space<vmem>>, vector<1x1x16xf32>,
        %mul3A_324 = arith.constant 3.125000e-02 : f32
        %mul3A_325 = vector.broadcast %mul3A_324 : f32 to vector<16xf32>
        %mul3A_326 = arith.mulf %scan3A_278#4, %mul3A_325 : vector<16xf32>
        %swap3A_327 = arith.constant 1 : i32
        %swap3A_328 = arith.constant 1 : i32
        %swap3A_329 = arith.index_cast %swap3A_327 : i32 to index
        %swap3A_330 = arith.index_cast %swap3A_328 : i32 to index
        %swap3A_331 = arith.constant 64 : index
        %swap3A_332 = tpu.vector_load %arg10[%swap3A_329, %swap3A_330, %swap3A_331] {strides = array<i32>} : memref<2x4x128xf32, #tpu.memory_space<vmem>>, vector<1x1x16xf32>,
        %swap3A_333 = vector.shape_cast %swap3A_332 : vector<1x1x16xf32> to vector<16xf32>
        %swap3A_334 = vector.shape_cast %mul3A_326 : vector<16xf32> to vector<1x1x16xf32>
        tpu.vector_store %arg10[%swap3A_329, %swap3A_330, %swap3A_331], %swap3A_334 {strides = array<i32>} : memref<2x4x128xf32, #tpu.memory_space<vmem>>, vector<1x1x16xf32>,
        %mul3A_335 = arith.constant 3.125000e-02 : f32
        %mul3A_336 = vector.broadcast %mul3A_335 : f32 to vector<16xf32>
        %mul3A_337 = arith.mulf %scan3A_278#5, %mul3A_336 : vector<16xf32>
        %swap3A_338 = arith.constant 1 : i32
        %swap3A_339 = arith.constant 1 : i32
        %swap3A_340 = arith.index_cast %swap3A_338 : i32 to index
        %swap3A_341 = arith.index_cast %swap3A_339 : i32 to index
        %swap3A_342 = arith.constant 80 : index
        %swap3A_343 = tpu.vector_load %arg10[%swap3A_340, %swap3A_341, %swap3A_342] {strides = array<i32>} : memref<2x4x128xf32, #tpu.memory_space<vmem>>, vector<1x1x16xf32>,
        %swap3A_344 = vector.shape_cast %swap3A_343 : vector<1x1x16xf32> to vector<16xf32>
        %swap3A_345 = vector.shape_cast %mul3A_337 : vector<16xf32> to vector<1x1x16xf32>
        tpu.vector_store %arg10[%swap3A_340, %swap3A_341, %swap3A_342], %swap3A_345 {strides = array<i32>} : memref<2x4x128xf32, #tpu.memory_space<vmem>>, vector<1x1x16xf32>,
        %mul3A_346 = arith.constant 3.125000e-02 : f32
        %mul3A_347 = vector.broadcast %mul3A_346 : f32 to vector<16xf32>
        %mul3A_348 = arith.mulf %scan3A_278#6, %mul3A_347 : vector<16xf32>
        %swap3A_349 = arith.constant 1 : i32
        %swap3A_350 = arith.constant 1 : i32
        %swap3A_351 = arith.index_cast %swap3A_349 : i32 to index
        %swap3A_352 = arith.index_cast %swap3A_350 : i32 to index
        %swap3A_353 = arith.constant 96 : index
        %swap3A_354 = tpu.vector_load %arg10[%swap3A_351, %swap3A_352, %swap3A_353] {strides = array<i32>} : memref<2x4x128xf32, #tpu.memory_space<vmem>>, vector<1x1x16xf32>,
        %swap3A_355 = vector.shape_cast %swap3A_354 : vector<1x1x16xf32> to vector<16xf32>
        %swap3A_356 = vector.shape_cast %mul3A_348 : vector<16xf32> to vector<1x1x16xf32>
        tpu.vector_store %arg10[%swap3A_351, %swap3A_352, %swap3A_353], %swap3A_356 {strides = array<i32>} : memref<2x4x128xf32, #tpu.memory_space<vmem>>, vector<1x1x16xf32>,
        %mul3A_357 = arith.constant 3.125000e-02 : f32
        %mul3A_358 = vector.broadcast %mul3A_357 : f32 to vector<16xf32>
        %mul3A_359 = arith.mulf %scan3A_278#7, %mul3A_358 : vector<16xf32>
        %swap3A_360 = arith.constant 1 : i32
        %swap3A_361 = arith.constant 1 : i32
        %swap3A_362 = arith.index_cast %swap3A_360 : i32 to index
        %swap3A_363 = arith.index_cast %swap3A_361 : i32 to index
        %swap3A_364 = arith.constant 112 : index
        %swap3A_365 = tpu.vector_load %arg10[%swap3A_362, %swap3A_363, %swap3A_364] {strides = array<i32>} : memref<2x4x128xf32, #tpu.memory_space<vmem>>, vector<1x1x16xf32>,
        %swap3A_366 = vector.shape_cast %swap3A_365 : vector<1x1x16xf32> to vector<16xf32>
        %swap3A_367 = vector.shape_cast %mul3A_359 : vector<16xf32> to vector<1x1x16xf32>
        tpu.vector_store %arg10[%swap3A_362, %swap3A_363, %swap3A_364], %swap3A_367 {strides = array<i32>} : memref<2x4x128xf32, #tpu.memory_space<vmem>>, vector<1x1x16xf32>,
        %broadcast_in_dim3A_368 = arith.constant 0.000000e+00 : f32
        %broadcast_in_dim3A_369 = vector.broadcast %broadcast_in_dim3A_368 : f32 to vector<16xf32>
        %broadcast_in_dim3A_370 = arith.constant 0.000000e+00 : f32
        %broadcast_in_dim3A_371 = vector.broadcast %broadcast_in_dim3A_370 : f32 to vector<16xf32>
        %broadcast_in_dim3A_372 = arith.constant 0.000000e+00 : f32
        %broadcast_in_dim3A_373 = vector.broadcast %broadcast_in_dim3A_372 : f32 to vector<16xf32>
        %broadcast_in_dim3A_374 = arith.constant 0.000000e+00 : f32
        %broadcast_in_dim3A_375 = vector.broadcast %broadcast_in_dim3A_374 : f32 to vector<16xf32>
        %broadcast_in_dim3A_376 = arith.constant 0.000000e+00 : f32
        %broadcast_in_dim3A_377 = vector.broadcast %broadcast_in_dim3A_376 : f32 to vector<16xf32>
        %broadcast_in_dim3A_378 = arith.constant 0.000000e+00 : f32
        %broadcast_in_dim3A_379 = vector.broadcast %broadcast_in_dim3A_378 : f32 to vector<16xf32>
        %broadcast_in_dim3A_380 = arith.constant 0.000000e+00 : f32
        %broadcast_in_dim3A_381 = vector.broadcast %broadcast_in_dim3A_380 : f32 to vector<16xf32>
        %broadcast_in_dim3A_382 = arith.constant 0.000000e+00 : f32
        %broadcast_in_dim3A_383 = vector.broadcast %broadcast_in_dim3A_382 : f32 to vector<16xf32>
        %scan3A_384 = arith.constant 0 : i32
        %scan3A_385 = arith.constant 32 : i32
        %scan3A_386 = arith.addi %scan3A_384, %scan3A_385 : i32
        %scan3A_387 = arith.constant 1 : i32
        %scan3A_388:8 = scf.for %scan3A_604 = %scan3A_384 to %scan3A_386 step %scan3A_387 iter_args(%scan3A_605 = %broadcast_in_dim3A_369, %scan3A_606 = %broadcast_in_dim3A_371, %scan3A_607 = %broadcast_in_dim3A_373, %scan3A_608 = %broadcast_in_dim3A_375, %scan3A_609 = %broadcast_in_dim3A_377, %scan3A_610 = %broadcast_in_dim3A_379, %scan3A_611 = %broadcast_in_dim3A_381, %scan3A_612 = %broadcast_in_dim3A_383) -> (vector<16xf32>, vector<16xf32>, vector<16xf32>, vector<16xf32>, vector<16xf32>, vector<16xf32>, vector<16xf32>, vector<16xf32>)  : i32 {
          %add3A_613 = arith.constant 64 : i32
          %add3A_614 = arith.addi %add3A_613, %scan3A_604 : i32
          %get3A = arith.index_cast %add3A_614 : i32 to index
          %get3A_615 = arith.constant 0 : index
          %get3A_616 = tpu.vector_load %arg7[%get3A, %get3A_615] {strides = array<i32>} : memref<128x128xf32, #tpu.memory_space<vmem>>, vector<1x16xf32>,
          %get3A_617 = vector.shape_cast %get3A_616 : vector<1x16xf32> to vector<16xf32>
          %add3A_618 = arith.addf %scan3A_605, %get3A_617 : vector<16xf32>
          %add3A_619 = arith.constant 64 : i32
          %add3A_620 = arith.addi %add3A_619, %scan3A_604 : i32
          %get3A_621 = arith.index_cast %add3A_620 : i32 to index
          %get3A_622 = arith.constant 16 : index
          %get3A_623 = tpu.vector_load %arg7[%get3A_621, %get3A_622] {strides = array<i32>} : memref<128x128xf32, #tpu.memory_space<vmem>>, vector<1x16xf32>,
          %get3A_624 = vector.shape_cast %get3A_623 : vector<1x16xf32> to vector<16xf32>
          %add3A_625 = arith.addf %scan3A_606, %get3A_624 : vector<16xf32>
          %add3A_626 = arith.constant 64 : i32
          %add3A_627 = arith.addi %add3A_626, %scan3A_604 : i32
          %get3A_628 = arith.index_cast %add3A_627 : i32 to index
          %get3A_629 = arith.constant 32 : index
          %get3A_630 = tpu.vector_load %arg7[%get3A_628, %get3A_629] {strides = array<i32>} : memref<128x128xf32, #tpu.memory_space<vmem>>, vector<1x16xf32>,
          %get3A_631 = vector.shape_cast %get3A_630 : vector<1x16xf32> to vector<16xf32>
          %add3A_632 = arith.addf %scan3A_607, %get3A_631 : vector<16xf32>
          %add3A_633 = arith.constant 64 : i32
          %add3A_634 = arith.addi %add3A_633, %scan3A_604 : i32
          %get3A_635 = arith.index_cast %add3A_634 : i32 to index
          %get3A_636 = arith.constant 48 : index
          %get3A_637 = tpu.vector_load %arg7[%get3A_635, %get3A_636] {strides = array<i32>} : memref<128x128xf32, #tpu.memory_space<vmem>>, vector<1x16xf32>,
          %get3A_638 = vector.shape_cast %get3A_637 : vector<1x16xf32> to vector<16xf32>
          %add3A_639 = arith.addf %scan3A_608, %get3A_638 : vector<16xf32>
          %add3A_640 = arith.constant 64 : i32
          %add3A_641 = arith.addi %add3A_640, %scan3A_604 : i32
          %get3A_642 = arith.index_cast %add3A_641 : i32 to index
          %get3A_643 = arith.constant 64 : index
          %get3A_644 = tpu.vector_load %arg7[%get3A_642, %get3A_643] {strides = array<i32>} : memref<128x128xf32, #tpu.memory_space<vmem>>, vector<1x16xf32>,
          %get3A_645 = vector.shape_cast %get3A_644 : vector<1x16xf32> to vector<16xf32>
          %add3A_646 = arith.addf %scan3A_609, %get3A_645 : vector<16xf32>
          %add3A_647 = arith.constant 64 : i32
          %add3A_648 = arith.addi %add3A_647, %scan3A_604 : i32
          %get3A_649 = arith.index_cast %add3A_648 : i32 to index
          %get3A_650 = arith.constant 80 : index
          %get3A_651 = tpu.vector_load %arg7[%get3A_649, %get3A_650] {strides = array<i32>} : memref<128x128xf32, #tpu.memory_space<vmem>>, vector<1x16xf32>,
          %get3A_652 = vector.shape_cast %get3A_651 : vector<1x16xf32> to vector<16xf32>
          %add3A_653 = arith.addf %scan3A_610, %get3A_652 : vector<16xf32>
          %add3A_654 = arith.constant 64 : i32
          %add3A_655 = arith.addi %add3A_654, %scan3A_604 : i32
          %get3A_656 = arith.index_cast %add3A_655 : i32 to index
          %get3A_657 = arith.constant 96 : index
          %get3A_658 = tpu.vector_load %arg7[%get3A_656, %get3A_657] {strides = array<i32>} : memref<128x128xf32, #tpu.memory_space<vmem>>, vector<1x16xf32>,
          %get3A_659 = vector.shape_cast %get3A_658 : vector<1x16xf32> to vector<16xf32>
          %add3A_660 = arith.addf %scan3A_611, %get3A_659 : vector<16xf32>
          %add3A_661 = arith.constant 64 : i32
          %add3A_662 = arith.addi %add3A_661, %scan3A_604 : i32
          %get3A_663 = arith.index_cast %add3A_662 : i32 to index
          %get3A_664 = arith.constant 112 : index
          %get3A_665 = tpu.vector_load %arg7[%get3A_663, %get3A_664] {strides = array<i32>} : memref<128x128xf32, #tpu.memory_space<vmem>>, vector<1x16xf32>,
          %get3A_666 = vector.shape_cast %get3A_665 : vector<1x16xf32> to vector<16xf32>
          %add3A_667 = arith.addf %scan3A_612, %get3A_666 : vector<16xf32>
          scf.yield %add3A_618, %add3A_625, %add3A_632, %add3A_639, %add3A_646, %add3A_653, %add3A_660, %add3A_667 : vector<16xf32>, vector<16xf32>, vector<16xf32>, vector<16xf32>, vector<16xf32>, vector<16xf32>, vector<16xf32>, vector<16xf32>
        }
        %scan3A_389 = arith.constant 32 : i32
        %mul3A_390 = arith.constant 3.125000e-02 : f32
        %mul3A_391 = vector.broadcast %mul3A_390 : f32 to vector<16xf32>
        %mul3A_392 = arith.mulf %scan3A_388#0, %mul3A_391 : vector<16xf32>
        %swap3A_393 = arith.constant 1 : i32
        %swap3A_394 = arith.constant 2 : i32
        %swap3A_395 = arith.index_cast %swap3A_393 : i32 to index
        %swap3A_396 = arith.index_cast %swap3A_394 : i32 to index
        %swap3A_397 = arith.constant 0 : index
        %swap3A_398 = tpu.vector_load %arg10[%swap3A_395, %swap3A_396, %swap3A_397] {strides = array<i32>} : memref<2x4x128xf32, #tpu.memory_space<vmem>>, vector<1x1x16xf32>,
        %swap3A_399 = vector.shape_cast %swap3A_398 : vector<1x1x16xf32> to vector<16xf32>
        %swap3A_400 = vector.shape_cast %mul3A_392 : vector<16xf32> to vector<1x1x16xf32>
        tpu.vector_store %arg10[%swap3A_395, %swap3A_396, %swap3A_397], %swap3A_400 {strides = array<i32>} : memref<2x4x128xf32, #tpu.memory_space<vmem>>, vector<1x1x16xf32>,
        %mul3A_401 = arith.constant 3.125000e-02 : f32
        %mul3A_402 = vector.broadcast %mul3A_401 : f32 to vector<16xf32>
        %mul3A_403 = arith.mulf %scan3A_388#1, %mul3A_402 : vector<16xf32>
        %swap3A_404 = arith.constant 1 : i32
        %swap3A_405 = arith.constant 2 : i32
        %swap3A_406 = arith.index_cast %swap3A_404 : i32 to index
        %swap3A_407 = arith.index_cast %swap3A_405 : i32 to index
        %swap3A_408 = arith.constant 16 : index
        %swap3A_409 = tpu.vector_load %arg10[%swap3A_406, %swap3A_407, %swap3A_408] {strides = array<i32>} : memref<2x4x128xf32, #tpu.memory_space<vmem>>, vector<1x1x16xf32>,
        %swap3A_410 = vector.shape_cast %swap3A_409 : vector<1x1x16xf32> to vector<16xf32>
        %swap3A_411 = vector.shape_cast %mul3A_403 : vector<16xf32> to vector<1x1x16xf32>
        tpu.vector_store %arg10[%swap3A_406, %swap3A_407, %swap3A_408], %swap3A_411 {strides = array<i32>} : memref<2x4x128xf32, #tpu.memory_space<vmem>>, vector<1x1x16xf32>,
        %mul3A_412 = arith.constant 3.125000e-02 : f32
        %mul3A_413 = vector.broadcast %mul3A_412 : f32 to vector<16xf32>
        %mul3A_414 = arith.mulf %scan3A_388#2, %mul3A_413 : vector<16xf32>
        %swap3A_415 = arith.constant 1 : i32
        %swap3A_416 = arith.constant 2 : i32
        %swap3A_417 = arith.index_cast %swap3A_415 : i32 to index
        %swap3A_418 = arith.index_cast %swap3A_416 : i32 to index
        %swap3A_419 = arith.constant 32 : index
        %swap3A_420 = tpu.vector_load %arg10[%swap3A_417, %swap3A_418, %swap3A_419] {strides = array<i32>} : memref<2x4x128xf32, #tpu.memory_space<vmem>>, vector<1x1x16xf32>,
        %swap3A_421 = vector.shape_cast %swap3A_420 : vector<1x1x16xf32> to vector<16xf32>
        %swap3A_422 = vector.shape_cast %mul3A_414 : vector<16xf32> to vector<1x1x16xf32>
        tpu.vector_store %arg10[%swap3A_417, %swap3A_418, %swap3A_419], %swap3A_422 {strides = array<i32>} : memref<2x4x128xf32, #tpu.memory_space<vmem>>, vector<1x1x16xf32>,
        %mul3A_423 = arith.constant 3.125000e-02 : f32
        %mul3A_424 = vector.broadcast %mul3A_423 : f32 to vector<16xf32>
        %mul3A_425 = arith.mulf %scan3A_388#3, %mul3A_424 : vector<16xf32>
        %swap3A_426 = arith.constant 1 : i32
        %swap3A_427 = arith.constant 2 : i32
        %swap3A_428 = arith.index_cast %swap3A_426 : i32 to index
        %swap3A_429 = arith.index_cast %swap3A_427 : i32 to index
        %swap3A_430 = arith.constant 48 : index
        %swap3A_431 = tpu.vector_load %arg10[%swap3A_428, %swap3A_429, %swap3A_430] {strides = array<i32>} : memref<2x4x128xf32, #tpu.memory_space<vmem>>, vector<1x1x16xf32>,
        %swap3A_432 = vector.shape_cast %swap3A_431 : vector<1x1x16xf32> to vector<16xf32>
        %swap3A_433 = vector.shape_cast %mul3A_425 : vector<16xf32> to vector<1x1x16xf32>
        tpu.vector_store %arg10[%swap3A_428, %swap3A_429, %swap3A_430], %swap3A_433 {strides = array<i32>} : memref<2x4x128xf32, #tpu.memory_space<vmem>>, vector<1x1x16xf32>,
        %mul3A_434 = arith.constant 3.125000e-02 : f32
        %mul3A_435 = vector.broadcast %mul3A_434 : f32 to vector<16xf32>
        %mul3A_436 = arith.mulf %scan3A_388#4, %mul3A_435 : vector<16xf32>
        %swap3A_437 = arith.constant 1 : i32
        %swap3A_438 = arith.constant 2 : i32
        %swap3A_439 = arith.index_cast %swap3A_437 : i32 to index
        %swap3A_440 = arith.index_cast %swap3A_438 : i32 to index
        %swap3A_441 = arith.constant 64 : index
        %swap3A_442 = tpu.vector_load %arg10[%swap3A_439, %swap3A_440, %swap3A_441] {strides = array<i32>} : memref<2x4x128xf32, #tpu.memory_space<vmem>>, vector<1x1x16xf32>,
        %swap3A_443 = vector.shape_cast %swap3A_442 : vector<1x1x16xf32> to vector<16xf32>
        %swap3A_444 = vector.shape_cast %mul3A_436 : vector<16xf32> to vector<1x1x16xf32>
        tpu.vector_store %arg10[%swap3A_439, %swap3A_440, %swap3A_441], %swap3A_444 {strides = array<i32>} : memref<2x4x128xf32, #tpu.memory_space<vmem>>, vector<1x1x16xf32>,
        %mul3A_445 = arith.constant 3.125000e-02 : f32
        %mul3A_446 = vector.broadcast %mul3A_445 : f32 to vector<16xf32>
        %mul3A_447 = arith.mulf %scan3A_388#5, %mul3A_446 : vector<16xf32>
        %swap3A_448 = arith.constant 1 : i32
        %swap3A_449 = arith.constant 2 : i32
        %swap3A_450 = arith.index_cast %swap3A_448 : i32 to index
        %swap3A_451 = arith.index_cast %swap3A_449 : i32 to index
        %swap3A_452 = arith.constant 80 : index
        %swap3A_453 = tpu.vector_load %arg10[%swap3A_450, %swap3A_451, %swap3A_452] {strides = array<i32>} : memref<2x4x128xf32, #tpu.memory_space<vmem>>, vector<1x1x16xf32>,
        %swap3A_454 = vector.shape_cast %swap3A_453 : vector<1x1x16xf32> to vector<16xf32>
        %swap3A_455 = vector.shape_cast %mul3A_447 : vector<16xf32> to vector<1x1x16xf32>
        tpu.vector_store %arg10[%swap3A_450, %swap3A_451, %swap3A_452], %swap3A_455 {strides = array<i32>} : memref<2x4x128xf32, #tpu.memory_space<vmem>>, vector<1x1x16xf32>,
        %mul3A_456 = arith.constant 3.125000e-02 : f32
        %mul3A_457 = vector.broadcast %mul3A_456 : f32 to vector<16xf32>
        %mul3A_458 = arith.mulf %scan3A_388#6, %mul3A_457 : vector<16xf32>
        %swap3A_459 = arith.constant 1 : i32
        %swap3A_460 = arith.constant 2 : i32
        %swap3A_461 = arith.index_cast %swap3A_459 : i32 to index
        %swap3A_462 = arith.index_cast %swap3A_460 : i32 to index
        %swap3A_463 = arith.constant 96 : index
        %swap3A_464 = tpu.vector_load %arg10[%swap3A_461, %swap3A_462, %swap3A_463] {strides = array<i32>} : memref<2x4x128xf32, #tpu.memory_space<vmem>>, vector<1x1x16xf32>,
        %swap3A_465 = vector.shape_cast %swap3A_464 : vector<1x1x16xf32> to vector<16xf32>
        %swap3A_466 = vector.shape_cast %mul3A_458 : vector<16xf32> to vector<1x1x16xf32>
        tpu.vector_store %arg10[%swap3A_461, %swap3A_462, %swap3A_463], %swap3A_466 {strides = array<i32>} : memref<2x4x128xf32, #tpu.memory_space<vmem>>, vector<1x1x16xf32>,
        %mul3A_467 = arith.constant 3.125000e-02 : f32
        %mul3A_468 = vector.broadcast %mul3A_467 : f32 to vector<16xf32>
        %mul3A_469 = arith.mulf %scan3A_388#7, %mul3A_468 : vector<16xf32>
        %swap3A_470 = arith.constant 1 : i32
        %swap3A_471 = arith.constant 2 : i32
        %swap3A_472 = arith.index_cast %swap3A_470 : i32 to index
        %swap3A_473 = arith.index_cast %swap3A_471 : i32 to index
        %swap3A_474 = arith.constant 112 : index
        %swap3A_475 = tpu.vector_load %arg10[%swap3A_472, %swap3A_473, %swap3A_474] {strides = array<i32>} : memref<2x4x128xf32, #tpu.memory_space<vmem>>, vector<1x1x16xf32>,
        %swap3A_476 = vector.shape_cast %swap3A_475 : vector<1x1x16xf32> to vector<16xf32>
        %swap3A_477 = vector.shape_cast %mul3A_469 : vector<16xf32> to vector<1x1x16xf32>
        tpu.vector_store %arg10[%swap3A_472, %swap3A_473, %swap3A_474], %swap3A_477 {strides = array<i32>} : memref<2x4x128xf32, #tpu.memory_space<vmem>>, vector<1x1x16xf32>,
        %broadcast_in_dim3A_478 = arith.constant 0.000000e+00 : f32
        %broadcast_in_dim3A_479 = vector.broadcast %broadcast_in_dim3A_478 : f32 to vector<16xf32>
        %broadcast_in_dim3A_480 = arith.constant 0.000000e+00 : f32
        %broadcast_in_dim3A_481 = vector.broadcast %broadcast_in_dim3A_480 : f32 to vector<16xf32>
        %broadcast_in_dim3A_482 = arith.constant 0.000000e+00 : f32
        %broadcast_in_dim3A_483 = vector.broadcast %broadcast_in_dim3A_482 : f32 to vector<16xf32>
        %broadcast_in_dim3A_484 = arith.constant 0.000000e+00 : f32
        %broadcast_in_dim3A_485 = vector.broadcast %broadcast_in_dim3A_484 : f32 to vector<16xf32>
        %broadcast_in_dim3A_486 = arith.constant 0.000000e+00 : f32
        %broadcast_in_dim3A_487 = vector.broadcast %broadcast_in_dim3A_486 : f32 to vector<16xf32>
        %broadcast_in_dim3A_488 = arith.constant 0.000000e+00 : f32
        %broadcast_in_dim3A_489 = vector.broadcast %broadcast_in_dim3A_488 : f32 to vector<16xf32>
        %broadcast_in_dim3A_490 = arith.constant 0.000000e+00 : f32
        %broadcast_in_dim3A_491 = vector.broadcast %broadcast_in_dim3A_490 : f32 to vector<16xf32>
        %broadcast_in_dim3A_492 = arith.constant 0.000000e+00 : f32
        %broadcast_in_dim3A_493 = vector.broadcast %broadcast_in_dim3A_492 : f32 to vector<16xf32>
        %scan3A_494 = arith.constant 0 : i32
        %scan3A_495 = arith.constant 32 : i32
        %scan3A_496 = arith.addi %scan3A_494, %scan3A_495 : i32
        %scan3A_497 = arith.constant 1 : i32
        %scan3A_498:8 = scf.for %scan3A_604 = %scan3A_494 to %scan3A_496 step %scan3A_497 iter_args(%scan3A_605 = %broadcast_in_dim3A_479, %scan3A_606 = %broadcast_in_dim3A_481, %scan3A_607 = %broadcast_in_dim3A_483, %scan3A_608 = %broadcast_in_dim3A_485, %scan3A_609 = %broadcast_in_dim3A_487, %scan3A_610 = %broadcast_in_dim3A_489, %scan3A_611 = %broadcast_in_dim3A_491, %scan3A_612 = %broadcast_in_dim3A_493) -> (vector<16xf32>, vector<16xf32>, vector<16xf32>, vector<16xf32>, vector<16xf32>, vector<16xf32>, vector<16xf32>, vector<16xf32>)  : i32 {
          %add3A_613 = arith.constant 96 : i32
          %add3A_614 = arith.addi %add3A_613, %scan3A_604 : i32
          %get3A = arith.index_cast %add3A_614 : i32 to index
          %get3A_615 = arith.constant 0 : index
          %get3A_616 = tpu.vector_load %arg7[%get3A, %get3A_615] {strides = array<i32>} : memref<128x128xf32, #tpu.memory_space<vmem>>, vector<1x16xf32>,
          %get3A_617 = vector.shape_cast %get3A_616 : vector<1x16xf32> to vector<16xf32>
          %add3A_618 = arith.addf %scan3A_605, %get3A_617 : vector<16xf32>
          %add3A_619 = arith.constant 96 : i32
          %add3A_620 = arith.addi %add3A_619, %scan3A_604 : i32
          %get3A_621 = arith.index_cast %add3A_620 : i32 to index
          %get3A_622 = arith.constant 16 : index
          %get3A_623 = tpu.vector_load %arg7[%get3A_621, %get3A_622] {strides = array<i32>} : memref<128x128xf32, #tpu.memory_space<vmem>>, vector<1x16xf32>,
          %get3A_624 = vector.shape_cast %get3A_623 : vector<1x16xf32> to vector<16xf32>
          %add3A_625 = arith.addf %scan3A_606, %get3A_624 : vector<16xf32>
          %add3A_626 = arith.constant 96 : i32
          %add3A_627 = arith.addi %add3A_626, %scan3A_604 : i32
          %get3A_628 = arith.index_cast %add3A_627 : i32 to index
          %get3A_629 = arith.constant 32 : index
          %get3A_630 = tpu.vector_load %arg7[%get3A_628, %get3A_629] {strides = array<i32>} : memref<128x128xf32, #tpu.memory_space<vmem>>, vector<1x16xf32>,
          %get3A_631 = vector.shape_cast %get3A_630 : vector<1x16xf32> to vector<16xf32>
          %add3A_632 = arith.addf %scan3A_607, %get3A_631 : vector<16xf32>
          %add3A_633 = arith.constant 96 : i32
          %add3A_634 = arith.addi %add3A_633, %scan3A_604 : i32
          %get3A_635 = arith.index_cast %add3A_634 : i32 to index
          %get3A_636 = arith.constant 48 : index
          %get3A_637 = tpu.vector_load %arg7[%get3A_635, %get3A_636] {strides = array<i32>} : memref<128x128xf32, #tpu.memory_space<vmem>>, vector<1x16xf32>,
          %get3A_638 = vector.shape_cast %get3A_637 : vector<1x16xf32> to vector<16xf32>
          %add3A_639 = arith.addf %scan3A_608, %get3A_638 : vector<16xf32>
          %add3A_640 = arith.constant 96 : i32
          %add3A_641 = arith.addi %add3A_640, %scan3A_604 : i32
          %get3A_642 = arith.index_cast %add3A_641 : i32 to index
          %get3A_643 = arith.constant 64 : index
          %get3A_644 = tpu.vector_load %arg7[%get3A_642, %get3A_643] {strides = array<i32>} : memref<128x128xf32, #tpu.memory_space<vmem>>, vector<1x16xf32>,
          %get3A_645 = vector.shape_cast %get3A_644 : vector<1x16xf32> to vector<16xf32>
          %add3A_646 = arith.addf %scan3A_609, %get3A_645 : vector<16xf32>
          %add3A_647 = arith.constant 96 : i32
          %add3A_648 = arith.addi %add3A_647, %scan3A_604 : i32
          %get3A_649 = arith.index_cast %add3A_648 : i32 to index
          %get3A_650 = arith.constant 80 : index
          %get3A_651 = tpu.vector_load %arg7[%get3A_649, %get3A_650] {strides = array<i32>} : memref<128x128xf32, #tpu.memory_space<vmem>>, vector<1x16xf32>,
          %get3A_652 = vector.shape_cast %get3A_651 : vector<1x16xf32> to vector<16xf32>
          %add3A_653 = arith.addf %scan3A_610, %get3A_652 : vector<16xf32>
          %add3A_654 = arith.constant 96 : i32
          %add3A_655 = arith.addi %add3A_654, %scan3A_604 : i32
          %get3A_656 = arith.index_cast %add3A_655 : i32 to index
          %get3A_657 = arith.constant 96 : index
          %get3A_658 = tpu.vector_load %arg7[%get3A_656, %get3A_657] {strides = array<i32>} : memref<128x128xf32, #tpu.memory_space<vmem>>, vector<1x16xf32>,
          %get3A_659 = vector.shape_cast %get3A_658 : vector<1x16xf32> to vector<16xf32>
          %add3A_660 = arith.addf %scan3A_611, %get3A_659 : vector<16xf32>
          %add3A_661 = arith.constant 96 : i32
          %add3A_662 = arith.addi %add3A_661, %scan3A_604 : i32
          %get3A_663 = arith.index_cast %add3A_662 : i32 to index
          %get3A_664 = arith.constant 112 : index
          %get3A_665 = tpu.vector_load %arg7[%get3A_663, %get3A_664] {strides = array<i32>} : memref<128x128xf32, #tpu.memory_space<vmem>>, vector<1x16xf32>,
          %get3A_666 = vector.shape_cast %get3A_665 : vector<1x16xf32> to vector<16xf32>
          %add3A_667 = arith.addf %scan3A_612, %get3A_666 : vector<16xf32>
          scf.yield %add3A_618, %add3A_625, %add3A_632, %add3A_639, %add3A_646, %add3A_653, %add3A_660, %add3A_667 : vector<16xf32>, vector<16xf32>, vector<16xf32>, vector<16xf32>, vector<16xf32>, vector<16xf32>, vector<16xf32>, vector<16xf32>
        }
        %scan3A_499 = arith.constant 32 : i32
        %mul3A_500 = arith.constant 3.125000e-02 : f32
        %mul3A_501 = vector.broadcast %mul3A_500 : f32 to vector<16xf32>
        %mul3A_502 = arith.mulf %scan3A_498#0, %mul3A_501 : vector<16xf32>
        %swap3A_503 = arith.constant 1 : i32
        %swap3A_504 = arith.constant 3 : i32
        %swap3A_505 = arith.index_cast %swap3A_503 : i32 to index
        %swap3A_506 = arith.index_cast %swap3A_504 : i32 to index
        %swap3A_507 = arith.constant 0 : index
        %swap3A_508 = tpu.vector_load %arg10[%swap3A_505, %swap3A_506, %swap3A_507] {strides = array<i32>} : memref<2x4x128xf32, #tpu.memory_space<vmem>>, vector<1x1x16xf32>,
        %swap3A_509 = vector.shape_cast %swap3A_508 : vector<1x1x16xf32> to vector<16xf32>
        %swap3A_510 = vector.shape_cast %mul3A_502 : vector<16xf32> to vector<1x1x16xf32>
        tpu.vector_store %arg10[%swap3A_505, %swap3A_506, %swap3A_507], %swap3A_510 {strides = array<i32>} : memref<2x4x128xf32, #tpu.memory_space<vmem>>, vector<1x1x16xf32>,
        %mul3A_511 = arith.constant 3.125000e-02 : f32
        %mul3A_512 = vector.broadcast %mul3A_511 : f32 to vector<16xf32>
        %mul3A_513 = arith.mulf %scan3A_498#1, %mul3A_512 : vector<16xf32>
        %swap3A_514 = arith.constant 1 : i32
        %swap3A_515 = arith.constant 3 : i32
        %swap3A_516 = arith.index_cast %swap3A_514 : i32 to index
        %swap3A_517 = arith.index_cast %swap3A_515 : i32 to index
        %swap3A_518 = arith.constant 16 : index
        %swap3A_519 = tpu.vector_load %arg10[%swap3A_516, %swap3A_517, %swap3A_518] {strides = array<i32>} : memref<2x4x128xf32, #tpu.memory_space<vmem>>, vector<1x1x16xf32>,
        %swap3A_520 = vector.shape_cast %swap3A_519 : vector<1x1x16xf32> to vector<16xf32>
        %swap3A_521 = vector.shape_cast %mul3A_513 : vector<16xf32> to vector<1x1x16xf32>
        tpu.vector_store %arg10[%swap3A_516, %swap3A_517, %swap3A_518], %swap3A_521 {strides = array<i32>} : memref<2x4x128xf32, #tpu.memory_space<vmem>>, vector<1x1x16xf32>,
        %mul3A_522 = arith.constant 3.125000e-02 : f32
        %mul3A_523 = vector.broadcast %mul3A_522 : f32 to vector<16xf32>
        %mul3A_524 = arith.mulf %scan3A_498#2, %mul3A_523 : vector<16xf32>
        %swap3A_525 = arith.constant 1 : i32
        %swap3A_526 = arith.constant 3 : i32
        %swap3A_527 = arith.index_cast %swap3A_525 : i32 to index
        %swap3A_528 = arith.index_cast %swap3A_526 : i32 to index
        %swap3A_529 = arith.constant 32 : index
        %swap3A_530 = tpu.vector_load %arg10[%swap3A_527, %swap3A_528, %swap3A_529] {strides = array<i32>} : memref<2x4x128xf32, #tpu.memory_space<vmem>>, vector<1x1x16xf32>,
        %swap3A_531 = vector.shape_cast %swap3A_530 : vector<1x1x16xf32> to vector<16xf32>
        %swap3A_532 = vector.shape_cast %mul3A_524 : vector<16xf32> to vector<1x1x16xf32>
        tpu.vector_store %arg10[%swap3A_527, %swap3A_528, %swap3A_529], %swap3A_532 {strides = array<i32>} : memref<2x4x128xf32, #tpu.memory_space<vmem>>, vector<1x1x16xf32>,
        %mul3A_533 = arith.constant 3.125000e-02 : f32
        %mul3A_534 = vector.broadcast %mul3A_533 : f32 to vector<16xf32>
        %mul3A_535 = arith.mulf %scan3A_498#3, %mul3A_534 : vector<16xf32>
        %swap3A_536 = arith.constant 1 : i32
        %swap3A_537 = arith.constant 3 : i32
        %swap3A_538 = arith.index_cast %swap3A_536 : i32 to index
        %swap3A_539 = arith.index_cast %swap3A_537 : i32 to index
        %swap3A_540 = arith.constant 48 : index
        %swap3A_541 = tpu.vector_load %arg10[%swap3A_538, %swap3A_539, %swap3A_540] {strides = array<i32>} : memref<2x4x128xf32, #tpu.memory_space<vmem>>, vector<1x1x16xf32>,
        %swap3A_542 = vector.shape_cast %swap3A_541 : vector<1x1x16xf32> to vector<16xf32>
        %swap3A_543 = vector.shape_cast %mul3A_535 : vector<16xf32> to vector<1x1x16xf32>
        tpu.vector_store %arg10[%swap3A_538, %swap3A_539, %swap3A_540], %swap3A_543 {strides = array<i32>} : memref<2x4x128xf32, #tpu.memory_space<vmem>>, vector<1x1x16xf32>,
        %mul3A_544 = arith.constant 3.125000e-02 : f32
        %mul3A_545 = vector.broadcast %mul3A_544 : f32 to vector<16xf32>
        %mul3A_546 = arith.mulf %scan3A_498#4, %mul3A_545 : vector<16xf32>
        %swap3A_547 = arith.constant 1 : i32
        %swap3A_548 = arith.constant 3 : i32
        %swap3A_549 = arith.index_cast %swap3A_547 : i32 to index
        %swap3A_550 = arith.index_cast %swap3A_548 : i32 to index
        %swap3A_551 = arith.constant 64 : index
        %swap3A_552 = tpu.vector_load %arg10[%swap3A_549, %swap3A_550, %swap3A_551] {strides = array<i32>} : memref<2x4x128xf32, #tpu.memory_space<vmem>>, vector<1x1x16xf32>,
        %swap3A_553 = vector.shape_cast %swap3A_552 : vector<1x1x16xf32> to vector<16xf32>
        %swap3A_554 = vector.shape_cast %mul3A_546 : vector<16xf32> to vector<1x1x16xf32>
        tpu.vector_store %arg10[%swap3A_549, %swap3A_550, %swap3A_551], %swap3A_554 {strides = array<i32>} : memref<2x4x128xf32, #tpu.memory_space<vmem>>, vector<1x1x16xf32>,
        %mul3A_555 = arith.constant 3.125000e-02 : f32
        %mul3A_556 = vector.broadcast %mul3A_555 : f32 to vector<16xf32>
        %mul3A_557 = arith.mulf %scan3A_498#5, %mul3A_556 : vector<16xf32>
        %swap3A_558 = arith.constant 1 : i32
        %swap3A_559 = arith.constant 3 : i32
        %swap3A_560 = arith.index_cast %swap3A_558 : i32 to index
        %swap3A_561 = arith.index_cast %swap3A_559 : i32 to index
        %swap3A_562 = arith.constant 80 : index
        %swap3A_563 = tpu.vector_load %arg10[%swap3A_560, %swap3A_561, %swap3A_562] {strides = array<i32>} : memref<2x4x128xf32, #tpu.memory_space<vmem>>, vector<1x1x16xf32>,
        %swap3A_564 = vector.shape_cast %swap3A_563 : vector<1x1x16xf32> to vector<16xf32>
        %swap3A_565 = vector.shape_cast %mul3A_557 : vector<16xf32> to vector<1x1x16xf32>
        tpu.vector_store %arg10[%swap3A_560, %swap3A_561, %swap3A_562], %swap3A_565 {strides = array<i32>} : memref<2x4x128xf32, #tpu.memory_space<vmem>>, vector<1x1x16xf32>,
        %mul3A_566 = arith.constant 3.125000e-02 : f32
        %mul3A_567 = vector.broadcast %mul3A_566 : f32 to vector<16xf32>
        %mul3A_568 = arith.mulf %scan3A_498#6, %mul3A_567 : vector<16xf32>
        %swap3A_569 = arith.constant 1 : i32
        %swap3A_570 = arith.constant 3 : i32
        %swap3A_571 = arith.index_cast %swap3A_569 : i32 to index
        %swap3A_572 = arith.index_cast %swap3A_570 : i32 to index
        %swap3A_573 = arith.constant 96 : index
        %swap3A_574 = tpu.vector_load %arg10[%swap3A_571, %swap3A_572, %swap3A_573] {strides = array<i32>} : memref<2x4x128xf32, #tpu.memory_space<vmem>>, vector<1x1x16xf32>,
        %swap3A_575 = vector.shape_cast %swap3A_574 : vector<1x1x16xf32> to vector<16xf32>
        %swap3A_576 = vector.shape_cast %mul3A_568 : vector<16xf32> to vector<1x1x16xf32>
        tpu.vector_store %arg10[%swap3A_571, %swap3A_572, %swap3A_573], %swap3A_576 {strides = array<i32>} : memref<2x4x128xf32, #tpu.memory_space<vmem>>, vector<1x1x16xf32>,
        %mul3A_577 = arith.constant 3.125000e-02 : f32
        %mul3A_578 = vector.broadcast %mul3A_577 : f32 to vector<16xf32>
        %mul3A_579 = arith.mulf %scan3A_498#7, %mul3A_578 : vector<16xf32>
        %swap3A_580 = arith.constant 1 : i32
        %swap3A_581 = arith.constant 3 : i32
        %swap3A_582 = arith.index_cast %swap3A_580 : i32 to index
        %swap3A_583 = arith.index_cast %swap3A_581 : i32 to index
        %swap3A_584 = arith.constant 112 : index
        %swap3A_585 = tpu.vector_load %arg10[%swap3A_582, %swap3A_583, %swap3A_584] {strides = array<i32>} : memref<2x4x128xf32, #tpu.memory_space<vmem>>, vector<1x1x16xf32>,
        %swap3A_586 = vector.shape_cast %swap3A_585 : vector<1x1x16xf32> to vector<16xf32>
        %swap3A_587 = vector.shape_cast %mul3A_579 : vector<16xf32> to vector<1x1x16xf32>
        tpu.vector_store %arg10[%swap3A_582, %swap3A_583, %swap3A_584], %swap3A_587 {strides = array<i32>} : memref<2x4x128xf32, #tpu.memory_space<vmem>>, vector<1x1x16xf32>,
        %add3A_588 = arith.addi %add3A_6, %add3A_95 : i32
        %mul3A_589 = arith.constant 4 : i32
        %mul3A_590 = arith.muli %add3A_588, %mul3A_589 : i32
        %dma_start3A_591 = arith.constant 1 : i32
        %dma_start3A_592 = arith.constant 0 : i32
        %dma_start3A_593 = arith.constant 0 : i32
        %dma_start3A_594 = tpu.memref_slice %arg10[%dma_start3A_591, %dma_start3A_592, %dma_start3A_593] : memref<2x4x128xf32, #tpu.memory_space<vmem>> -> memref<1x4x128xf32, #tpu.memory_space<vmem>>
        %dma_start3A_595 = tpu.memref_squeeze %dma_start3A_594 : memref<1x4x128xf32, #tpu.memory_space<vmem>> -> memref<4x128xf32, #tpu.memory_space<vmem>>
        %dma_start3A_596 = arith.constant 0 : i32
        %dma_start3A_597 = tpu.memref_slice %arg4[%mul3A_590, %dma_start3A_596] : memref<10000x128xf32, #tpu.memory_space<hbm>> -> memref<4x128xf32, #tpu.memory_space<hbm>>
        %dma_start3A_598 = arith.constant 0 : i32
        %dma_start3A_599 = tpu.memref_slice %arg4[%mul3A_590, %dma_start3A_598] : memref<10000x128xf32, #tpu.memory_space<hbm>> -> memref<4x128xf32, #tpu.memory_space<hbm>>
        %dma_start3A_600 = arith.constant 0 : i32
        %dma_start3A_601 = arith.constant 0 : i32
        %dma_start3A_602 = tpu.memref_slice %arg10[%dma_start3A_591, %dma_start3A_600, %dma_start3A_601] : memref<2x4x128xf32, #tpu.memory_space<vmem>> -> memref<1x4x128xf32, #tpu.memory_space<vmem>>
        %dma_start3A_603 = tpu.memref_squeeze %dma_start3A_602 : memref<1x4x128xf32, #tpu.memory_space<vmem>> -> memref<4x128xf32, #tpu.memory_space<vmem>>
        tpu.enqueue_dma source(%dma_start3A_603 : memref<4x128xf32, #tpu.memory_space<vmem>>) target(%dma_start3A_599 : memref<4x128xf32, #tpu.memory_space<hbm>>) target_semaphore(%arg16 : memref<!tpu.dma_semaphore, #tpu.memory_space<semaphore_mem>>)
      } else {
      }
      %mul3A_108 = arith.constant 4 : i32
      %mul3A_109 = arith.muli %scan3A_75, %mul3A_108 : i32
      %add3A_110 = arith.constant 2 : i32
      %add3A_111 = arith.addi %mul3A_109, %add3A_110 : i32
      %add3A_112 = arith.constant 4 : i32
      %add3A_113 = arith.addi %add3A_111, %add3A_112 : i32
      %sub3A_114 = arith.constant 1 : i32
      %sub3A_115 = arith.subi %add3A_113, %sub3A_114 : i32
      %lt3A_116 = arith.cmpi slt, %sub3A_115, %select_n3A : i32
      %convert_element_type3A_117 = arith.extui %lt3A_116 : i1 to i32
      %cond3A_118 = arith.constant 0 : i32
      %cond3A_119 = arith.cmpi ne, %convert_element_type3A_117, %cond3A_118 : i32
      scf.if %cond3A_119 {
        %add3A_140 = arith.constant 4 : i32
        %add3A_141 = arith.addi %add3A_111, %add3A_140 : i32
        %sub3A_142 = arith.constant 1 : i32
        %sub3A_143 = arith.subi %add3A_141, %sub3A_142 : i32
        %mul3A_144 = arith.constant 128 : i32
        %mul3A_145 = arith.muli %sub3A_143, %mul3A_144 : i32
        %dma_start3A_146 = tpu.memref_slice %arg5[%mul3A_145] : memref<10240xi32, #tpu.memory_space<vmem>> -> memref<128xi32, #tpu.memory_space<vmem>>
        %dma_start3A_147 = arith.constant 0 : i32
        %dma_start3A_148 = arith.constant 0 : i32
        %dma_start3A_149 = tpu.memref_slice %arg3[%dma_start3A_147, %dma_start3A_148] : memref<100000x128xf32, #tpu.memory_space<hbm>> -> memref<100000x128xf32, #tpu.memory_space<hbm>>
        tpu.enqueue_indirect_dma source(%dma_start3A_149 : memref<100000x128xf32, #tpu.memory_space<hbm>>) target(%arg7 : memref<128x128xf32, #tpu.memory_space<vmem>>) offsets(%dma_start3A_146 : memref<128xi32, #tpu.memory_space<vmem>>) semaphore(%arg12 : memref<!tpu.dma_semaphore, #tpu.memory_space<semaphore_mem>>)
      } else {
      }
      %lt3A_120 = arith.cmpi slt, %add3A_111, %select_n3A : i32
      %convert_element_type3A_121 = arith.extui %lt3A_120 : i1 to i32
      %cond3A_122 = arith.constant 0 : i32
      %cond3A_123 = arith.cmpi ne, %convert_element_type3A_121, %cond3A_122 : i32
      scf.if %cond3A_123 {
        %mul3A_140 = arith.constant 128 : i32
        %mul3A_141 = arith.muli %add3A_111, %mul3A_140 : i32
        %dma_wait3A_142 = tpu.memref_slice %arg5[%mul3A_141] : memref<10240xi32, #tpu.memory_space<vmem>> -> memref<128xi32, #tpu.memory_space<vmem>>
        %dma_wait3A_143 = arith.constant 0 : i32
        %dma_wait3A_144 = arith.constant 0 : i32
        %dma_wait3A_145 = tpu.memref_slice %arg3[%dma_wait3A_143, %dma_wait3A_144] : memref<100000x128xf32, #tpu.memory_space<hbm>> -> memref<100000x128xf32, #tpu.memory_space<hbm>>
        tpu.wait_indirect_dma semaphore(%arg13 : memref<!tpu.dma_semaphore, #tpu.memory_space<semaphore_mem>>) src(%dma_wait3A_145 : memref<100000x128xf32, #tpu.memory_space<hbm>>) dst(%arg8 : memref<128x128xf32, #tpu.memory_space<vmem>>)
        %ge3A = arith.constant 2 : i32
        %ge3A_146 = arith.cmpi sge, %add3A_111, %ge3A : i32
        %convert_element_type3A_147 = arith.extui %ge3A_146 : i1 to i32
        %cond3A_148 = arith.constant 0 : i32
        %cond3A_149 = arith.cmpi ne, %convert_element_type3A_147, %cond3A_148 : i32
        scf.if %cond3A_149 {
          %add3A_604 = arith.addi %add3A_6, %add3A_111 : i32
          %sub3A_605 = arith.constant 2 : i32
          %sub3A_606 = arith.subi %add3A_604, %sub3A_605 : i32
          %mul3A_607 = arith.constant 4 : i32
          %mul3A_608 = arith.muli %sub3A_606, %mul3A_607 : i32
          %dma_wait3A_609 = arith.constant 0 : i32
          %dma_wait3A_610 = arith.constant 0 : i32
          %dma_wait3A_611 = arith.constant 0 : i32
          %dma_wait3A_612 = tpu.memref_slice %arg10[%dma_wait3A_609, %dma_wait3A_610, %dma_wait3A_611] : memref<2x4x128xf32, #tpu.memory_space<vmem>> -> memref<1x4x128xf32, #tpu.memory_space<vmem>>
          %dma_wait3A_613 = tpu.memref_squeeze %dma_wait3A_612 : memref<1x4x128xf32, #tpu.memory_space<vmem>> -> memref<4x128xf32, #tpu.memory_space<vmem>>
          %dma_wait3A_614 = arith.constant 0 : i32
          %dma_wait3A_615 = tpu.memref_slice %arg4[%mul3A_608, %dma_wait3A_614] : memref<10000x128xf32, #tpu.memory_space<hbm>> -> memref<4x128xf32, #tpu.memory_space<hbm>>
          %dma_wait3A_616 = arith.constant 0 : i32
          %dma_wait3A_617 = tpu.memref_slice %arg4[%mul3A_608, %dma_wait3A_616] : memref<10000x128xf32, #tpu.memory_space<hbm>> -> memref<4x128xf32, #tpu.memory_space<hbm>>
          %dma_wait3A_618 = arith.constant 0 : i32
          %dma_wait3A_619 = arith.constant 0 : i32
          %dma_wait3A_620 = tpu.memref_slice %arg10[%dma_wait3A_609, %dma_wait3A_618, %dma_wait3A_619] : memref<2x4x128xf32, #tpu.memory_space<vmem>> -> memref<1x4x128xf32, #tpu.memory_space<vmem>>
          %dma_wait3A_621 = tpu.memref_squeeze %dma_wait3A_620 : memref<1x4x128xf32, #tpu.memory_space<vmem>> -> memref<4x128xf32, #tpu.memory_space<vmem>>
          tpu.wait_dma2 semaphore(%arg15 : memref<!tpu.dma_semaphore, #tpu.memory_space<semaphore_mem>>) src(%dma_wait3A_621 : memref<4x128xf32, #tpu.memory_space<vmem>>) dst(%dma_wait3A_617 : memref<4x128xf32, #tpu.memory_space<hbm>>)
        } else {
        }
        %broadcast_in_dim3A = arith.constant 0.000000e+00 : f32
        %broadcast_in_dim3A_150 = vector.broadcast %broadcast_in_dim3A : f32 to vector<16xf32>
        %broadcast_in_dim3A_151 = arith.constant 0.000000e+00 : f32
        %broadcast_in_dim3A_152 = vector.broadcast %broadcast_in_dim3A_151 : f32 to vector<16xf32>
        %broadcast_in_dim3A_153 = arith.constant 0.000000e+00 : f32
        %broadcast_in_dim3A_154 = vector.broadcast %broadcast_in_dim3A_153 : f32 to vector<16xf32>
        %broadcast_in_dim3A_155 = arith.constant 0.000000e+00 : f32
        %broadcast_in_dim3A_156 = vector.broadcast %broadcast_in_dim3A_155 : f32 to vector<16xf32>
        %broadcast_in_dim3A_157 = arith.constant 0.000000e+00 : f32
        %broadcast_in_dim3A_158 = vector.broadcast %broadcast_in_dim3A_157 : f32 to vector<16xf32>
        %broadcast_in_dim3A_159 = arith.constant 0.000000e+00 : f32
        %broadcast_in_dim3A_160 = vector.broadcast %broadcast_in_dim3A_159 : f32 to vector<16xf32>
        %broadcast_in_dim3A_161 = arith.constant 0.000000e+00 : f32
        %broadcast_in_dim3A_162 = vector.broadcast %broadcast_in_dim3A_161 : f32 to vector<16xf32>
        %broadcast_in_dim3A_163 = arith.constant 0.000000e+00 : f32
        %broadcast_in_dim3A_164 = vector.broadcast %broadcast_in_dim3A_163 : f32 to vector<16xf32>
        %scan3A_165 = arith.constant 0 : i32
        %scan3A_166 = arith.constant 32 : i32
        %scan3A_167 = arith.addi %scan3A_165, %scan3A_166 : i32
        %scan3A_168 = arith.constant 1 : i32
        %scan3A_169:8 = scf.for %scan3A_604 = %scan3A_165 to %scan3A_167 step %scan3A_168 iter_args(%scan3A_605 = %broadcast_in_dim3A_150, %scan3A_606 = %broadcast_in_dim3A_152, %scan3A_607 = %broadcast_in_dim3A_154, %scan3A_608 = %broadcast_in_dim3A_156, %scan3A_609 = %broadcast_in_dim3A_158, %scan3A_610 = %broadcast_in_dim3A_160, %scan3A_611 = %broadcast_in_dim3A_162, %scan3A_612 = %broadcast_in_dim3A_164) -> (vector<16xf32>, vector<16xf32>, vector<16xf32>, vector<16xf32>, vector<16xf32>, vector<16xf32>, vector<16xf32>, vector<16xf32>)  : i32 {
          %add3A_613 = arith.constant 0 : i32
          %add3A_614 = arith.addi %add3A_613, %scan3A_604 : i32
          %get3A = arith.index_cast %add3A_614 : i32 to index
          %get3A_615 = arith.constant 0 : index
          %get3A_616 = tpu.vector_load %arg8[%get3A, %get3A_615] {strides = array<i32>} : memref<128x128xf32, #tpu.memory_space<vmem>>, vector<1x16xf32>,
          %get3A_617 = vector.shape_cast %get3A_616 : vector<1x16xf32> to vector<16xf32>
          %add3A_618 = arith.addf %scan3A_605, %get3A_617 : vector<16xf32>
          %add3A_619 = arith.constant 0 : i32
          %add3A_620 = arith.addi %add3A_619, %scan3A_604 : i32
          %get3A_621 = arith.index_cast %add3A_620 : i32 to index
          %get3A_622 = arith.constant 16 : index
          %get3A_623 = tpu.vector_load %arg8[%get3A_621, %get3A_622] {strides = array<i32>} : memref<128x128xf32, #tpu.memory_space<vmem>>, vector<1x16xf32>,
          %get3A_624 = vector.shape_cast %get3A_623 : vector<1x16xf32> to vector<16xf32>
          %add3A_625 = arith.addf %scan3A_606, %get3A_624 : vector<16xf32>
          %add3A_626 = arith.constant 0 : i32
          %add3A_627 = arith.addi %add3A_626, %scan3A_604 : i32
          %get3A_628 = arith.index_cast %add3A_627 : i32 to index
          %get3A_629 = arith.constant 32 : index
          %get3A_630 = tpu.vector_load %arg8[%get3A_628, %get3A_629] {strides = array<i32>} : memref<128x128xf32, #tpu.memory_space<vmem>>, vector<1x16xf32>,
          %get3A_631 = vector.shape_cast %get3A_630 : vector<1x16xf32> to vector<16xf32>
          %add3A_632 = arith.addf %scan3A_607, %get3A_631 : vector<16xf32>
          %add3A_633 = arith.constant 0 : i32
          %add3A_634 = arith.addi %add3A_633, %scan3A_604 : i32
          %get3A_635 = arith.index_cast %add3A_634 : i32 to index
          %get3A_636 = arith.constant 48 : index
          %get3A_637 = tpu.vector_load %arg8[%get3A_635, %get3A_636] {strides = array<i32>} : memref<128x128xf32, #tpu.memory_space<vmem>>, vector<1x16xf32>,
          %get3A_638 = vector.shape_cast %get3A_637 : vector<1x16xf32> to vector<16xf32>
          %add3A_639 = arith.addf %scan3A_608, %get3A_638 : vector<16xf32>
          %add3A_640 = arith.constant 0 : i32
          %add3A_641 = arith.addi %add3A_640, %scan3A_604 : i32
          %get3A_642 = arith.index_cast %add3A_641 : i32 to index
          %get3A_643 = arith.constant 64 : index
          %get3A_644 = tpu.vector_load %arg8[%get3A_642, %get3A_643] {strides = array<i32>} : memref<128x128xf32, #tpu.memory_space<vmem>>, vector<1x16xf32>,
          %get3A_645 = vector.shape_cast %get3A_644 : vector<1x16xf32> to vector<16xf32>
          %add3A_646 = arith.addf %scan3A_609, %get3A_645 : vector<16xf32>
          %add3A_647 = arith.constant 0 : i32
          %add3A_648 = arith.addi %add3A_647, %scan3A_604 : i32
          %get3A_649 = arith.index_cast %add3A_648 : i32 to index
          %get3A_650 = arith.constant 80 : index
          %get3A_651 = tpu.vector_load %arg8[%get3A_649, %get3A_650] {strides = array<i32>} : memref<128x128xf32, #tpu.memory_space<vmem>>, vector<1x16xf32>,
          %get3A_652 = vector.shape_cast %get3A_651 : vector<1x16xf32> to vector<16xf32>
          %add3A_653 = arith.addf %scan3A_610, %get3A_652 : vector<16xf32>
          %add3A_654 = arith.constant 0 : i32
          %add3A_655 = arith.addi %add3A_654, %scan3A_604 : i32
          %get3A_656 = arith.index_cast %add3A_655 : i32 to index
          %get3A_657 = arith.constant 96 : index
          %get3A_658 = tpu.vector_load %arg8[%get3A_656, %get3A_657] {strides = array<i32>} : memref<128x128xf32, #tpu.memory_space<vmem>>, vector<1x16xf32>,
          %get3A_659 = vector.shape_cast %get3A_658 : vector<1x16xf32> to vector<16xf32>
          %add3A_660 = arith.addf %scan3A_611, %get3A_659 : vector<16xf32>
          %add3A_661 = arith.constant 0 : i32
          %add3A_662 = arith.addi %add3A_661, %scan3A_604 : i32
          %get3A_663 = arith.index_cast %add3A_662 : i32 to index
          %get3A_664 = arith.constant 112 : index
          %get3A_665 = tpu.vector_load %arg8[%get3A_663, %get3A_664] {strides = array<i32>} : memref<128x128xf32, #tpu.memory_space<vmem>>, vector<1x16xf32>,
          %get3A_666 = vector.shape_cast %get3A_665 : vector<1x16xf32> to vector<16xf32>
          %add3A_667 = arith.addf %scan3A_612, %get3A_666 : vector<16xf32>
          scf.yield %add3A_618, %add3A_625, %add3A_632, %add3A_639, %add3A_646, %add3A_653, %add3A_660, %add3A_667 : vector<16xf32>, vector<16xf32>, vector<16xf32>, vector<16xf32>, vector<16xf32>, vector<16xf32>, vector<16xf32>, vector<16xf32>
        }
        %scan3A_170 = arith.constant 32 : i32
        %mul3A_171 = arith.constant 3.125000e-02 : f32
        %mul3A_172 = vector.broadcast %mul3A_171 : f32 to vector<16xf32>
        %mul3A_173 = arith.mulf %scan3A_169#0, %mul3A_172 : vector<16xf32>
        %swap3A = arith.constant 0 : i32
        %swap3A_174 = arith.constant 0 : i32
        %swap3A_175 = arith.index_cast %swap3A : i32 to index
        %swap3A_176 = arith.index_cast %swap3A_174 : i32 to index
        %swap3A_177 = arith.constant 0 : index
        %swap3A_178 = tpu.vector_load %arg10[%swap3A_175, %swap3A_176, %swap3A_177] {strides = array<i32>} : memref<2x4x128xf32, #tpu.memory_space<vmem>>, vector<1x1x16xf32>,
        %swap3A_179 = vector.shape_cast %swap3A_178 : vector<1x1x16xf32> to vector<16xf32>
        %swap3A_180 = vector.shape_cast %mul3A_173 : vector<16xf32> to vector<1x1x16xf32>
        tpu.vector_store %arg10[%swap3A_175, %swap3A_176, %swap3A_177], %swap3A_180 {strides = array<i32>} : memref<2x4x128xf32, #tpu.memory_space<vmem>>, vector<1x1x16xf32>,
        %mul3A_181 = arith.constant 3.125000e-02 : f32
        %mul3A_182 = vector.broadcast %mul3A_181 : f32 to vector<16xf32>
        %mul3A_183 = arith.mulf %scan3A_169#1, %mul3A_182 : vector<16xf32>
        %swap3A_184 = arith.constant 0 : i32
        %swap3A_185 = arith.constant 0 : i32
        %swap3A_186 = arith.index_cast %swap3A_184 : i32 to index
        %swap3A_187 = arith.index_cast %swap3A_185 : i32 to index
        %swap3A_188 = arith.constant 16 : index
        %swap3A_189 = tpu.vector_load %arg10[%swap3A_186, %swap3A_187, %swap3A_188] {strides = array<i32>} : memref<2x4x128xf32, #tpu.memory_space<vmem>>, vector<1x1x16xf32>,
        %swap3A_190 = vector.shape_cast %swap3A_189 : vector<1x1x16xf32> to vector<16xf32>
        %swap3A_191 = vector.shape_cast %mul3A_183 : vector<16xf32> to vector<1x1x16xf32>
        tpu.vector_store %arg10[%swap3A_186, %swap3A_187, %swap3A_188], %swap3A_191 {strides = array<i32>} : memref<2x4x128xf32, #tpu.memory_space<vmem>>, vector<1x1x16xf32>,
        %mul3A_192 = arith.constant 3.125000e-02 : f32
        %mul3A_193 = vector.broadcast %mul3A_192 : f32 to vector<16xf32>
        %mul3A_194 = arith.mulf %scan3A_169#2, %mul3A_193 : vector<16xf32>
        %swap3A_195 = arith.constant 0 : i32
        %swap3A_196 = arith.constant 0 : i32
        %swap3A_197 = arith.index_cast %swap3A_195 : i32 to index
        %swap3A_198 = arith.index_cast %swap3A_196 : i32 to index
        %swap3A_199 = arith.constant 32 : index
        %swap3A_200 = tpu.vector_load %arg10[%swap3A_197, %swap3A_198, %swap3A_199] {strides = array<i32>} : memref<2x4x128xf32, #tpu.memory_space<vmem>>, vector<1x1x16xf32>,
        %swap3A_201 = vector.shape_cast %swap3A_200 : vector<1x1x16xf32> to vector<16xf32>
        %swap3A_202 = vector.shape_cast %mul3A_194 : vector<16xf32> to vector<1x1x16xf32>
        tpu.vector_store %arg10[%swap3A_197, %swap3A_198, %swap3A_199], %swap3A_202 {strides = array<i32>} : memref<2x4x128xf32, #tpu.memory_space<vmem>>, vector<1x1x16xf32>,
        %mul3A_203 = arith.constant 3.125000e-02 : f32
        %mul3A_204 = vector.broadcast %mul3A_203 : f32 to vector<16xf32>
        %mul3A_205 = arith.mulf %scan3A_169#3, %mul3A_204 : vector<16xf32>
        %swap3A_206 = arith.constant 0 : i32
        %swap3A_207 = arith.constant 0 : i32
        %swap3A_208 = arith.index_cast %swap3A_206 : i32 to index
        %swap3A_209 = arith.index_cast %swap3A_207 : i32 to index
        %swap3A_210 = arith.constant 48 : index
        %swap3A_211 = tpu.vector_load %arg10[%swap3A_208, %swap3A_209, %swap3A_210] {strides = array<i32>} : memref<2x4x128xf32, #tpu.memory_space<vmem>>, vector<1x1x16xf32>,
        %swap3A_212 = vector.shape_cast %swap3A_211 : vector<1x1x16xf32> to vector<16xf32>
        %swap3A_213 = vector.shape_cast %mul3A_205 : vector<16xf32> to vector<1x1x16xf32>
        tpu.vector_store %arg10[%swap3A_208, %swap3A_209, %swap3A_210], %swap3A_213 {strides = array<i32>} : memref<2x4x128xf32, #tpu.memory_space<vmem>>, vector<1x1x16xf32>,
        %mul3A_214 = arith.constant 3.125000e-02 : f32
        %mul3A_215 = vector.broadcast %mul3A_214 : f32 to vector<16xf32>
        %mul3A_216 = arith.mulf %scan3A_169#4, %mul3A_215 : vector<16xf32>
        %swap3A_217 = arith.constant 0 : i32
        %swap3A_218 = arith.constant 0 : i32
        %swap3A_219 = arith.index_cast %swap3A_217 : i32 to index
        %swap3A_220 = arith.index_cast %swap3A_218 : i32 to index
        %swap3A_221 = arith.constant 64 : index
        %swap3A_222 = tpu.vector_load %arg10[%swap3A_219, %swap3A_220, %swap3A_221] {strides = array<i32>} : memref<2x4x128xf32, #tpu.memory_space<vmem>>, vector<1x1x16xf32>,
        %swap3A_223 = vector.shape_cast %swap3A_222 : vector<1x1x16xf32> to vector<16xf32>
        %swap3A_224 = vector.shape_cast %mul3A_216 : vector<16xf32> to vector<1x1x16xf32>
        tpu.vector_store %arg10[%swap3A_219, %swap3A_220, %swap3A_221], %swap3A_224 {strides = array<i32>} : memref<2x4x128xf32, #tpu.memory_space<vmem>>, vector<1x1x16xf32>,
        %mul3A_225 = arith.constant 3.125000e-02 : f32
        %mul3A_226 = vector.broadcast %mul3A_225 : f32 to vector<16xf32>
        %mul3A_227 = arith.mulf %scan3A_169#5, %mul3A_226 : vector<16xf32>
        %swap3A_228 = arith.constant 0 : i32
        %swap3A_229 = arith.constant 0 : i32
        %swap3A_230 = arith.index_cast %swap3A_228 : i32 to index
        %swap3A_231 = arith.index_cast %swap3A_229 : i32 to index
        %swap3A_232 = arith.constant 80 : index
        %swap3A_233 = tpu.vector_load %arg10[%swap3A_230, %swap3A_231, %swap3A_232] {strides = array<i32>} : memref<2x4x128xf32, #tpu.memory_space<vmem>>, vector<1x1x16xf32>,
        %swap3A_234 = vector.shape_cast %swap3A_233 : vector<1x1x16xf32> to vector<16xf32>
        %swap3A_235 = vector.shape_cast %mul3A_227 : vector<16xf32> to vector<1x1x16xf32>
        tpu.vector_store %arg10[%swap3A_230, %swap3A_231, %swap3A_232], %swap3A_235 {strides = array<i32>} : memref<2x4x128xf32, #tpu.memory_space<vmem>>, vector<1x1x16xf32>,
        %mul3A_236 = arith.constant 3.125000e-02 : f32
        %mul3A_237 = vector.broadcast %mul3A_236 : f32 to vector<16xf32>
        %mul3A_238 = arith.mulf %scan3A_169#6, %mul3A_237 : vector<16xf32>
        %swap3A_239 = arith.constant 0 : i32
        %swap3A_240 = arith.constant 0 : i32
        %swap3A_241 = arith.index_cast %swap3A_239 : i32 to index
        %swap3A_242 = arith.index_cast %swap3A_240 : i32 to index
        %swap3A_243 = arith.constant 96 : index
        %swap3A_244 = tpu.vector_load %arg10[%swap3A_241, %swap3A_242, %swap3A_243] {strides = array<i32>} : memref<2x4x128xf32, #tpu.memory_space<vmem>>, vector<1x1x16xf32>,
        %swap3A_245 = vector.shape_cast %swap3A_244 : vector<1x1x16xf32> to vector<16xf32>
        %swap3A_246 = vector.shape_cast %mul3A_238 : vector<16xf32> to vector<1x1x16xf32>
        tpu.vector_store %arg10[%swap3A_241, %swap3A_242, %swap3A_243], %swap3A_246 {strides = array<i32>} : memref<2x4x128xf32, #tpu.memory_space<vmem>>, vector<1x1x16xf32>,
        %mul3A_247 = arith.constant 3.125000e-02 : f32
        %mul3A_248 = vector.broadcast %mul3A_247 : f32 to vector<16xf32>
        %mul3A_249 = arith.mulf %scan3A_169#7, %mul3A_248 : vector<16xf32>
        %swap3A_250 = arith.constant 0 : i32
        %swap3A_251 = arith.constant 0 : i32
        %swap3A_252 = arith.index_cast %swap3A_250 : i32 to index
        %swap3A_253 = arith.index_cast %swap3A_251 : i32 to index
        %swap3A_254 = arith.constant 112 : index
        %swap3A_255 = tpu.vector_load %arg10[%swap3A_252, %swap3A_253, %swap3A_254] {strides = array<i32>} : memref<2x4x128xf32, #tpu.memory_space<vmem>>, vector<1x1x16xf32>,
        %swap3A_256 = vector.shape_cast %swap3A_255 : vector<1x1x16xf32> to vector<16xf32>
        %swap3A_257 = vector.shape_cast %mul3A_249 : vector<16xf32> to vector<1x1x16xf32>
        tpu.vector_store %arg10[%swap3A_252, %swap3A_253, %swap3A_254], %swap3A_257 {strides = array<i32>} : memref<2x4x128xf32, #tpu.memory_space<vmem>>, vector<1x1x16xf32>,
        %broadcast_in_dim3A_258 = arith.constant 0.000000e+00 : f32
        %broadcast_in_dim3A_259 = vector.broadcast %broadcast_in_dim3A_258 : f32 to vector<16xf32>
        %broadcast_in_dim3A_260 = arith.constant 0.000000e+00 : f32
        %broadcast_in_dim3A_261 = vector.broadcast %broadcast_in_dim3A_260 : f32 to vector<16xf32>
        %broadcast_in_dim3A_262 = arith.constant 0.000000e+00 : f32
        %broadcast_in_dim3A_263 = vector.broadcast %broadcast_in_dim3A_262 : f32 to vector<16xf32>
        %broadcast_in_dim3A_264 = arith.constant 0.000000e+00 : f32
        %broadcast_in_dim3A_265 = vector.broadcast %broadcast_in_dim3A_264 : f32 to vector<16xf32>
        %broadcast_in_dim3A_266 = arith.constant 0.000000e+00 : f32
        %broadcast_in_dim3A_267 = vector.broadcast %broadcast_in_dim3A_266 : f32 to vector<16xf32>
        %broadcast_in_dim3A_268 = arith.constant 0.000000e+00 : f32
        %broadcast_in_dim3A_269 = vector.broadcast %broadcast_in_dim3A_268 : f32 to vector<16xf32>
        %broadcast_in_dim3A_270 = arith.constant 0.000000e+00 : f32
        %broadcast_in_dim3A_271 = vector.broadcast %broadcast_in_dim3A_270 : f32 to vector<16xf32>
        %broadcast_in_dim3A_272 = arith.constant 0.000000e+00 : f32
        %broadcast_in_dim3A_273 = vector.broadcast %broadcast_in_dim3A_272 : f32 to vector<16xf32>
        %scan3A_274 = arith.constant 0 : i32
        %scan3A_275 = arith.constant 32 : i32
        %scan3A_276 = arith.addi %scan3A_274, %scan3A_275 : i32
        %scan3A_277 = arith.constant 1 : i32
        %scan3A_278:8 = scf.for %scan3A_604 = %scan3A_274 to %scan3A_276 step %scan3A_277 iter_args(%scan3A_605 = %broadcast_in_dim3A_259, %scan3A_606 = %broadcast_in_dim3A_261, %scan3A_607 = %broadcast_in_dim3A_263, %scan3A_608 = %broadcast_in_dim3A_265, %scan3A_609 = %broadcast_in_dim3A_267, %scan3A_610 = %broadcast_in_dim3A_269, %scan3A_611 = %broadcast_in_dim3A_271, %scan3A_612 = %broadcast_in_dim3A_273) -> (vector<16xf32>, vector<16xf32>, vector<16xf32>, vector<16xf32>, vector<16xf32>, vector<16xf32>, vector<16xf32>, vector<16xf32>)  : i32 {
          %add3A_613 = arith.constant 32 : i32
          %add3A_614 = arith.addi %add3A_613, %scan3A_604 : i32
          %get3A = arith.index_cast %add3A_614 : i32 to index
          %get3A_615 = arith.constant 0 : index
          %get3A_616 = tpu.vector_load %arg8[%get3A, %get3A_615] {strides = array<i32>} : memref<128x128xf32, #tpu.memory_space<vmem>>, vector<1x16xf32>,
          %get3A_617 = vector.shape_cast %get3A_616 : vector<1x16xf32> to vector<16xf32>
          %add3A_618 = arith.addf %scan3A_605, %get3A_617 : vector<16xf32>
          %add3A_619 = arith.constant 32 : i32
          %add3A_620 = arith.addi %add3A_619, %scan3A_604 : i32
          %get3A_621 = arith.index_cast %add3A_620 : i32 to index
          %get3A_622 = arith.constant 16 : index
          %get3A_623 = tpu.vector_load %arg8[%get3A_621, %get3A_622] {strides = array<i32>} : memref<128x128xf32, #tpu.memory_space<vmem>>, vector<1x16xf32>,
          %get3A_624 = vector.shape_cast %get3A_623 : vector<1x16xf32> to vector<16xf32>
          %add3A_625 = arith.addf %scan3A_606, %get3A_624 : vector<16xf32>
          %add3A_626 = arith.constant 32 : i32
          %add3A_627 = arith.addi %add3A_626, %scan3A_604 : i32
          %get3A_628 = arith.index_cast %add3A_627 : i32 to index
          %get3A_629 = arith.constant 32 : index
          %get3A_630 = tpu.vector_load %arg8[%get3A_628, %get3A_629] {strides = array<i32>} : memref<128x128xf32, #tpu.memory_space<vmem>>, vector<1x16xf32>,
          %get3A_631 = vector.shape_cast %get3A_630 : vector<1x16xf32> to vector<16xf32>
          %add3A_632 = arith.addf %scan3A_607, %get3A_631 : vector<16xf32>
          %add3A_633 = arith.constant 32 : i32
          %add3A_634 = arith.addi %add3A_633, %scan3A_604 : i32
          %get3A_635 = arith.index_cast %add3A_634 : i32 to index
          %get3A_636 = arith.constant 48 : index
          %get3A_637 = tpu.vector_load %arg8[%get3A_635, %get3A_636] {strides = array<i32>} : memref<128x128xf32, #tpu.memory_space<vmem>>, vector<1x16xf32>,
          %get3A_638 = vector.shape_cast %get3A_637 : vector<1x16xf32> to vector<16xf32>
          %add3A_639 = arith.addf %scan3A_608, %get3A_638 : vector<16xf32>
          %add3A_640 = arith.constant 32 : i32
          %add3A_641 = arith.addi %add3A_640, %scan3A_604 : i32
          %get3A_642 = arith.index_cast %add3A_641 : i32 to index
          %get3A_643 = arith.constant 64 : index
          %get3A_644 = tpu.vector_load %arg8[%get3A_642, %get3A_643] {strides = array<i32>} : memref<128x128xf32, #tpu.memory_space<vmem>>, vector<1x16xf32>,
          %get3A_645 = vector.shape_cast %get3A_644 : vector<1x16xf32> to vector<16xf32>
          %add3A_646 = arith.addf %scan3A_609, %get3A_645 : vector<16xf32>
          %add3A_647 = arith.constant 32 : i32
          %add3A_648 = arith.addi %add3A_647, %scan3A_604 : i32
          %get3A_649 = arith.index_cast %add3A_648 : i32 to index
          %get3A_650 = arith.constant 80 : index
          %get3A_651 = tpu.vector_load %arg8[%get3A_649, %get3A_650] {strides = array<i32>} : memref<128x128xf32, #tpu.memory_space<vmem>>, vector<1x16xf32>,
          %get3A_652 = vector.shape_cast %get3A_651 : vector<1x16xf32> to vector<16xf32>
          %add3A_653 = arith.addf %scan3A_610, %get3A_652 : vector<16xf32>
          %add3A_654 = arith.constant 32 : i32
          %add3A_655 = arith.addi %add3A_654, %scan3A_604 : i32
          %get3A_656 = arith.index_cast %add3A_655 : i32 to index
          %get3A_657 = arith.constant 96 : index
          %get3A_658 = tpu.vector_load %arg8[%get3A_656, %get3A_657] {strides = array<i32>} : memref<128x128xf32, #tpu.memory_space<vmem>>, vector<1x16xf32>,
          %get3A_659 = vector.shape_cast %get3A_658 : vector<1x16xf32> to vector<16xf32>
          %add3A_660 = arith.addf %scan3A_611, %get3A_659 : vector<16xf32>
          %add3A_661 = arith.constant 32 : i32
          %add3A_662 = arith.addi %add3A_661, %scan3A_604 : i32
          %get3A_663 = arith.index_cast %add3A_662 : i32 to index
          %get3A_664 = arith.constant 112 : index
          %get3A_665 = tpu.vector_load %arg8[%get3A_663, %get3A_664] {strides = array<i32>} : memref<128x128xf32, #tpu.memory_space<vmem>>, vector<1x16xf32>,
          %get3A_666 = vector.shape_cast %get3A_665 : vector<1x16xf32> to vector<16xf32>
          %add3A_667 = arith.addf %scan3A_612, %get3A_666 : vector<16xf32>
          scf.yield %add3A_618, %add3A_625, %add3A_632, %add3A_639, %add3A_646, %add3A_653, %add3A_660, %add3A_667 : vector<16xf32>, vector<16xf32>, vector<16xf32>, vector<16xf32>, vector<16xf32>, vector<16xf32>, vector<16xf32>, vector<16xf32>
        }
        %scan3A_279 = arith.constant 32 : i32
        %mul3A_280 = arith.constant 3.125000e-02 : f32
        %mul3A_281 = vector.broadcast %mul3A_280 : f32 to vector<16xf32>
        %mul3A_282 = arith.mulf %scan3A_278#0, %mul3A_281 : vector<16xf32>
        %swap3A_283 = arith.constant 0 : i32
        %swap3A_284 = arith.constant 1 : i32
        %swap3A_285 = arith.index_cast %swap3A_283 : i32 to index
        %swap3A_286 = arith.index_cast %swap3A_284 : i32 to index
        %swap3A_287 = arith.constant 0 : index
        %swap3A_288 = tpu.vector_load %arg10[%swap3A_285, %swap3A_286, %swap3A_287] {strides = array<i32>} : memref<2x4x128xf32, #tpu.memory_space<vmem>>, vector<1x1x16xf32>,
        %swap3A_289 = vector.shape_cast %swap3A_288 : vector<1x1x16xf32> to vector<16xf32>
        %swap3A_290 = vector.shape_cast %mul3A_282 : vector<16xf32> to vector<1x1x16xf32>
        tpu.vector_store %arg10[%swap3A_285, %swap3A_286, %swap3A_287], %swap3A_290 {strides = array<i32>} : memref<2x4x128xf32, #tpu.memory_space<vmem>>, vector<1x1x16xf32>,
        %mul3A_291 = arith.constant 3.125000e-02 : f32
        %mul3A_292 = vector.broadcast %mul3A_291 : f32 to vector<16xf32>
        %mul3A_293 = arith.mulf %scan3A_278#1, %mul3A_292 : vector<16xf32>
        %swap3A_294 = arith.constant 0 : i32
        %swap3A_295 = arith.constant 1 : i32
        %swap3A_296 = arith.index_cast %swap3A_294 : i32 to index
        %swap3A_297 = arith.index_cast %swap3A_295 : i32 to index
        %swap3A_298 = arith.constant 16 : index
        %swap3A_299 = tpu.vector_load %arg10[%swap3A_296, %swap3A_297, %swap3A_298] {strides = array<i32>} : memref<2x4x128xf32, #tpu.memory_space<vmem>>, vector<1x1x16xf32>,
        %swap3A_300 = vector.shape_cast %swap3A_299 : vector<1x1x16xf32> to vector<16xf32>
        %swap3A_301 = vector.shape_cast %mul3A_293 : vector<16xf32> to vector<1x1x16xf32>
        tpu.vector_store %arg10[%swap3A_296, %swap3A_297, %swap3A_298], %swap3A_301 {strides = array<i32>} : memref<2x4x128xf32, #tpu.memory_space<vmem>>, vector<1x1x16xf32>,
        %mul3A_302 = arith.constant 3.125000e-02 : f32
        %mul3A_303 = vector.broadcast %mul3A_302 : f32 to vector<16xf32>
        %mul3A_304 = arith.mulf %scan3A_278#2, %mul3A_303 : vector<16xf32>
        %swap3A_305 = arith.constant 0 : i32
        %swap3A_306 = arith.constant 1 : i32
        %swap3A_307 = arith.index_cast %swap3A_305 : i32 to index
        %swap3A_308 = arith.index_cast %swap3A_306 : i32 to index
        %swap3A_309 = arith.constant 32 : index
        %swap3A_310 = tpu.vector_load %arg10[%swap3A_307, %swap3A_308, %swap3A_309] {strides = array<i32>} : memref<2x4x128xf32, #tpu.memory_space<vmem>>, vector<1x1x16xf32>,
        %swap3A_311 = vector.shape_cast %swap3A_310 : vector<1x1x16xf32> to vector<16xf32>
        %swap3A_312 = vector.shape_cast %mul3A_304 : vector<16xf32> to vector<1x1x16xf32>
        tpu.vector_store %arg10[%swap3A_307, %swap3A_308, %swap3A_309], %swap3A_312 {strides = array<i32>} : memref<2x4x128xf32, #tpu.memory_space<vmem>>, vector<1x1x16xf32>,
        %mul3A_313 = arith.constant 3.125000e-02 : f32
        %mul3A_314 = vector.broadcast %mul3A_313 : f32 to vector<16xf32>
        %mul3A_315 = arith.mulf %scan3A_278#3, %mul3A_314 : vector<16xf32>
        %swap3A_316 = arith.constant 0 : i32
        %swap3A_317 = arith.constant 1 : i32
        %swap3A_318 = arith.index_cast %swap3A_316 : i32 to index
        %swap3A_319 = arith.index_cast %swap3A_317 : i32 to index
        %swap3A_320 = arith.constant 48 : index
        %swap3A_321 = tpu.vector_load %arg10[%swap3A_318, %swap3A_319, %swap3A_320] {strides = array<i32>} : memref<2x4x128xf32, #tpu.memory_space<vmem>>, vector<1x1x16xf32>,
        %swap3A_322 = vector.shape_cast %swap3A_321 : vector<1x1x16xf32> to vector<16xf32>
        %swap3A_323 = vector.shape_cast %mul3A_315 : vector<16xf32> to vector<1x1x16xf32>
        tpu.vector_store %arg10[%swap3A_318, %swap3A_319, %swap3A_320], %swap3A_323 {strides = array<i32>} : memref<2x4x128xf32, #tpu.memory_space<vmem>>, vector<1x1x16xf32>,
        %mul3A_324 = arith.constant 3.125000e-02 : f32
        %mul3A_325 = vector.broadcast %mul3A_324 : f32 to vector<16xf32>
        %mul3A_326 = arith.mulf %scan3A_278#4, %mul3A_325 : vector<16xf32>
        %swap3A_327 = arith.constant 0 : i32
        %swap3A_328 = arith.constant 1 : i32
        %swap3A_329 = arith.index_cast %swap3A_327 : i32 to index
        %swap3A_330 = arith.index_cast %swap3A_328 : i32 to index
        %swap3A_331 = arith.constant 64 : index
        %swap3A_332 = tpu.vector_load %arg10[%swap3A_329, %swap3A_330, %swap3A_331] {strides = array<i32>} : memref<2x4x128xf32, #tpu.memory_space<vmem>>, vector<1x1x16xf32>,
        %swap3A_333 = vector.shape_cast %swap3A_332 : vector<1x1x16xf32> to vector<16xf32>
        %swap3A_334 = vector.shape_cast %mul3A_326 : vector<16xf32> to vector<1x1x16xf32>
        tpu.vector_store %arg10[%swap3A_329, %swap3A_330, %swap3A_331], %swap3A_334 {strides = array<i32>} : memref<2x4x128xf32, #tpu.memory_space<vmem>>, vector<1x1x16xf32>,
        %mul3A_335 = arith.constant 3.125000e-02 : f32
        %mul3A_336 = vector.broadcast %mul3A_335 : f32 to vector<16xf32>
        %mul3A_337 = arith.mulf %scan3A_278#5, %mul3A_336 : vector<16xf32>
        %swap3A_338 = arith.constant 0 : i32
        %swap3A_339 = arith.constant 1 : i32
        %swap3A_340 = arith.index_cast %swap3A_338 : i32 to index
        %swap3A_341 = arith.index_cast %swap3A_339 : i32 to index
        %swap3A_342 = arith.constant 80 : index
        %swap3A_343 = tpu.vector_load %arg10[%swap3A_340, %swap3A_341, %swap3A_342] {strides = array<i32>} : memref<2x4x128xf32, #tpu.memory_space<vmem>>, vector<1x1x16xf32>,
        %swap3A_344 = vector.shape_cast %swap3A_343 : vector<1x1x16xf32> to vector<16xf32>
        %swap3A_345 = vector.shape_cast %mul3A_337 : vector<16xf32> to vector<1x1x16xf32>
        tpu.vector_store %arg10[%swap3A_340, %swap3A_341, %swap3A_342], %swap3A_345 {strides = array<i32>} : memref<2x4x128xf32, #tpu.memory_space<vmem>>, vector<1x1x16xf32>,
        %mul3A_346 = arith.constant 3.125000e-02 : f32
        %mul3A_347 = vector.broadcast %mul3A_346 : f32 to vector<16xf32>
        %mul3A_348 = arith.mulf %scan3A_278#6, %mul3A_347 : vector<16xf32>
        %swap3A_349 = arith.constant 0 : i32
        %swap3A_350 = arith.constant 1 : i32
        %swap3A_351 = arith.index_cast %swap3A_349 : i32 to index
        %swap3A_352 = arith.index_cast %swap3A_350 : i32 to index
        %swap3A_353 = arith.constant 96 : index
        %swap3A_354 = tpu.vector_load %arg10[%swap3A_351, %swap3A_352, %swap3A_353] {strides = array<i32>} : memref<2x4x128xf32, #tpu.memory_space<vmem>>, vector<1x1x16xf32>,
        %swap3A_355 = vector.shape_cast %swap3A_354 : vector<1x1x16xf32> to vector<16xf32>
        %swap3A_356 = vector.shape_cast %mul3A_348 : vector<16xf32> to vector<1x1x16xf32>
        tpu.vector_store %arg10[%swap3A_351, %swap3A_352, %swap3A_353], %swap3A_356 {strides = array<i32>} : memref<2x4x128xf32, #tpu.memory_space<vmem>>, vector<1x1x16xf32>,
        %mul3A_357 = arith.constant 3.125000e-02 : f32
        %mul3A_358 = vector.broadcast %mul3A_357 : f32 to vector<16xf32>
        %mul3A_359 = arith.mulf %scan3A_278#7, %mul3A_358 : vector<16xf32>
        %swap3A_360 = arith.constant 0 : i32
        %swap3A_361 = arith.constant 1 : i32
        %swap3A_362 = arith.index_cast %swap3A_360 : i32 to index
        %swap3A_363 = arith.index_cast %swap3A_361 : i32 to index
        %swap3A_364 = arith.constant 112 : index
        %swap3A_365 = tpu.vector_load %arg10[%swap3A_362, %swap3A_363, %swap3A_364] {strides = array<i32>} : memref<2x4x128xf32, #tpu.memory_space<vmem>>, vector<1x1x16xf32>,
        %swap3A_366 = vector.shape_cast %swap3A_365 : vector<1x1x16xf32> to vector<16xf32>
        %swap3A_367 = vector.shape_cast %mul3A_359 : vector<16xf32> to vector<1x1x16xf32>
        tpu.vector_store %arg10[%swap3A_362, %swap3A_363, %swap3A_364], %swap3A_367 {strides = array<i32>} : memref<2x4x128xf32, #tpu.memory_space<vmem>>, vector<1x1x16xf32>,
        %broadcast_in_dim3A_368 = arith.constant 0.000000e+00 : f32
        %broadcast_in_dim3A_369 = vector.broadcast %broadcast_in_dim3A_368 : f32 to vector<16xf32>
        %broadcast_in_dim3A_370 = arith.constant 0.000000e+00 : f32
        %broadcast_in_dim3A_371 = vector.broadcast %broadcast_in_dim3A_370 : f32 to vector<16xf32>
        %broadcast_in_dim3A_372 = arith.constant 0.000000e+00 : f32
        %broadcast_in_dim3A_373 = vector.broadcast %broadcast_in_dim3A_372 : f32 to vector<16xf32>
        %broadcast_in_dim3A_374 = arith.constant 0.000000e+00 : f32
        %broadcast_in_dim3A_375 = vector.broadcast %broadcast_in_dim3A_374 : f32 to vector<16xf32>
        %broadcast_in_dim3A_376 = arith.constant 0.000000e+00 : f32
        %broadcast_in_dim3A_377 = vector.broadcast %broadcast_in_dim3A_376 : f32 to vector<16xf32>
        %broadcast_in_dim3A_378 = arith.constant 0.000000e+00 : f32
        %broadcast_in_dim3A_379 = vector.broadcast %broadcast_in_dim3A_378 : f32 to vector<16xf32>
        %broadcast_in_dim3A_380 = arith.constant 0.000000e+00 : f32
        %broadcast_in_dim3A_381 = vector.broadcast %broadcast_in_dim3A_380 : f32 to vector<16xf32>
        %broadcast_in_dim3A_382 = arith.constant 0.000000e+00 : f32
        %broadcast_in_dim3A_383 = vector.broadcast %broadcast_in_dim3A_382 : f32 to vector<16xf32>
        %scan3A_384 = arith.constant 0 : i32
        %scan3A_385 = arith.constant 32 : i32
        %scan3A_386 = arith.addi %scan3A_384, %scan3A_385 : i32
        %scan3A_387 = arith.constant 1 : i32
        %scan3A_388:8 = scf.for %scan3A_604 = %scan3A_384 to %scan3A_386 step %scan3A_387 iter_args(%scan3A_605 = %broadcast_in_dim3A_369, %scan3A_606 = %broadcast_in_dim3A_371, %scan3A_607 = %broadcast_in_dim3A_373, %scan3A_608 = %broadcast_in_dim3A_375, %scan3A_609 = %broadcast_in_dim3A_377, %scan3A_610 = %broadcast_in_dim3A_379, %scan3A_611 = %broadcast_in_dim3A_381, %scan3A_612 = %broadcast_in_dim3A_383) -> (vector<16xf32>, vector<16xf32>, vector<16xf32>, vector<16xf32>, vector<16xf32>, vector<16xf32>, vector<16xf32>, vector<16xf32>)  : i32 {
          %add3A_613 = arith.constant 64 : i32
          %add3A_614 = arith.addi %add3A_613, %scan3A_604 : i32
          %get3A = arith.index_cast %add3A_614 : i32 to index
          %get3A_615 = arith.constant 0 : index
          %get3A_616 = tpu.vector_load %arg8[%get3A, %get3A_615] {strides = array<i32>} : memref<128x128xf32, #tpu.memory_space<vmem>>, vector<1x16xf32>,
          %get3A_617 = vector.shape_cast %get3A_616 : vector<1x16xf32> to vector<16xf32>
          %add3A_618 = arith.addf %scan3A_605, %get3A_617 : vector<16xf32>
          %add3A_619 = arith.constant 64 : i32
          %add3A_620 = arith.addi %add3A_619, %scan3A_604 : i32
          %get3A_621 = arith.index_cast %add3A_620 : i32 to index
          %get3A_622 = arith.constant 16 : index
          %get3A_623 = tpu.vector_load %arg8[%get3A_621, %get3A_622] {strides = array<i32>} : memref<128x128xf32, #tpu.memory_space<vmem>>, vector<1x16xf32>,
          %get3A_624 = vector.shape_cast %get3A_623 : vector<1x16xf32> to vector<16xf32>
          %add3A_625 = arith.addf %scan3A_606, %get3A_624 : vector<16xf32>
          %add3A_626 = arith.constant 64 : i32
          %add3A_627 = arith.addi %add3A_626, %scan3A_604 : i32
          %get3A_628 = arith.index_cast %add3A_627 : i32 to index
          %get3A_629 = arith.constant 32 : index
          %get3A_630 = tpu.vector_load %arg8[%get3A_628, %get3A_629] {strides = array<i32>} : memref<128x128xf32, #tpu.memory_space<vmem>>, vector<1x16xf32>,
          %get3A_631 = vector.shape_cast %get3A_630 : vector<1x16xf32> to vector<16xf32>
          %add3A_632 = arith.addf %scan3A_607, %get3A_631 : vector<16xf32>
          %add3A_633 = arith.constant 64 : i32
          %add3A_634 = arith.addi %add3A_633, %scan3A_604 : i32
          %get3A_635 = arith.index_cast %add3A_634 : i32 to index
          %get3A_636 = arith.constant 48 : index
          %get3A_637 = tpu.vector_load %arg8[%get3A_635, %get3A_636] {strides = array<i32>} : memref<128x128xf32, #tpu.memory_space<vmem>>, vector<1x16xf32>,
          %get3A_638 = vector.shape_cast %get3A_637 : vector<1x16xf32> to vector<16xf32>
          %add3A_639 = arith.addf %scan3A_608, %get3A_638 : vector<16xf32>
          %add3A_640 = arith.constant 64 : i32
          %add3A_641 = arith.addi %add3A_640, %scan3A_604 : i32
          %get3A_642 = arith.index_cast %add3A_641 : i32 to index
          %get3A_643 = arith.constant 64 : index
          %get3A_644 = tpu.vector_load %arg8[%get3A_642, %get3A_643] {strides = array<i32>} : memref<128x128xf32, #tpu.memory_space<vmem>>, vector<1x16xf32>,
          %get3A_645 = vector.shape_cast %get3A_644 : vector<1x16xf32> to vector<16xf32>
          %add3A_646 = arith.addf %scan3A_609, %get3A_645 : vector<16xf32>
          %add3A_647 = arith.constant 64 : i32
          %add3A_648 = arith.addi %add3A_647, %scan3A_604 : i32
          %get3A_649 = arith.index_cast %add3A_648 : i32 to index
          %get3A_650 = arith.constant 80 : index
          %get3A_651 = tpu.vector_load %arg8[%get3A_649, %get3A_650] {strides = array<i32>} : memref<128x128xf32, #tpu.memory_space<vmem>>, vector<1x16xf32>,
          %get3A_652 = vector.shape_cast %get3A_651 : vector<1x16xf32> to vector<16xf32>
          %add3A_653 = arith.addf %scan3A_610, %get3A_652 : vector<16xf32>
          %add3A_654 = arith.constant 64 : i32
          %add3A_655 = arith.addi %add3A_654, %scan3A_604 : i32
          %get3A_656 = arith.index_cast %add3A_655 : i32 to index
          %get3A_657 = arith.constant 96 : index
          %get3A_658 = tpu.vector_load %arg8[%get3A_656, %get3A_657] {strides = array<i32>} : memref<128x128xf32, #tpu.memory_space<vmem>>, vector<1x16xf32>,
          %get3A_659 = vector.shape_cast %get3A_658 : vector<1x16xf32> to vector<16xf32>
          %add3A_660 = arith.addf %scan3A_611, %get3A_659 : vector<16xf32>
          %add3A_661 = arith.constant 64 : i32
          %add3A_662 = arith.addi %add3A_661, %scan3A_604 : i32
          %get3A_663 = arith.index_cast %add3A_662 : i32 to index
          %get3A_664 = arith.constant 112 : index
          %get3A_665 = tpu.vector_load %arg8[%get3A_663, %get3A_664] {strides = array<i32>} : memref<128x128xf32, #tpu.memory_space<vmem>>, vector<1x16xf32>,
          %get3A_666 = vector.shape_cast %get3A_665 : vector<1x16xf32> to vector<16xf32>
          %add3A_667 = arith.addf %scan3A_612, %get3A_666 : vector<16xf32>
          scf.yield %add3A_618, %add3A_625, %add3A_632, %add3A_639, %add3A_646, %add3A_653, %add3A_660, %add3A_667 : vector<16xf32>, vector<16xf32>, vector<16xf32>, vector<16xf32>, vector<16xf32>, vector<16xf32>, vector<16xf32>, vector<16xf32>
        }
        %scan3A_389 = arith.constant 32 : i32
        %mul3A_390 = arith.constant 3.125000e-02 : f32
        %mul3A_391 = vector.broadcast %mul3A_390 : f32 to vector<16xf32>
        %mul3A_392 = arith.mulf %scan3A_388#0, %mul3A_391 : vector<16xf32>
        %swap3A_393 = arith.constant 0 : i32
        %swap3A_394 = arith.constant 2 : i32
        %swap3A_395 = arith.index_cast %swap3A_393 : i32 to index
        %swap3A_396 = arith.index_cast %swap3A_394 : i32 to index
        %swap3A_397 = arith.constant 0 : index
        %swap3A_398 = tpu.vector_load %arg10[%swap3A_395, %swap3A_396, %swap3A_397] {strides = array<i32>} : memref<2x4x128xf32, #tpu.memory_space<vmem>>, vector<1x1x16xf32>,
        %swap3A_399 = vector.shape_cast %swap3A_398 : vector<1x1x16xf32> to vector<16xf32>
        %swap3A_400 = vector.shape_cast %mul3A_392 : vector<16xf32> to vector<1x1x16xf32>
        tpu.vector_store %arg10[%swap3A_395, %swap3A_396, %swap3A_397], %swap3A_400 {strides = array<i32>} : memref<2x4x128xf32, #tpu.memory_space<vmem>>, vector<1x1x16xf32>,
        %mul3A_401 = arith.constant 3.125000e-02 : f32
        %mul3A_402 = vector.broadcast %mul3A_401 : f32 to vector<16xf32>
        %mul3A_403 = arith.mulf %scan3A_388#1, %mul3A_402 : vector<16xf32>
        %swap3A_404 = arith.constant 0 : i32
        %swap3A_405 = arith.constant 2 : i32
        %swap3A_406 = arith.index_cast %swap3A_404 : i32 to index
        %swap3A_407 = arith.index_cast %swap3A_405 : i32 to index
        %swap3A_408 = arith.constant 16 : index
        %swap3A_409 = tpu.vector_load %arg10[%swap3A_406, %swap3A_407, %swap3A_408] {strides = array<i32>} : memref<2x4x128xf32, #tpu.memory_space<vmem>>, vector<1x1x16xf32>,
        %swap3A_410 = vector.shape_cast %swap3A_409 : vector<1x1x16xf32> to vector<16xf32>
        %swap3A_411 = vector.shape_cast %mul3A_403 : vector<16xf32> to vector<1x1x16xf32>
        tpu.vector_store %arg10[%swap3A_406, %swap3A_407, %swap3A_408], %swap3A_411 {strides = array<i32>} : memref<2x4x128xf32, #tpu.memory_space<vmem>>, vector<1x1x16xf32>,
        %mul3A_412 = arith.constant 3.125000e-02 : f32
        %mul3A_413 = vector.broadcast %mul3A_412 : f32 to vector<16xf32>
        %mul3A_414 = arith.mulf %scan3A_388#2, %mul3A_413 : vector<16xf32>
        %swap3A_415 = arith.constant 0 : i32
        %swap3A_416 = arith.constant 2 : i32
        %swap3A_417 = arith.index_cast %swap3A_415 : i32 to index
        %swap3A_418 = arith.index_cast %swap3A_416 : i32 to index
        %swap3A_419 = arith.constant 32 : index
        %swap3A_420 = tpu.vector_load %arg10[%swap3A_417, %swap3A_418, %swap3A_419] {strides = array<i32>} : memref<2x4x128xf32, #tpu.memory_space<vmem>>, vector<1x1x16xf32>,
        %swap3A_421 = vector.shape_cast %swap3A_420 : vector<1x1x16xf32> to vector<16xf32>
        %swap3A_422 = vector.shape_cast %mul3A_414 : vector<16xf32> to vector<1x1x16xf32>
        tpu.vector_store %arg10[%swap3A_417, %swap3A_418, %swap3A_419], %swap3A_422 {strides = array<i32>} : memref<2x4x128xf32, #tpu.memory_space<vmem>>, vector<1x1x16xf32>,
        %mul3A_423 = arith.constant 3.125000e-02 : f32
        %mul3A_424 = vector.broadcast %mul3A_423 : f32 to vector<16xf32>
        %mul3A_425 = arith.mulf %scan3A_388#3, %mul3A_424 : vector<16xf32>
        %swap3A_426 = arith.constant 0 : i32
        %swap3A_427 = arith.constant 2 : i32
        %swap3A_428 = arith.index_cast %swap3A_426 : i32 to index
        %swap3A_429 = arith.index_cast %swap3A_427 : i32 to index
        %swap3A_430 = arith.constant 48 : index
        %swap3A_431 = tpu.vector_load %arg10[%swap3A_428, %swap3A_429, %swap3A_430] {strides = array<i32>} : memref<2x4x128xf32, #tpu.memory_space<vmem>>, vector<1x1x16xf32>,
        %swap3A_432 = vector.shape_cast %swap3A_431 : vector<1x1x16xf32> to vector<16xf32>
        %swap3A_433 = vector.shape_cast %mul3A_425 : vector<16xf32> to vector<1x1x16xf32>
        tpu.vector_store %arg10[%swap3A_428, %swap3A_429, %swap3A_430], %swap3A_433 {strides = array<i32>} : memref<2x4x128xf32, #tpu.memory_space<vmem>>, vector<1x1x16xf32>,
        %mul3A_434 = arith.constant 3.125000e-02 : f32
        %mul3A_435 = vector.broadcast %mul3A_434 : f32 to vector<16xf32>
        %mul3A_436 = arith.mulf %scan3A_388#4, %mul3A_435 : vector<16xf32>
        %swap3A_437 = arith.constant 0 : i32
        %swap3A_438 = arith.constant 2 : i32
        %swap3A_439 = arith.index_cast %swap3A_437 : i32 to index
        %swap3A_440 = arith.index_cast %swap3A_438 : i32 to index
        %swap3A_441 = arith.constant 64 : index
        %swap3A_442 = tpu.vector_load %arg10[%swap3A_439, %swap3A_440, %swap3A_441] {strides = array<i32>} : memref<2x4x128xf32, #tpu.memory_space<vmem>>, vector<1x1x16xf32>,
        %swap3A_443 = vector.shape_cast %swap3A_442 : vector<1x1x16xf32> to vector<16xf32>
        %swap3A_444 = vector.shape_cast %mul3A_436 : vector<16xf32> to vector<1x1x16xf32>
        tpu.vector_store %arg10[%swap3A_439, %swap3A_440, %swap3A_441], %swap3A_444 {strides = array<i32>} : memref<2x4x128xf32, #tpu.memory_space<vmem>>, vector<1x1x16xf32>,
        %mul3A_445 = arith.constant 3.125000e-02 : f32
        %mul3A_446 = vector.broadcast %mul3A_445 : f32 to vector<16xf32>
        %mul3A_447 = arith.mulf %scan3A_388#5, %mul3A_446 : vector<16xf32>
        %swap3A_448 = arith.constant 0 : i32
        %swap3A_449 = arith.constant 2 : i32
        %swap3A_450 = arith.index_cast %swap3A_448 : i32 to index
        %swap3A_451 = arith.index_cast %swap3A_449 : i32 to index
        %swap3A_452 = arith.constant 80 : index
        %swap3A_453 = tpu.vector_load %arg10[%swap3A_450, %swap3A_451, %swap3A_452] {strides = array<i32>} : memref<2x4x128xf32, #tpu.memory_space<vmem>>, vector<1x1x16xf32>,
        %swap3A_454 = vector.shape_cast %swap3A_453 : vector<1x1x16xf32> to vector<16xf32>
        %swap3A_455 = vector.shape_cast %mul3A_447 : vector<16xf32> to vector<1x1x16xf32>
        tpu.vector_store %arg10[%swap3A_450, %swap3A_451, %swap3A_452], %swap3A_455 {strides = array<i32>} : memref<2x4x128xf32, #tpu.memory_space<vmem>>, vector<1x1x16xf32>,
        %mul3A_456 = arith.constant 3.125000e-02 : f32
        %mul3A_457 = vector.broadcast %mul3A_456 : f32 to vector<16xf32>
        %mul3A_458 = arith.mulf %scan3A_388#6, %mul3A_457 : vector<16xf32>
        %swap3A_459 = arith.constant 0 : i32
        %swap3A_460 = arith.constant 2 : i32
        %swap3A_461 = arith.index_cast %swap3A_459 : i32 to index
        %swap3A_462 = arith.index_cast %swap3A_460 : i32 to index
        %swap3A_463 = arith.constant 96 : index
        %swap3A_464 = tpu.vector_load %arg10[%swap3A_461, %swap3A_462, %swap3A_463] {strides = array<i32>} : memref<2x4x128xf32, #tpu.memory_space<vmem>>, vector<1x1x16xf32>,
        %swap3A_465 = vector.shape_cast %swap3A_464 : vector<1x1x16xf32> to vector<16xf32>
        %swap3A_466 = vector.shape_cast %mul3A_458 : vector<16xf32> to vector<1x1x16xf32>
        tpu.vector_store %arg10[%swap3A_461, %swap3A_462, %swap3A_463], %swap3A_466 {strides = array<i32>} : memref<2x4x128xf32, #tpu.memory_space<vmem>>, vector<1x1x16xf32>,
        %mul3A_467 = arith.constant 3.125000e-02 : f32
        %mul3A_468 = vector.broadcast %mul3A_467 : f32 to vector<16xf32>
        %mul3A_469 = arith.mulf %scan3A_388#7, %mul3A_468 : vector<16xf32>
        %swap3A_470 = arith.constant 0 : i32
        %swap3A_471 = arith.constant 2 : i32
        %swap3A_472 = arith.index_cast %swap3A_470 : i32 to index
        %swap3A_473 = arith.index_cast %swap3A_471 : i32 to index
        %swap3A_474 = arith.constant 112 : index
        %swap3A_475 = tpu.vector_load %arg10[%swap3A_472, %swap3A_473, %swap3A_474] {strides = array<i32>} : memref<2x4x128xf32, #tpu.memory_space<vmem>>, vector<1x1x16xf32>,
        %swap3A_476 = vector.shape_cast %swap3A_475 : vector<1x1x16xf32> to vector<16xf32>
        %swap3A_477 = vector.shape_cast %mul3A_469 : vector<16xf32> to vector<1x1x16xf32>
        tpu.vector_store %arg10[%swap3A_472, %swap3A_473, %swap3A_474], %swap3A_477 {strides = array<i32>} : memref<2x4x128xf32, #tpu.memory_space<vmem>>, vector<1x1x16xf32>,
        %broadcast_in_dim3A_478 = arith.constant 0.000000e+00 : f32
        %broadcast_in_dim3A_479 = vector.broadcast %broadcast_in_dim3A_478 : f32 to vector<16xf32>
        %broadcast_in_dim3A_480 = arith.constant 0.000000e+00 : f32
        %broadcast_in_dim3A_481 = vector.broadcast %broadcast_in_dim3A_480 : f32 to vector<16xf32>
        %broadcast_in_dim3A_482 = arith.constant 0.000000e+00 : f32
        %broadcast_in_dim3A_483 = vector.broadcast %broadcast_in_dim3A_482 : f32 to vector<16xf32>
        %broadcast_in_dim3A_484 = arith.constant 0.000000e+00 : f32
        %broadcast_in_dim3A_485 = vector.broadcast %broadcast_in_dim3A_484 : f32 to vector<16xf32>
        %broadcast_in_dim3A_486 = arith.constant 0.000000e+00 : f32
        %broadcast_in_dim3A_487 = vector.broadcast %broadcast_in_dim3A_486 : f32 to vector<16xf32>
        %broadcast_in_dim3A_488 = arith.constant 0.000000e+00 : f32
        %broadcast_in_dim3A_489 = vector.broadcast %broadcast_in_dim3A_488 : f32 to vector<16xf32>
        %broadcast_in_dim3A_490 = arith.constant 0.000000e+00 : f32
        %broadcast_in_dim3A_491 = vector.broadcast %broadcast_in_dim3A_490 : f32 to vector<16xf32>
        %broadcast_in_dim3A_492 = arith.constant 0.000000e+00 : f32
        %broadcast_in_dim3A_493 = vector.broadcast %broadcast_in_dim3A_492 : f32 to vector<16xf32>
        %scan3A_494 = arith.constant 0 : i32
        %scan3A_495 = arith.constant 32 : i32
        %scan3A_496 = arith.addi %scan3A_494, %scan3A_495 : i32
        %scan3A_497 = arith.constant 1 : i32
        %scan3A_498:8 = scf.for %scan3A_604 = %scan3A_494 to %scan3A_496 step %scan3A_497 iter_args(%scan3A_605 = %broadcast_in_dim3A_479, %scan3A_606 = %broadcast_in_dim3A_481, %scan3A_607 = %broadcast_in_dim3A_483, %scan3A_608 = %broadcast_in_dim3A_485, %scan3A_609 = %broadcast_in_dim3A_487, %scan3A_610 = %broadcast_in_dim3A_489, %scan3A_611 = %broadcast_in_dim3A_491, %scan3A_612 = %broadcast_in_dim3A_493) -> (vector<16xf32>, vector<16xf32>, vector<16xf32>, vector<16xf32>, vector<16xf32>, vector<16xf32>, vector<16xf32>, vector<16xf32>)  : i32 {
          %add3A_613 = arith.constant 96 : i32
          %add3A_614 = arith.addi %add3A_613, %scan3A_604 : i32
          %get3A = arith.index_cast %add3A_614 : i32 to index
          %get3A_615 = arith.constant 0 : index
          %get3A_616 = tpu.vector_load %arg8[%get3A, %get3A_615] {strides = array<i32>} : memref<128x128xf32, #tpu.memory_space<vmem>>, vector<1x16xf32>,
          %get3A_617 = vector.shape_cast %get3A_616 : vector<1x16xf32> to vector<16xf32>
          %add3A_618 = arith.addf %scan3A_605, %get3A_617 : vector<16xf32>
          %add3A_619 = arith.constant 96 : i32
          %add3A_620 = arith.addi %add3A_619, %scan3A_604 : i32
          %get3A_621 = arith.index_cast %add3A_620 : i32 to index
          %get3A_622 = arith.constant 16 : index
          %get3A_623 = tpu.vector_load %arg8[%get3A_621, %get3A_622] {strides = array<i32>} : memref<128x128xf32, #tpu.memory_space<vmem>>, vector<1x16xf32>,
          %get3A_624 = vector.shape_cast %get3A_623 : vector<1x16xf32> to vector<16xf32>
          %add3A_625 = arith.addf %scan3A_606, %get3A_624 : vector<16xf32>
          %add3A_626 = arith.constant 96 : i32
          %add3A_627 = arith.addi %add3A_626, %scan3A_604 : i32
          %get3A_628 = arith.index_cast %add3A_627 : i32 to index
          %get3A_629 = arith.constant 32 : index
          %get3A_630 = tpu.vector_load %arg8[%get3A_628, %get3A_629] {strides = array<i32>} : memref<128x128xf32, #tpu.memory_space<vmem>>, vector<1x16xf32>,
          %get3A_631 = vector.shape_cast %get3A_630 : vector<1x16xf32> to vector<16xf32>
          %add3A_632 = arith.addf %scan3A_607, %get3A_631 : vector<16xf32>
          %add3A_633 = arith.constant 96 : i32
          %add3A_634 = arith.addi %add3A_633, %scan3A_604 : i32
          %get3A_635 = arith.index_cast %add3A_634 : i32 to index
          %get3A_636 = arith.constant 48 : index
          %get3A_637 = tpu.vector_load %arg8[%get3A_635, %get3A_636] {strides = array<i32>} : memref<128x128xf32, #tpu.memory_space<vmem>>, vector<1x16xf32>,
          %get3A_638 = vector.shape_cast %get3A_637 : vector<1x16xf32> to vector<16xf32>
          %add3A_639 = arith.addf %scan3A_608, %get3A_638 : vector<16xf32>
          %add3A_640 = arith.constant 96 : i32
          %add3A_641 = arith.addi %add3A_640, %scan3A_604 : i32
          %get3A_642 = arith.index_cast %add3A_641 : i32 to index
          %get3A_643 = arith.constant 64 : index
          %get3A_644 = tpu.vector_load %arg8[%get3A_642, %get3A_643] {strides = array<i32>} : memref<128x128xf32, #tpu.memory_space<vmem>>, vector<1x16xf32>,
          %get3A_645 = vector.shape_cast %get3A_644 : vector<1x16xf32> to vector<16xf32>
          %add3A_646 = arith.addf %scan3A_609, %get3A_645 : vector<16xf32>
          %add3A_647 = arith.constant 96 : i32
          %add3A_648 = arith.addi %add3A_647, %scan3A_604 : i32
          %get3A_649 = arith.index_cast %add3A_648 : i32 to index
          %get3A_650 = arith.constant 80 : index
          %get3A_651 = tpu.vector_load %arg8[%get3A_649, %get3A_650] {strides = array<i32>} : memref<128x128xf32, #tpu.memory_space<vmem>>, vector<1x16xf32>,
          %get3A_652 = vector.shape_cast %get3A_651 : vector<1x16xf32> to vector<16xf32>
          %add3A_653 = arith.addf %scan3A_610, %get3A_652 : vector<16xf32>
          %add3A_654 = arith.constant 96 : i32
          %add3A_655 = arith.addi %add3A_654, %scan3A_604 : i32
          %get3A_656 = arith.index_cast %add3A_655 : i32 to index
          %get3A_657 = arith.constant 96 : index
          %get3A_658 = tpu.vector_load %arg8[%get3A_656, %get3A_657] {strides = array<i32>} : memref<128x128xf32, #tpu.memory_space<vmem>>, vector<1x16xf32>,
          %get3A_659 = vector.shape_cast %get3A_658 : vector<1x16xf32> to vector<16xf32>
          %add3A_660 = arith.addf %scan3A_611, %get3A_659 : vector<16xf32>
          %add3A_661 = arith.constant 96 : i32
          %add3A_662 = arith.addi %add3A_661, %scan3A_604 : i32
          %get3A_663 = arith.index_cast %add3A_662 : i32 to index
          %get3A_664 = arith.constant 112 : index
          %get3A_665 = tpu.vector_load %arg8[%get3A_663, %get3A_664] {strides = array<i32>} : memref<128x128xf32, #tpu.memory_space<vmem>>, vector<1x16xf32>,
          %get3A_666 = vector.shape_cast %get3A_665 : vector<1x16xf32> to vector<16xf32>
          %add3A_667 = arith.addf %scan3A_612, %get3A_666 : vector<16xf32>
          scf.yield %add3A_618, %add3A_625, %add3A_632, %add3A_639, %add3A_646, %add3A_653, %add3A_660, %add3A_667 : vector<16xf32>, vector<16xf32>, vector<16xf32>, vector<16xf32>, vector<16xf32>, vector<16xf32>, vector<16xf32>, vector<16xf32>
        }
        %scan3A_499 = arith.constant 32 : i32
        %mul3A_500 = arith.constant 3.125000e-02 : f32
        %mul3A_501 = vector.broadcast %mul3A_500 : f32 to vector<16xf32>
        %mul3A_502 = arith.mulf %scan3A_498#0, %mul3A_501 : vector<16xf32>
        %swap3A_503 = arith.constant 0 : i32
        %swap3A_504 = arith.constant 3 : i32
        %swap3A_505 = arith.index_cast %swap3A_503 : i32 to index
        %swap3A_506 = arith.index_cast %swap3A_504 : i32 to index
        %swap3A_507 = arith.constant 0 : index
        %swap3A_508 = tpu.vector_load %arg10[%swap3A_505, %swap3A_506, %swap3A_507] {strides = array<i32>} : memref<2x4x128xf32, #tpu.memory_space<vmem>>, vector<1x1x16xf32>,
        %swap3A_509 = vector.shape_cast %swap3A_508 : vector<1x1x16xf32> to vector<16xf32>
        %swap3A_510 = vector.shape_cast %mul3A_502 : vector<16xf32> to vector<1x1x16xf32>
        tpu.vector_store %arg10[%swap3A_505, %swap3A_506, %swap3A_507], %swap3A_510 {strides = array<i32>} : memref<2x4x128xf32, #tpu.memory_space<vmem>>, vector<1x1x16xf32>,
        %mul3A_511 = arith.constant 3.125000e-02 : f32
        %mul3A_512 = vector.broadcast %mul3A_511 : f32 to vector<16xf32>
        %mul3A_513 = arith.mulf %scan3A_498#1, %mul3A_512 : vector<16xf32>
        %swap3A_514 = arith.constant 0 : i32
        %swap3A_515 = arith.constant 3 : i32
        %swap3A_516 = arith.index_cast %swap3A_514 : i32 to index
        %swap3A_517 = arith.index_cast %swap3A_515 : i32 to index
        %swap3A_518 = arith.constant 16 : index
        %swap3A_519 = tpu.vector_load %arg10[%swap3A_516, %swap3A_517, %swap3A_518] {strides = array<i32>} : memref<2x4x128xf32, #tpu.memory_space<vmem>>, vector<1x1x16xf32>,
        %swap3A_520 = vector.shape_cast %swap3A_519 : vector<1x1x16xf32> to vector<16xf32>
        %swap3A_521 = vector.shape_cast %mul3A_513 : vector<16xf32> to vector<1x1x16xf32>
        tpu.vector_store %arg10[%swap3A_516, %swap3A_517, %swap3A_518], %swap3A_521 {strides = array<i32>} : memref<2x4x128xf32, #tpu.memory_space<vmem>>, vector<1x1x16xf32>,
        %mul3A_522 = arith.constant 3.125000e-02 : f32
        %mul3A_523 = vector.broadcast %mul3A_522 : f32 to vector<16xf32>
        %mul3A_524 = arith.mulf %scan3A_498#2, %mul3A_523 : vector<16xf32>
        %swap3A_525 = arith.constant 0 : i32
        %swap3A_526 = arith.constant 3 : i32
        %swap3A_527 = arith.index_cast %swap3A_525 : i32 to index
        %swap3A_528 = arith.index_cast %swap3A_526 : i32 to index
        %swap3A_529 = arith.constant 32 : index
        %swap3A_530 = tpu.vector_load %arg10[%swap3A_527, %swap3A_528, %swap3A_529] {strides = array<i32>} : memref<2x4x128xf32, #tpu.memory_space<vmem>>, vector<1x1x16xf32>,
        %swap3A_531 = vector.shape_cast %swap3A_530 : vector<1x1x16xf32> to vector<16xf32>
        %swap3A_532 = vector.shape_cast %mul3A_524 : vector<16xf32> to vector<1x1x16xf32>
        tpu.vector_store %arg10[%swap3A_527, %swap3A_528, %swap3A_529], %swap3A_532 {strides = array<i32>} : memref<2x4x128xf32, #tpu.memory_space<vmem>>, vector<1x1x16xf32>,
        %mul3A_533 = arith.constant 3.125000e-02 : f32
        %mul3A_534 = vector.broadcast %mul3A_533 : f32 to vector<16xf32>
        %mul3A_535 = arith.mulf %scan3A_498#3, %mul3A_534 : vector<16xf32>
        %swap3A_536 = arith.constant 0 : i32
        %swap3A_537 = arith.constant 3 : i32
        %swap3A_538 = arith.index_cast %swap3A_536 : i32 to index
        %swap3A_539 = arith.index_cast %swap3A_537 : i32 to index
        %swap3A_540 = arith.constant 48 : index
        %swap3A_541 = tpu.vector_load %arg10[%swap3A_538, %swap3A_539, %swap3A_540] {strides = array<i32>} : memref<2x4x128xf32, #tpu.memory_space<vmem>>, vector<1x1x16xf32>,
        %swap3A_542 = vector.shape_cast %swap3A_541 : vector<1x1x16xf32> to vector<16xf32>
        %swap3A_543 = vector.shape_cast %mul3A_535 : vector<16xf32> to vector<1x1x16xf32>
        tpu.vector_store %arg10[%swap3A_538, %swap3A_539, %swap3A_540], %swap3A_543 {strides = array<i32>} : memref<2x4x128xf32, #tpu.memory_space<vmem>>, vector<1x1x16xf32>,
        %mul3A_544 = arith.constant 3.125000e-02 : f32
        %mul3A_545 = vector.broadcast %mul3A_544 : f32 to vector<16xf32>
        %mul3A_546 = arith.mulf %scan3A_498#4, %mul3A_545 : vector<16xf32>
        %swap3A_547 = arith.constant 0 : i32
        %swap3A_548 = arith.constant 3 : i32
        %swap3A_549 = arith.index_cast %swap3A_547 : i32 to index
        %swap3A_550 = arith.index_cast %swap3A_548 : i32 to index
        %swap3A_551 = arith.constant 64 : index
        %swap3A_552 = tpu.vector_load %arg10[%swap3A_549, %swap3A_550, %swap3A_551] {strides = array<i32>} : memref<2x4x128xf32, #tpu.memory_space<vmem>>, vector<1x1x16xf32>,
        %swap3A_553 = vector.shape_cast %swap3A_552 : vector<1x1x16xf32> to vector<16xf32>
        %swap3A_554 = vector.shape_cast %mul3A_546 : vector<16xf32> to vector<1x1x16xf32>
        tpu.vector_store %arg10[%swap3A_549, %swap3A_550, %swap3A_551], %swap3A_554 {strides = array<i32>} : memref<2x4x128xf32, #tpu.memory_space<vmem>>, vector<1x1x16xf32>,
        %mul3A_555 = arith.constant 3.125000e-02 : f32
        %mul3A_556 = vector.broadcast %mul3A_555 : f32 to vector<16xf32>
        %mul3A_557 = arith.mulf %scan3A_498#5, %mul3A_556 : vector<16xf32>
        %swap3A_558 = arith.constant 0 : i32
        %swap3A_559 = arith.constant 3 : i32
        %swap3A_560 = arith.index_cast %swap3A_558 : i32 to index
        %swap3A_561 = arith.index_cast %swap3A_559 : i32 to index
        %swap3A_562 = arith.constant 80 : index
        %swap3A_563 = tpu.vector_load %arg10[%swap3A_560, %swap3A_561, %swap3A_562] {strides = array<i32>} : memref<2x4x128xf32, #tpu.memory_space<vmem>>, vector<1x1x16xf32>,
        %swap3A_564 = vector.shape_cast %swap3A_563 : vector<1x1x16xf32> to vector<16xf32>
        %swap3A_565 = vector.shape_cast %mul3A_557 : vector<16xf32> to vector<1x1x16xf32>
        tpu.vector_store %arg10[%swap3A_560, %swap3A_561, %swap3A_562], %swap3A_565 {strides = array<i32>} : memref<2x4x128xf32, #tpu.memory_space<vmem>>, vector<1x1x16xf32>,
        %mul3A_566 = arith.constant 3.125000e-02 : f32
        %mul3A_567 = vector.broadcast %mul3A_566 : f32 to vector<16xf32>
        %mul3A_568 = arith.mulf %scan3A_498#6, %mul3A_567 : vector<16xf32>
        %swap3A_569 = arith.constant 0 : i32
        %swap3A_570 = arith.constant 3 : i32
        %swap3A_571 = arith.index_cast %swap3A_569 : i32 to index
        %swap3A_572 = arith.index_cast %swap3A_570 : i32 to index
        %swap3A_573 = arith.constant 96 : index
        %swap3A_574 = tpu.vector_load %arg10[%swap3A_571, %swap3A_572, %swap3A_573] {strides = array<i32>} : memref<2x4x128xf32, #tpu.memory_space<vmem>>, vector<1x1x16xf32>,
        %swap3A_575 = vector.shape_cast %swap3A_574 : vector<1x1x16xf32> to vector<16xf32>
        %swap3A_576 = vector.shape_cast %mul3A_568 : vector<16xf32> to vector<1x1x16xf32>
        tpu.vector_store %arg10[%swap3A_571, %swap3A_572, %swap3A_573], %swap3A_576 {strides = array<i32>} : memref<2x4x128xf32, #tpu.memory_space<vmem>>, vector<1x1x16xf32>,
        %mul3A_577 = arith.constant 3.125000e-02 : f32
        %mul3A_578 = vector.broadcast %mul3A_577 : f32 to vector<16xf32>
        %mul3A_579 = arith.mulf %scan3A_498#7, %mul3A_578 : vector<16xf32>
        %swap3A_580 = arith.constant 0 : i32
        %swap3A_581 = arith.constant 3 : i32
        %swap3A_582 = arith.index_cast %swap3A_580 : i32 to index
        %swap3A_583 = arith.index_cast %swap3A_581 : i32 to index
        %swap3A_584 = arith.constant 112 : index
        %swap3A_585 = tpu.vector_load %arg10[%swap3A_582, %swap3A_583, %swap3A_584] {strides = array<i32>} : memref<2x4x128xf32, #tpu.memory_space<vmem>>, vector<1x1x16xf32>,
        %swap3A_586 = vector.shape_cast %swap3A_585 : vector<1x1x16xf32> to vector<16xf32>
        %swap3A_587 = vector.shape_cast %mul3A_579 : vector<16xf32> to vector<1x1x16xf32>
        tpu.vector_store %arg10[%swap3A_582, %swap3A_583, %swap3A_584], %swap3A_587 {strides = array<i32>} : memref<2x4x128xf32, #tpu.memory_space<vmem>>, vector<1x1x16xf32>,
        %add3A_588 = arith.addi %add3A_6, %add3A_111 : i32
        %mul3A_589 = arith.constant 4 : i32
        %mul3A_590 = arith.muli %add3A_588, %mul3A_589 : i32
        %dma_start3A_591 = arith.constant 0 : i32
        %dma_start3A_592 = arith.constant 0 : i32
        %dma_start3A_593 = arith.constant 0 : i32
        %dma_start3A_594 = tpu.memref_slice %arg10[%dma_start3A_591, %dma_start3A_592, %dma_start3A_593] : memref<2x4x128xf32, #tpu.memory_space<vmem>> -> memref<1x4x128xf32, #tpu.memory_space<vmem>>
        %dma_start3A_595 = tpu.memref_squeeze %dma_start3A_594 : memref<1x4x128xf32, #tpu.memory_space<vmem>> -> memref<4x128xf32, #tpu.memory_space<vmem>>
        %dma_start3A_596 = arith.constant 0 : i32
        %dma_start3A_597 = tpu.memref_slice %arg4[%mul3A_590, %dma_start3A_596] : memref<10000x128xf32, #tpu.memory_space<hbm>> -> memref<4x128xf32, #tpu.memory_space<hbm>>
        %dma_start3A_598 = arith.constant 0 : i32
        %dma_start3A_599 = tpu.memref_slice %arg4[%mul3A_590, %dma_start3A_598] : memref<10000x128xf32, #tpu.memory_space<hbm>> -> memref<4x128xf32, #tpu.memory_space<hbm>>
        %dma_start3A_600 = arith.constant 0 : i32
        %dma_start3A_601 = arith.constant 0 : i32
        %dma_start3A_602 = tpu.memref_slice %arg10[%dma_start3A_591, %dma_start3A_600, %dma_start3A_601] : memref<2x4x128xf32, #tpu.memory_space<vmem>> -> memref<1x4x128xf32, #tpu.memory_space<vmem>>
        %dma_start3A_603 = tpu.memref_squeeze %dma_start3A_602 : memref<1x4x128xf32, #tpu.memory_space<vmem>> -> memref<4x128xf32, #tpu.memory_space<vmem>>
        tpu.enqueue_dma source(%dma_start3A_603 : memref<4x128xf32, #tpu.memory_space<vmem>>) target(%dma_start3A_599 : memref<4x128xf32, #tpu.memory_space<hbm>>) target_semaphore(%arg15 : memref<!tpu.dma_semaphore, #tpu.memory_space<semaphore_mem>>)
      } else {
      }
      %mul3A_124 = arith.constant 4 : i32
      %mul3A_125 = arith.muli %scan3A_75, %mul3A_124 : i32
      %add3A_126 = arith.constant 3 : i32
      %add3A_127 = arith.addi %mul3A_125, %add3A_126 : i32
      %add3A_128 = arith.constant 4 : i32
      %add3A_129 = arith.addi %add3A_127, %add3A_128 : i32
      %sub3A_130 = arith.constant 1 : i32
      %sub3A_131 = arith.subi %add3A_129, %sub3A_130 : i32
      %lt3A_132 = arith.cmpi slt, %sub3A_131, %select_n3A : i32
      %convert_element_type3A_133 = arith.extui %lt3A_132 : i1 to i32
      %cond3A_134 = arith.constant 0 : i32
      %cond3A_135 = arith.cmpi ne, %convert_element_type3A_133, %cond3A_134 : i32
      scf.if %cond3A_135 {
        %add3A_140 = arith.constant 4 : i32
        %add3A_141 = arith.addi %add3A_127, %add3A_140 : i32
        %sub3A_142 = arith.constant 1 : i32
        %sub3A_143 = arith.subi %add3A_141, %sub3A_142 : i32
        %mul3A_144 = arith.constant 128 : i32
        %mul3A_145 = arith.muli %sub3A_143, %mul3A_144 : i32
        %dma_start3A_146 = tpu.memref_slice %arg5[%mul3A_145] : memref<10240xi32, #tpu.memory_space<vmem>> -> memref<128xi32, #tpu.memory_space<vmem>>
        %dma_start3A_147 = arith.constant 0 : i32
        %dma_start3A_148 = arith.constant 0 : i32
        %dma_start3A_149 = tpu.memref_slice %arg3[%dma_start3A_147, %dma_start3A_148] : memref<100000x128xf32, #tpu.memory_space<hbm>> -> memref<100000x128xf32, #tpu.memory_space<hbm>>
        tpu.enqueue_indirect_dma source(%dma_start3A_149 : memref<100000x128xf32, #tpu.memory_space<hbm>>) target(%arg8 : memref<128x128xf32, #tpu.memory_space<vmem>>) offsets(%dma_start3A_146 : memref<128xi32, #tpu.memory_space<vmem>>) semaphore(%arg13 : memref<!tpu.dma_semaphore, #tpu.memory_space<semaphore_mem>>)
      } else {
      }
      %lt3A_136 = arith.cmpi slt, %add3A_127, %select_n3A : i32
      %convert_element_type3A_137 = arith.extui %lt3A_136 : i1 to i32
      %cond3A_138 = arith.constant 0 : i32
      %cond3A_139 = arith.cmpi ne, %convert_element_type3A_137, %cond3A_138 : i32
      scf.if %cond3A_139 {
        %mul3A_140 = arith.constant 128 : i32
        %mul3A_141 = arith.muli %add3A_127, %mul3A_140 : i32
        %dma_wait3A_142 = tpu.memref_slice %arg5[%mul3A_141] : memref<10240xi32, #tpu.memory_space<vmem>> -> memref<128xi32, #tpu.memory_space<vmem>>
        %dma_wait3A_143 = arith.constant 0 : i32
        %dma_wait3A_144 = arith.constant 0 : i32
        %dma_wait3A_145 = tpu.memref_slice %arg3[%dma_wait3A_143, %dma_wait3A_144] : memref<100000x128xf32, #tpu.memory_space<hbm>> -> memref<100000x128xf32, #tpu.memory_space<hbm>>
        tpu.wait_indirect_dma semaphore(%arg14 : memref<!tpu.dma_semaphore, #tpu.memory_space<semaphore_mem>>) src(%dma_wait3A_145 : memref<100000x128xf32, #tpu.memory_space<hbm>>) dst(%arg9 : memref<128x128xf32, #tpu.memory_space<vmem>>)
        %ge3A = arith.constant 2 : i32
        %ge3A_146 = arith.cmpi sge, %add3A_127, %ge3A : i32
        %convert_element_type3A_147 = arith.extui %ge3A_146 : i1 to i32
        %cond3A_148 = arith.constant 0 : i32
        %cond3A_149 = arith.cmpi ne, %convert_element_type3A_147, %cond3A_148 : i32
        scf.if %cond3A_149 {
          %add3A_604 = arith.addi %add3A_6, %add3A_127 : i32
          %sub3A_605 = arith.constant 2 : i32
          %sub3A_606 = arith.subi %add3A_604, %sub3A_605 : i32
          %mul3A_607 = arith.constant 4 : i32
          %mul3A_608 = arith.muli %sub3A_606, %mul3A_607 : i32
          %dma_wait3A_609 = arith.constant 1 : i32
          %dma_wait3A_610 = arith.constant 0 : i32
          %dma_wait3A_611 = arith.constant 0 : i32
          %dma_wait3A_612 = tpu.memref_slice %arg10[%dma_wait3A_609, %dma_wait3A_610, %dma_wait3A_611] : memref<2x4x128xf32, #tpu.memory_space<vmem>> -> memref<1x4x128xf32, #tpu.memory_space<vmem>>
          %dma_wait3A_613 = tpu.memref_squeeze %dma_wait3A_612 : memref<1x4x128xf32, #tpu.memory_space<vmem>> -> memref<4x128xf32, #tpu.memory_space<vmem>>
          %dma_wait3A_614 = arith.constant 0 : i32
          %dma_wait3A_615 = tpu.memref_slice %arg4[%mul3A_608, %dma_wait3A_614] : memref<10000x128xf32, #tpu.memory_space<hbm>> -> memref<4x128xf32, #tpu.memory_space<hbm>>
          %dma_wait3A_616 = arith.constant 0 : i32
          %dma_wait3A_617 = tpu.memref_slice %arg4[%mul3A_608, %dma_wait3A_616] : memref<10000x128xf32, #tpu.memory_space<hbm>> -> memref<4x128xf32, #tpu.memory_space<hbm>>
          %dma_wait3A_618 = arith.constant 0 : i32
          %dma_wait3A_619 = arith.constant 0 : i32
          %dma_wait3A_620 = tpu.memref_slice %arg10[%dma_wait3A_609, %dma_wait3A_618, %dma_wait3A_619] : memref<2x4x128xf32, #tpu.memory_space<vmem>> -> memref<1x4x128xf32, #tpu.memory_space<vmem>>
          %dma_wait3A_621 = tpu.memref_squeeze %dma_wait3A_620 : memref<1x4x128xf32, #tpu.memory_space<vmem>> -> memref<4x128xf32, #tpu.memory_space<vmem>>
          tpu.wait_dma2 semaphore(%arg16 : memref<!tpu.dma_semaphore, #tpu.memory_space<semaphore_mem>>) src(%dma_wait3A_621 : memref<4x128xf32, #tpu.memory_space<vmem>>) dst(%dma_wait3A_617 : memref<4x128xf32, #tpu.memory_space<hbm>>)
        } else {
        }
        %broadcast_in_dim3A = arith.constant 0.000000e+00 : f32
        %broadcast_in_dim3A_150 = vector.broadcast %broadcast_in_dim3A : f32 to vector<16xf32>
        %broadcast_in_dim3A_151 = arith.constant 0.000000e+00 : f32
        %broadcast_in_dim3A_152 = vector.broadcast %broadcast_in_dim3A_151 : f32 to vector<16xf32>
        %broadcast_in_dim3A_153 = arith.constant 0.000000e+00 : f32
        %broadcast_in_dim3A_154 = vector.broadcast %broadcast_in_dim3A_153 : f32 to vector<16xf32>
        %broadcast_in_dim3A_155 = arith.constant 0.000000e+00 : f32
        %broadcast_in_dim3A_156 = vector.broadcast %broadcast_in_dim3A_155 : f32 to vector<16xf32>
        %broadcast_in_dim3A_157 = arith.constant 0.000000e+00 : f32
        %broadcast_in_dim3A_158 = vector.broadcast %broadcast_in_dim3A_157 : f32 to vector<16xf32>
        %broadcast_in_dim3A_159 = arith.constant 0.000000e+00 : f32
        %broadcast_in_dim3A_160 = vector.broadcast %broadcast_in_dim3A_159 : f32 to vector<16xf32>
        %broadcast_in_dim3A_161 = arith.constant 0.000000e+00 : f32
        %broadcast_in_dim3A_162 = vector.broadcast %broadcast_in_dim3A_161 : f32 to vector<16xf32>
        %broadcast_in_dim3A_163 = arith.constant 0.000000e+00 : f32
        %broadcast_in_dim3A_164 = vector.broadcast %broadcast_in_dim3A_163 : f32 to vector<16xf32>
        %scan3A_165 = arith.constant 0 : i32
        %scan3A_166 = arith.constant 32 : i32
        %scan3A_167 = arith.addi %scan3A_165, %scan3A_166 : i32
        %scan3A_168 = arith.constant 1 : i32
        %scan3A_169:8 = scf.for %scan3A_604 = %scan3A_165 to %scan3A_167 step %scan3A_168 iter_args(%scan3A_605 = %broadcast_in_dim3A_150, %scan3A_606 = %broadcast_in_dim3A_152, %scan3A_607 = %broadcast_in_dim3A_154, %scan3A_608 = %broadcast_in_dim3A_156, %scan3A_609 = %broadcast_in_dim3A_158, %scan3A_610 = %broadcast_in_dim3A_160, %scan3A_611 = %broadcast_in_dim3A_162, %scan3A_612 = %broadcast_in_dim3A_164) -> (vector<16xf32>, vector<16xf32>, vector<16xf32>, vector<16xf32>, vector<16xf32>, vector<16xf32>, vector<16xf32>, vector<16xf32>)  : i32 {
          %add3A_613 = arith.constant 0 : i32
          %add3A_614 = arith.addi %add3A_613, %scan3A_604 : i32
          %get3A = arith.index_cast %add3A_614 : i32 to index
          %get3A_615 = arith.constant 0 : index
          %get3A_616 = tpu.vector_load %arg9[%get3A, %get3A_615] {strides = array<i32>} : memref<128x128xf32, #tpu.memory_space<vmem>>, vector<1x16xf32>,
          %get3A_617 = vector.shape_cast %get3A_616 : vector<1x16xf32> to vector<16xf32>
          %add3A_618 = arith.addf %scan3A_605, %get3A_617 : vector<16xf32>
          %add3A_619 = arith.constant 0 : i32
          %add3A_620 = arith.addi %add3A_619, %scan3A_604 : i32
          %get3A_621 = arith.index_cast %add3A_620 : i32 to index
          %get3A_622 = arith.constant 16 : index
          %get3A_623 = tpu.vector_load %arg9[%get3A_621, %get3A_622] {strides = array<i32>} : memref<128x128xf32, #tpu.memory_space<vmem>>, vector<1x16xf32>,
          %get3A_624 = vector.shape_cast %get3A_623 : vector<1x16xf32> to vector<16xf32>
          %add3A_625 = arith.addf %scan3A_606, %get3A_624 : vector<16xf32>
          %add3A_626 = arith.constant 0 : i32
          %add3A_627 = arith.addi %add3A_626, %scan3A_604 : i32
          %get3A_628 = arith.index_cast %add3A_627 : i32 to index
          %get3A_629 = arith.constant 32 : index
          %get3A_630 = tpu.vector_load %arg9[%get3A_628, %get3A_629] {strides = array<i32>} : memref<128x128xf32, #tpu.memory_space<vmem>>, vector<1x16xf32>,
          %get3A_631 = vector.shape_cast %get3A_630 : vector<1x16xf32> to vector<16xf32>
          %add3A_632 = arith.addf %scan3A_607, %get3A_631 : vector<16xf32>
          %add3A_633 = arith.constant 0 : i32
          %add3A_634 = arith.addi %add3A_633, %scan3A_604 : i32
          %get3A_635 = arith.index_cast %add3A_634 : i32 to index
          %get3A_636 = arith.constant 48 : index
          %get3A_637 = tpu.vector_load %arg9[%get3A_635, %get3A_636] {strides = array<i32>} : memref<128x128xf32, #tpu.memory_space<vmem>>, vector<1x16xf32>,
          %get3A_638 = vector.shape_cast %get3A_637 : vector<1x16xf32> to vector<16xf32>
          %add3A_639 = arith.addf %scan3A_608, %get3A_638 : vector<16xf32>
          %add3A_640 = arith.constant 0 : i32
          %add3A_641 = arith.addi %add3A_640, %scan3A_604 : i32
          %get3A_642 = arith.index_cast %add3A_641 : i32 to index
          %get3A_643 = arith.constant 64 : index
          %get3A_644 = tpu.vector_load %arg9[%get3A_642, %get3A_643] {strides = array<i32>} : memref<128x128xf32, #tpu.memory_space<vmem>>, vector<1x16xf32>,
          %get3A_645 = vector.shape_cast %get3A_644 : vector<1x16xf32> to vector<16xf32>
          %add3A_646 = arith.addf %scan3A_609, %get3A_645 : vector<16xf32>
          %add3A_647 = arith.constant 0 : i32
          %add3A_648 = arith.addi %add3A_647, %scan3A_604 : i32
          %get3A_649 = arith.index_cast %add3A_648 : i32 to index
          %get3A_650 = arith.constant 80 : index
          %get3A_651 = tpu.vector_load %arg9[%get3A_649, %get3A_650] {strides = array<i32>} : memref<128x128xf32, #tpu.memory_space<vmem>>, vector<1x16xf32>,
          %get3A_652 = vector.shape_cast %get3A_651 : vector<1x16xf32> to vector<16xf32>
          %add3A_653 = arith.addf %scan3A_610, %get3A_652 : vector<16xf32>
          %add3A_654 = arith.constant 0 : i32
          %add3A_655 = arith.addi %add3A_654, %scan3A_604 : i32
          %get3A_656 = arith.index_cast %add3A_655 : i32 to index
          %get3A_657 = arith.constant 96 : index
          %get3A_658 = tpu.vector_load %arg9[%get3A_656, %get3A_657] {strides = array<i32>} : memref<128x128xf32, #tpu.memory_space<vmem>>, vector<1x16xf32>,
          %get3A_659 = vector.shape_cast %get3A_658 : vector<1x16xf32> to vector<16xf32>
          %add3A_660 = arith.addf %scan3A_611, %get3A_659 : vector<16xf32>
          %add3A_661 = arith.constant 0 : i32
          %add3A_662 = arith.addi %add3A_661, %scan3A_604 : i32
          %get3A_663 = arith.index_cast %add3A_662 : i32 to index
          %get3A_664 = arith.constant 112 : index
          %get3A_665 = tpu.vector_load %arg9[%get3A_663, %get3A_664] {strides = array<i32>} : memref<128x128xf32, #tpu.memory_space<vmem>>, vector<1x16xf32>,
          %get3A_666 = vector.shape_cast %get3A_665 : vector<1x16xf32> to vector<16xf32>
          %add3A_667 = arith.addf %scan3A_612, %get3A_666 : vector<16xf32>
          scf.yield %add3A_618, %add3A_625, %add3A_632, %add3A_639, %add3A_646, %add3A_653, %add3A_660, %add3A_667 : vector<16xf32>, vector<16xf32>, vector<16xf32>, vector<16xf32>, vector<16xf32>, vector<16xf32>, vector<16xf32>, vector<16xf32>
        }
        %scan3A_170 = arith.constant 32 : i32
        %mul3A_171 = arith.constant 3.125000e-02 : f32
        %mul3A_172 = vector.broadcast %mul3A_171 : f32 to vector<16xf32>
        %mul3A_173 = arith.mulf %scan3A_169#0, %mul3A_172 : vector<16xf32>
        %swap3A = arith.constant 1 : i32
        %swap3A_174 = arith.constant 0 : i32
        %swap3A_175 = arith.index_cast %swap3A : i32 to index
        %swap3A_176 = arith.index_cast %swap3A_174 : i32 to index
        %swap3A_177 = arith.constant 0 : index
        %swap3A_178 = tpu.vector_load %arg10[%swap3A_175, %swap3A_176, %swap3A_177] {strides = array<i32>} : memref<2x4x128xf32, #tpu.memory_space<vmem>>, vector<1x1x16xf32>,
        %swap3A_179 = vector.shape_cast %swap3A_178 : vector<1x1x16xf32> to vector<16xf32>
        %swap3A_180 = vector.shape_cast %mul3A_173 : vector<16xf32> to vector<1x1x16xf32>
        tpu.vector_store %arg10[%swap3A_175, %swap3A_176, %swap3A_177], %swap3A_180 {strides = array<i32>} : memref<2x4x128xf32, #tpu.memory_space<vmem>>, vector<1x1x16xf32>,
        %mul3A_181 = arith.constant 3.125000e-02 : f32
        %mul3A_182 = vector.broadcast %mul3A_181 : f32 to vector<16xf32>
        %mul3A_183 = arith.mulf %scan3A_169#1, %mul3A_182 : vector<16xf32>
        %swap3A_184 = arith.constant 1 : i32
        %swap3A_185 = arith.constant 0 : i32
        %swap3A_186 = arith.index_cast %swap3A_184 : i32 to index
        %swap3A_187 = arith.index_cast %swap3A_185 : i32 to index
        %swap3A_188 = arith.constant 16 : index
        %swap3A_189 = tpu.vector_load %arg10[%swap3A_186, %swap3A_187, %swap3A_188] {strides = array<i32>} : memref<2x4x128xf32, #tpu.memory_space<vmem>>, vector<1x1x16xf32>,
        %swap3A_190 = vector.shape_cast %swap3A_189 : vector<1x1x16xf32> to vector<16xf32>
        %swap3A_191 = vector.shape_cast %mul3A_183 : vector<16xf32> to vector<1x1x16xf32>
        tpu.vector_store %arg10[%swap3A_186, %swap3A_187, %swap3A_188], %swap3A_191 {strides = array<i32>} : memref<2x4x128xf32, #tpu.memory_space<vmem>>, vector<1x1x16xf32>,
        %mul3A_192 = arith.constant 3.125000e-02 : f32
        %mul3A_193 = vector.broadcast %mul3A_192 : f32 to vector<16xf32>
        %mul3A_194 = arith.mulf %scan3A_169#2, %mul3A_193 : vector<16xf32>
        %swap3A_195 = arith.constant 1 : i32
        %swap3A_196 = arith.constant 0 : i32
        %swap3A_197 = arith.index_cast %swap3A_195 : i32 to index
        %swap3A_198 = arith.index_cast %swap3A_196 : i32 to index
        %swap3A_199 = arith.constant 32 : index
        %swap3A_200 = tpu.vector_load %arg10[%swap3A_197, %swap3A_198, %swap3A_199] {strides = array<i32>} : memref<2x4x128xf32, #tpu.memory_space<vmem>>, vector<1x1x16xf32>,
        %swap3A_201 = vector.shape_cast %swap3A_200 : vector<1x1x16xf32> to vector<16xf32>
        %swap3A_202 = vector.shape_cast %mul3A_194 : vector<16xf32> to vector<1x1x16xf32>
        tpu.vector_store %arg10[%swap3A_197, %swap3A_198, %swap3A_199], %swap3A_202 {strides = array<i32>} : memref<2x4x128xf32, #tpu.memory_space<vmem>>, vector<1x1x16xf32>,
        %mul3A_203 = arith.constant 3.125000e-02 : f32
        %mul3A_204 = vector.broadcast %mul3A_203 : f32 to vector<16xf32>
        %mul3A_205 = arith.mulf %scan3A_169#3, %mul3A_204 : vector<16xf32>
        %swap3A_206 = arith.constant 1 : i32
        %swap3A_207 = arith.constant 0 : i32
        %swap3A_208 = arith.index_cast %swap3A_206 : i32 to index
        %swap3A_209 = arith.index_cast %swap3A_207 : i32 to index
        %swap3A_210 = arith.constant 48 : index
        %swap3A_211 = tpu.vector_load %arg10[%swap3A_208, %swap3A_209, %swap3A_210] {strides = array<i32>} : memref<2x4x128xf32, #tpu.memory_space<vmem>>, vector<1x1x16xf32>,
        %swap3A_212 = vector.shape_cast %swap3A_211 : vector<1x1x16xf32> to vector<16xf32>
        %swap3A_213 = vector.shape_cast %mul3A_205 : vector<16xf32> to vector<1x1x16xf32>
        tpu.vector_store %arg10[%swap3A_208, %swap3A_209, %swap3A_210], %swap3A_213 {strides = array<i32>} : memref<2x4x128xf32, #tpu.memory_space<vmem>>, vector<1x1x16xf32>,
        %mul3A_214 = arith.constant 3.125000e-02 : f32
        %mul3A_215 = vector.broadcast %mul3A_214 : f32 to vector<16xf32>
        %mul3A_216 = arith.mulf %scan3A_169#4, %mul3A_215 : vector<16xf32>
        %swap3A_217 = arith.constant 1 : i32
        %swap3A_218 = arith.constant 0 : i32
        %swap3A_219 = arith.index_cast %swap3A_217 : i32 to index
        %swap3A_220 = arith.index_cast %swap3A_218 : i32 to index
        %swap3A_221 = arith.constant 64 : index
        %swap3A_222 = tpu.vector_load %arg10[%swap3A_219, %swap3A_220, %swap3A_221] {strides = array<i32>} : memref<2x4x128xf32, #tpu.memory_space<vmem>>, vector<1x1x16xf32>,
        %swap3A_223 = vector.shape_cast %swap3A_222 : vector<1x1x16xf32> to vector<16xf32>
        %swap3A_224 = vector.shape_cast %mul3A_216 : vector<16xf32> to vector<1x1x16xf32>
        tpu.vector_store %arg10[%swap3A_219, %swap3A_220, %swap3A_221], %swap3A_224 {strides = array<i32>} : memref<2x4x128xf32, #tpu.memory_space<vmem>>, vector<1x1x16xf32>,
        %mul3A_225 = arith.constant 3.125000e-02 : f32
        %mul3A_226 = vector.broadcast %mul3A_225 : f32 to vector<16xf32>
        %mul3A_227 = arith.mulf %scan3A_169#5, %mul3A_226 : vector<16xf32>
        %swap3A_228 = arith.constant 1 : i32
        %swap3A_229 = arith.constant 0 : i32
        %swap3A_230 = arith.index_cast %swap3A_228 : i32 to index
        %swap3A_231 = arith.index_cast %swap3A_229 : i32 to index
        %swap3A_232 = arith.constant 80 : index
        %swap3A_233 = tpu.vector_load %arg10[%swap3A_230, %swap3A_231, %swap3A_232] {strides = array<i32>} : memref<2x4x128xf32, #tpu.memory_space<vmem>>, vector<1x1x16xf32>,
        %swap3A_234 = vector.shape_cast %swap3A_233 : vector<1x1x16xf32> to vector<16xf32>
        %swap3A_235 = vector.shape_cast %mul3A_227 : vector<16xf32> to vector<1x1x16xf32>
        tpu.vector_store %arg10[%swap3A_230, %swap3A_231, %swap3A_232], %swap3A_235 {strides = array<i32>} : memref<2x4x128xf32, #tpu.memory_space<vmem>>, vector<1x1x16xf32>,
        %mul3A_236 = arith.constant 3.125000e-02 : f32
        %mul3A_237 = vector.broadcast %mul3A_236 : f32 to vector<16xf32>
        %mul3A_238 = arith.mulf %scan3A_169#6, %mul3A_237 : vector<16xf32>
        %swap3A_239 = arith.constant 1 : i32
        %swap3A_240 = arith.constant 0 : i32
        %swap3A_241 = arith.index_cast %swap3A_239 : i32 to index
        %swap3A_242 = arith.index_cast %swap3A_240 : i32 to index
        %swap3A_243 = arith.constant 96 : index
        %swap3A_244 = tpu.vector_load %arg10[%swap3A_241, %swap3A_242, %swap3A_243] {strides = array<i32>} : memref<2x4x128xf32, #tpu.memory_space<vmem>>, vector<1x1x16xf32>,
        %swap3A_245 = vector.shape_cast %swap3A_244 : vector<1x1x16xf32> to vector<16xf32>
        %swap3A_246 = vector.shape_cast %mul3A_238 : vector<16xf32> to vector<1x1x16xf32>
        tpu.vector_store %arg10[%swap3A_241, %swap3A_242, %swap3A_243], %swap3A_246 {strides = array<i32>} : memref<2x4x128xf32, #tpu.memory_space<vmem>>, vector<1x1x16xf32>,
        %mul3A_247 = arith.constant 3.125000e-02 : f32
        %mul3A_248 = vector.broadcast %mul3A_247 : f32 to vector<16xf32>
        %mul3A_249 = arith.mulf %scan3A_169#7, %mul3A_248 : vector<16xf32>
        %swap3A_250 = arith.constant 1 : i32
        %swap3A_251 = arith.constant 0 : i32
        %swap3A_252 = arith.index_cast %swap3A_250 : i32 to index
        %swap3A_253 = arith.index_cast %swap3A_251 : i32 to index
        %swap3A_254 = arith.constant 112 : index
        %swap3A_255 = tpu.vector_load %arg10[%swap3A_252, %swap3A_253, %swap3A_254] {strides = array<i32>} : memref<2x4x128xf32, #tpu.memory_space<vmem>>, vector<1x1x16xf32>,
        %swap3A_256 = vector.shape_cast %swap3A_255 : vector<1x1x16xf32> to vector<16xf32>
        %swap3A_257 = vector.shape_cast %mul3A_249 : vector<16xf32> to vector<1x1x16xf32>
        tpu.vector_store %arg10[%swap3A_252, %swap3A_253, %swap3A_254], %swap3A_257 {strides = array<i32>} : memref<2x4x128xf32, #tpu.memory_space<vmem>>, vector<1x1x16xf32>,
        %broadcast_in_dim3A_258 = arith.constant 0.000000e+00 : f32
        %broadcast_in_dim3A_259 = vector.broadcast %broadcast_in_dim3A_258 : f32 to vector<16xf32>
        %broadcast_in_dim3A_260 = arith.constant 0.000000e+00 : f32
        %broadcast_in_dim3A_261 = vector.broadcast %broadcast_in_dim3A_260 : f32 to vector<16xf32>
        %broadcast_in_dim3A_262 = arith.constant 0.000000e+00 : f32
        %broadcast_in_dim3A_263 = vector.broadcast %broadcast_in_dim3A_262 : f32 to vector<16xf32>
        %broadcast_in_dim3A_264 = arith.constant 0.000000e+00 : f32
        %broadcast_in_dim3A_265 = vector.broadcast %broadcast_in_dim3A_264 : f32 to vector<16xf32>
        %broadcast_in_dim3A_266 = arith.constant 0.000000e+00 : f32
        %broadcast_in_dim3A_267 = vector.broadcast %broadcast_in_dim3A_266 : f32 to vector<16xf32>
        %broadcast_in_dim3A_268 = arith.constant 0.000000e+00 : f32
        %broadcast_in_dim3A_269 = vector.broadcast %broadcast_in_dim3A_268 : f32 to vector<16xf32>
        %broadcast_in_dim3A_270 = arith.constant 0.000000e+00 : f32
        %broadcast_in_dim3A_271 = vector.broadcast %broadcast_in_dim3A_270 : f32 to vector<16xf32>
        %broadcast_in_dim3A_272 = arith.constant 0.000000e+00 : f32
        %broadcast_in_dim3A_273 = vector.broadcast %broadcast_in_dim3A_272 : f32 to vector<16xf32>
        %scan3A_274 = arith.constant 0 : i32
        %scan3A_275 = arith.constant 32 : i32
        %scan3A_276 = arith.addi %scan3A_274, %scan3A_275 : i32
        %scan3A_277 = arith.constant 1 : i32
        %scan3A_278:8 = scf.for %scan3A_604 = %scan3A_274 to %scan3A_276 step %scan3A_277 iter_args(%scan3A_605 = %broadcast_in_dim3A_259, %scan3A_606 = %broadcast_in_dim3A_261, %scan3A_607 = %broadcast_in_dim3A_263, %scan3A_608 = %broadcast_in_dim3A_265, %scan3A_609 = %broadcast_in_dim3A_267, %scan3A_610 = %broadcast_in_dim3A_269, %scan3A_611 = %broadcast_in_dim3A_271, %scan3A_612 = %broadcast_in_dim3A_273) -> (vector<16xf32>, vector<16xf32>, vector<16xf32>, vector<16xf32>, vector<16xf32>, vector<16xf32>, vector<16xf32>, vector<16xf32>)  : i32 {
          %add3A_613 = arith.constant 32 : i32
          %add3A_614 = arith.addi %add3A_613, %scan3A_604 : i32
          %get3A = arith.index_cast %add3A_614 : i32 to index
          %get3A_615 = arith.constant 0 : index
          %get3A_616 = tpu.vector_load %arg9[%get3A, %get3A_615] {strides = array<i32>} : memref<128x128xf32, #tpu.memory_space<vmem>>, vector<1x16xf32>,
          %get3A_617 = vector.shape_cast %get3A_616 : vector<1x16xf32> to vector<16xf32>
          %add3A_618 = arith.addf %scan3A_605, %get3A_617 : vector<16xf32>
          %add3A_619 = arith.constant 32 : i32
          %add3A_620 = arith.addi %add3A_619, %scan3A_604 : i32
          %get3A_621 = arith.index_cast %add3A_620 : i32 to index
          %get3A_622 = arith.constant 16 : index
          %get3A_623 = tpu.vector_load %arg9[%get3A_621, %get3A_622] {strides = array<i32>} : memref<128x128xf32, #tpu.memory_space<vmem>>, vector<1x16xf32>,
          %get3A_624 = vector.shape_cast %get3A_623 : vector<1x16xf32> to vector<16xf32>
          %add3A_625 = arith.addf %scan3A_606, %get3A_624 : vector<16xf32>
          %add3A_626 = arith.constant 32 : i32
          %add3A_627 = arith.addi %add3A_626, %scan3A_604 : i32
          %get3A_628 = arith.index_cast %add3A_627 : i32 to index
          %get3A_629 = arith.constant 32 : index
          %get3A_630 = tpu.vector_load %arg9[%get3A_628, %get3A_629] {strides = array<i32>} : memref<128x128xf32, #tpu.memory_space<vmem>>, vector<1x16xf32>,
          %get3A_631 = vector.shape_cast %get3A_630 : vector<1x16xf32> to vector<16xf32>
          %add3A_632 = arith.addf %scan3A_607, %get3A_631 : vector<16xf32>
          %add3A_633 = arith.constant 32 : i32
          %add3A_634 = arith.addi %add3A_633, %scan3A_604 : i32
          %get3A_635 = arith.index_cast %add3A_634 : i32 to index
          %get3A_636 = arith.constant 48 : index
          %get3A_637 = tpu.vector_load %arg9[%get3A_635, %get3A_636] {strides = array<i32>} : memref<128x128xf32, #tpu.memory_space<vmem>>, vector<1x16xf32>,
          %get3A_638 = vector.shape_cast %get3A_637 : vector<1x16xf32> to vector<16xf32>
          %add3A_639 = arith.addf %scan3A_608, %get3A_638 : vector<16xf32>
          %add3A_640 = arith.constant 32 : i32
          %add3A_641 = arith.addi %add3A_640, %scan3A_604 : i32
          %get3A_642 = arith.index_cast %add3A_641 : i32 to index
          %get3A_643 = arith.constant 64 : index
          %get3A_644 = tpu.vector_load %arg9[%get3A_642, %get3A_643] {strides = array<i32>} : memref<128x128xf32, #tpu.memory_space<vmem>>, vector<1x16xf32>,
          %get3A_645 = vector.shape_cast %get3A_644 : vector<1x16xf32> to vector<16xf32>
          %add3A_646 = arith.addf %scan3A_609, %get3A_645 : vector<16xf32>
          %add3A_647 = arith.constant 32 : i32
          %add3A_648 = arith.addi %add3A_647, %scan3A_604 : i32
          %get3A_649 = arith.index_cast %add3A_648 : i32 to index
          %get3A_650 = arith.constant 80 : index
          %get3A_651 = tpu.vector_load %arg9[%get3A_649, %get3A_650] {strides = array<i32>} : memref<128x128xf32, #tpu.memory_space<vmem>>, vector<1x16xf32>,
          %get3A_652 = vector.shape_cast %get3A_651 : vector<1x16xf32> to vector<16xf32>
          %add3A_653 = arith.addf %scan3A_610, %get3A_652 : vector<16xf32>
          %add3A_654 = arith.constant 32 : i32
          %add3A_655 = arith.addi %add3A_654, %scan3A_604 : i32
          %get3A_656 = arith.index_cast %add3A_655 : i32 to index
          %get3A_657 = arith.constant 96 : index
          %get3A_658 = tpu.vector_load %arg9[%get3A_656, %get3A_657] {strides = array<i32>} : memref<128x128xf32, #tpu.memory_space<vmem>>, vector<1x16xf32>,
          %get3A_659 = vector.shape_cast %get3A_658 : vector<1x16xf32> to vector<16xf32>
          %add3A_660 = arith.addf %scan3A_611, %get3A_659 : vector<16xf32>
          %add3A_661 = arith.constant 32 : i32
          %add3A_662 = arith.addi %add3A_661, %scan3A_604 : i32
          %get3A_663 = arith.index_cast %add3A_662 : i32 to index
          %get3A_664 = arith.constant 112 : index
          %get3A_665 = tpu.vector_load %arg9[%get3A_663, %get3A_664] {strides = array<i32>} : memref<128x128xf32, #tpu.memory_space<vmem>>, vector<1x16xf32>,
          %get3A_666 = vector.shape_cast %get3A_665 : vector<1x16xf32> to vector<16xf32>
          %add3A_667 = arith.addf %scan3A_612, %get3A_666 : vector<16xf32>
          scf.yield %add3A_618, %add3A_625, %add3A_632, %add3A_639, %add3A_646, %add3A_653, %add3A_660, %add3A_667 : vector<16xf32>, vector<16xf32>, vector<16xf32>, vector<16xf32>, vector<16xf32>, vector<16xf32>, vector<16xf32>, vector<16xf32>
        }
        %scan3A_279 = arith.constant 32 : i32
        %mul3A_280 = arith.constant 3.125000e-02 : f32
        %mul3A_281 = vector.broadcast %mul3A_280 : f32 to vector<16xf32>
        %mul3A_282 = arith.mulf %scan3A_278#0, %mul3A_281 : vector<16xf32>
        %swap3A_283 = arith.constant 1 : i32
        %swap3A_284 = arith.constant 1 : i32
        %swap3A_285 = arith.index_cast %swap3A_283 : i32 to index
        %swap3A_286 = arith.index_cast %swap3A_284 : i32 to index
        %swap3A_287 = arith.constant 0 : index
        %swap3A_288 = tpu.vector_load %arg10[%swap3A_285, %swap3A_286, %swap3A_287] {strides = array<i32>} : memref<2x4x128xf32, #tpu.memory_space<vmem>>, vector<1x1x16xf32>,
        %swap3A_289 = vector.shape_cast %swap3A_288 : vector<1x1x16xf32> to vector<16xf32>
        %swap3A_290 = vector.shape_cast %mul3A_282 : vector<16xf32> to vector<1x1x16xf32>
        tpu.vector_store %arg10[%swap3A_285, %swap3A_286, %swap3A_287], %swap3A_290 {strides = array<i32>} : memref<2x4x128xf32, #tpu.memory_space<vmem>>, vector<1x1x16xf32>,
        %mul3A_291 = arith.constant 3.125000e-02 : f32
        %mul3A_292 = vector.broadcast %mul3A_291 : f32 to vector<16xf32>
        %mul3A_293 = arith.mulf %scan3A_278#1, %mul3A_292 : vector<16xf32>
        %swap3A_294 = arith.constant 1 : i32
        %swap3A_295 = arith.constant 1 : i32
        %swap3A_296 = arith.index_cast %swap3A_294 : i32 to index
        %swap3A_297 = arith.index_cast %swap3A_295 : i32 to index
        %swap3A_298 = arith.constant 16 : index
        %swap3A_299 = tpu.vector_load %arg10[%swap3A_296, %swap3A_297, %swap3A_298] {strides = array<i32>} : memref<2x4x128xf32, #tpu.memory_space<vmem>>, vector<1x1x16xf32>,
        %swap3A_300 = vector.shape_cast %swap3A_299 : vector<1x1x16xf32> to vector<16xf32>
        %swap3A_301 = vector.shape_cast %mul3A_293 : vector<16xf32> to vector<1x1x16xf32>
        tpu.vector_store %arg10[%swap3A_296, %swap3A_297, %swap3A_298], %swap3A_301 {strides = array<i32>} : memref<2x4x128xf32, #tpu.memory_space<vmem>>, vector<1x1x16xf32>,
        %mul3A_302 = arith.constant 3.125000e-02 : f32
        %mul3A_303 = vector.broadcast %mul3A_302 : f32 to vector<16xf32>
        %mul3A_304 = arith.mulf %scan3A_278#2, %mul3A_303 : vector<16xf32>
        %swap3A_305 = arith.constant 1 : i32
        %swap3A_306 = arith.constant 1 : i32
        %swap3A_307 = arith.index_cast %swap3A_305 : i32 to index
        %swap3A_308 = arith.index_cast %swap3A_306 : i32 to index
        %swap3A_309 = arith.constant 32 : index
        %swap3A_310 = tpu.vector_load %arg10[%swap3A_307, %swap3A_308, %swap3A_309] {strides = array<i32>} : memref<2x4x128xf32, #tpu.memory_space<vmem>>, vector<1x1x16xf32>,
        %swap3A_311 = vector.shape_cast %swap3A_310 : vector<1x1x16xf32> to vector<16xf32>
        %swap3A_312 = vector.shape_cast %mul3A_304 : vector<16xf32> to vector<1x1x16xf32>
        tpu.vector_store %arg10[%swap3A_307, %swap3A_308, %swap3A_309], %swap3A_312 {strides = array<i32>} : memref<2x4x128xf32, #tpu.memory_space<vmem>>, vector<1x1x16xf32>,
        %mul3A_313 = arith.constant 3.125000e-02 : f32
        %mul3A_314 = vector.broadcast %mul3A_313 : f32 to vector<16xf32>
        %mul3A_315 = arith.mulf %scan3A_278#3, %mul3A_314 : vector<16xf32>
        %swap3A_316 = arith.constant 1 : i32
        %swap3A_317 = arith.constant 1 : i32
        %swap3A_318 = arith.index_cast %swap3A_316 : i32 to index
        %swap3A_319 = arith.index_cast %swap3A_317 : i32 to index
        %swap3A_320 = arith.constant 48 : index
        %swap3A_321 = tpu.vector_load %arg10[%swap3A_318, %swap3A_319, %swap3A_320] {strides = array<i32>} : memref<2x4x128xf32, #tpu.memory_space<vmem>>, vector<1x1x16xf32>,
        %swap3A_322 = vector.shape_cast %swap3A_321 : vector<1x1x16xf32> to vector<16xf32>
        %swap3A_323 = vector.shape_cast %mul3A_315 : vector<16xf32> to vector<1x1x16xf32>
        tpu.vector_store %arg10[%swap3A_318, %swap3A_319, %swap3A_320], %swap3A_323 {strides = array<i32>} : memref<2x4x128xf32, #tpu.memory_space<vmem>>, vector<1x1x16xf32>,
        %mul3A_324 = arith.constant 3.125000e-02 : f32
        %mul3A_325 = vector.broadcast %mul3A_324 : f32 to vector<16xf32>
        %mul3A_326 = arith.mulf %scan3A_278#4, %mul3A_325 : vector<16xf32>
        %swap3A_327 = arith.constant 1 : i32
        %swap3A_328 = arith.constant 1 : i32
        %swap3A_329 = arith.index_cast %swap3A_327 : i32 to index
        %swap3A_330 = arith.index_cast %swap3A_328 : i32 to index
        %swap3A_331 = arith.constant 64 : index
        %swap3A_332 = tpu.vector_load %arg10[%swap3A_329, %swap3A_330, %swap3A_331] {strides = array<i32>} : memref<2x4x128xf32, #tpu.memory_space<vmem>>, vector<1x1x16xf32>,
        %swap3A_333 = vector.shape_cast %swap3A_332 : vector<1x1x16xf32> to vector<16xf32>
        %swap3A_334 = vector.shape_cast %mul3A_326 : vector<16xf32> to vector<1x1x16xf32>
        tpu.vector_store %arg10[%swap3A_329, %swap3A_330, %swap3A_331], %swap3A_334 {strides = array<i32>} : memref<2x4x128xf32, #tpu.memory_space<vmem>>, vector<1x1x16xf32>,
        %mul3A_335 = arith.constant 3.125000e-02 : f32
        %mul3A_336 = vector.broadcast %mul3A_335 : f32 to vector<16xf32>
        %mul3A_337 = arith.mulf %scan3A_278#5, %mul3A_336 : vector<16xf32>
        %swap3A_338 = arith.constant 1 : i32
        %swap3A_339 = arith.constant 1 : i32
        %swap3A_340 = arith.index_cast %swap3A_338 : i32 to index
        %swap3A_341 = arith.index_cast %swap3A_339 : i32 to index
        %swap3A_342 = arith.constant 80 : index
        %swap3A_343 = tpu.vector_load %arg10[%swap3A_340, %swap3A_341, %swap3A_342] {strides = array<i32>} : memref<2x4x128xf32, #tpu.memory_space<vmem>>, vector<1x1x16xf32>,
        %swap3A_344 = vector.shape_cast %swap3A_343 : vector<1x1x16xf32> to vector<16xf32>
        %swap3A_345 = vector.shape_cast %mul3A_337 : vector<16xf32> to vector<1x1x16xf32>
        tpu.vector_store %arg10[%swap3A_340, %swap3A_341, %swap3A_342], %swap3A_345 {strides = array<i32>} : memref<2x4x128xf32, #tpu.memory_space<vmem>>, vector<1x1x16xf32>,
        %mul3A_346 = arith.constant 3.125000e-02 : f32
        %mul3A_347 = vector.broadcast %mul3A_346 : f32 to vector<16xf32>
        %mul3A_348 = arith.mulf %scan3A_278#6, %mul3A_347 : vector<16xf32>
        %swap3A_349 = arith.constant 1 : i32
        %swap3A_350 = arith.constant 1 : i32
        %swap3A_351 = arith.index_cast %swap3A_349 : i32 to index
        %swap3A_352 = arith.index_cast %swap3A_350 : i32 to index
        %swap3A_353 = arith.constant 96 : index
        %swap3A_354 = tpu.vector_load %arg10[%swap3A_351, %swap3A_352, %swap3A_353] {strides = array<i32>} : memref<2x4x128xf32, #tpu.memory_space<vmem>>, vector<1x1x16xf32>,
        %swap3A_355 = vector.shape_cast %swap3A_354 : vector<1x1x16xf32> to vector<16xf32>
        %swap3A_356 = vector.shape_cast %mul3A_348 : vector<16xf32> to vector<1x1x16xf32>
        tpu.vector_store %arg10[%swap3A_351, %swap3A_352, %swap3A_353], %swap3A_356 {strides = array<i32>} : memref<2x4x128xf32, #tpu.memory_space<vmem>>, vector<1x1x16xf32>,
        %mul3A_357 = arith.constant 3.125000e-02 : f32
        %mul3A_358 = vector.broadcast %mul3A_357 : f32 to vector<16xf32>
        %mul3A_359 = arith.mulf %scan3A_278#7, %mul3A_358 : vector<16xf32>
        %swap3A_360 = arith.constant 1 : i32
        %swap3A_361 = arith.constant 1 : i32
        %swap3A_362 = arith.index_cast %swap3A_360 : i32 to index
        %swap3A_363 = arith.index_cast %swap3A_361 : i32 to index
        %swap3A_364 = arith.constant 112 : index
        %swap3A_365 = tpu.vector_load %arg10[%swap3A_362, %swap3A_363, %swap3A_364] {strides = array<i32>} : memref<2x4x128xf32, #tpu.memory_space<vmem>>, vector<1x1x16xf32>,
        %swap3A_366 = vector.shape_cast %swap3A_365 : vector<1x1x16xf32> to vector<16xf32>
        %swap3A_367 = vector.shape_cast %mul3A_359 : vector<16xf32> to vector<1x1x16xf32>
        tpu.vector_store %arg10[%swap3A_362, %swap3A_363, %swap3A_364], %swap3A_367 {strides = array<i32>} : memref<2x4x128xf32, #tpu.memory_space<vmem>>, vector<1x1x16xf32>,
        %broadcast_in_dim3A_368 = arith.constant 0.000000e+00 : f32
        %broadcast_in_dim3A_369 = vector.broadcast %broadcast_in_dim3A_368 : f32 to vector<16xf32>
        %broadcast_in_dim3A_370 = arith.constant 0.000000e+00 : f32
        %broadcast_in_dim3A_371 = vector.broadcast %broadcast_in_dim3A_370 : f32 to vector<16xf32>
        %broadcast_in_dim3A_372 = arith.constant 0.000000e+00 : f32
        %broadcast_in_dim3A_373 = vector.broadcast %broadcast_in_dim3A_372 : f32 to vector<16xf32>
        %broadcast_in_dim3A_374 = arith.constant 0.000000e+00 : f32
        %broadcast_in_dim3A_375 = vector.broadcast %broadcast_in_dim3A_374 : f32 to vector<16xf32>
        %broadcast_in_dim3A_376 = arith.constant 0.000000e+00 : f32
        %broadcast_in_dim3A_377 = vector.broadcast %broadcast_in_dim3A_376 : f32 to vector<16xf32>
        %broadcast_in_dim3A_378 = arith.constant 0.000000e+00 : f32
        %broadcast_in_dim3A_379 = vector.broadcast %broadcast_in_dim3A_378 : f32 to vector<16xf32>
        %broadcast_in_dim3A_380 = arith.constant 0.000000e+00 : f32
        %broadcast_in_dim3A_381 = vector.broadcast %broadcast_in_dim3A_380 : f32 to vector<16xf32>
        %broadcast_in_dim3A_382 = arith.constant 0.000000e+00 : f32
        %broadcast_in_dim3A_383 = vector.broadcast %broadcast_in_dim3A_382 : f32 to vector<16xf32>
        %scan3A_384 = arith.constant 0 : i32
        %scan3A_385 = arith.constant 32 : i32
        %scan3A_386 = arith.addi %scan3A_384, %scan3A_385 : i32
        %scan3A_387 = arith.constant 1 : i32
        %scan3A_388:8 = scf.for %scan3A_604 = %scan3A_384 to %scan3A_386 step %scan3A_387 iter_args(%scan3A_605 = %broadcast_in_dim3A_369, %scan3A_606 = %broadcast_in_dim3A_371, %scan3A_607 = %broadcast_in_dim3A_373, %scan3A_608 = %broadcast_in_dim3A_375, %scan3A_609 = %broadcast_in_dim3A_377, %scan3A_610 = %broadcast_in_dim3A_379, %scan3A_611 = %broadcast_in_dim3A_381, %scan3A_612 = %broadcast_in_dim3A_383) -> (vector<16xf32>, vector<16xf32>, vector<16xf32>, vector<16xf32>, vector<16xf32>, vector<16xf32>, vector<16xf32>, vector<16xf32>)  : i32 {
          %add3A_613 = arith.constant 64 : i32
          %add3A_614 = arith.addi %add3A_613, %scan3A_604 : i32
          %get3A = arith.index_cast %add3A_614 : i32 to index
          %get3A_615 = arith.constant 0 : index
          %get3A_616 = tpu.vector_load %arg9[%get3A, %get3A_615] {strides = array<i32>} : memref<128x128xf32, #tpu.memory_space<vmem>>, vector<1x16xf32>,
          %get3A_617 = vector.shape_cast %get3A_616 : vector<1x16xf32> to vector<16xf32>
          %add3A_618 = arith.addf %scan3A_605, %get3A_617 : vector<16xf32>
          %add3A_619 = arith.constant 64 : i32
          %add3A_620 = arith.addi %add3A_619, %scan3A_604 : i32
          %get3A_621 = arith.index_cast %add3A_620 : i32 to index
          %get3A_622 = arith.constant 16 : index
          %get3A_623 = tpu.vector_load %arg9[%get3A_621, %get3A_622] {strides = array<i32>} : memref<128x128xf32, #tpu.memory_space<vmem>>, vector<1x16xf32>,
          %get3A_624 = vector.shape_cast %get3A_623 : vector<1x16xf32> to vector<16xf32>
          %add3A_625 = arith.addf %scan3A_606, %get3A_624 : vector<16xf32>
          %add3A_626 = arith.constant 64 : i32
          %add3A_627 = arith.addi %add3A_626, %scan3A_604 : i32
          %get3A_628 = arith.index_cast %add3A_627 : i32 to index
          %get3A_629 = arith.constant 32 : index
          %get3A_630 = tpu.vector_load %arg9[%get3A_628, %get3A_629] {strides = array<i32>} : memref<128x128xf32, #tpu.memory_space<vmem>>, vector<1x16xf32>,
          %get3A_631 = vector.shape_cast %get3A_630 : vector<1x16xf32> to vector<16xf32>
          %add3A_632 = arith.addf %scan3A_607, %get3A_631 : vector<16xf32>
          %add3A_633 = arith.constant 64 : i32
          %add3A_634 = arith.addi %add3A_633, %scan3A_604 : i32
          %get3A_635 = arith.index_cast %add3A_634 : i32 to index
          %get3A_636 = arith.constant 48 : index
          %get3A_637 = tpu.vector_load %arg9[%get3A_635, %get3A_636] {strides = array<i32>} : memref<128x128xf32, #tpu.memory_space<vmem>>, vector<1x16xf32>,
          %get3A_638 = vector.shape_cast %get3A_637 : vector<1x16xf32> to vector<16xf32>
          %add3A_639 = arith.addf %scan3A_608, %get3A_638 : vector<16xf32>
          %add3A_640 = arith.constant 64 : i32
          %add3A_641 = arith.addi %add3A_640, %scan3A_604 : i32
          %get3A_642 = arith.index_cast %add3A_641 : i32 to index
          %get3A_643 = arith.constant 64 : index
          %get3A_644 = tpu.vector_load %arg9[%get3A_642, %get3A_643] {strides = array<i32>} : memref<128x128xf32, #tpu.memory_space<vmem>>, vector<1x16xf32>,
          %get3A_645 = vector.shape_cast %get3A_644 : vector<1x16xf32> to vector<16xf32>
          %add3A_646 = arith.addf %scan3A_609, %get3A_645 : vector<16xf32>
          %add3A_647 = arith.constant 64 : i32
          %add3A_648 = arith.addi %add3A_647, %scan3A_604 : i32
          %get3A_649 = arith.index_cast %add3A_648 : i32 to index
          %get3A_650 = arith.constant 80 : index
          %get3A_651 = tpu.vector_load %arg9[%get3A_649, %get3A_650] {strides = array<i32>} : memref<128x128xf32, #tpu.memory_space<vmem>>, vector<1x16xf32>,
          %get3A_652 = vector.shape_cast %get3A_651 : vector<1x16xf32> to vector<16xf32>
          %add3A_653 = arith.addf %scan3A_610, %get3A_652 : vector<16xf32>
          %add3A_654 = arith.constant 64 : i32
          %add3A_655 = arith.addi %add3A_654, %scan3A_604 : i32
          %get3A_656 = arith.index_cast %add3A_655 : i32 to index
          %get3A_657 = arith.constant 96 : index
          %get3A_658 = tpu.vector_load %arg9[%get3A_656, %get3A_657] {strides = array<i32>} : memref<128x128xf32, #tpu.memory_space<vmem>>, vector<1x16xf32>,
          %get3A_659 = vector.shape_cast %get3A_658 : vector<1x16xf32> to vector<16xf32>
          %add3A_660 = arith.addf %scan3A_611, %get3A_659 : vector<16xf32>
          %add3A_661 = arith.constant 64 : i32
          %add3A_662 = arith.addi %add3A_661, %scan3A_604 : i32
          %get3A_663 = arith.index_cast %add3A_662 : i32 to index
          %get3A_664 = arith.constant 112 : index
          %get3A_665 = tpu.vector_load %arg9[%get3A_663, %get3A_664] {strides = array<i32>} : memref<128x128xf32, #tpu.memory_space<vmem>>, vector<1x16xf32>,
          %get3A_666 = vector.shape_cast %get3A_665 : vector<1x16xf32> to vector<16xf32>
          %add3A_667 = arith.addf %scan3A_612, %get3A_666 : vector<16xf32>
          scf.yield %add3A_618, %add3A_625, %add3A_632, %add3A_639, %add3A_646, %add3A_653, %add3A_660, %add3A_667 : vector<16xf32>, vector<16xf32>, vector<16xf32>, vector<16xf32>, vector<16xf32>, vector<16xf32>, vector<16xf32>, vector<16xf32>
        }
        %scan3A_389 = arith.constant 32 : i32
        %mul3A_390 = arith.constant 3.125000e-02 : f32
        %mul3A_391 = vector.broadcast %mul3A_390 : f32 to vector<16xf32>
        %mul3A_392 = arith.mulf %scan3A_388#0, %mul3A_391 : vector<16xf32>
        %swap3A_393 = arith.constant 1 : i32
        %swap3A_394 = arith.constant 2 : i32
        %swap3A_395 = arith.index_cast %swap3A_393 : i32 to index
        %swap3A_396 = arith.index_cast %swap3A_394 : i32 to index
        %swap3A_397 = arith.constant 0 : index
        %swap3A_398 = tpu.vector_load %arg10[%swap3A_395, %swap3A_396, %swap3A_397] {strides = array<i32>} : memref<2x4x128xf32, #tpu.memory_space<vmem>>, vector<1x1x16xf32>,
        %swap3A_399 = vector.shape_cast %swap3A_398 : vector<1x1x16xf32> to vector<16xf32>
        %swap3A_400 = vector.shape_cast %mul3A_392 : vector<16xf32> to vector<1x1x16xf32>
        tpu.vector_store %arg10[%swap3A_395, %swap3A_396, %swap3A_397], %swap3A_400 {strides = array<i32>} : memref<2x4x128xf32, #tpu.memory_space<vmem>>, vector<1x1x16xf32>,
        %mul3A_401 = arith.constant 3.125000e-02 : f32
        %mul3A_402 = vector.broadcast %mul3A_401 : f32 to vector<16xf32>
        %mul3A_403 = arith.mulf %scan3A_388#1, %mul3A_402 : vector<16xf32>
        %swap3A_404 = arith.constant 1 : i32
        %swap3A_405 = arith.constant 2 : i32
        %swap3A_406 = arith.index_cast %swap3A_404 : i32 to index
        %swap3A_407 = arith.index_cast %swap3A_405 : i32 to index
        %swap3A_408 = arith.constant 16 : index
        %swap3A_409 = tpu.vector_load %arg10[%swap3A_406, %swap3A_407, %swap3A_408] {strides = array<i32>} : memref<2x4x128xf32, #tpu.memory_space<vmem>>, vector<1x1x16xf32>,
        %swap3A_410 = vector.shape_cast %swap3A_409 : vector<1x1x16xf32> to vector<16xf32>
        %swap3A_411 = vector.shape_cast %mul3A_403 : vector<16xf32> to vector<1x1x16xf32>
        tpu.vector_store %arg10[%swap3A_406, %swap3A_407, %swap3A_408], %swap3A_411 {strides = array<i32>} : memref<2x4x128xf32, #tpu.memory_space<vmem>>, vector<1x1x16xf32>,
        %mul3A_412 = arith.constant 3.125000e-02 : f32
        %mul3A_413 = vector.broadcast %mul3A_412 : f32 to vector<16xf32>
        %mul3A_414 = arith.mulf %scan3A_388#2, %mul3A_413 : vector<16xf32>
        %swap3A_415 = arith.constant 1 : i32
        %swap3A_416 = arith.constant 2 : i32
        %swap3A_417 = arith.index_cast %swap3A_415 : i32 to index
        %swap3A_418 = arith.index_cast %swap3A_416 : i32 to index
        %swap3A_419 = arith.constant 32 : index
        %swap3A_420 = tpu.vector_load %arg10[%swap3A_417, %swap3A_418, %swap3A_419] {strides = array<i32>} : memref<2x4x128xf32, #tpu.memory_space<vmem>>, vector<1x1x16xf32>,
        %swap3A_421 = vector.shape_cast %swap3A_420 : vector<1x1x16xf32> to vector<16xf32>
        %swap3A_422 = vector.shape_cast %mul3A_414 : vector<16xf32> to vector<1x1x16xf32>
        tpu.vector_store %arg10[%swap3A_417, %swap3A_418, %swap3A_419], %swap3A_422 {strides = array<i32>} : memref<2x4x128xf32, #tpu.memory_space<vmem>>, vector<1x1x16xf32>,
        %mul3A_423 = arith.constant 3.125000e-02 : f32
        %mul3A_424 = vector.broadcast %mul3A_423 : f32 to vector<16xf32>
        %mul3A_425 = arith.mulf %scan3A_388#3, %mul3A_424 : vector<16xf32>
        %swap3A_426 = arith.constant 1 : i32
        %swap3A_427 = arith.constant 2 : i32
        %swap3A_428 = arith.index_cast %swap3A_426 : i32 to index
        %swap3A_429 = arith.index_cast %swap3A_427 : i32 to index
        %swap3A_430 = arith.constant 48 : index
        %swap3A_431 = tpu.vector_load %arg10[%swap3A_428, %swap3A_429, %swap3A_430] {strides = array<i32>} : memref<2x4x128xf32, #tpu.memory_space<vmem>>, vector<1x1x16xf32>,
        %swap3A_432 = vector.shape_cast %swap3A_431 : vector<1x1x16xf32> to vector<16xf32>
        %swap3A_433 = vector.shape_cast %mul3A_425 : vector<16xf32> to vector<1x1x16xf32>
        tpu.vector_store %arg10[%swap3A_428, %swap3A_429, %swap3A_430], %swap3A_433 {strides = array<i32>} : memref<2x4x128xf32, #tpu.memory_space<vmem>>, vector<1x1x16xf32>,
        %mul3A_434 = arith.constant 3.125000e-02 : f32
        %mul3A_435 = vector.broadcast %mul3A_434 : f32 to vector<16xf32>
        %mul3A_436 = arith.mulf %scan3A_388#4, %mul3A_435 : vector<16xf32>
        %swap3A_437 = arith.constant 1 : i32
        %swap3A_438 = arith.constant 2 : i32
        %swap3A_439 = arith.index_cast %swap3A_437 : i32 to index
        %swap3A_440 = arith.index_cast %swap3A_438 : i32 to index
        %swap3A_441 = arith.constant 64 : index
        %swap3A_442 = tpu.vector_load %arg10[%swap3A_439, %swap3A_440, %swap3A_441] {strides = array<i32>} : memref<2x4x128xf32, #tpu.memory_space<vmem>>, vector<1x1x16xf32>,
        %swap3A_443 = vector.shape_cast %swap3A_442 : vector<1x1x16xf32> to vector<16xf32>
        %swap3A_444 = vector.shape_cast %mul3A_436 : vector<16xf32> to vector<1x1x16xf32>
        tpu.vector_store %arg10[%swap3A_439, %swap3A_440, %swap3A_441], %swap3A_444 {strides = array<i32>} : memref<2x4x128xf32, #tpu.memory_space<vmem>>, vector<1x1x16xf32>,
        %mul3A_445 = arith.constant 3.125000e-02 : f32
        %mul3A_446 = vector.broadcast %mul3A_445 : f32 to vector<16xf32>
        %mul3A_447 = arith.mulf %scan3A_388#5, %mul3A_446 : vector<16xf32>
        %swap3A_448 = arith.constant 1 : i32
        %swap3A_449 = arith.constant 2 : i32
        %swap3A_450 = arith.index_cast %swap3A_448 : i32 to index
        %swap3A_451 = arith.index_cast %swap3A_449 : i32 to index
        %swap3A_452 = arith.constant 80 : index
        %swap3A_453 = tpu.vector_load %arg10[%swap3A_450, %swap3A_451, %swap3A_452] {strides = array<i32>} : memref<2x4x128xf32, #tpu.memory_space<vmem>>, vector<1x1x16xf32>,
        %swap3A_454 = vector.shape_cast %swap3A_453 : vector<1x1x16xf32> to vector<16xf32>
        %swap3A_455 = vector.shape_cast %mul3A_447 : vector<16xf32> to vector<1x1x16xf32>
        tpu.vector_store %arg10[%swap3A_450, %swap3A_451, %swap3A_452], %swap3A_455 {strides = array<i32>} : memref<2x4x128xf32, #tpu.memory_space<vmem>>, vector<1x1x16xf32>,
        %mul3A_456 = arith.constant 3.125000e-02 : f32
        %mul3A_457 = vector.broadcast %mul3A_456 : f32 to vector<16xf32>
        %mul3A_458 = arith.mulf %scan3A_388#6, %mul3A_457 : vector<16xf32>
        %swap3A_459 = arith.constant 1 : i32
        %swap3A_460 = arith.constant 2 : i32
        %swap3A_461 = arith.index_cast %swap3A_459 : i32 to index
        %swap3A_462 = arith.index_cast %swap3A_460 : i32 to index
        %swap3A_463 = arith.constant 96 : index
        %swap3A_464 = tpu.vector_load %arg10[%swap3A_461, %swap3A_462, %swap3A_463] {strides = array<i32>} : memref<2x4x128xf32, #tpu.memory_space<vmem>>, vector<1x1x16xf32>,
        %swap3A_465 = vector.shape_cast %swap3A_464 : vector<1x1x16xf32> to vector<16xf32>
        %swap3A_466 = vector.shape_cast %mul3A_458 : vector<16xf32> to vector<1x1x16xf32>
        tpu.vector_store %arg10[%swap3A_461, %swap3A_462, %swap3A_463], %swap3A_466 {strides = array<i32>} : memref<2x4x128xf32, #tpu.memory_space<vmem>>, vector<1x1x16xf32>,
        %mul3A_467 = arith.constant 3.125000e-02 : f32
        %mul3A_468 = vector.broadcast %mul3A_467 : f32 to vector<16xf32>
        %mul3A_469 = arith.mulf %scan3A_388#7, %mul3A_468 : vector<16xf32>
        %swap3A_470 = arith.constant 1 : i32
        %swap3A_471 = arith.constant 2 : i32
        %swap3A_472 = arith.index_cast %swap3A_470 : i32 to index
        %swap3A_473 = arith.index_cast %swap3A_471 : i32 to index
        %swap3A_474 = arith.constant 112 : index
        %swap3A_475 = tpu.vector_load %arg10[%swap3A_472, %swap3A_473, %swap3A_474] {strides = array<i32>} : memref<2x4x128xf32, #tpu.memory_space<vmem>>, vector<1x1x16xf32>,
        %swap3A_476 = vector.shape_cast %swap3A_475 : vector<1x1x16xf32> to vector<16xf32>
        %swap3A_477 = vector.shape_cast %mul3A_469 : vector<16xf32> to vector<1x1x16xf32>
        tpu.vector_store %arg10[%swap3A_472, %swap3A_473, %swap3A_474], %swap3A_477 {strides = array<i32>} : memref<2x4x128xf32, #tpu.memory_space<vmem>>, vector<1x1x16xf32>,
        %broadcast_in_dim3A_478 = arith.constant 0.000000e+00 : f32
        %broadcast_in_dim3A_479 = vector.broadcast %broadcast_in_dim3A_478 : f32 to vector<16xf32>
        %broadcast_in_dim3A_480 = arith.constant 0.000000e+00 : f32
        %broadcast_in_dim3A_481 = vector.broadcast %broadcast_in_dim3A_480 : f32 to vector<16xf32>
        %broadcast_in_dim3A_482 = arith.constant 0.000000e+00 : f32
        %broadcast_in_dim3A_483 = vector.broadcast %broadcast_in_dim3A_482 : f32 to vector<16xf32>
        %broadcast_in_dim3A_484 = arith.constant 0.000000e+00 : f32
        %broadcast_in_dim3A_485 = vector.broadcast %broadcast_in_dim3A_484 : f32 to vector<16xf32>
        %broadcast_in_dim3A_486 = arith.constant 0.000000e+00 : f32
        %broadcast_in_dim3A_487 = vector.broadcast %broadcast_in_dim3A_486 : f32 to vector<16xf32>
        %broadcast_in_dim3A_488 = arith.constant 0.000000e+00 : f32
        %broadcast_in_dim3A_489 = vector.broadcast %broadcast_in_dim3A_488 : f32 to vector<16xf32>
        %broadcast_in_dim3A_490 = arith.constant 0.000000e+00 : f32
        %broadcast_in_dim3A_491 = vector.broadcast %broadcast_in_dim3A_490 : f32 to vector<16xf32>
        %broadcast_in_dim3A_492 = arith.constant 0.000000e+00 : f32
        %broadcast_in_dim3A_493 = vector.broadcast %broadcast_in_dim3A_492 : f32 to vector<16xf32>
        %scan3A_494 = arith.constant 0 : i32
        %scan3A_495 = arith.constant 32 : i32
        %scan3A_496 = arith.addi %scan3A_494, %scan3A_495 : i32
        %scan3A_497 = arith.constant 1 : i32
        %scan3A_498:8 = scf.for %scan3A_604 = %scan3A_494 to %scan3A_496 step %scan3A_497 iter_args(%scan3A_605 = %broadcast_in_dim3A_479, %scan3A_606 = %broadcast_in_dim3A_481, %scan3A_607 = %broadcast_in_dim3A_483, %scan3A_608 = %broadcast_in_dim3A_485, %scan3A_609 = %broadcast_in_dim3A_487, %scan3A_610 = %broadcast_in_dim3A_489, %scan3A_611 = %broadcast_in_dim3A_491, %scan3A_612 = %broadcast_in_dim3A_493) -> (vector<16xf32>, vector<16xf32>, vector<16xf32>, vector<16xf32>, vector<16xf32>, vector<16xf32>, vector<16xf32>, vector<16xf32>)  : i32 {
          %add3A_613 = arith.constant 96 : i32
          %add3A_614 = arith.addi %add3A_613, %scan3A_604 : i32
          %get3A = arith.index_cast %add3A_614 : i32 to index
          %get3A_615 = arith.constant 0 : index
          %get3A_616 = tpu.vector_load %arg9[%get3A, %get3A_615] {strides = array<i32>} : memref<128x128xf32, #tpu.memory_space<vmem>>, vector<1x16xf32>,
          %get3A_617 = vector.shape_cast %get3A_616 : vector<1x16xf32> to vector<16xf32>
          %add3A_618 = arith.addf %scan3A_605, %get3A_617 : vector<16xf32>
          %add3A_619 = arith.constant 96 : i32
          %add3A_620 = arith.addi %add3A_619, %scan3A_604 : i32
          %get3A_621 = arith.index_cast %add3A_620 : i32 to index
          %get3A_622 = arith.constant 16 : index
          %get3A_623 = tpu.vector_load %arg9[%get3A_621, %get3A_622] {strides = array<i32>} : memref<128x128xf32, #tpu.memory_space<vmem>>, vector<1x16xf32>,
          %get3A_624 = vector.shape_cast %get3A_623 : vector<1x16xf32> to vector<16xf32>
          %add3A_625 = arith.addf %scan3A_606, %get3A_624 : vector<16xf32>
          %add3A_626 = arith.constant 96 : i32
          %add3A_627 = arith.addi %add3A_626, %scan3A_604 : i32
          %get3A_628 = arith.index_cast %add3A_627 : i32 to index
          %get3A_629 = arith.constant 32 : index
          %get3A_630 = tpu.vector_load %arg9[%get3A_628, %get3A_629] {strides = array<i32>} : memref<128x128xf32, #tpu.memory_space<vmem>>, vector<1x16xf32>,
          %get3A_631 = vector.shape_cast %get3A_630 : vector<1x16xf32> to vector<16xf32>
          %add3A_632 = arith.addf %scan3A_607, %get3A_631 : vector<16xf32>
          %add3A_633 = arith.constant 96 : i32
          %add3A_634 = arith.addi %add3A_633, %scan3A_604 : i32
          %get3A_635 = arith.index_cast %add3A_634 : i32 to index
          %get3A_636 = arith.constant 48 : index
          %get3A_637 = tpu.vector_load %arg9[%get3A_635, %get3A_636] {strides = array<i32>} : memref<128x128xf32, #tpu.memory_space<vmem>>, vector<1x16xf32>,
          %get3A_638 = vector.shape_cast %get3A_637 : vector<1x16xf32> to vector<16xf32>
          %add3A_639 = arith.addf %scan3A_608, %get3A_638 : vector<16xf32>
          %add3A_640 = arith.constant 96 : i32
          %add3A_641 = arith.addi %add3A_640, %scan3A_604 : i32
          %get3A_642 = arith.index_cast %add3A_641 : i32 to index
          %get3A_643 = arith.constant 64 : index
          %get3A_644 = tpu.vector_load %arg9[%get3A_642, %get3A_643] {strides = array<i32>} : memref<128x128xf32, #tpu.memory_space<vmem>>, vector<1x16xf32>,
          %get3A_645 = vector.shape_cast %get3A_644 : vector<1x16xf32> to vector<16xf32>
          %add3A_646 = arith.addf %scan3A_609, %get3A_645 : vector<16xf32>
          %add3A_647 = arith.constant 96 : i32
          %add3A_648 = arith.addi %add3A_647, %scan3A_604 : i32
          %get3A_649 = arith.index_cast %add3A_648 : i32 to index
          %get3A_650 = arith.constant 80 : index
          %get3A_651 = tpu.vector_load %arg9[%get3A_649, %get3A_650] {strides = array<i32>} : memref<128x128xf32, #tpu.memory_space<vmem>>, vector<1x16xf32>,
          %get3A_652 = vector.shape_cast %get3A_651 : vector<1x16xf32> to vector<16xf32>
          %add3A_653 = arith.addf %scan3A_610, %get3A_652 : vector<16xf32>
          %add3A_654 = arith.constant 96 : i32
          %add3A_655 = arith.addi %add3A_654, %scan3A_604 : i32
          %get3A_656 = arith.index_cast %add3A_655 : i32 to index
          %get3A_657 = arith.constant 96 : index
          %get3A_658 = tpu.vector_load %arg9[%get3A_656, %get3A_657] {strides = array<i32>} : memref<128x128xf32, #tpu.memory_space<vmem>>, vector<1x16xf32>,
          %get3A_659 = vector.shape_cast %get3A_658 : vector<1x16xf32> to vector<16xf32>
          %add3A_660 = arith.addf %scan3A_611, %get3A_659 : vector<16xf32>
          %add3A_661 = arith.constant 96 : i32
          %add3A_662 = arith.addi %add3A_661, %scan3A_604 : i32
          %get3A_663 = arith.index_cast %add3A_662 : i32 to index
          %get3A_664 = arith.constant 112 : index
          %get3A_665 = tpu.vector_load %arg9[%get3A_663, %get3A_664] {strides = array<i32>} : memref<128x128xf32, #tpu.memory_space<vmem>>, vector<1x16xf32>,
          %get3A_666 = vector.shape_cast %get3A_665 : vector<1x16xf32> to vector<16xf32>
          %add3A_667 = arith.addf %scan3A_612, %get3A_666 : vector<16xf32>
          scf.yield %add3A_618, %add3A_625, %add3A_632, %add3A_639, %add3A_646, %add3A_653, %add3A_660, %add3A_667 : vector<16xf32>, vector<16xf32>, vector<16xf32>, vector<16xf32>, vector<16xf32>, vector<16xf32>, vector<16xf32>, vector<16xf32>
        }
        %scan3A_499 = arith.constant 32 : i32
        %mul3A_500 = arith.constant 3.125000e-02 : f32
        %mul3A_501 = vector.broadcast %mul3A_500 : f32 to vector<16xf32>
        %mul3A_502 = arith.mulf %scan3A_498#0, %mul3A_501 : vector<16xf32>
        %swap3A_503 = arith.constant 1 : i32
        %swap3A_504 = arith.constant 3 : i32
        %swap3A_505 = arith.index_cast %swap3A_503 : i32 to index
        %swap3A_506 = arith.index_cast %swap3A_504 : i32 to index
        %swap3A_507 = arith.constant 0 : index
        %swap3A_508 = tpu.vector_load %arg10[%swap3A_505, %swap3A_506, %swap3A_507] {strides = array<i32>} : memref<2x4x128xf32, #tpu.memory_space<vmem>>, vector<1x1x16xf32>,
        %swap3A_509 = vector.shape_cast %swap3A_508 : vector<1x1x16xf32> to vector<16xf32>
        %swap3A_510 = vector.shape_cast %mul3A_502 : vector<16xf32> to vector<1x1x16xf32>
        tpu.vector_store %arg10[%swap3A_505, %swap3A_506, %swap3A_507], %swap3A_510 {strides = array<i32>} : memref<2x4x128xf32, #tpu.memory_space<vmem>>, vector<1x1x16xf32>,
        %mul3A_511 = arith.constant 3.125000e-02 : f32
        %mul3A_512 = vector.broadcast %mul3A_511 : f32 to vector<16xf32>
        %mul3A_513 = arith.mulf %scan3A_498#1, %mul3A_512 : vector<16xf32>
        %swap3A_514 = arith.constant 1 : i32
        %swap3A_515 = arith.constant 3 : i32
        %swap3A_516 = arith.index_cast %swap3A_514 : i32 to index
        %swap3A_517 = arith.index_cast %swap3A_515 : i32 to index
        %swap3A_518 = arith.constant 16 : index
        %swap3A_519 = tpu.vector_load %arg10[%swap3A_516, %swap3A_517, %swap3A_518] {strides = array<i32>} : memref<2x4x128xf32, #tpu.memory_space<vmem>>, vector<1x1x16xf32>,
        %swap3A_520 = vector.shape_cast %swap3A_519 : vector<1x1x16xf32> to vector<16xf32>
        %swap3A_521 = vector.shape_cast %mul3A_513 : vector<16xf32> to vector<1x1x16xf32>
        tpu.vector_store %arg10[%swap3A_516, %swap3A_517, %swap3A_518], %swap3A_521 {strides = array<i32>} : memref<2x4x128xf32, #tpu.memory_space<vmem>>, vector<1x1x16xf32>,
        %mul3A_522 = arith.constant 3.125000e-02 : f32
        %mul3A_523 = vector.broadcast %mul3A_522 : f32 to vector<16xf32>
        %mul3A_524 = arith.mulf %scan3A_498#2, %mul3A_523 : vector<16xf32>
        %swap3A_525 = arith.constant 1 : i32
        %swap3A_526 = arith.constant 3 : i32
        %swap3A_527 = arith.index_cast %swap3A_525 : i32 to index
        %swap3A_528 = arith.index_cast %swap3A_526 : i32 to index
        %swap3A_529 = arith.constant 32 : index
        %swap3A_530 = tpu.vector_load %arg10[%swap3A_527, %swap3A_528, %swap3A_529] {strides = array<i32>} : memref<2x4x128xf32, #tpu.memory_space<vmem>>, vector<1x1x16xf32>,
        %swap3A_531 = vector.shape_cast %swap3A_530 : vector<1x1x16xf32> to vector<16xf32>
        %swap3A_532 = vector.shape_cast %mul3A_524 : vector<16xf32> to vector<1x1x16xf32>
        tpu.vector_store %arg10[%swap3A_527, %swap3A_528, %swap3A_529], %swap3A_532 {strides = array<i32>} : memref<2x4x128xf32, #tpu.memory_space<vmem>>, vector<1x1x16xf32>,
        %mul3A_533 = arith.constant 3.125000e-02 : f32
        %mul3A_534 = vector.broadcast %mul3A_533 : f32 to vector<16xf32>
        %mul3A_535 = arith.mulf %scan3A_498#3, %mul3A_534 : vector<16xf32>
        %swap3A_536 = arith.constant 1 : i32
        %swap3A_537 = arith.constant 3 : i32
        %swap3A_538 = arith.index_cast %swap3A_536 : i32 to index
        %swap3A_539 = arith.index_cast %swap3A_537 : i32 to index
        %swap3A_540 = arith.constant 48 : index
        %swap3A_541 = tpu.vector_load %arg10[%swap3A_538, %swap3A_539, %swap3A_540] {strides = array<i32>} : memref<2x4x128xf32, #tpu.memory_space<vmem>>, vector<1x1x16xf32>,
        %swap3A_542 = vector.shape_cast %swap3A_541 : vector<1x1x16xf32> to vector<16xf32>
        %swap3A_543 = vector.shape_cast %mul3A_535 : vector<16xf32> to vector<1x1x16xf32>
        tpu.vector_store %arg10[%swap3A_538, %swap3A_539, %swap3A_540], %swap3A_543 {strides = array<i32>} : memref<2x4x128xf32, #tpu.memory_space<vmem>>, vector<1x1x16xf32>,
        %mul3A_544 = arith.constant 3.125000e-02 : f32
        %mul3A_545 = vector.broadcast %mul3A_544 : f32 to vector<16xf32>
        %mul3A_546 = arith.mulf %scan3A_498#4, %mul3A_545 : vector<16xf32>
        %swap3A_547 = arith.constant 1 : i32
        %swap3A_548 = arith.constant 3 : i32
        %swap3A_549 = arith.index_cast %swap3A_547 : i32 to index
        %swap3A_550 = arith.index_cast %swap3A_548 : i32 to index
        %swap3A_551 = arith.constant 64 : index
        %swap3A_552 = tpu.vector_load %arg10[%swap3A_549, %swap3A_550, %swap3A_551] {strides = array<i32>} : memref<2x4x128xf32, #tpu.memory_space<vmem>>, vector<1x1x16xf32>,
        %swap3A_553 = vector.shape_cast %swap3A_552 : vector<1x1x16xf32> to vector<16xf32>
        %swap3A_554 = vector.shape_cast %mul3A_546 : vector<16xf32> to vector<1x1x16xf32>
        tpu.vector_store %arg10[%swap3A_549, %swap3A_550, %swap3A_551], %swap3A_554 {strides = array<i32>} : memref<2x4x128xf32, #tpu.memory_space<vmem>>, vector<1x1x16xf32>,
        %mul3A_555 = arith.constant 3.125000e-02 : f32
        %mul3A_556 = vector.broadcast %mul3A_555 : f32 to vector<16xf32>
        %mul3A_557 = arith.mulf %scan3A_498#5, %mul3A_556 : vector<16xf32>
        %swap3A_558 = arith.constant 1 : i32
        %swap3A_559 = arith.constant 3 : i32
        %swap3A_560 = arith.index_cast %swap3A_558 : i32 to index
        %swap3A_561 = arith.index_cast %swap3A_559 : i32 to index
        %swap3A_562 = arith.constant 80 : index
        %swap3A_563 = tpu.vector_load %arg10[%swap3A_560, %swap3A_561, %swap3A_562] {strides = array<i32>} : memref<2x4x128xf32, #tpu.memory_space<vmem>>, vector<1x1x16xf32>,
        %swap3A_564 = vector.shape_cast %swap3A_563 : vector<1x1x16xf32> to vector<16xf32>
        %swap3A_565 = vector.shape_cast %mul3A_557 : vector<16xf32> to vector<1x1x16xf32>
        tpu.vector_store %arg10[%swap3A_560, %swap3A_561, %swap3A_562], %swap3A_565 {strides = array<i32>} : memref<2x4x128xf32, #tpu.memory_space<vmem>>, vector<1x1x16xf32>,
        %mul3A_566 = arith.constant 3.125000e-02 : f32
        %mul3A_567 = vector.broadcast %mul3A_566 : f32 to vector<16xf32>
        %mul3A_568 = arith.mulf %scan3A_498#6, %mul3A_567 : vector<16xf32>
        %swap3A_569 = arith.constant 1 : i32
        %swap3A_570 = arith.constant 3 : i32
        %swap3A_571 = arith.index_cast %swap3A_569 : i32 to index
        %swap3A_572 = arith.index_cast %swap3A_570 : i32 to index
        %swap3A_573 = arith.constant 96 : index
        %swap3A_574 = tpu.vector_load %arg10[%swap3A_571, %swap3A_572, %swap3A_573] {strides = array<i32>} : memref<2x4x128xf32, #tpu.memory_space<vmem>>, vector<1x1x16xf32>,
        %swap3A_575 = vector.shape_cast %swap3A_574 : vector<1x1x16xf32> to vector<16xf32>
        %swap3A_576 = vector.shape_cast %mul3A_568 : vector<16xf32> to vector<1x1x16xf32>
        tpu.vector_store %arg10[%swap3A_571, %swap3A_572, %swap3A_573], %swap3A_576 {strides = array<i32>} : memref<2x4x128xf32, #tpu.memory_space<vmem>>, vector<1x1x16xf32>,
        %mul3A_577 = arith.constant 3.125000e-02 : f32
        %mul3A_578 = vector.broadcast %mul3A_577 : f32 to vector<16xf32>
        %mul3A_579 = arith.mulf %scan3A_498#7, %mul3A_578 : vector<16xf32>
        %swap3A_580 = arith.constant 1 : i32
        %swap3A_581 = arith.constant 3 : i32
        %swap3A_582 = arith.index_cast %swap3A_580 : i32 to index
        %swap3A_583 = arith.index_cast %swap3A_581 : i32 to index
        %swap3A_584 = arith.constant 112 : index
        %swap3A_585 = tpu.vector_load %arg10[%swap3A_582, %swap3A_583, %swap3A_584] {strides = array<i32>} : memref<2x4x128xf32, #tpu.memory_space<vmem>>, vector<1x1x16xf32>,
        %swap3A_586 = vector.shape_cast %swap3A_585 : vector<1x1x16xf32> to vector<16xf32>
        %swap3A_587 = vector.shape_cast %mul3A_579 : vector<16xf32> to vector<1x1x16xf32>
        tpu.vector_store %arg10[%swap3A_582, %swap3A_583, %swap3A_584], %swap3A_587 {strides = array<i32>} : memref<2x4x128xf32, #tpu.memory_space<vmem>>, vector<1x1x16xf32>,
        %add3A_588 = arith.addi %add3A_6, %add3A_127 : i32
        %mul3A_589 = arith.constant 4 : i32
        %mul3A_590 = arith.muli %add3A_588, %mul3A_589 : i32
        %dma_start3A_591 = arith.constant 1 : i32
        %dma_start3A_592 = arith.constant 0 : i32
        %dma_start3A_593 = arith.constant 0 : i32
        %dma_start3A_594 = tpu.memref_slice %arg10[%dma_start3A_591, %dma_start3A_592, %dma_start3A_593] : memref<2x4x128xf32, #tpu.memory_space<vmem>> -> memref<1x4x128xf32, #tpu.memory_space<vmem>>
        %dma_start3A_595 = tpu.memref_squeeze %dma_start3A_594 : memref<1x4x128xf32, #tpu.memory_space<vmem>> -> memref<4x128xf32, #tpu.memory_space<vmem>>
        %dma_start3A_596 = arith.constant 0 : i32
        %dma_start3A_597 = tpu.memref_slice %arg4[%mul3A_590, %dma_start3A_596] : memref<10000x128xf32, #tpu.memory_space<hbm>> -> memref<4x128xf32, #tpu.memory_space<hbm>>
        %dma_start3A_598 = arith.constant 0 : i32
        %dma_start3A_599 = tpu.memref_slice %arg4[%mul3A_590, %dma_start3A_598] : memref<10000x128xf32, #tpu.memory_space<hbm>> -> memref<4x128xf32, #tpu.memory_space<hbm>>
        %dma_start3A_600 = arith.constant 0 : i32
        %dma_start3A_601 = arith.constant 0 : i32
        %dma_start3A_602 = tpu.memref_slice %arg10[%dma_start3A_591, %dma_start3A_600, %dma_start3A_601] : memref<2x4x128xf32, #tpu.memory_space<vmem>> -> memref<1x4x128xf32, #tpu.memory_space<vmem>>
        %dma_start3A_603 = tpu.memref_squeeze %dma_start3A_602 : memref<1x4x128xf32, #tpu.memory_space<vmem>> -> memref<4x128xf32, #tpu.memory_space<vmem>>
        tpu.enqueue_dma source(%dma_start3A_603 : memref<4x128xf32, #tpu.memory_space<vmem>>) target(%dma_start3A_599 : memref<4x128xf32, #tpu.memory_space<hbm>>) target_semaphore(%arg16 : memref<!tpu.dma_semaphore, #tpu.memory_space<semaphore_mem>>)
      } else {
      }
    }
    %scan3A_36 = arith.constant 20 : i32
    %add3A_37 = arith.addi %add3A_6, %select_n3A : i32
    %sub3A = arith.constant 2 : i32
    %sub3A_38 = arith.subi %add3A_37, %sub3A : i32
    %add3A_39 = arith.constant 0 : i32
    %add3A_40 = arith.addi %sub3A_38, %add3A_39 : i32
    %mul3A_41 = arith.constant 4 : i32
    %mul3A_42 = arith.muli %add3A_40, %mul3A_41 : i32
    %dma_wait3A = arith.constant 0 : i32
    %dma_wait3A_43 = arith.constant 0 : i32
    %dma_wait3A_44 = arith.constant 0 : i32
    %dma_wait3A_45 = tpu.memref_slice %arg10[%dma_wait3A, %dma_wait3A_43, %dma_wait3A_44] : memref<2x4x128xf32, #tpu.memory_space<vmem>> -> memref<1x4x128xf32, #tpu.memory_space<vmem>>
    %dma_wait3A_46 = tpu.memref_squeeze %dma_wait3A_45 : memref<1x4x128xf32, #tpu.memory_space<vmem>> -> memref<4x128xf32, #tpu.memory_space<vmem>>
    %dma_wait3A_47 = arith.constant 0 : i32
    %dma_wait3A_48 = tpu.memref_slice %arg4[%mul3A_42, %dma_wait3A_47] : memref<10000x128xf32, #tpu.memory_space<hbm>> -> memref<4x128xf32, #tpu.memory_space<hbm>>
    %dma_wait3A_49 = arith.constant 0 : i32
    %dma_wait3A_50 = tpu.memref_slice %arg4[%mul3A_42, %dma_wait3A_49] : memref<10000x128xf32, #tpu.memory_space<hbm>> -> memref<4x128xf32, #tpu.memory_space<hbm>>
    %dma_wait3A_51 = arith.constant 0 : i32
    %dma_wait3A_52 = arith.constant 0 : i32
    %dma_wait3A_53 = tpu.memref_slice %arg10[%dma_wait3A, %dma_wait3A_51, %dma_wait3A_52] : memref<2x4x128xf32, #tpu.memory_space<vmem>> -> memref<1x4x128xf32, #tpu.memory_space<vmem>>
    %dma_wait3A_54 = tpu.memref_squeeze %dma_wait3A_53 : memref<1x4x128xf32, #tpu.memory_space<vmem>> -> memref<4x128xf32, #tpu.memory_space<vmem>>
    tpu.wait_dma2 semaphore(%arg15 : memref<!tpu.dma_semaphore, #tpu.memory_space<semaphore_mem>>) src(%dma_wait3A_54 : memref<4x128xf32, #tpu.memory_space<vmem>>) dst(%dma_wait3A_50 : memref<4x128xf32, #tpu.memory_space<hbm>>)
    %add3A_55 = arith.addi %add3A_6, %select_n3A : i32
    %sub3A_56 = arith.constant 2 : i32
    %sub3A_57 = arith.subi %add3A_55, %sub3A_56 : i32
    %add3A_58 = arith.constant 1 : i32
    %add3A_59 = arith.addi %sub3A_57, %add3A_58 : i32
    %mul3A_60 = arith.constant 4 : i32
    %mul3A_61 = arith.muli %add3A_59, %mul3A_60 : i32
    %dma_wait3A_62 = arith.constant 1 : i32
    %dma_wait3A_63 = arith.constant 0 : i32
    %dma_wait3A_64 = arith.constant 0 : i32
    %dma_wait3A_65 = tpu.memref_slice %arg10[%dma_wait3A_62, %dma_wait3A_63, %dma_wait3A_64] : memref<2x4x128xf32, #tpu.memory_space<vmem>> -> memref<1x4x128xf32, #tpu.memory_space<vmem>>
    %dma_wait3A_66 = tpu.memref_squeeze %dma_wait3A_65 : memref<1x4x128xf32, #tpu.memory_space<vmem>> -> memref<4x128xf32, #tpu.memory_space<vmem>>
    %dma_wait3A_67 = arith.constant 0 : i32
    %dma_wait3A_68 = tpu.memref_slice %arg4[%mul3A_61, %dma_wait3A_67] : memref<10000x128xf32, #tpu.memory_space<hbm>> -> memref<4x128xf32, #tpu.memory_space<hbm>>
    %dma_wait3A_69 = arith.constant 0 : i32
    %dma_wait3A_70 = tpu.memref_slice %arg4[%mul3A_61, %dma_wait3A_69] : memref<10000x128xf32, #tpu.memory_space<hbm>> -> memref<4x128xf32, #tpu.memory_space<hbm>>
    %dma_wait3A_71 = arith.constant 0 : i32
    %dma_wait3A_72 = arith.constant 0 : i32
    %dma_wait3A_73 = tpu.memref_slice %arg10[%dma_wait3A_62, %dma_wait3A_71, %dma_wait3A_72] : memref<2x4x128xf32, #tpu.memory_space<vmem>> -> memref<1x4x128xf32, #tpu.memory_space<vmem>>
    %dma_wait3A_74 = tpu.memref_squeeze %dma_wait3A_73 : memref<1x4x128xf32, #tpu.memory_space<vmem>> -> memref<4x128xf32, #tpu.memory_space<vmem>>
    tpu.wait_dma2 semaphore(%arg16 : memref<!tpu.dma_semaphore, #tpu.memory_space<semaphore_mem>>) src(%dma_wait3A_74 : memref<4x128xf32, #tpu.memory_space<vmem>>) dst(%dma_wait3A_70 : memref<4x128xf32, #tpu.memory_space<hbm>>)
    return
  }
}

</mosaic_0001>

<sc_bundles>
// kernel: kernel.3.cloned.1.call-start
scs
__scs_entry_jumppad:
0x0: {  	(pc) =	sbr.rel $0x88, $3  }
0x1: {  	(tag) =	ssettag $0x0;
	lr =	simm.s32 $0x1  }
0x2: {  	[smem:$0x3F9F] =	sst lr;
	_ =	strace $0xD0000000  }
0x3: {  	_ = 	snop  }
0x4: {  	_ = 	snop  }
0x5: {  	_ = 	snop  }
0x6: {  	_ = 	snop  }
0x7: {  	_ = 	snop  }
__scs_overlays_trampoline_lowered:
0x8: {  	[smem:$0x3FAE] =	sst s0  }
0x9: {  	[smem:$0x3FAF] =	sst s1  }
0xa: {  	[smem:$0x3FB0] =	sst s2  }
0xb: {  	[smem:$0x3FB1] =	sst s3  }
0xc: {  	[smem:$0x3FB2] =	sst s4  }
0xd: {  	[smem:$0x3FB3] =	sst s5  }
0xe: {  	[smem:$0x3FB4] =	sst s6  }
0xf: {  	[smem:$0x3FB5] =	sst s7  }
0x10: {  	[smem:$0x3FB6] =	sst s8  }
0x11: {  	[smem:$0x3FB7] =	sst s9;
	s0 =	simm.s32 @!p0 $0x0  }
0x12: {  	s1 =	sld [smem:$0x3F9D];
	s0 =	simm.s32 @p0 $0x1  }
0x13: {  	[smem:$0x3FB8] =	sst s0;
	s0 =	simm.s32 @!p1 $0x0  }
0x14: {  	s2 =	sld [smem:$0x3F9C];
	s0 =	simm.s32 @p1 $0x1  }
0x15: {  	[smem:$0x3FB9] =	sst s0;
	s0 =	simm.s32 @!p2 $0x0  }
0x16: {  	s3 =	sld [smem:$0x3FDB];
	s0 =	simm.s32 @p2 $0x1  }
0x17: {  	s4 =	simm.s32 $0x1BF5;
	[smem:$0x3FBB] =	sst s0  }
0x18: {  	s0 =	sld [smem:$0x3F9E];
	_ =	swait.ge [sflag:s4], $0x0  }
0x19: {  	s7 =	sld [smem:$0x3F9F]  }
0x1a: {  	s8 =	sadd.s32 $0xFFFFE003, lr  }
0x1b: {  	s9 =	sadd.s32 $0xFFFFFEF7, lr;
	s5 =	simm.s32 $0xFFFFFFFF;
	p2 =	slt.u32 s8, $0xFFFFF086  }
0x1c: {  	p1 =	slt.u32 s9, $0xF7A;
	s5 =	simm.s32 @!p2 $0x0  }
0x1d: {  	s5 =	simm.s32 @p1 $0x1;
	p0 =	seq.s32 s7, s2  }
0x1e: {  	s7 =	smul.u32 @!p0 $0xF7A, s2;
	p2 =	seq.s32 @!p0 s5, $0x0  }
0x1f: {  	s9 =	smul.u32 $0xF7A, s1;
	s8 =	simm.s32 @!p0 $0x1BF5;
	p2 =	por !p2, p0  }
0x20: {  	[sflag:s8] =	ssyncset.s32 @!p0 $0xFFFFF086;
	s6 =	sadd.s32 @!p0 s3, s7;
	s7 =	simm.s32 @!p0 $0x108  }
0x21: {  	s3 =	sadd.s32 s3, s9;
	s6 =	sadd.s32 @!p0 $0x88, s6;
	s7 =	simm.s32 @p2 $0x1082  }
0x22: {  	[simem:s7], [sflag:s8] =	dma.local @!p0 [hbm:s6], $0xF7A  }
0x23: {  	s9 =	sor.u32 $0xD0000000, s2;
	s6 =	simm.s32 $0x108;
	_ =	swait.ge @!p0 [sflag:s8], $0x0  }
0x24: {  	s3 =	sadd.s32 $0x88, s3;
	s6 =	simm.s32 @!p1 $0x1082;
	[sflag:s4] =	ssyncset.s32 $0xFFFFF086  }
0x25: {  	[simem:s6], [sflag:s4] =	dma.local [hbm:s3], $0xF7A  }
0x26: {  	[smem:$0x3F9F] =	sst s1;
	(tag) =	ssettag s2;
	_ =	strace s9  }
0x27: {  	s1 =	sld [smem:$0x3FAF]  }
0x28: {  	s2 =	sld [smem:$0x3FB0]  }
0x29: {  	s4 =	sld [smem:$0x3FB2]  }
0x2a: {  	p0 =	seq.s32 s5, $0x0;
	s5 =	sld [smem:$0x3FB3]  }
0x2b: {  	s6 =	sld [smem:$0x3FB4]  }
0x2c: {  	s7 =	sld [smem:$0x3FB5]  }
0x2d: {  	s3 =	simm.s32 $0x108;
	s8 =	sld [smem:$0x3FB6]  }
0x2e: {  	s3 =	simm.s32 @!p0 $0x1082;
	s9 =	sld [smem:$0x3FB7]  }
0x2f: {  	lr =	sadd.s32 s0, s3;
	s0 =	sld [smem:$0x3FAE]  }
0x30: {  	s3 =	sld [smem:$0x3FB1]  }
0x31: {  	[smem:$0x3FBA] =	sst s10  }
0x32: {  	s10 =	sld [smem:$0x3FB8];
	_ =	sdelay $0x3  }
0x33: {  	p0 =	seq.s32 s10, $0x1;
	s10 =	sld [smem:$0x3FBA];
	_ =	sdelay $0x3  }
0x34: {  	[smem:$0x3FBA] =	sst s10  }
0x35: {  	s10 =	sld [smem:$0x3FB9];
	_ =	sdelay $0x3  }
0x36: {  	p1 =	seq.s32 s10, $0x1;
	s10 =	sld [smem:$0x3FBA];
	_ =	sdelay $0x3  }
0x37: {  	[smem:$0x3FBA] =	sst s10  }
0x38: {  	s10 =	sld [smem:$0x3FBB]  }
0x39: {  	_ = 	snop;
	(pc) =	sbr.ind lr, $3  }
0x3a: {  	_ = 	snop  }
0x3b: {  	_ = 	snop  }
0x3c: {  	p2 =	seq.s32 s10, $0x1;
	s10 =	sld [smem:$0x3FBA]  }
0x3d: {  	_ =	shalt  }
0x3e: {  	_ =	shalt  }
0x3f: {  	_ =	shalt  }
0x40: {  	_ =	shalt  }
0x41: {  	_ =	shalt  }
0x42: {  	_ =	shalt  }
0x43: {  	_ =	shalt  }
0x44: {  	_ =	shalt  }
0x45: {  	_ =	shalt  }
0x46: {  	_ =	shalt  }
0x47: {  	_ =	shalt  }
0x48: {  	_ =	shalt  }
0x49: {  	_ =	shalt  }
0x4a: {  	_ =	shalt  }
0x4b: {  	_ =	shalt  }
0x4c: {  	_ =	shalt  }
0x4d: {  	_ =	shalt  }
0x4e: {  	_ =	shalt  }
0x4f: {  	_ =	shalt  }
0x50: {  	_ =	shalt  }
0x51: {  	_ =	shalt  }
0x52: {  	_ =	shalt  }
0x53: {  	_ =	shalt  }
0x54: {  	_ =	shalt  }
0x55: {  	_ =	shalt  }
0x56: {  	_ =	shalt  }
0x57: {  	_ =	shalt  }
0x58: {  	_ =	shalt  }
0x59: {  	_ =	shalt  }
0x5a: {  	_ =	shalt  }
0x5b: {  	_ =	shalt  }
0x5c: {  	_ =	shalt  }
0x5d: {  	_ =	shalt  }
0x5e: {  	_ =	shalt  }
0x5f: {  	_ =	shalt  }
0x60: {  	_ =	shalt  }
0x61: {  	_ =	shalt  }
0x62: {  	_ =	shalt  }
0x63: {  	_ =	shalt  }
0x64: {  	_ =	shalt  }
0x65: {  	_ =	shalt  }
0x66: {  	_ =	shalt  }
0x67: {  	_ =	shalt  }
0x68: {  	_ =	shalt  }
0x69: {  	_ =	shalt  }
0x6a: {  	_ =	shalt  }
0x6b: {  	_ =	shalt  }
0x6c: {  	_ =	shalt  }
0x6d: {  	_ =	shalt  }
0x6e: {  	_ =	shalt  }
0x6f: {  	_ =	shalt  }
0x70: {  	_ =	shalt  }
0x71: {  	_ =	shalt  }
0x72: {  	_ =	shalt  }
0x73: {  	_ =	shalt  }
0x74: {  	_ =	shalt  }
0x75: {  	_ =	shalt  }
0x76: {  	_ =	shalt  }
0x77: {  	_ =	shalt  }
0x78: {  	_ =	shalt  }
0x79: {  	_ =	shalt  }
0x7a: {  	_ =	shalt  }
0x7b: {  	_ =	shalt  }
0x7c: {  	_ =	shalt  }
0x7d: {  	_ =	shalt  }
0x7e: {  	_ =	shalt  }
0x7f: {  	_ =	shalt  }
0x80: {  	_ =	shalt  }
0x81: {  	_ =	shalt  }
0x82: {  	_ =	shalt  }
0x83: {  	_ =	shalt  }
0x84: {  	_ =	shalt  }
0x85: {  	_ =	shalt  }
0x86: {  	_ =	shalt  }
0x87: {  	_ =	shalt  }
.Lfunc_end0:
.L_simem_size_0:
called_computation_lowered:
.L_overlay_start_0:
0x88: {  	s2 =	sld [smem:$0x3FD9]  }
0x89: {  	s3 =	sld [smem:$0x3FFE];
	_ =	sdelay $0x1  }
0x8a: {  	s1 =	srdreg.scid  }
0x8b: {  	s0 =	sand.u32 $0x1, s1  }
0x8c: {  	s17 =	sshll.u32 s0, $0xA;
	s2 =	sadd.s32 s3, s2  }
0x8d: {  	s2 =	sadd.s32 s2, s17  }
0x8e: {  	[smem:$0x3FC6] =	sst s2  }
0x8f: {  	_ = 	snop  }
0x90: {  	s2 =	sld [smem:$0x3FC8]  }
0x91: {  	s18 =	sld [smem:$0x3FD0];
	(tm) =	ssettm $0x1  }
0x92: {  	s4 =	sld [smem:$0x3FFB];
	_ =	sdelay $0x3  }
0x93: {  	_ =	strace s4  }
0x94: {  	s4 =	sld [smem:$0x3FFC];
	_ =	sdelay $0x3  }
0x95: {  	_ =	strace s4  }
0x96: {  	s4 =	sld [smem:$0x3FFD];
	_ =	sdelay $0x3  }
0x97: {  	_ =	strace s4  }
0x98: {  	_ =	strace $0x8FFFFFFF  }
0x99: {  	s19 =	sld [smem:$0x3FDB];
	_ =	sdelay $0x1  }
0x9a: {  	s5 =	simm.s32 $_scs_section_size  }
0x9b: {  	s6 =	simm.s32 $_size__tile_overlayer_lowered;
	s7 =	simm.s32 $_tile_overlayer_lowered  }
0x9c: {  	s22 =	simm.s32 $0x1BFF;
	s21 =	sshll.u32 s7, $0x1;
	s4 =	sadd.s32 s5, s19  }
0x9d: {  	s8 =	simm.s32 $0x0;
	s20 =	sshll.u32 s6, $0x1;
	s6 =	sadd.s32 s21, s4  }
0x9e: {  	[timem:s8], [sflag:s22] =	dma.local [hbm:s6], s20  }
0x9f: {  	_ =	swait.ge [sflag:s22], s20  }
0xa0: {  	s5 =	ssub.s32 $0x0, s20;
	[sflag:s22] =	ssyncset.done $0x0  }
0xa1: {  	[sflag:s22] =	ssyncadd.s32 s5;
	_ =	sdelay $0x1  }
0xa2: {  	s23 =	simm.s32 $0x1B8B  }
0xa3: {  	_ =	swait.ge [sflag:s23], $0x1  }
0xa4: {  	[sflag:s23] =	ssyncset.done $0x0  }
0xa5: {  	s25 =	simm.s32 $0x1B8E;
	s24 =	sld [smem:$0x3FFE];
	[sflag:s23] =	ssyncadd.s32 $0xFFFFFFFF  }
0xa6: {  	s26 =	simm.s32 $execute0_lowered;
	[smem:$0x3FD2] =	sst s25  }
0xa7: {  	s6 =	sshll.u32 s26, $0x1;
	_ =	strace $0x80000046;
	[dreg:$0x1] =	wrdreg $0xFFFFFFFF  }
0xa8: {  	s28 =	simm.s32 $_size_execute0_lowered;
	s4 =	sadd.s32 s4, s6;
	[dreg:$0x0] =	wrdreg $0x0  }
0xa9: {  	s6 =	sshll.u32 s28, $0x1;
	[dreg:$0x2] =	wrdreg s4  }
0xaa: {  	[dreg:$0x3] =	wrdreg s6  }
0xab: {  	[dreg:$0x4] =	wrdreg $0xC0  }
0xac: {  	_ =	task [dreg:s8], $0x5FFFF  }
0xad: {  	[dreg:$0x1] =	wrdreg $0xFFFFFFFF  }
0xae: {  	[dreg:$0x0] =	wrdreg $0x60  }
0xaf: {  	[dreg:$0x2] =	wrdreg s24  }
0xb0: {  	[dreg:$0x3] =	wrdreg s2  }
0xb1: {  	[dreg:$0x4] =	wrdreg s18  }
0xb2: {  	[dreg:$0x5] =	wrdreg $0x9  }
0xb3: {  	_ =	task.clear_ibuf [dreg:s8], $0x6FFFF;
	_ =	strace $0x90000046  }
0xb4: {  	s29 =	simm.s32 $0x9;
	_ =	strace $0x80000048  }
0xb5: {  	_ =	swait.ge [sflag:s29], $0x1  }
0xb6: {  	[sflag:s29] =	ssyncadd.s32 $0xFFFFFFFF  }
0xb7: {  	_ =	strace $0x90000048  }
0xb8: {  	_ =	sfence  }
0xb9: {  	s30 =	sld [smem:$0x0];
	_ =	sdelay $0x2  }
0xba: {  	s31 =	sshll.u32 s1, $0xD;
	s1 =	sshrl.u32 s1, $0x2  }
0xbb: {  	s3 =	sand.u32 $0x4000, s31;
	s1 =	sadd.s32 s1, s30  }
0xbc: {  	s0 =	sor.u32 s3, s0;
	s1 =	sshll.u32 s1, $0x11  }
0xbd: {  	s0 =	sor.u32 s1, s0  }
0xbe: {  	s0 =	sadd.s32 $0x8F2B, s0  }
0xbf: {  	[sflag:s0] =	ssyncadd.remote.s32 $0x1  }
0xc0: {  	_ =	sfence.sel $0xFFFF  }
0xc1: {  	[dreg:$0x0] =	wrdreg $0xFFFFFFFF;
	(pc) =	sbr.abs _section_cstart, $3  }
0xc2: {  	[dreg:$0x1] =	wrdreg $0xFFFFFFFF  }
0xc3: {  	_ =	task.clear_ibuf [dreg:s8], $0x2FFFF;
	_ =	strace $0x9FFFFFFF  }
0xc4: {  	(tm) =	ssettm $0x7FFFFFFF  }
0xc5: {  	_ =	shalt  }
tec
execute0_lowered:
.L_overlay_start_1:
0x0: {  	(tag) =	ssettag $0x1  }
0x1: {  	s0 =	srdreg.scid;
	s6 =	rddreg [dreg:$0x0]  }
0x2: {  	s10 =	stileid.u32;
	s1 =	rddreg [dreg:$0x1];
	s11 =	simm.s32 $0x80  }
0x3: {  	s13 =	simm.s32 $0x6800;
	s14 =	simm.s32 $0x100;
	s15 =	simm.s32 $0xA800  }
0x4: {  	s16 =	simm.s32 $0x180;
	s17 =	simm.s32 $0x1;
	s18 =	simm.s32 $0x12800  }
0x5: {  	s19 =	simm.s32 $0x2;
	s20 =	simm.s32 $0x12A00;
	s21 =	simm.s32 $0x3  }
0x6: {  	s22 =	simm.s32 $0x5;
	s23 =	simm.s32 $0x4;
	s24 =	simm.s32 $0x6  }
0x7: {  	s25 =	simm.s32 $0x0;
	s0 =	sand.u32 $0x1, s0;
	s2 =	sshll.u32 s10, $0x1  }
0x8: {  	p0 =	seq.s32 s10, $0x0;
	s3 =	sor.u32 s0, s2;
	s2 =	rddreg [dreg:$0x2]  }
0x9: {  	s0 =	ssub.s32 $0x2, s0;
	s4 =	smul.u32 $0x4E, s3;
	s5 =	smin.u32 s3, $0x2  }
0xa: {  	s3 =	simm.s32 $0x0;
	s8 =	sshrl.u32 s0, $0x1;
	s5 =	sshll.u32 s5, $0x1  }
.Ltmp0:
0xb: {  	[smem:$0x7FF] =	sst s3;
	s4 =	sadd.s32 s4, s5;
	(pc) =	sbr.rel .LBB2_1-.Ltmp0, $4  }
0xc: {  	s0 =	ssub.s32 s0, s8;
	s5 =	simm.s32 $0x50;
	s7 =	sshll.u32 s4, $0x4  }
0xd: {  	_ =	strace $0x80000047;
	s5 =	simm.s32 @!p0 $0x4E;
	s9 =	sadd.s32 s7, s6  }
0xe: {  	p0 =	sne.s32 s10, $0x0;
	s10 =	simm.s32 $0x7;
	s6 =	sadd.s32 $0x400, s9  }
0xf: {  	s7 =	sadd.s32 $0x430, s9;
	s8 =	sadd.s32 $0x8E0, s9;
	s9 =	smax.u32 s0, $0x1  }
.LBB2_43:
0x10: {  	s25 =	sadd.s32 $0x1, s25  }
0x11: {  	_ =	swait.ge [sflag:s22], $0x200;
	p1 =	sne.s32 s25, s9  }
.Ltmp1:
0x12: {  	[sflag:s22] =	ssyncset.done $0x0;
	(pc) =	sbr.rel @!p1 .LBB2_44-.Ltmp1, $4  }
0x13: {  	[sflag:s22] =	ssyncadd.s32 $0xFFFFFE00  }
0x14: {  	_ =	swait.ge [sflag:s24], $0x200  }
0x15: {  	[sflag:s24] =	ssyncset.done $0x0  }
0x16: {  	[sflag:s24] =	ssyncadd.s32 $0xFFFFFE00  }
.LBB2_1:
0x17: {  	[tilespmem:s3], [sflag:$0x7] =	stream.linear.gather [hbm4b:s6+s3], $0x180, $0x38;
	[tilespmem:$0x12C00] =	vst v63  }
0x18: {  	_ =	swait.ge [sflag:s10], $0x180  }
0x19: {  	[sflag:s10] =	ssyncset.done $0x0  }
0x1a: {  	s0 =	simm.s32 $0x2800;
	[sflag:s10] =	ssyncadd.s32 $0xFFFFFE80  }
0x1b: {  	[tilespmem:s0], [sflag:$0x1] =	stream.indirect.gather [hbm4b:s1+s11], $0x80, s3, s11, $0xb8;
	[tilespmem:$0x12C00] =	vst v63  }
0x1c: {  	_ = 	snop  }
0x1d: {  	[tilespmem:s13], [sflag:$0x2] =	stream.indirect.gather [hbm4b:s1+s11], $0x80, s11, s11, $0xb8;
	[tilespmem:$0x12C00] =	vst v63  }
0x1e: {  	_ = 	snop  }
0x1f: {  	[tilespmem:s15], [sflag:$0x3] =	stream.indirect.gather [hbm4b:s1+s11], $0x80, s14, s11, $0xb8;
	[tilespmem:$0x12C00] =	vst v63  }
0x20: {  	_ = 	snop  }
0x21: {  	[tilespmem:s16], [sflag:$0x7] =	stream.linear.gather [hbm4b:s7+s3], $0x2580, $0x38;
	[tilespmem:$0x12C00] =	vst v63  }
0x22: {  	_ =	swait.ge [sflag:s10], $0x2580  }
0x23: {  	[sflag:s10] =	ssyncset.done $0x0  }
0x24: {  	s26 =	simm.s32 @!p0 $0x2700;
	s0 =	simm.s32 @!p0 $0x0;
	[sflag:s10] =	ssyncadd.s32 $0xFFFFDA80  }
0x25: {  	[tilespmem:s26], [sflag:$0x7] =	stream.linear.gather @!p0 [hbm4b:s8+s0], $0x100, $0x38;
	[tilespmem:$0x12C00] =	vst v63  }
.Ltmp2:
0x26: {  	_ = 	snop;
	(pc) =	sbr.rel .LBB2_2-.Ltmp2, $4  }
0x27: {  	s0 =	simm.s32 @!p0 $0x7  }
0x28: {  	_ =	swait.ge @!p0 [sflag:s0], $0x100  }
0x29: {  	[sflag:s0] =	ssyncset.done @!p0 $0x0  }
0x2a: {  	s26 =	simm.s32 $0x0;
	[sflag:s0] =	ssyncadd.s32 @!p0 $0xFFFFFF00  }
.LBB2_42:
0x2b: {  	s26 =	sadd.s32 $0x1, s26  }
0x2c: {  	p1 =	sne.s32 s26, $0x14  }
.Ltmp3:
0x2d: {  	_ = 	snop;
	(pc) =	sbr.rel @!p1 .LBB2_43-.Ltmp3, $1  }
0x2e: {  	_ =	sdelay $0x3  }
.LBB2_2:
0x2f: {  	s29 =	sshll.u32 s26, $0x2  }
0x30: {  	p3 =	sge.u32 s29, s5  }
.Ltmp4:
0x31: {  	s28 =	sshllo.u32 s26, $0x2;
	(pc) =	sbr.rel @p3 .LBB2_12-.Ltmp4, $4  }
0x32: {  	p1 =	sge.u32 s28, s5  }
0x33: {  	p2 =	seq.s32 s26, $0x0;
	s0 =	sshll.u32 @!p1 s28, $0x7  }
0x34: {  	s30 =	simm.s32 @!p1 $0x80;
	s31 =	simm.s32 @!p1 $0xE800;
	s0 =	sand.u32 @!p1 $0x3FFFFF80, s0  }
0x35: {  	[tilespmem:s31], [sflag:$0x4] =	stream.indirect.gather @!p1 [hbm4b:s1+s30], $0x80, s0, s30, $0xb8;
	[tilespmem:$0x12C00] =	vst v63  }
0x36: {  	_ =	swait.ge [sflag:s17], $0x4000  }
0x37: {  	[sflag:s17] =	ssyncset.done $0x0  }
0x38: {  	s0 =	simm.s32 @!p2 $0x5;
	[sflag:s17] =	ssyncadd.s32 $0xFFFFC000  }
0x39: {  	_ =	swait.ge @!p2 [sflag:s0], $0x200  }
0x3a: {  	[sflag:s0] =	ssyncset.done @!p2 $0x0  }
0x3b: {  	s12 =	simm.s32 $0x0;
	[sflag:s0] =	ssyncadd.s32 @!p2 $0xFFFFFE00  }
0x3c: {  	v0 =	vld [tilespmem:s12+$0x2870]  }
0x3d: {  	v2 =	vld [tilespmem:s12+$0x2800]  }
0x3e: {  	v3 =	vld [tilespmem:s12+$0x2810]  }
0x3f: {  	v12 =	vld [tilespmem:s12+$0x2820]  }
0x40: {  	v10 =	vld [tilespmem:s12+$0x2830]  }
0x41: {  	v1 =	vimm.f32 $0.0e+00;
	v6 =	vimm.f32 $0.0e+00;
	v7 =	vld [tilespmem:s12+$0x2840]  }
0x42: {  	v9 =	vimm.f32 $0.0e+00;
	v8 =	vld [tilespmem:s12+$0x2850];
	v0 =	vadd.f32 v0, v1;
	v5 =	vadd.f32 v2, v1  }
0x43: {  	s30 =	simm.s32 $0x80;
	s31 =	simm.s32 $0x400;
	v11 =	vld [tilespmem:s12+$0x2860];
	v4 =	vadd.f32 v3, v1;
	v3 =	vimm.f32 $0.0e+00;
	v2 =	vimm.f32 $0.0e+00  }
.LBB2_4:
0x44: {  	p3 =	sne.s32 s31, $0x3E00;
	v13 =	vld [tilespmem:s30+$0x2870];
	v1 =	vadd.f32 v12, v1  }
0x45: {  	v14 =	vld [tilespmem:s30+$0x2800];
	v6 =	vadd.f32 v10, v6  }
0x46: {  	v15 =	vld [tilespmem:s30+$0x2810];
	v9 =	vadd.f32 v7, v9  }
.Ltmp5:
0x47: {  	v12 =	vld [tilespmem:s30+$0x2820];
	v3 =	vadd.f32 v8, v3;
	(pc) =	sbr.rel @p3 .LBB2_4-.Ltmp5, $4  }
0x48: {  	v10 =	vld [tilespmem:s30+$0x2830];
	v2 =	vadd.f32 v11, v2  }
0x49: {  	v7 =	vld [tilespmem:s30+$0x2840];
	v0 =	vadd.f32 v13, v0  }
0x4a: {  	v5 =	vadd.f32 v14, v5;
	v8 =	vld [tilespmem:s30+$0x2850]  }
0x4b: {  	v4 =	vadd.f32 v15, v4;
	v11 =	vld [tilespmem:s30+$0x2860];
	s30 =	sshra.s32 s31, $0x2;
	s31 =	sadd.s32 $0x200, s31  }
0x4c: {  	v13 =	vld [tilespmem:s30+$0x2800]  }
0x4d: {  	v14 =	vld [tilespmem:s30+$0x2810]  }
0x4e: {  	v15 =	vld [tilespmem:s30+$0x2820]  }
0x4f: {  	v1 =	vadd.f32 v12, v1;
	v12 =	vld [tilespmem:s30+$0x2850]  }
0x50: {  	v16 =	vld [tilespmem:s30+$0x2830]  }
0x51: {  	v17 =	vld [tilespmem:s30+$0x2840];
	v7 =	vadd.f32 v7, v9;
	v5 =	vadd.f32 v13, v5  }
0x52: {  	v9 =	vld [tilespmem:s30+$0x2870];
	v3 =	vadd.f32 v8, v3;
	v4 =	vadd.f32 v14, v4  }
0x53: {  	v6 =	vadd.f32 v10, v6;
	v10 =	vld [tilespmem:s30+$0x2860];
	v1 =	vadd.f32 v15, v1;
	v5 =	vmul.f32 $3.125000000e-02, v5  }
0x54: {  	v3 =	vadd.f32 v12, v3;
	v4 =	vmul.f32 $3.125000000e-02, v4  }
0x55: {  	v6 =	vadd.f32 v16, v6;
	v1 =	vmul.f32 $3.125000000e-02, v1;
	[tilespmem:$0x12800] =	vst v5  }
0x56: {  	v2 =	vadd.f32 v11, v2;
	v7 =	vadd.f32 v17, v7;
	v3 =	vmul.f32 $3.125000000e-02, v3;
	[tilespmem:$0x12810] =	vst v4  }
0x57: {  	v0 =	vadd.f32 v9, v0;
	v4 =	vmul.f32 $3.125000000e-02, v6;
	[tilespmem:$0x12820] =	vst v1  }
0x58: {  	v2 =	vadd.f32 v10, v2;
	v1 =	vmul.f32 $3.125000000e-02, v7;
	[tilespmem:$0x12850] =	vst v3  }
0x59: {  	v0 =	vmul.f32 $3.125000000e-02, v0;
	[tilespmem:$0x12830] =	vst v4  }
0x5a: {  	[tilespmem:$0x12840] =	vst v1;
	v1 =	vmul.f32 $3.125000000e-02, v2  }
0x5b: {  	[tilespmem:$0x12870] =	vst v0  }
0x5c: {  	s0 =	simm.s32 $0x0;
	[tilespmem:$0x12860] =	vst v1  }
0x5d: {  	v0 =	vld [tilespmem:s0+$0x3870]  }
0x5e: {  	v2 =	vld [tilespmem:s0+$0x3800]  }
0x5f: {  	v3 =	vld [tilespmem:s0+$0x3810]  }
0x60: {  	v12 =	vld [tilespmem:s0+$0x3820]  }
0x61: {  	v10 =	vld [tilespmem:s0+$0x3830]  }
0x62: {  	v9 =	vimm.f32 $0.0e+00;
	v1 =	vimm.f32 $0.0e+00;
	v7 =	vld [tilespmem:s0+$0x3840]  }
0x63: {  	v6 =	vimm.f32 $0.0e+00;
	v8 =	vld [tilespmem:s0+$0x3850];
	v0 =	vadd.f32 v0, v1;
	v5 =	vadd.f32 v2, v1  }
0x64: {  	s31 =	simm.s32 $0x400;
	s30 =	simm.s32 $0x80;
	v11 =	vld [tilespmem:s0+$0x3860];
	v4 =	vadd.f32 v3, v1;
	v3 =	vimm.f32 $0.0e+00;
	v2 =	vimm.f32 $0.0e+00  }
.LBB2_6:
0x65: {  	p3 =	sne.s32 s31, $0x3E00;
	v13 =	vld [tilespmem:s30+$0x3870];
	v1 =	vadd.f32 v12, v1  }
0x66: {  	v14 =	vld [tilespmem:s30+$0x3800];
	v6 =	vadd.f32 v10, v6  }
0x67: {  	v15 =	vld [tilespmem:s30+$0x3810];
	v9 =	vadd.f32 v7, v9  }
.Ltmp6:
0x68: {  	v12 =	vld [tilespmem:s30+$0x3820];
	v3 =	vadd.f32 v8, v3;
	(pc) =	sbr.rel @p3 .LBB2_6-.Ltmp6, $4  }
0x69: {  	v10 =	vld [tilespmem:s30+$0x3830];
	v2 =	vadd.f32 v11, v2  }
0x6a: {  	v7 =	vld [tilespmem:s30+$0x3840];
	v0 =	vadd.f32 v13, v0  }
0x6b: {  	v5 =	vadd.f32 v14, v5;
	v8 =	vld [tilespmem:s30+$0x3850]  }
0x6c: {  	v4 =	vadd.f32 v15, v4;
	v11 =	vld [tilespmem:s30+$0x3860];
	s30 =	sshra.s32 s31, $0x2;
	s31 =	sadd.s32 $0x200, s31  }
0x6d: {  	v13 =	vld [tilespmem:s30+$0x3800]  }
0x6e: {  	v14 =	vld [tilespmem:s30+$0x3810]  }
0x6f: {  	v15 =	vld [tilespmem:s30+$0x3820]  }
0x70: {  	v1 =	vadd.f32 v12, v1;
	v12 =	vld [tilespmem:s30+$0x3850]  }
0x71: {  	v16 =	vld [tilespmem:s30+$0x3830]  }
0x72: {  	v17 =	vld [tilespmem:s30+$0x3840];
	v7 =	vadd.f32 v7, v9;
	v5 =	vadd.f32 v13, v5  }
0x73: {  	v9 =	vld [tilespmem:s30+$0x3870];
	v3 =	vadd.f32 v8, v3;
	v4 =	vadd.f32 v14, v4  }
0x74: {  	v6 =	vadd.f32 v10, v6;
	v10 =	vld [tilespmem:s30+$0x3860];
	v1 =	vadd.f32 v15, v1;
	v5 =	vmul.f32 $3.125000000e-02, v5  }
0x75: {  	v3 =	vadd.f32 v12, v3;
	v4 =	vmul.f32 $3.125000000e-02, v4  }
0x76: {  	v6 =	vadd.f32 v16, v6;
	v1 =	vmul.f32 $3.125000000e-02, v1;
	[tilespmem:$0x12880] =	vst v5  }
0x77: {  	v2 =	vadd.f32 v11, v2;
	v7 =	vadd.f32 v17, v7;
	v3 =	vmul.f32 $3.125000000e-02, v3;
	[tilespmem:$0x12890] =	vst v4  }
0x78: {  	v0 =	vadd.f32 v9, v0;
	v4 =	vmul.f32 $3.125000000e-02, v6;
	[tilespmem:$0x128A0] =	vst v1  }
0x79: {  	v2 =	vadd.f32 v10, v2;
	v1 =	vmul.f32 $3.125000000e-02, v7;
	[tilespmem:$0x128D0] =	vst v3  }
0x7a: {  	v0 =	vmul.f32 $3.125000000e-02, v0;
	[tilespmem:$0x128B0] =	vst v4  }
0x7b: {  	[tilespmem:$0x128C0] =	vst v1;
	v1 =	vmul.f32 $3.125000000e-02, v2  }
0x7c: {  	[tilespmem:$0x128F0] =	vst v0  }
0x7d: {  	s0 =	simm.s32 $0x0;
	[tilespmem:$0x128E0] =	vst v1  }
0x7e: {  	v0 =	vld [tilespmem:s0+$0x4870]  }
0x7f: {  	v2 =	vld [tilespmem:s0+$0x4800]  }
0x80: {  	v3 =	vld [tilespmem:s0+$0x4810]  }
0x81: {  	v12 =	vld [tilespmem:s0+$0x4820]  }
0x82: {  	v10 =	vld [tilespmem:s0+$0x4830]  }
0x83: {  	v9 =	vimm.f32 $0.0e+00;
	v1 =	vimm.f32 $0.0e+00;
	v7 =	vld [tilespmem:s0+$0x4840]  }
0x84: {  	v6 =	vimm.f32 $0.0e+00;
	v8 =	vld [tilespmem:s0+$0x4850];
	v0 =	vadd.f32 v0, v1;
	v5 =	vadd.f32 v2, v1  }
0x85: {  	s31 =	simm.s32 $0x400;
	s30 =	simm.s32 $0x80;
	v11 =	vld [tilespmem:s0+$0x4860];
	v4 =	vadd.f32 v3, v1;
	v3 =	vimm.f32 $0.0e+00;
	v2 =	vimm.f32 $0.0e+00  }
.LBB2_8:
0x86: {  	p3 =	sne.s32 s31, $0x3E00;
	v13 =	vld [tilespmem:s30+$0x4870];
	v1 =	vadd.f32 v12, v1  }
0x87: {  	v14 =	vld [tilespmem:s30+$0x4800];
	v6 =	vadd.f32 v10, v6  }
0x88: {  	v15 =	vld [tilespmem:s30+$0x4810];
	v9 =	vadd.f32 v7, v9  }
.Ltmp7:
0x89: {  	v12 =	vld [tilespmem:s30+$0x4820];
	v3 =	vadd.f32 v8, v3;
	(pc) =	sbr.rel @p3 .LBB2_8-.Ltmp7, $4  }
0x8a: {  	v10 =	vld [tilespmem:s30+$0x4830];
	v2 =	vadd.f32 v11, v2  }
0x8b: {  	v7 =	vld [tilespmem:s30+$0x4840];
	v0 =	vadd.f32 v13, v0  }
0x8c: {  	v5 =	vadd.f32 v14, v5;
	v8 =	vld [tilespmem:s30+$0x4850]  }
0x8d: {  	v4 =	vadd.f32 v15, v4;
	v11 =	vld [tilespmem:s30+$0x4860];
	s30 =	sshra.s32 s31, $0x2;
	s31 =	sadd.s32 $0x200, s31  }
0x8e: {  	v13 =	vld [tilespmem:s30+$0x4800]  }
0x8f: {  	v14 =	vld [tilespmem:s30+$0x4810]  }
0x90: {  	v15 =	vld [tilespmem:s30+$0x4820]  }
0x91: {  	v1 =	vadd.f32 v12, v1;
	v12 =	vld [tilespmem:s30+$0x4850]  }
0x92: {  	v16 =	vld [tilespmem:s30+$0x4830]  }
0x93: {  	v17 =	vld [tilespmem:s30+$0x4840];
	v7 =	vadd.f32 v7, v9;
	v5 =	vadd.f32 v13, v5  }
0x94: {  	v9 =	vld [tilespmem:s30+$0x4870];
	v3 =	vadd.f32 v8, v3;
	v4 =	vadd.f32 v14, v4  }
0x95: {  	v6 =	vadd.f32 v10, v6;
	v10 =	vld [tilespmem:s30+$0x4860];
	v1 =	vadd.f32 v15, v1;
	v5 =	vmul.f32 $3.125000000e-02, v5  }
0x96: {  	v3 =	vadd.f32 v12, v3;
	v4 =	vmul.f32 $3.125000000e-02, v4  }
0x97: {  	v6 =	vadd.f32 v16, v6;
	v1 =	vmul.f32 $3.125000000e-02, v1;
	[tilespmem:$0x12900] =	vst v5  }
0x98: {  	v2 =	vadd.f32 v11, v2;
	v7 =	vadd.f32 v17, v7;
	v3 =	vmul.f32 $3.125000000e-02, v3;
	[tilespmem:$0x12910] =	vst v4  }
0x99: {  	v0 =	vadd.f32 v9, v0;
	v4 =	vmul.f32 $3.125000000e-02, v6;
	[tilespmem:$0x12920] =	vst v1  }
0x9a: {  	v2 =	vadd.f32 v10, v2;
	v1 =	vmul.f32 $3.125000000e-02, v7;
	[tilespmem:$0x12950] =	vst v3  }
0x9b: {  	v0 =	vmul.f32 $3.125000000e-02, v0;
	[tilespmem:$0x12930] =	vst v4  }
0x9c: {  	[tilespmem:$0x12940] =	vst v1;
	v1 =	vmul.f32 $3.125000000e-02, v2  }
0x9d: {  	[tilespmem:$0x12970] =	vst v0  }
0x9e: {  	s0 =	simm.s32 $0x0;
	[tilespmem:$0x12960] =	vst v1  }
0x9f: {  	v0 =	vld [tilespmem:s0+$0x5870]  }
0xa0: {  	v2 =	vld [tilespmem:s0+$0x5800]  }
0xa1: {  	v3 =	vld [tilespmem:s0+$0x5810]  }
0xa2: {  	v12 =	vld [tilespmem:s0+$0x5820]  }
0xa3: {  	v10 =	vld [tilespmem:s0+$0x5830]  }
0xa4: {  	v9 =	vimm.f32 $0.0e+00;
	v1 =	vimm.f32 $0.0e+00;
	v7 =	vld [tilespmem:s0+$0x5840]  }
0xa5: {  	v6 =	vimm.f32 $0.0e+00;
	v8 =	vld [tilespmem:s0+$0x5850];
	v0 =	vadd.f32 v0, v1;
	v5 =	vadd.f32 v2, v1  }
0xa6: {  	s31 =	simm.s32 $0x400;
	s30 =	simm.s32 $0x80;
	v11 =	vld [tilespmem:s0+$0x5860];
	v4 =	vadd.f32 v3, v1;
	v3 =	vimm.f32 $0.0e+00;
	v2 =	vimm.f32 $0.0e+00  }
.LBB2_10:
0xa7: {  	p3 =	sne.s32 s31, $0x3E00;
	v13 =	vld [tilespmem:s30+$0x5870];
	v1 =	vadd.f32 v12, v1  }
0xa8: {  	v14 =	vld [tilespmem:s30+$0x5800];
	v6 =	vadd.f32 v10, v6  }
0xa9: {  	v15 =	vld [tilespmem:s30+$0x5810];
	v9 =	vadd.f32 v7, v9  }
.Ltmp8:
0xaa: {  	v12 =	vld [tilespmem:s30+$0x5820];
	v3 =	vadd.f32 v8, v3;
	(pc) =	sbr.rel @p3 .LBB2_10-.Ltmp8, $4  }
0xab: {  	v10 =	vld [tilespmem:s30+$0x5830];
	v2 =	vadd.f32 v11, v2  }
0xac: {  	v7 =	vld [tilespmem:s30+$0x5840];
	v0 =	vadd.f32 v13, v0  }
0xad: {  	v5 =	vadd.f32 v14, v5;
	v8 =	vld [tilespmem:s30+$0x5850]  }
0xae: {  	v4 =	vadd.f32 v15, v4;
	v11 =	vld [tilespmem:s30+$0x5860];
	s30 =	sshra.s32 s31, $0x2;
	s31 =	sadd.s32 $0x200, s31  }
0xaf: {  	v13 =	vld [tilespmem:s30+$0x5800]  }
0xb0: {  	v14 =	vld [tilespmem:s30+$0x5810]  }
0xb1: {  	v15 =	vld [tilespmem:s30+$0x5820]  }
0xb2: {  	v16 =	vld [tilespmem:s30+$0x5830]  }
0xb3: {  	v17 =	vld [tilespmem:s30+$0x5840]  }
0xb4: {  	v1 =	vadd.f32 v12, v1;
	v58 =	vld [tilespmem:s30+$0x5850];
	v5 =	vadd.f32 v13, v5  }
0xb5: {  	v60 =	vld [tilespmem:s30+$0x5870];
	v6 =	vadd.f32 v10, v6;
	v4 =	vadd.f32 v14, v4  }
0xb6: {  	v59 =	vld [tilespmem:s30+$0x5860];
	v7 =	vadd.f32 v7, v9;
	v1 =	vadd.f32 v15, v1;
	v5 =	vmul.f32 $3.125000000e-02, v5  }
0xb7: {  	v3 =	vadd.f32 v8, v3;
	v6 =	vadd.f32 v16, v6;
	v4 =	vmul.f32 $3.125000000e-02, v4  }
0xb8: {  	v7 =	vadd.f32 v17, v7;
	v1 =	vmul.f32 $3.125000000e-02, v1;
	[tilespmem:$0x12980] =	vst v5  }
0xb9: {  	v2 =	vadd.f32 v11, v2;
	v3 =	vadd.f32 v58, v3;
	v61 =	vmul.f32 $3.125000000e-02, v6;
	[tilespmem:$0x12990] =	vst v4  }
0xba: {  	v0 =	vadd.f32 v60, v0;
	v62 =	vmul.f32 $3.125000000e-02, v7;
	[tilespmem:$0x129A0] =	vst v1  }
0xbb: {  	v2 =	vadd.f32 v59, v2;
	v3 =	vmul.f32 $3.125000000e-02, v3;
	[tilespmem:$0x129B0] =	vst v61  }
0xbc: {  	s0 =	sadd.s32 s4, s29;
	v0 =	vmul.f32 $3.125000000e-02, v0;
	[tilespmem:$0x129C0] =	vst v62  }
0xbd: {  	s0 =	sshll.u32 s0, $0x6;
	v63 =	vmul.f32 $3.125000000e-02, v2;
	[tilespmem:$0x129D0] =	vst v3  }
0xbe: {  	s0 =	sand.u32 $0x1FFFFF80, s0;
	[tilespmem:$0x129F0] =	vst v0  }
0xbf: {  	s0 =	sadd.s32 s2, s0;
	[tilespmem:$0x129E0] =	vst v63  }
0xc0: {  	[hbm4b:s0+s3] =	stream.linear.scatter [tilespmem:s18], [sflag:$0x5], $0x200, $0x38;
	[tilespmem:$0x12C00] =	vst v63  }
.LBB2_12:
0xc1: {  	s0 =	sadd.s32 $0x4, s29  }
0xc2: {  	p3 =	sge.u32 s0, s5  }
0xc3: {  	s30 =	sor.u32 $0x1, s29;
	s0 =	sshll.u32 @!p3 s0, $0x7  }
0xc4: {  	s31 =	simm.s32 @!p3 $0x80;
	s12 =	simm.s32 @!p3 $0x2800;
	s0 =	sand.u32 @!p3 $0x3FFFFF80, s0  }
0xc5: {  	[tilespmem:s12], [sflag:$0x1] =	stream.indirect.gather @!p3 [hbm4b:s1+s31], $0x80, s0, s31, $0xb8;
	[tilespmem:$0x12C00] =	vst v63  }
0xc6: {  	p3 =	sge.u32 s30, s5  }
.Ltmp9:
0xc7: {  	_ = 	snop;
	(pc) =	sbr.rel @p3 .LBB2_22-.Ltmp9, $1  }
0xc8: {  	_ =	sdelay $0x3  }
0xc9: {  	_ =	swait.ge [sflag:s19], $0x4000  }
0xca: {  	[sflag:s19] =	ssyncset.done $0x0  }
0xcb: {  	s0 =	simm.s32 @!p2 $0x6;
	[sflag:s19] =	ssyncadd.s32 $0xFFFFC000  }
0xcc: {  	_ =	swait.ge @!p2 [sflag:s0], $0x200  }
0xcd: {  	[sflag:s0] =	ssyncset.done @!p2 $0x0  }
0xce: {  	s12 =	simm.s32 $0x0;
	[sflag:s0] =	ssyncadd.s32 @!p2 $0xFFFFFE00  }
0xcf: {  	v0 =	vld [tilespmem:s12+$0x6870]  }
0xd0: {  	v2 =	vld [tilespmem:s12+$0x6800]  }
0xd1: {  	v3 =	vld [tilespmem:s12+$0x6810]  }
0xd2: {  	v12 =	vld [tilespmem:s12+$0x6820]  }
0xd3: {  	v10 =	vld [tilespmem:s12+$0x6830]  }
0xd4: {  	v1 =	vimm.f32 $0.0e+00;
	v6 =	vimm.f32 $0.0e+00;
	v7 =	vld [tilespmem:s12+$0x6840]  }
0xd5: {  	v9 =	vimm.f32 $0.0e+00;
	v8 =	vld [tilespmem:s12+$0x6850];
	v0 =	vadd.f32 v0, v1;
	v5 =	vadd.f32 v2, v1  }
0xd6: {  	s31 =	simm.s32 $0x80;
	s0 =	simm.s32 $0x400;
	v11 =	vld [tilespmem:s12+$0x6860];
	v4 =	vadd.f32 v3, v1;
	v3 =	vimm.f32 $0.0e+00;
	v2 =	vimm.f32 $0.0e+00  }
.LBB2_14:
0xd7: {  	p2 =	sne.s32 s0, $0x3E00;
	v13 =	vld [tilespmem:s31+$0x6870];
	v1 =	vadd.f32 v12, v1  }
0xd8: {  	v14 =	vld [tilespmem:s31+$0x6800];
	v6 =	vadd.f32 v10, v6  }
0xd9: {  	v15 =	vld [tilespmem:s31+$0x6810];
	v9 =	vadd.f32 v7, v9  }
.Ltmp10:
0xda: {  	v12 =	vld [tilespmem:s31+$0x6820];
	v3 =	vadd.f32 v8, v3;
	(pc) =	sbr.rel @p2 .LBB2_14-.Ltmp10, $4  }
0xdb: {  	v10 =	vld [tilespmem:s31+$0x6830];
	v2 =	vadd.f32 v11, v2  }
0xdc: {  	v7 =	vld [tilespmem:s31+$0x6840];
	v0 =	vadd.f32 v13, v0  }
0xdd: {  	v5 =	vadd.f32 v14, v5;
	v8 =	vld [tilespmem:s31+$0x6850]  }
0xde: {  	v4 =	vadd.f32 v15, v4;
	v11 =	vld [tilespmem:s31+$0x6860];
	s31 =	sshra.s32 s0, $0x2;
	s0 =	sadd.s32 $0x200, s0  }
0xdf: {  	v13 =	vld [tilespmem:s31+$0x6800]  }
0xe0: {  	v14 =	vld [tilespmem:s31+$0x6810]  }
0xe1: {  	v15 =	vld [tilespmem:s31+$0x6820]  }
0xe2: {  	v1 =	vadd.f32 v12, v1;
	v12 =	vld [tilespmem:s31+$0x6850]  }
0xe3: {  	v16 =	vld [tilespmem:s31+$0x6830]  }
0xe4: {  	v17 =	vld [tilespmem:s31+$0x6840];
	v7 =	vadd.f32 v7, v9;
	v5 =	vadd.f32 v13, v5  }
0xe5: {  	v9 =	vld [tilespmem:s31+$0x6870];
	v3 =	vadd.f32 v8, v3;
	v4 =	vadd.f32 v14, v4  }
0xe6: {  	v6 =	vadd.f32 v10, v6;
	v10 =	vld [tilespmem:s31+$0x6860];
	v1 =	vadd.f32 v15, v1;
	v5 =	vmul.f32 $3.125000000e-02, v5  }
0xe7: {  	v3 =	vadd.f32 v12, v3;
	v4 =	vmul.f32 $3.125000000e-02, v4  }
0xe8: {  	v6 =	vadd.f32 v16, v6;
	v1 =	vmul.f32 $3.125000000e-02, v1;
	[tilespmem:$0x12A00] =	vst v5  }
0xe9: {  	v2 =	vadd.f32 v11, v2;
	v7 =	vadd.f32 v17, v7;
	v3 =	vmul.f32 $3.125000000e-02, v3;
	[tilespmem:$0x12A10] =	vst v4  }
0xea: {  	v0 =	vadd.f32 v9, v0;
	v4 =	vmul.f32 $3.125000000e-02, v6;
	[tilespmem:$0x12A20] =	vst v1  }
0xeb: {  	v2 =	vadd.f32 v10, v2;
	v1 =	vmul.f32 $3.125000000e-02, v7;
	[tilespmem:$0x12A50] =	vst v3  }
0xec: {  	v0 =	vmul.f32 $3.125000000e-02, v0;
	[tilespmem:$0x12A30] =	vst v4  }
0xed: {  	[tilespmem:$0x12A40] =	vst v1;
	v1 =	vmul.f32 $3.125000000e-02, v2  }
0xee: {  	[tilespmem:$0x12A70] =	vst v0  }
0xef: {  	s12 =	simm.s32 $0x0;
	[tilespmem:$0x12A60] =	vst v1  }
0xf0: {  	v0 =	vld [tilespmem:s12+$0x7870]  }
0xf1: {  	v2 =	vld [tilespmem:s12+$0x7800]  }
0xf2: {  	v3 =	vld [tilespmem:s12+$0x7810]  }
0xf3: {  	v12 =	vld [tilespmem:s12+$0x7820]  }
0xf4: {  	v10 =	vld [tilespmem:s12+$0x7830]  }
0xf5: {  	v9 =	vimm.f32 $0.0e+00;
	v1 =	vimm.f32 $0.0e+00;
	v7 =	vld [tilespmem:s12+$0x7840]  }
0xf6: {  	v6 =	vimm.f32 $0.0e+00;
	v8 =	vld [tilespmem:s12+$0x7850];
	v0 =	vadd.f32 v0, v1;
	v5 =	vadd.f32 v2, v1  }
0xf7: {  	s0 =	simm.s32 $0x400;
	s31 =	simm.s32 $0x80;
	v11 =	vld [tilespmem:s12+$0x7860];
	v4 =	vadd.f32 v3, v1;
	v3 =	vimm.f32 $0.0e+00;
	v2 =	vimm.f32 $0.0e+00  }
.LBB2_16:
0xf8: {  	p2 =	sne.s32 s0, $0x3E00;
	v13 =	vld [tilespmem:s31+$0x7870];
	v1 =	vadd.f32 v12, v1  }
0xf9: {  	v14 =	vld [tilespmem:s31+$0x7800];
	v6 =	vadd.f32 v10, v6  }
0xfa: {  	v15 =	vld [tilespmem:s31+$0x7810];
	v9 =	vadd.f32 v7, v9  }
.Ltmp11:
0xfb: {  	v12 =	vld [tilespmem:s31+$0x7820];
	v3 =	vadd.f32 v8, v3;
	(pc) =	sbr.rel @p2 .LBB2_16-.Ltmp11, $4  }
0xfc: {  	v10 =	vld [tilespmem:s31+$0x7830];
	v2 =	vadd.f32 v11, v2  }
0xfd: {  	v7 =	vld [tilespmem:s31+$0x7840];
	v0 =	vadd.f32 v13, v0  }
0xfe: {  	v5 =	vadd.f32 v14, v5;
	v8 =	vld [tilespmem:s31+$0x7850]  }
0xff: {  	v4 =	vadd.f32 v15, v4;
	v11 =	vld [tilespmem:s31+$0x7860];
	s31 =	sshra.s32 s0, $0x2;
	s0 =	sadd.s32 $0x200, s0  }
0x100: {  	v13 =	vld [tilespmem:s31+$0x7800]  }
0x101: {  	v14 =	vld [tilespmem:s31+$0x7810]  }
0x102: {  	v15 =	vld [tilespmem:s31+$0x7820]  }
0x103: {  	v1 =	vadd.f32 v12, v1;
	v12 =	vld [tilespmem:s31+$0x7850]  }
0x104: {  	v16 =	vld [tilespmem:s31+$0x7830]  }
0x105: {  	v17 =	vld [tilespmem:s31+$0x7840];
	v7 =	vadd.f32 v7, v9;
	v5 =	vadd.f32 v13, v5  }
0x106: {  	v9 =	vld [tilespmem:s31+$0x7870];
	v3 =	vadd.f32 v8, v3;
	v4 =	vadd.f32 v14, v4  }
0x107: {  	v6 =	vadd.f32 v10, v6;
	v10 =	vld [tilespmem:s31+$0x7860];
	v1 =	vadd.f32 v15, v1;
	v5 =	vmul.f32 $3.125000000e-02, v5  }
0x108: {  	v3 =	vadd.f32 v12, v3;
	v4 =	vmul.f32 $3.125000000e-02, v4  }
0x109: {  	v6 =	vadd.f32 v16, v6;
	v1 =	vmul.f32 $3.125000000e-02, v1;
	[tilespmem:$0x12A80] =	vst v5  }
0x10a: {  	v2 =	vadd.f32 v11, v2;
	v7 =	vadd.f32 v17, v7;
	v3 =	vmul.f32 $3.125000000e-02, v3;
	[tilespmem:$0x12A90] =	vst v4  }
0x10b: {  	v0 =	vadd.f32 v9, v0;
	v4 =	vmul.f32 $3.125000000e-02, v6;
	[tilespmem:$0x12AA0] =	vst v1  }
0x10c: {  	v2 =	vadd.f32 v10, v2;
	v1 =	vmul.f32 $3.125000000e-02, v7;
	[tilespmem:$0x12AD0] =	vst v3  }
0x10d: {  	v0 =	vmul.f32 $3.125000000e-02, v0;
	[tilespmem:$0x12AB0] =	vst v4  }
0x10e: {  	[tilespmem:$0x12AC0] =	vst v1;
	v1 =	vmul.f32 $3.125000000e-02, v2  }
0x10f: {  	[tilespmem:$0x12AF0] =	vst v0  }
0x110: {  	s12 =	simm.s32 $0x0;
	[tilespmem:$0x12AE0] =	vst v1  }
0x111: {  	v0 =	vld [tilespmem:s12+$0x8870]  }
0x112: {  	v2 =	vld [tilespmem:s12+$0x8800]  }
0x113: {  	v3 =	vld [tilespmem:s12+$0x8810]  }
0x114: {  	v12 =	vld [tilespmem:s12+$0x8820]  }
0x115: {  	v10 =	vld [tilespmem:s12+$0x8830]  }
0x116: {  	v9 =	vimm.f32 $0.0e+00;
	v1 =	vimm.f32 $0.0e+00;
	v7 =	vld [tilespmem:s12+$0x8840]  }
0x117: {  	v6 =	vimm.f32 $0.0e+00;
	v8 =	vld [tilespmem:s12+$0x8850];
	v0 =	vadd.f32 v0, v1;
	v5 =	vadd.f32 v2, v1  }
0x118: {  	s0 =	simm.s32 $0x400;
	s31 =	simm.s32 $0x80;
	v11 =	vld [tilespmem:s12+$0x8860];
	v4 =	vadd.f32 v3, v1;
	v3 =	vimm.f32 $0.0e+00;
	v2 =	vimm.f32 $0.0e+00  }
.LBB2_18:
0x119: {  	p2 =	sne.s32 s0, $0x3E00;
	v13 =	vld [tilespmem:s31+$0x8870];
	v1 =	vadd.f32 v12, v1  }
0x11a: {  	v14 =	vld [tilespmem:s31+$0x8800];
	v6 =	vadd.f32 v10, v6  }
0x11b: {  	v15 =	vld [tilespmem:s31+$0x8810];
	v9 =	vadd.f32 v7, v9  }
.Ltmp12:
0x11c: {  	v12 =	vld [tilespmem:s31+$0x8820];
	v3 =	vadd.f32 v8, v3;
	(pc) =	sbr.rel @p2 .LBB2_18-.Ltmp12, $4  }
0x11d: {  	v10 =	vld [tilespmem:s31+$0x8830];
	v2 =	vadd.f32 v11, v2  }
0x11e: {  	v7 =	vld [tilespmem:s31+$0x8840];
	v0 =	vadd.f32 v13, v0  }
0x11f: {  	v5 =	vadd.f32 v14, v5;
	v8 =	vld [tilespmem:s31+$0x8850]  }
0x120: {  	v4 =	vadd.f32 v15, v4;
	v11 =	vld [tilespmem:s31+$0x8860];
	s31 =	sshra.s32 s0, $0x2;
	s0 =	sadd.s32 $0x200, s0  }
0x121: {  	v13 =	vld [tilespmem:s31+$0x8800]  }
0x122: {  	v14 =	vld [tilespmem:s31+$0x8810]  }
0x123: {  	v15 =	vld [tilespmem:s31+$0x8820]  }
0x124: {  	v1 =	vadd.f32 v12, v1;
	v12 =	vld [tilespmem:s31+$0x8850]  }
0x125: {  	v16 =	vld [tilespmem:s31+$0x8830]  }
0x126: {  	v17 =	vld [tilespmem:s31+$0x8840];
	v7 =	vadd.f32 v7, v9;
	v5 =	vadd.f32 v13, v5  }
0x127: {  	v9 =	vld [tilespmem:s31+$0x8870];
	v3 =	vadd.f32 v8, v3;
	v4 =	vadd.f32 v14, v4  }
0x128: {  	v6 =	vadd.f32 v10, v6;
	v10 =	vld [tilespmem:s31+$0x8860];
	v1 =	vadd.f32 v15, v1;
	v5 =	vmul.f32 $3.125000000e-02, v5  }
0x129: {  	v3 =	vadd.f32 v12, v3;
	v4 =	vmul.f32 $3.125000000e-02, v4  }
0x12a: {  	v6 =	vadd.f32 v16, v6;
	v1 =	vmul.f32 $3.125000000e-02, v1;
	[tilespmem:$0x12B00] =	vst v5  }
0x12b: {  	v2 =	vadd.f32 v11, v2;
	v7 =	vadd.f32 v17, v7;
	v3 =	vmul.f32 $3.125000000e-02, v3;
	[tilespmem:$0x12B10] =	vst v4  }
0x12c: {  	v0 =	vadd.f32 v9, v0;
	v4 =	vmul.f32 $3.125000000e-02, v6;
	[tilespmem:$0x12B20] =	vst v1  }
0x12d: {  	v2 =	vadd.f32 v10, v2;
	v1 =	vmul.f32 $3.125000000e-02, v7;
	[tilespmem:$0x12B50] =	vst v3  }
0x12e: {  	v0 =	vmul.f32 $3.125000000e-02, v0;
	[tilespmem:$0x12B30] =	vst v4  }
0x12f: {  	[tilespmem:$0x12B40] =	vst v1;
	v1 =	vmul.f32 $3.125000000e-02, v2  }
0x130: {  	[tilespmem:$0x12B70] =	vst v0  }
0x131: {  	s12 =	simm.s32 $0x0;
	[tilespmem:$0x12B60] =	vst v1  }
0x132: {  	v0 =	vld [tilespmem:s12+$0x9870]  }
0x133: {  	v2 =	vld [tilespmem:s12+$0x9800]  }
0x134: {  	v3 =	vld [tilespmem:s12+$0x9810]  }
0x135: {  	v12 =	vld [tilespmem:s12+$0x9820]  }
0x136: {  	v10 =	vld [tilespmem:s12+$0x9830]  }
0x137: {  	v9 =	vimm.f32 $0.0e+00;
	v1 =	vimm.f32 $0.0e+00;
	v7 =	vld [tilespmem:s12+$0x9840]  }
0x138: {  	v6 =	vimm.f32 $0.0e+00;
	v8 =	vld [tilespmem:s12+$0x9850];
	v0 =	vadd.f32 v0, v1;
	v5 =	vadd.f32 v2, v1  }
0x139: {  	s0 =	simm.s32 $0x400;
	s31 =	simm.s32 $0x80;
	v11 =	vld [tilespmem:s12+$0x9860];
	v4 =	vadd.f32 v3, v1;
	v3 =	vimm.f32 $0.0e+00;
	v2 =	vimm.f32 $0.0e+00  }
.LBB2_20:
0x13a: {  	p2 =	sne.s32 s0, $0x3E00;
	v13 =	vld [tilespmem:s31+$0x9870];
	v1 =	vadd.f32 v12, v1  }
0x13b: {  	v14 =	vld [tilespmem:s31+$0x9800];
	v6 =	vadd.f32 v10, v6  }
0x13c: {  	v15 =	vld [tilespmem:s31+$0x9810];
	v9 =	vadd.f32 v7, v9  }
.Ltmp13:
0x13d: {  	v12 =	vld [tilespmem:s31+$0x9820];
	v3 =	vadd.f32 v8, v3;
	(pc) =	sbr.rel @p2 .LBB2_20-.Ltmp13, $4  }
0x13e: {  	v10 =	vld [tilespmem:s31+$0x9830];
	v2 =	vadd.f32 v11, v2  }
0x13f: {  	v7 =	vld [tilespmem:s31+$0x9840];
	v0 =	vadd.f32 v13, v0  }
0x140: {  	v5 =	vadd.f32 v14, v5;
	v8 =	vld [tilespmem:s31+$0x9850]  }
0x141: {  	v4 =	vadd.f32 v15, v4;
	v11 =	vld [tilespmem:s31+$0x9860];
	s31 =	sshra.s32 s0, $0x2;
	s0 =	sadd.s32 $0x200, s0  }
0x142: {  	v13 =	vld [tilespmem:s31+$0x9800]  }
0x143: {  	v14 =	vld [tilespmem:s31+$0x9810]  }
0x144: {  	v15 =	vld [tilespmem:s31+$0x9820]  }
0x145: {  	v16 =	vld [tilespmem:s31+$0x9830]  }
0x146: {  	v17 =	vld [tilespmem:s31+$0x9840]  }
0x147: {  	v1 =	vadd.f32 v12, v1;
	v58 =	vld [tilespmem:s31+$0x9850];
	v5 =	vadd.f32 v13, v5  }
0x148: {  	v60 =	vld [tilespmem:s31+$0x9870];
	v6 =	vadd.f32 v10, v6;
	v4 =	vadd.f32 v14, v4  }
0x149: {  	v59 =	vld [tilespmem:s31+$0x9860];
	v7 =	vadd.f32 v7, v9;
	v1 =	vadd.f32 v15, v1;
	v5 =	vmul.f32 $3.125000000e-02, v5  }
0x14a: {  	v3 =	vadd.f32 v8, v3;
	v6 =	vadd.f32 v16, v6;
	v4 =	vmul.f32 $3.125000000e-02, v4  }
0x14b: {  	v7 =	vadd.f32 v17, v7;
	v1 =	vmul.f32 $3.125000000e-02, v1;
	[tilespmem:$0x12B80] =	vst v5  }
0x14c: {  	v2 =	vadd.f32 v11, v2;
	v3 =	vadd.f32 v58, v3;
	v61 =	vmul.f32 $3.125000000e-02, v6;
	[tilespmem:$0x12B90] =	vst v4  }
0x14d: {  	v0 =	vadd.f32 v60, v0;
	v62 =	vmul.f32 $3.125000000e-02, v7;
	[tilespmem:$0x12BA0] =	vst v1  }
0x14e: {  	v2 =	vadd.f32 v59, v2;
	v3 =	vmul.f32 $3.125000000e-02, v3;
	[tilespmem:$0x12BB0] =	vst v61  }
0x14f: {  	s0 =	sadd.s32 s4, s30;
	v0 =	vmul.f32 $3.125000000e-02, v0;
	[tilespmem:$0x12BC0] =	vst v62  }
0x150: {  	s0 =	sshll.u32 s0, $0x6;
	v63 =	vmul.f32 $3.125000000e-02, v2;
	[tilespmem:$0x12BD0] =	vst v3  }
0x151: {  	s0 =	sand.u32 $0x1FFFFFC0, s0;
	[tilespmem:$0x12BF0] =	vst v0  }
0x152: {  	s0 =	sadd.s32 s2, s0;
	[tilespmem:$0x12BE0] =	vst v63  }
0x153: {  	[hbm4b:s0+s3] =	stream.linear.scatter [tilespmem:s20], [sflag:$0x6], $0x200, $0x38;
	[tilespmem:$0x12C00] =	vst v63  }
.LBB2_22:
0x154: {  	s0 =	sadd.s32 $0x5, s29  }
0x155: {  	p2 =	sge.u32 s0, s5  }
0x156: {  	s30 =	sor.u32 $0x2, s29;
	s0 =	sshll.u32 @!p2 s0, $0x7  }
0x157: {  	s12 =	simm.s32 @!p2 $0x80;
	s31 =	simm.s32 @!p2 $0x6800;
	s0 =	sand.u32 @!p2 $0x3FFFFF80, s0  }
0x158: {  	[tilespmem:s31], [sflag:$0x2] =	stream.indirect.gather @!p2 [hbm4b:s1+s12], $0x80, s0, s12, $0xb8;
	[tilespmem:$0x12C00] =	vst v63  }
0x159: {  	p2 =	sge.u32 s30, s5  }
.Ltmp14:
0x15a: {  	_ = 	snop;
	(pc) =	sbr.rel @p2 .LBB2_32-.Ltmp14, $1  }
0x15b: {  	_ =	sdelay $0x3  }
0x15c: {  	_ =	swait.ge [sflag:s21], $0x4000  }
0x15d: {  	[sflag:s21] =	ssyncset.done $0x0  }
0x15e: {  	[sflag:s21] =	ssyncadd.s32 $0xFFFFC000  }
0x15f: {  	_ =	swait.ge [sflag:s22], $0x200  }
0x160: {  	[sflag:s22] =	ssyncset.done $0x0  }
0x161: {  	s12 =	simm.s32 $0x0;
	[sflag:s22] =	ssyncadd.s32 $0xFFFFFE00  }
0x162: {  	v0 =	vld [tilespmem:s12+$0xA870]  }
0x163: {  	v2 =	vld [tilespmem:s12+$0xA800]  }
0x164: {  	v3 =	vld [tilespmem:s12+$0xA810]  }
0x165: {  	v12 =	vld [tilespmem:s12+$0xA820]  }
0x166: {  	v10 =	vld [tilespmem:s12+$0xA830]  }
0x167: {  	v1 =	vimm.f32 $0.0e+00;
	v6 =	vimm.f32 $0.0e+00;
	v7 =	vld [tilespmem:s12+$0xA840]  }
0x168: {  	v9 =	vimm.f32 $0.0e+00;
	v8 =	vld [tilespmem:s12+$0xA850];
	v0 =	vadd.f32 v0, v1;
	v5 =	vadd.f32 v2, v1  }
0x169: {  	s31 =	simm.s32 $0x80;
	s0 =	simm.s32 $0x400;
	v11 =	vld [tilespmem:s12+$0xA860];
	v4 =	vadd.f32 v3, v1;
	v3 =	vimm.f32 $0.0e+00;
	v2 =	vimm.f32 $0.0e+00  }
.LBB2_24:
0x16a: {  	p2 =	sne.s32 s0, $0x3E00;
	v13 =	vld [tilespmem:s31+$0xA870];
	v1 =	vadd.f32 v12, v1  }
0x16b: {  	v14 =	vld [tilespmem:s31+$0xA800];
	v6 =	vadd.f32 v10, v6  }
0x16c: {  	v15 =	vld [tilespmem:s31+$0xA810];
	v9 =	vadd.f32 v7, v9  }
.Ltmp15:
0x16d: {  	v12 =	vld [tilespmem:s31+$0xA820];
	v3 =	vadd.f32 v8, v3;
	(pc) =	sbr.rel @p2 .LBB2_24-.Ltmp15, $4  }
0x16e: {  	v10 =	vld [tilespmem:s31+$0xA830];
	v2 =	vadd.f32 v11, v2  }
0x16f: {  	v7 =	vld [tilespmem:s31+$0xA840];
	v0 =	vadd.f32 v13, v0  }
0x170: {  	v5 =	vadd.f32 v14, v5;
	v8 =	vld [tilespmem:s31+$0xA850]  }
0x171: {  	v4 =	vadd.f32 v15, v4;
	v11 =	vld [tilespmem:s31+$0xA860];
	s31 =	sshra.s32 s0, $0x2;
	s0 =	sadd.s32 $0x200, s0  }
0x172: {  	v13 =	vld [tilespmem:s31+$0xA800]  }
0x173: {  	v14 =	vld [tilespmem:s31+$0xA810]  }
0x174: {  	v15 =	vld [tilespmem:s31+$0xA820]  }
0x175: {  	v1 =	vadd.f32 v12, v1;
	v12 =	vld [tilespmem:s31+$0xA850]  }
0x176: {  	v16 =	vld [tilespmem:s31+$0xA830]  }
0x177: {  	v17 =	vld [tilespmem:s31+$0xA840];
	v7 =	vadd.f32 v7, v9;
	v5 =	vadd.f32 v13, v5  }
0x178: {  	v9 =	vld [tilespmem:s31+$0xA870];
	v3 =	vadd.f32 v8, v3;
	v4 =	vadd.f32 v14, v4  }
0x179: {  	v6 =	vadd.f32 v10, v6;
	v10 =	vld [tilespmem:s31+$0xA860];
	v1 =	vadd.f32 v15, v1;
	v5 =	vmul.f32 $3.125000000e-02, v5  }
0x17a: {  	v3 =	vadd.f32 v12, v3;
	v4 =	vmul.f32 $3.125000000e-02, v4  }
0x17b: {  	v6 =	vadd.f32 v16, v6;
	v1 =	vmul.f32 $3.125000000e-02, v1;
	[tilespmem:$0x12800] =	vst v5  }
0x17c: {  	v2 =	vadd.f32 v11, v2;
	v7 =	vadd.f32 v17, v7;
	v3 =	vmul.f32 $3.125000000e-02, v3;
	[tilespmem:$0x12810] =	vst v4  }
0x17d: {  	v0 =	vadd.f32 v9, v0;
	v4 =	vmul.f32 $3.125000000e-02, v6;
	[tilespmem:$0x12820] =	vst v1  }
0x17e: {  	v2 =	vadd.f32 v10, v2;
	v1 =	vmul.f32 $3.125000000e-02, v7;
	[tilespmem:$0x12850] =	vst v3  }
0x17f: {  	v0 =	vmul.f32 $3.125000000e-02, v0;
	[tilespmem:$0x12830] =	vst v4  }
0x180: {  	[tilespmem:$0x12840] =	vst v1;
	v1 =	vmul.f32 $3.125000000e-02, v2  }
0x181: {  	[tilespmem:$0x12870] =	vst v0  }
0x182: {  	s12 =	simm.s32 $0x0;
	[tilespmem:$0x12860] =	vst v1  }
0x183: {  	v0 =	vld [tilespmem:s12+$0xB870]  }
0x184: {  	v2 =	vld [tilespmem:s12+$0xB800]  }
0x185: {  	v3 =	vld [tilespmem:s12+$0xB810]  }
0x186: {  	v12 =	vld [tilespmem:s12+$0xB820]  }
0x187: {  	v10 =	vld [tilespmem:s12+$0xB830]  }
0x188: {  	v9 =	vimm.f32 $0.0e+00;
	v1 =	vimm.f32 $0.0e+00;
	v7 =	vld [tilespmem:s12+$0xB840]  }
0x189: {  	v6 =	vimm.f32 $0.0e+00;
	v8 =	vld [tilespmem:s12+$0xB850];
	v0 =	vadd.f32 v0, v1;
	v5 =	vadd.f32 v2, v1  }
0x18a: {  	s0 =	simm.s32 $0x400;
	s31 =	simm.s32 $0x80;
	v11 =	vld [tilespmem:s12+$0xB860];
	v4 =	vadd.f32 v3, v1;
	v3 =	vimm.f32 $0.0e+00;
	v2 =	vimm.f32 $0.0e+00  }
.LBB2_26:
0x18b: {  	p2 =	sne.s32 s0, $0x3E00;
	v13 =	vld [tilespmem:s31+$0xB870];
	v1 =	vadd.f32 v12, v1  }
0x18c: {  	v14 =	vld [tilespmem:s31+$0xB800];
	v6 =	vadd.f32 v10, v6  }
0x18d: {  	v15 =	vld [tilespmem:s31+$0xB810];
	v9 =	vadd.f32 v7, v9  }
.Ltmp16:
0x18e: {  	v12 =	vld [tilespmem:s31+$0xB820];
	v3 =	vadd.f32 v8, v3;
	(pc) =	sbr.rel @p2 .LBB2_26-.Ltmp16, $4  }
0x18f: {  	v10 =	vld [tilespmem:s31+$0xB830];
	v2 =	vadd.f32 v11, v2  }
0x190: {  	v7 =	vld [tilespmem:s31+$0xB840];
	v0 =	vadd.f32 v13, v0  }
0x191: {  	v5 =	vadd.f32 v14, v5;
	v8 =	vld [tilespmem:s31+$0xB850]  }
0x192: {  	v4 =	vadd.f32 v15, v4;
	v11 =	vld [tilespmem:s31+$0xB860];
	s31 =	sshra.s32 s0, $0x2;
	s0 =	sadd.s32 $0x200, s0  }
0x193: {  	v13 =	vld [tilespmem:s31+$0xB800]  }
0x194: {  	v14 =	vld [tilespmem:s31+$0xB810]  }
0x195: {  	v15 =	vld [tilespmem:s31+$0xB820]  }
0x196: {  	v1 =	vadd.f32 v12, v1;
	v12 =	vld [tilespmem:s31+$0xB850]  }
0x197: {  	v16 =	vld [tilespmem:s31+$0xB830]  }
0x198: {  	v17 =	vld [tilespmem:s31+$0xB840];
	v7 =	vadd.f32 v7, v9;
	v5 =	vadd.f32 v13, v5  }
0x199: {  	v9 =	vld [tilespmem:s31+$0xB870];
	v3 =	vadd.f32 v8, v3;
	v4 =	vadd.f32 v14, v4  }
0x19a: {  	v6 =	vadd.f32 v10, v6;
	v10 =	vld [tilespmem:s31+$0xB860];
	v1 =	vadd.f32 v15, v1;
	v5 =	vmul.f32 $3.125000000e-02, v5  }
0x19b: {  	v3 =	vadd.f32 v12, v3;
	v4 =	vmul.f32 $3.125000000e-02, v4  }
0x19c: {  	v6 =	vadd.f32 v16, v6;
	v1 =	vmul.f32 $3.125000000e-02, v1;
	[tilespmem:$0x12880] =	vst v5  }
0x19d: {  	v2 =	vadd.f32 v11, v2;
	v7 =	vadd.f32 v17, v7;
	v3 =	vmul.f32 $3.125000000e-02, v3;
	[tilespmem:$0x12890] =	vst v4  }
0x19e: {  	v0 =	vadd.f32 v9, v0;
	v4 =	vmul.f32 $3.125000000e-02, v6;
	[tilespmem:$0x128A0] =	vst v1  }
0x19f: {  	v2 =	vadd.f32 v10, v2;
	v1 =	vmul.f32 $3.125000000e-02, v7;
	[tilespmem:$0x128D0] =	vst v3  }
0x1a0: {  	v0 =	vmul.f32 $3.125000000e-02, v0;
	[tilespmem:$0x128B0] =	vst v4  }
0x1a1: {  	[tilespmem:$0x128C0] =	vst v1;
	v1 =	vmul.f32 $3.125000000e-02, v2  }
0x1a2: {  	[tilespmem:$0x128F0] =	vst v0  }
0x1a3: {  	s12 =	simm.s32 $0x0;
	[tilespmem:$0x128E0] =	vst v1  }
0x1a4: {  	v0 =	vld [tilespmem:s12+$0xC870]  }
0x1a5: {  	v2 =	vld [tilespmem:s12+$0xC800]  }
0x1a6: {  	v3 =	vld [tilespmem:s12+$0xC810]  }
0x1a7: {  	v12 =	vld [tilespmem:s12+$0xC820]  }
0x1a8: {  	v10 =	vld [tilespmem:s12+$0xC830]  }
0x1a9: {  	v9 =	vimm.f32 $0.0e+00;
	v1 =	vimm.f32 $0.0e+00;
	v7 =	vld [tilespmem:s12+$0xC840]  }
0x1aa: {  	v6 =	vimm.f32 $0.0e+00;
	v8 =	vld [tilespmem:s12+$0xC850];
	v0 =	vadd.f32 v0, v1;
	v5 =	vadd.f32 v2, v1  }
0x1ab: {  	s0 =	simm.s32 $0x400;
	s31 =	simm.s32 $0x80;
	v11 =	vld [tilespmem:s12+$0xC860];
	v4 =	vadd.f32 v3, v1;
	v3 =	vimm.f32 $0.0e+00;
	v2 =	vimm.f32 $0.0e+00  }
.LBB2_28:
0x1ac: {  	p2 =	sne.s32 s0, $0x3E00;
	v13 =	vld [tilespmem:s31+$0xC870];
	v1 =	vadd.f32 v12, v1  }
0x1ad: {  	v14 =	vld [tilespmem:s31+$0xC800];
	v6 =	vadd.f32 v10, v6  }
0x1ae: {  	v15 =	vld [tilespmem:s31+$0xC810];
	v9 =	vadd.f32 v7, v9  }
.Ltmp17:
0x1af: {  	v12 =	vld [tilespmem:s31+$0xC820];
	v3 =	vadd.f32 v8, v3;
	(pc) =	sbr.rel @p2 .LBB2_28-.Ltmp17, $4  }
0x1b0: {  	v10 =	vld [tilespmem:s31+$0xC830];
	v2 =	vadd.f32 v11, v2  }
0x1b1: {  	v7 =	vld [tilespmem:s31+$0xC840];
	v0 =	vadd.f32 v13, v0  }
0x1b2: {  	v5 =	vadd.f32 v14, v5;
	v8 =	vld [tilespmem:s31+$0xC850]  }
0x1b3: {  	v4 =	vadd.f32 v15, v4;
	v11 =	vld [tilespmem:s31+$0xC860];
	s31 =	sshra.s32 s0, $0x2;
	s0 =	sadd.s32 $0x200, s0  }
0x1b4: {  	v13 =	vld [tilespmem:s31+$0xC800]  }
0x1b5: {  	v14 =	vld [tilespmem:s31+$0xC810]  }
0x1b6: {  	v15 =	vld [tilespmem:s31+$0xC820]  }
0x1b7: {  	v1 =	vadd.f32 v12, v1;
	v12 =	vld [tilespmem:s31+$0xC850]  }
0x1b8: {  	v16 =	vld [tilespmem:s31+$0xC830]  }
0x1b9: {  	v17 =	vld [tilespmem:s31+$0xC840];
	v7 =	vadd.f32 v7, v9;
	v5 =	vadd.f32 v13, v5  }
0x1ba: {  	v9 =	vld [tilespmem:s31+$0xC870];
	v3 =	vadd.f32 v8, v3;
	v4 =	vadd.f32 v14, v4  }
0x1bb: {  	v6 =	vadd.f32 v10, v6;
	v10 =	vld [tilespmem:s31+$0xC860];
	v1 =	vadd.f32 v15, v1;
	v5 =	vmul.f32 $3.125000000e-02, v5  }
0x1bc: {  	v3 =	vadd.f32 v12, v3;
	v4 =	vmul.f32 $3.125000000e-02, v4  }
0x1bd: {  	v6 =	vadd.f32 v16, v6;
	v1 =	vmul.f32 $3.125000000e-02, v1;
	[tilespmem:$0x12900] =	vst v5  }
0x1be: {  	v2 =	vadd.f32 v11, v2;
	v7 =	vadd.f32 v17, v7;
	v3 =	vmul.f32 $3.125000000e-02, v3;
	[tilespmem:$0x12910] =	vst v4  }
0x1bf: {  	v0 =	vadd.f32 v9, v0;
	v4 =	vmul.f32 $3.125000000e-02, v6;
	[tilespmem:$0x12920] =	vst v1  }
0x1c0: {  	v2 =	vadd.f32 v10, v2;
	v1 =	vmul.f32 $3.125000000e-02, v7;
	[tilespmem:$0x12950] =	vst v3  }
0x1c1: {  	v0 =	vmul.f32 $3.125000000e-02, v0;
	[tilespmem:$0x12930] =	vst v4  }
0x1c2: {  	[tilespmem:$0x12940] =	vst v1;
	v1 =	vmul.f32 $3.125000000e-02, v2  }
0x1c3: {  	[tilespmem:$0x12970] =	vst v0  }
0x1c4: {  	s12 =	simm.s32 $0x0;
	[tilespmem:$0x12960] =	vst v1  }
0x1c5: {  	v0 =	vld [tilespmem:s12+$0xD870]  }
0x1c6: {  	v2 =	vld [tilespmem:s12+$0xD800]  }
0x1c7: {  	v3 =	vld [tilespmem:s12+$0xD810]  }
0x1c8: {  	v12 =	vld [tilespmem:s12+$0xD820]  }
0x1c9: {  	v10 =	vld [tilespmem:s12+$0xD830]  }
0x1ca: {  	v9 =	vimm.f32 $0.0e+00;
	v1 =	vimm.f32 $0.0e+00;
	v7 =	vld [tilespmem:s12+$0xD840]  }
0x1cb: {  	v6 =	vimm.f32 $0.0e+00;
	v8 =	vld [tilespmem:s12+$0xD850];
	v0 =	vadd.f32 v0, v1;
	v5 =	vadd.f32 v2, v1  }
0x1cc: {  	s0 =	simm.s32 $0x400;
	s31 =	simm.s32 $0x80;
	v11 =	vld [tilespmem:s12+$0xD860];
	v4 =	vadd.f32 v3, v1;
	v3 =	vimm.f32 $0.0e+00;
	v2 =	vimm.f32 $0.0e+00  }
.LBB2_30:
0x1cd: {  	p2 =	sne.s32 s0, $0x3E00;
	v13 =	vld [tilespmem:s31+$0xD870];
	v1 =	vadd.f32 v12, v1  }
0x1ce: {  	v14 =	vld [tilespmem:s31+$0xD800];
	v6 =	vadd.f32 v10, v6  }
0x1cf: {  	v15 =	vld [tilespmem:s31+$0xD810];
	v9 =	vadd.f32 v7, v9  }
.Ltmp18:
0x1d0: {  	v12 =	vld [tilespmem:s31+$0xD820];
	v3 =	vadd.f32 v8, v3;
	(pc) =	sbr.rel @p2 .LBB2_30-.Ltmp18, $4  }
0x1d1: {  	v10 =	vld [tilespmem:s31+$0xD830];
	v2 =	vadd.f32 v11, v2  }
0x1d2: {  	v7 =	vld [tilespmem:s31+$0xD840];
	v0 =	vadd.f32 v13, v0  }
0x1d3: {  	v5 =	vadd.f32 v14, v5;
	v8 =	vld [tilespmem:s31+$0xD850]  }
0x1d4: {  	v4 =	vadd.f32 v15, v4;
	v11 =	vld [tilespmem:s31+$0xD860];
	s31 =	sshra.s32 s0, $0x2;
	s0 =	sadd.s32 $0x200, s0  }
0x1d5: {  	v13 =	vld [tilespmem:s31+$0xD800]  }
0x1d6: {  	v14 =	vld [tilespmem:s31+$0xD810]  }
0x1d7: {  	v15 =	vld [tilespmem:s31+$0xD820]  }
0x1d8: {  	v16 =	vld [tilespmem:s31+$0xD830]  }
0x1d9: {  	v17 =	vld [tilespmem:s31+$0xD840]  }
0x1da: {  	v1 =	vadd.f32 v12, v1;
	v58 =	vld [tilespmem:s31+$0xD850];
	v5 =	vadd.f32 v13, v5  }
0x1db: {  	v60 =	vld [tilespmem:s31+$0xD870];
	v6 =	vadd.f32 v10, v6;
	v4 =	vadd.f32 v14, v4  }
0x1dc: {  	v59 =	vld [tilespmem:s31+$0xD860];
	v7 =	vadd.f32 v7, v9;
	v1 =	vadd.f32 v15, v1;
	v5 =	vmul.f32 $3.125000000e-02, v5  }
0x1dd: {  	v3 =	vadd.f32 v8, v3;
	v6 =	vadd.f32 v16, v6;
	v4 =	vmul.f32 $3.125000000e-02, v4  }
0x1de: {  	v7 =	vadd.f32 v17, v7;
	v1 =	vmul.f32 $3.125000000e-02, v1;
	[tilespmem:$0x12980] =	vst v5  }
0x1df: {  	v2 =	vadd.f32 v11, v2;
	v3 =	vadd.f32 v58, v3;
	v61 =	vmul.f32 $3.125000000e-02, v6;
	[tilespmem:$0x12990] =	vst v4  }
0x1e0: {  	v0 =	vadd.f32 v60, v0;
	v62 =	vmul.f32 $3.125000000e-02, v7;
	[tilespmem:$0x129A0] =	vst v1  }
0x1e1: {  	v2 =	vadd.f32 v59, v2;
	v3 =	vmul.f32 $3.125000000e-02, v3;
	[tilespmem:$0x129B0] =	vst v61  }
0x1e2: {  	s0 =	sadd.s32 s4, s30;
	v0 =	vmul.f32 $3.125000000e-02, v0;
	[tilespmem:$0x129C0] =	vst v62  }
0x1e3: {  	s0 =	sshll.u32 s0, $0x6;
	v63 =	vmul.f32 $3.125000000e-02, v2;
	[tilespmem:$0x129D0] =	vst v3  }
0x1e4: {  	s0 =	sand.u32 $0x1FFFFF80, s0;
	[tilespmem:$0x129F0] =	vst v0  }
0x1e5: {  	s0 =	sadd.s32 s2, s0;
	[tilespmem:$0x129E0] =	vst v63  }
0x1e6: {  	[hbm4b:s0+s3] =	stream.linear.scatter [tilespmem:s18], [sflag:$0x5], $0x200, $0x38;
	[tilespmem:$0x12C00] =	vst v63  }
.LBB2_32:
.Ltmp19:
0x1e7: {  	s0 =	sadd.s32 $0x6, s29;
	(pc) =	sbr.rel @p1 .LBB2_42-.Ltmp19, $4  }
0x1e8: {  	p2 =	sge.u32 s0, s5  }
0x1e9: {  	s0 =	sshll.u32 @!p2 s0, $0x7  }
0x1ea: {  	s12 =	simm.s32 @!p2 $0x80;
	s29 =	simm.s32 @!p2 $0xA800;
	s0 =	sand.u32 @!p2 $0x3FFFFF80, s0  }
0x1eb: {  	[tilespmem:s29], [sflag:$0x3] =	stream.indirect.gather @!p2 [hbm4b:s1+s12], $0x80, s0, s12, $0xb8;
	[tilespmem:$0x12C00] =	vst v63  }
0x1ec: {  	_ =	swait.ge [sflag:s23], $0x4000  }
0x1ed: {  	[sflag:s23] =	ssyncset.done $0x0  }
0x1ee: {  	[sflag:s23] =	ssyncadd.s32 $0xFFFFC000  }
0x1ef: {  	_ =	swait.ge [sflag:s24], $0x200  }
0x1f0: {  	[sflag:s24] =	ssyncset.done $0x0  }
0x1f1: {  	s12 =	simm.s32 $0x0;
	[sflag:s24] =	ssyncadd.s32 $0xFFFFFE00  }
0x1f2: {  	v0 =	vld [tilespmem:s12+$0xE870]  }
0x1f3: {  	v2 =	vld [tilespmem:s12+$0xE800]  }
0x1f4: {  	v3 =	vld [tilespmem:s12+$0xE810]  }
0x1f5: {  	v12 =	vld [tilespmem:s12+$0xE820]  }
0x1f6: {  	v10 =	vld [tilespmem:s12+$0xE830]  }
0x1f7: {  	v1 =	vimm.f32 $0.0e+00;
	v6 =	vimm.f32 $0.0e+00;
	v7 =	vld [tilespmem:s12+$0xE840]  }
0x1f8: {  	v9 =	vimm.f32 $0.0e+00;
	v8 =	vld [tilespmem:s12+$0xE850];
	v0 =	vadd.f32 v0, v1;
	v5 =	vadd.f32 v2, v1  }
0x1f9: {  	s29 =	simm.s32 $0x80;
	s0 =	simm.s32 $0x400;
	v11 =	vld [tilespmem:s12+$0xE860];
	v4 =	vadd.f32 v3, v1;
	v3 =	vimm.f32 $0.0e+00;
	v2 =	vimm.f32 $0.0e+00  }
.LBB2_34:
0x1fa: {  	p1 =	sne.s32 s0, $0x3E00;
	v13 =	vld [tilespmem:s29+$0xE870];
	v1 =	vadd.f32 v12, v1  }
0x1fb: {  	v14 =	vld [tilespmem:s29+$0xE800];
	v6 =	vadd.f32 v10, v6  }
0x1fc: {  	v15 =	vld [tilespmem:s29+$0xE810];
	v9 =	vadd.f32 v7, v9  }
.Ltmp20:
0x1fd: {  	v12 =	vld [tilespmem:s29+$0xE820];
	v3 =	vadd.f32 v8, v3;
	(pc) =	sbr.rel @p1 .LBB2_34-.Ltmp20, $4  }
0x1fe: {  	v10 =	vld [tilespmem:s29+$0xE830];
	v2 =	vadd.f32 v11, v2  }
0x1ff: {  	v7 =	vld [tilespmem:s29+$0xE840];
	v0 =	vadd.f32 v13, v0  }
0x200: {  	v5 =	vadd.f32 v14, v5;
	v8 =	vld [tilespmem:s29+$0xE850]  }
0x201: {  	v4 =	vadd.f32 v15, v4;
	v11 =	vld [tilespmem:s29+$0xE860];
	s29 =	sshra.s32 s0, $0x2;
	s0 =	sadd.s32 $0x200, s0  }
0x202: {  	v13 =	vld [tilespmem:s29+$0xE800]  }
0x203: {  	v14 =	vld [tilespmem:s29+$0xE810]  }
0x204: {  	v15 =	vld [tilespmem:s29+$0xE820]  }
0x205: {  	v1 =	vadd.f32 v12, v1;
	v12 =	vld [tilespmem:s29+$0xE850]  }
0x206: {  	v16 =	vld [tilespmem:s29+$0xE830]  }
0x207: {  	v17 =	vld [tilespmem:s29+$0xE840];
	v7 =	vadd.f32 v7, v9;
	v5 =	vadd.f32 v13, v5  }
0x208: {  	v9 =	vld [tilespmem:s29+$0xE870];
	v3 =	vadd.f32 v8, v3;
	v4 =	vadd.f32 v14, v4  }
0x209: {  	v6 =	vadd.f32 v10, v6;
	v10 =	vld [tilespmem:s29+$0xE860];
	v1 =	vadd.f32 v15, v1;
	v5 =	vmul.f32 $3.125000000e-02, v5  }
0x20a: {  	v3 =	vadd.f32 v12, v3;
	v4 =	vmul.f32 $3.125000000e-02, v4  }
0x20b: {  	v6 =	vadd.f32 v16, v6;
	v1 =	vmul.f32 $3.125000000e-02, v1;
	[tilespmem:$0x12A00] =	vst v5  }
0x20c: {  	v2 =	vadd.f32 v11, v2;
	v7 =	vadd.f32 v17, v7;
	v3 =	vmul.f32 $3.125000000e-02, v3;
	[tilespmem:$0x12A10] =	vst v4  }
0x20d: {  	v0 =	vadd.f32 v9, v0;
	v4 =	vmul.f32 $3.125000000e-02, v6;
	[tilespmem:$0x12A20] =	vst v1  }
0x20e: {  	v2 =	vadd.f32 v10, v2;
	v1 =	vmul.f32 $3.125000000e-02, v7;
	[tilespmem:$0x12A50] =	vst v3  }
0x20f: {  	v0 =	vmul.f32 $3.125000000e-02, v0;
	[tilespmem:$0x12A30] =	vst v4  }
0x210: {  	[tilespmem:$0x12A40] =	vst v1;
	v1 =	vmul.f32 $3.125000000e-02, v2  }
0x211: {  	[tilespmem:$0x12A70] =	vst v0  }
0x212: {  	s12 =	simm.s32 $0x0;
	[tilespmem:$0x12A60] =	vst v1  }
0x213: {  	v0 =	vld [tilespmem:s12+$0xF870]  }
0x214: {  	v2 =	vld [tilespmem:s12+$0xF800]  }
0x215: {  	v3 =	vld [tilespmem:s12+$0xF810]  }
0x216: {  	v12 =	vld [tilespmem:s12+$0xF820]  }
0x217: {  	v10 =	vld [tilespmem:s12+$0xF830]  }
0x218: {  	v9 =	vimm.f32 $0.0e+00;
	v1 =	vimm.f32 $0.0e+00;
	v7 =	vld [tilespmem:s12+$0xF840]  }
0x219: {  	v6 =	vimm.f32 $0.0e+00;
	v8 =	vld [tilespmem:s12+$0xF850];
	v0 =	vadd.f32 v0, v1;
	v5 =	vadd.f32 v2, v1  }
0x21a: {  	s0 =	simm.s32 $0x400;
	s29 =	simm.s32 $0x80;
	v11 =	vld [tilespmem:s12+$0xF860];
	v4 =	vadd.f32 v3, v1;
	v3 =	vimm.f32 $0.0e+00;
	v2 =	vimm.f32 $0.0e+00  }
.LBB2_36:
0x21b: {  	p1 =	sne.s32 s0, $0x3E00;
	v13 =	vld [tilespmem:s29+$0xF870];
	v1 =	vadd.f32 v12, v1  }
0x21c: {  	v14 =	vld [tilespmem:s29+$0xF800];
	v6 =	vadd.f32 v10, v6  }
0x21d: {  	v15 =	vld [tilespmem:s29+$0xF810];
	v9 =	vadd.f32 v7, v9  }
.Ltmp21:
0x21e: {  	v12 =	vld [tilespmem:s29+$0xF820];
	v3 =	vadd.f32 v8, v3;
	(pc) =	sbr.rel @p1 .LBB2_36-.Ltmp21, $4  }
0x21f: {  	v10 =	vld [tilespmem:s29+$0xF830];
	v2 =	vadd.f32 v11, v2  }
0x220: {  	v7 =	vld [tilespmem:s29+$0xF840];
	v0 =	vadd.f32 v13, v0  }
0x221: {  	v5 =	vadd.f32 v14, v5;
	v8 =	vld [tilespmem:s29+$0xF850]  }
0x222: {  	v4 =	vadd.f32 v15, v4;
	v11 =	vld [tilespmem:s29+$0xF860];
	s29 =	sshra.s32 s0, $0x2;
	s0 =	sadd.s32 $0x200, s0  }
0x223: {  	v13 =	vld [tilespmem:s29+$0xF800]  }
0x224: {  	v14 =	vld [tilespmem:s29+$0xF810]  }
0x225: {  	v15 =	vld [tilespmem:s29+$0xF820]  }
0x226: {  	v1 =	vadd.f32 v12, v1;
	v12 =	vld [tilespmem:s29+$0xF850]  }
0x227: {  	v16 =	vld [tilespmem:s29+$0xF830]  }
0x228: {  	v17 =	vld [tilespmem:s29+$0xF840];
	v7 =	vadd.f32 v7, v9;
	v5 =	vadd.f32 v13, v5  }
0x229: {  	v9 =	vld [tilespmem:s29+$0xF870];
	v3 =	vadd.f32 v8, v3;
	v4 =	vadd.f32 v14, v4  }
0x22a: {  	v6 =	vadd.f32 v10, v6;
	v10 =	vld [tilespmem:s29+$0xF860];
	v1 =	vadd.f32 v15, v1;
	v5 =	vmul.f32 $3.125000000e-02, v5  }
0x22b: {  	v3 =	vadd.f32 v12, v3;
	v4 =	vmul.f32 $3.125000000e-02, v4  }
0x22c: {  	v6 =	vadd.f32 v16, v6;
	v1 =	vmul.f32 $3.125000000e-02, v1;
	[tilespmem:$0x12A80] =	vst v5  }
0x22d: {  	v2 =	vadd.f32 v11, v2;
	v7 =	vadd.f32 v17, v7;
	v3 =	vmul.f32 $3.125000000e-02, v3;
	[tilespmem:$0x12A90] =	vst v4  }
0x22e: {  	v0 =	vadd.f32 v9, v0;
	v4 =	vmul.f32 $3.125000000e-02, v6;
	[tilespmem:$0x12AA0] =	vst v1  }
0x22f: {  	v2 =	vadd.f32 v10, v2;
	v1 =	vmul.f32 $3.125000000e-02, v7;
	[tilespmem:$0x12AD0] =	vst v3  }
0x230: {  	v0 =	vmul.f32 $3.125000000e-02, v0;
	[tilespmem:$0x12AB0] =	vst v4  }
0x231: {  	[tilespmem:$0x12AC0] =	vst v1;
	v1 =	vmul.f32 $3.125000000e-02, v2  }
0x232: {  	[tilespmem:$0x12AF0] =	vst v0  }
0x233: {  	s12 =	simm.s32 $0x0;
	[tilespmem:$0x12AE0] =	vst v1  }
0x234: {  	v0 =	vld [tilespmem:s12+$0x10870]  }
0x235: {  	v2 =	vld [tilespmem:s12+$0x10800]  }
0x236: {  	v3 =	vld [tilespmem:s12+$0x10810]  }
0x237: {  	v12 =	vld [tilespmem:s12+$0x10820]  }
0x238: {  	v10 =	vld [tilespmem:s12+$0x10830]  }
0x239: {  	v9 =	vimm.f32 $0.0e+00;
	v1 =	vimm.f32 $0.0e+00;
	v7 =	vld [tilespmem:s12+$0x10840]  }
0x23a: {  	v6 =	vimm.f32 $0.0e+00;
	v8 =	vld [tilespmem:s12+$0x10850];
	v0 =	vadd.f32 v0, v1;
	v5 =	vadd.f32 v2, v1  }
0x23b: {  	s0 =	simm.s32 $0x400;
	s29 =	simm.s32 $0x80;
	v11 =	vld [tilespmem:s12+$0x10860];
	v4 =	vadd.f32 v3, v1;
	v3 =	vimm.f32 $0.0e+00;
	v2 =	vimm.f32 $0.0e+00  }
.LBB2_38:
0x23c: {  	p1 =	sne.s32 s0, $0x3E00;
	v13 =	vld [tilespmem:s29+$0x10870];
	v1 =	vadd.f32 v12, v1  }
0x23d: {  	v14 =	vld [tilespmem:s29+$0x10800];
	v6 =	vadd.f32 v10, v6  }
0x23e: {  	v15 =	vld [tilespmem:s29+$0x10810];
	v9 =	vadd.f32 v7, v9  }
.Ltmp22:
0x23f: {  	v12 =	vld [tilespmem:s29+$0x10820];
	v3 =	vadd.f32 v8, v3;
	(pc) =	sbr.rel @p1 .LBB2_38-.Ltmp22, $4  }
0x240: {  	v10 =	vld [tilespmem:s29+$0x10830];
	v2 =	vadd.f32 v11, v2  }
0x241: {  	v7 =	vld [tilespmem:s29+$0x10840];
	v0 =	vadd.f32 v13, v0  }
0x242: {  	v5 =	vadd.f32 v14, v5;
	v8 =	vld [tilespmem:s29+$0x10850]  }
0x243: {  	v4 =	vadd.f32 v15, v4;
	v11 =	vld [tilespmem:s29+$0x10860];
	s29 =	sshra.s32 s0, $0x2;
	s0 =	sadd.s32 $0x200, s0  }
0x244: {  	v13 =	vld [tilespmem:s29+$0x10800]  }
0x245: {  	v14 =	vld [tilespmem:s29+$0x10810]  }
0x246: {  	v15 =	vld [tilespmem:s29+$0x10820]  }
0x247: {  	v1 =	vadd.f32 v12, v1;
	v12 =	vld [tilespmem:s29+$0x10850]  }
0x248: {  	v16 =	vld [tilespmem:s29+$0x10830]  }
0x249: {  	v17 =	vld [tilespmem:s29+$0x10840];
	v7 =	vadd.f32 v7, v9;
	v5 =	vadd.f32 v13, v5  }
0x24a: {  	v9 =	vld [tilespmem:s29+$0x10870];
	v3 =	vadd.f32 v8, v3;
	v4 =	vadd.f32 v14, v4  }
0x24b: {  	v6 =	vadd.f32 v10, v6;
	v10 =	vld [tilespmem:s29+$0x10860];
	v1 =	vadd.f32 v15, v1;
	v5 =	vmul.f32 $3.125000000e-02, v5  }
0x24c: {  	v3 =	vadd.f32 v12, v3;
	v4 =	vmul.f32 $3.125000000e-02, v4  }
0x24d: {  	v6 =	vadd.f32 v16, v6;
	v1 =	vmul.f32 $3.125000000e-02, v1;
	[tilespmem:$0x12B00] =	vst v5  }
0x24e: {  	v2 =	vadd.f32 v11, v2;
	v7 =	vadd.f32 v17, v7;
	v3 =	vmul.f32 $3.125000000e-02, v3;
	[tilespmem:$0x12B10] =	vst v4  }
0x24f: {  	v0 =	vadd.f32 v9, v0;
	v4 =	vmul.f32 $3.125000000e-02, v6;
	[tilespmem:$0x12B20] =	vst v1  }
0x250: {  	v2 =	vadd.f32 v10, v2;
	v1 =	vmul.f32 $3.125000000e-02, v7;
	[tilespmem:$0x12B50] =	vst v3  }
0x251: {  	v0 =	vmul.f32 $3.125000000e-02, v0;
	[tilespmem:$0x12B30] =	vst v4  }
0x252: {  	[tilespmem:$0x12B40] =	vst v1;
	v1 =	vmul.f32 $3.125000000e-02, v2  }
0x253: {  	[tilespmem:$0x12B70] =	vst v0  }
0x254: {  	s12 =	simm.s32 $0x0;
	[tilespmem:$0x12B60] =	vst v1  }
0x255: {  	v0 =	vld [tilespmem:s12+$0x11870]  }
0x256: {  	v2 =	vld [tilespmem:s12+$0x11800]  }
0x257: {  	v3 =	vld [tilespmem:s12+$0x11810]  }
0x258: {  	v12 =	vld [tilespmem:s12+$0x11820]  }
0x259: {  	v10 =	vld [tilespmem:s12+$0x11830]  }
0x25a: {  	v9 =	vimm.f32 $0.0e+00;
	v1 =	vimm.f32 $0.0e+00;
	v7 =	vld [tilespmem:s12+$0x11840]  }
0x25b: {  	v6 =	vimm.f32 $0.0e+00;
	v8 =	vld [tilespmem:s12+$0x11850];
	v0 =	vadd.f32 v0, v1;
	v5 =	vadd.f32 v2, v1  }
0x25c: {  	s0 =	simm.s32 $0x400;
	s29 =	simm.s32 $0x80;
	v11 =	vld [tilespmem:s12+$0x11860];
	v4 =	vadd.f32 v3, v1;
	v3 =	vimm.f32 $0.0e+00;
	v2 =	vimm.f32 $0.0e+00  }
.LBB2_40:
0x25d: {  	p1 =	sne.s32 s0, $0x3E00;
	v13 =	vld [tilespmem:s29+$0x11870];
	v1 =	vadd.f32 v12, v1  }
0x25e: {  	v14 =	vld [tilespmem:s29+$0x11800];
	v6 =	vadd.f32 v10, v6  }
0x25f: {  	v15 =	vld [tilespmem:s29+$0x11810];
	v9 =	vadd.f32 v7, v9  }
.Ltmp23:
0x260: {  	v12 =	vld [tilespmem:s29+$0x11820];
	v3 =	vadd.f32 v8, v3;
	(pc) =	sbr.rel @p1 .LBB2_40-.Ltmp23, $4  }
0x261: {  	v10 =	vld [tilespmem:s29+$0x11830];
	v2 =	vadd.f32 v11, v2  }
0x262: {  	v7 =	vld [tilespmem:s29+$0x11840];
	v0 =	vadd.f32 v13, v0  }
0x263: {  	v5 =	vadd.f32 v14, v5;
	v8 =	vld [tilespmem:s29+$0x11850]  }
0x264: {  	v4 =	vadd.f32 v15, v4;
	v11 =	vld [tilespmem:s29+$0x11860];
	s29 =	sshra.s32 s0, $0x2;
	s0 =	sadd.s32 $0x200, s0  }
0x265: {  	v13 =	vld [tilespmem:s29+$0x11800]  }
0x266: {  	v14 =	vld [tilespmem:s29+$0x11810]  }
0x267: {  	v15 =	vld [tilespmem:s29+$0x11820]  }
0x268: {  	v16 =	vld [tilespmem:s29+$0x11830]  }
0x269: {  	v17 =	vld [tilespmem:s29+$0x11840]  }
0x26a: {  	v1 =	vadd.f32 v12, v1;
	v58 =	vld [tilespmem:s29+$0x11850];
	v5 =	vadd.f32 v13, v5  }
0x26b: {  	v60 =	vld [tilespmem:s29+$0x11870];
	v6 =	vadd.f32 v10, v6;
	v4 =	vadd.f32 v14, v4  }
0x26c: {  	v59 =	vld [tilespmem:s29+$0x11860];
	v7 =	vadd.f32 v7, v9;
	v1 =	vadd.f32 v15, v1;
	v5 =	vmul.f32 $3.125000000e-02, v5  }
0x26d: {  	v3 =	vadd.f32 v8, v3;
	v6 =	vadd.f32 v16, v6;
	v4 =	vmul.f32 $3.125000000e-02, v4  }
0x26e: {  	v7 =	vadd.f32 v17, v7;
	v1 =	vmul.f32 $3.125000000e-02, v1;
	[tilespmem:$0x12B80] =	vst v5  }
0x26f: {  	v2 =	vadd.f32 v11, v2;
	v3 =	vadd.f32 v58, v3;
	v61 =	vmul.f32 $3.125000000e-02, v6;
	[tilespmem:$0x12B90] =	vst v4  }
0x270: {  	v0 =	vadd.f32 v60, v0;
	v62 =	vmul.f32 $3.125000000e-02, v7;
	[tilespmem:$0x12BA0] =	vst v1  }
0x271: {  	v2 =	vadd.f32 v59, v2;
	v3 =	vmul.f32 $3.125000000e-02, v3;
	[tilespmem:$0x12BB0] =	vst v61  }
.Ltmp24:
0x272: {  	s0 =	sadd.s32 s4, s28;
	v0 =	vmul.f32 $3.125000000e-02, v0;
	[tilespmem:$0x12BC0] =	vst v62;
	(pc) =	sbr.rel .LBB2_42-.Ltmp24, $4  }
0x273: {  	s0 =	sshll.u32 s0, $0x6;
	v63 =	vmul.f32 $3.125000000e-02, v2;
	[tilespmem:$0x12BD0] =	vst v3  }
0x274: {  	s0 =	sand.u32 $0x1FFFFFC0, s0;
	[tilespmem:$0x12BF0] =	vst v0  }
0x275: {  	s0 =	sadd.s32 s2, s0;
	[tilespmem:$0x12BE0] =	vst v63  }
0x276: {  	[hbm4b:s0+s3] =	stream.linear.scatter [tilespmem:s20], [sflag:$0x6], $0x200, $0x38;
	[tilespmem:$0x12C00] =	vst v63  }
.LBB2_44:
0x277: {  	_ =	sfence.sel $0x180000  }
0x278: {  	[bflag:$0x0] =	sbarrier.arrive $0xFFFF  }
0x279: {  	_ =	strace $0x90000047  }
0x27a: {  	[bflag:$0x2] =	sbarrier.arrive $0xFFFF  }
0x27b: {  	s0 =	rddreg [dreg:$0x3]  }
0x27c: {  	s0 =	sadd.s32 @!p0 $0x100000, s0  }
0x27d: {  	[sflag:s0] =	ssyncadd.tile.s32 @!p0 $0x1;
	_ =	shalt  }
.Lfunc_end2:
_tile_overlayer_lowered:
.L_overlay_start_2:
0x27e: {  	(tag) =	ssettag $0x2  }
0x27f: {  	s0 =	rddreg [dreg:$0x0];
	s2 =	stileid.u32  }
0x280: {  	s1 =	rddreg [dreg:$0x1];
	p0 =	sne.s32 s2, $0x0  }
0x281: {  	s3 =	rddreg [dreg:$0x2];
	[bflag:$0x3] =	sbarrier.arrive $0xFFFF;
	s2 =	simm.s32 @!p0 $0x1C07  }
0x282: {  	[timem:s3], [sflag:s2] =	dma.local @!p0 [hbm:s0], s1  }
0x283: {  	s0 =	simm.s32 @!p0 $0x7  }
0x284: {  	_ =	swait.ge @!p0 [sflag:s0], s1  }
0x285: {  	s1 =	ssub.s32 @!p0 $0x0, s1;
	[sflag:s0] =	ssyncset.done @!p0 $0x0  }
0x286: {  	[sflag:s0] =	ssyncadd.s32 @!p0 s1  }
0x287: {  	[bflag:$0x3] =	sbarrier.arrive $0xFFFF  }
0x288: {  	_ =	shalt  }

</sc_bundles>
